<compile_context>
chip_gen: v7x
topology: tpu7x:2x2x1
jax: 0.10.2.dev20260603
libtpu: 0.0.44.dev20260713+nightly
codegen_flags: <defaults>
</compile_context>

<pallas_src>
import functools

import jax
import jax.numpy as jnp
from jax import lax
from jax.experimental import pallas as pl
from jax.experimental.pallas import tpu as pltpu
from jax.experimental.pallas import tpu_sc as plsc

D = 128
H = 64
C = 64
M = 32
SC0_W = 1
SC1_W = 1
LANES = 16

HALVES = {"bond": (0, 1), "angle": (0, 0, 1), "torsion": (0, 0, 1, 1)}



def _proj_body(x_ref, w_ref, t_ref):
    t_ref[...] = jnp.dot(x_ref[...], w_ref[0],
                         preferred_element_type=jnp.float32)


def _project(x, wstack):
    n_atoms = x.shape[0]
    blk = 5000
    nblk = n_atoms // blk
    npiece = wstack.shape[0]
    return pl.pallas_call(
        _proj_body,
        grid=(nblk, npiece),
        in_specs=[
            pl.BlockSpec((blk, D), lambda i, h: (i, 0)),
            pl.BlockSpec((1, D, D), lambda i, h: (h, 0, 0)),
        ],
        out_specs=pl.BlockSpec((blk, D), lambda i, h: (h * nblk + i, 0)),
        out_shape=jax.ShapeDtypeStruct((npiece * n_atoms, D), jnp.float32),
    )(x, wstack)



def _sc_gather_body(halves, table, idx_hbm0, z_hbm0,
                    ibig, gbuf0, gbuf1, zbuf0, zbuf1,
                    gsem0, gsem1, ssem0, ssem1):
    cid = lax.axis_index("c")
    sid = lax.axis_index("s")
    prefix = (1 - cid) * (SC0_W * sid) + cid * (16 * SC0_W + SC1_W * sid)
    weight = SC0_W - (SC0_W - SC1_W) * cid
    units = 16 * (SC0_W + SC1_W)

    def drain(sem, n):
        for _ in range(n):
            pltpu.make_async_copy(table.at[pl.ds(0, C)], zbuf0, sem).wait()

    def do_type(idx_hbm, z_hbm, halves):
        k = len(halves)
        n_chunks = z_hbm.shape[0]
        qmax = (n_chunks * SC0_W) // (16 * (SC0_W + SC1_W))
        npad_row = (n_chunks + qmax) * C
        qc = qmax * C
        start = (n_chunks * prefix) // units
        qh = ((n_chunks * weight) // units) // 2
        for p in range(k):
            pltpu.sync_copy(idx_hbm.at[pl.ds(p * npad_row + start * C, qc)],
                            ibig.at[pl.ds(p * qc, qc)])

        def issue(g_rel, gbuf, gsem):
            for p in range(k):
                pltpu.async_copy(
                    table.at[ibig.at[pl.ds(p * qc + g_rel * C, C)]],
                    gbuf.at[pl.ds(p * C, C)], gsem)

        def accumulate(gbuf, zbuf):
            def acc_row(r, carry2):
                for j in range(H // LANES):
                    f = None
                    rv = None
                    for p, hf in enumerate(halves):
                        gf = gbuf[p * C + r, pl.ds(hf * H + j * LANES, LANES)]
                        gr = gbuf[p * C + r,
                                  pl.ds((1 - hf) * H + j * LANES, LANES)]
                        f = gf if f is None else f + gf
                        rv = gr if rv is None else rv + gr
                    zbuf[r, pl.ds(j * LANES, LANES)] = f
                    zbuf[r, pl.ds(H + j * LANES, LANES)] = rv
                return carry2
            lax.fori_loop(0, C, acc_row, 0)

        issue(0, gbuf0, gsem0)
        issue(1, gbuf1, gsem1)

        def body(it, carry):
            g0 = 2 * it
            g1 = g0 + 1

            drain(gsem0, k)

            @pl.when(it > 0)
            def _():
                drain(ssem0, 1)

            accumulate(gbuf0, zbuf0)
            pltpu.async_copy(zbuf0, z_hbm.at[start + g0], ssem0)

            @pl.when(it + 1 < qh)
            def _():
                issue(g0 + 2, gbuf0, gsem0)

            drain(gsem1, k)

            @pl.when(it > 0)
            def _():
                drain(ssem1, 1)

            accumulate(gbuf1, zbuf1)
            pltpu.async_copy(zbuf1, z_hbm.at[start + g1], ssem1)

            @pl.when(it + 1 < qh)
            def _():
                issue(g1 + 2, gbuf1, gsem1)

            return carry

        lax.fori_loop(0, qh, body, 0)
        drain(ssem0, 1)
        drain(ssem1, 1)

    do_type(idx_hbm0, z_hbm0, halves)


def _sc_gather_one(table, idx, nc, halves):
    mesh = plsc.VectorSubcoreMesh(core_axis_name="c", subcore_axis_name="s")
    out_type = jax.ShapeDtypeStruct((nc, C, 2 * H), jnp.float32)
    k = len(halves)
    nidx_max = ((nc * SC0_W) // (16 * (SC0_W + SC1_W))) * C * k
    scratch = [
        pltpu.VMEM((nidx_max,), jnp.int32),
        pltpu.VMEM((k * C, 128), jnp.float32),
        pltpu.VMEM((k * C, 128), jnp.float32),
        pltpu.VMEM((C, 2 * H), jnp.float32),
        pltpu.VMEM((C, 2 * H), jnp.float32),
        pltpu.SemaphoreType.DMA,
        pltpu.SemaphoreType.DMA,
        pltpu.SemaphoreType.DMA,
        pltpu.SemaphoreType.DMA,
    ]
    fn = pl.kernel(functools.partial(_sc_gather_body, halves),
                   out_type=out_type, mesh=mesh,
                   scratch_types=scratch,
                   compiler_params=pltpu.CompilerParams(
                       use_tc_tiling_on_sc=True))
    return fn(table, idx)



def _tail_body(z_ref, r_ref, wr_ref, b1_ref, w2_ref, b2_ref, w3_ref, b3_ref,
               o_ref):
    z = z_ref[...].reshape(M * C, 2 * H)
    zf = z[:, 0:H]
    zr = z[:, H:2 * H]
    base = r_ref[...] * wr_ref[...] + b1_ref[...]
    h1f = jnp.maximum(zf + base, 0.0)
    h1r = jnp.maximum(zr + base, 0.0)
    w2 = w2_ref[...]
    h2f = jnp.maximum(
        jnp.dot(h1f, w2, preferred_element_type=jnp.float32) + b2_ref[...], 0.0)
    h2r = jnp.maximum(
        jnp.dot(h1r, w2, preferred_element_type=jnp.float32) + b2_ref[...], 0.0)
    o_ref[...] = (jnp.dot(h2f + h2r, w3_ref[...],
                          preferred_element_type=jnp.float32) + b3_ref[...])


def _tail(z4, repr_, wr, b1, w2, b2, w3, b3):
    n = repr_.shape[0]
    grid = (n + M * C - 1) // (M * C)
    n_out = w3.shape[1]
    return pl.pallas_call(
        _tail_body,
        grid=(grid,),
        in_specs=[
            pl.BlockSpec((M, C, 2 * H), lambda i: (i, 0, 0)),
            pl.BlockSpec((M * C, 1), lambda i: (i, 0)),
            pl.BlockSpec((1, H), lambda i: (0, 0)),
            pl.BlockSpec((1, H), lambda i: (0, 0)),
            pl.BlockSpec((H, H), lambda i: (0, 0)),
            pl.BlockSpec((1, H), lambda i: (0, 0)),
            pl.BlockSpec((H, n_out), lambda i: (0, 0)),
            pl.BlockSpec((1, n_out), lambda i: (0, 0)),
        ],
        out_specs=pl.BlockSpec((M * C, n_out), lambda i: (i, 0)),
        out_shape=jax.ShapeDtypeStruct((n, n_out), jnp.float32),
    )(z4, repr_, wr, b1, w2, b2, w3, b3)



def _prep_idx(idx, offsets, npad, n_atoms):
    n, k = idx.shape
    off = jnp.asarray(offsets, jnp.int32)[None, :]
    shifted = idx.astype(jnp.int32) + off
    padv = (jnp.arange(npad - n, dtype=jnp.int32)[:, None] % n_atoms) + off
    return jnp.concatenate([shifted, padv], axis=0).T.reshape(-1)


def kernel(x, bond_idx, angle_idx, torsion_idx, bond_repr, angle_repr,
           torsion_repr, bond_params, angle_params, torsion_params):
    wb1 = bond_params[0]
    wa1 = angle_params[0]
    wt1 = torsion_params[0]
    na_ = x.shape[0]

    wstack = jnp.stack([
        jnp.concatenate([wb1[0:D], wb1[D:2 * D]], axis=1),
        jnp.concatenate([wa1[0:D], wa1[2 * D:3 * D]], axis=1),
        jnp.concatenate([wa1[D:2 * D], wa1[D:2 * D]], axis=1),
        jnp.concatenate([wt1[0:D], wt1[3 * D:4 * D]], axis=1),
        jnp.concatenate([wt1[D:2 * D], wt1[2 * D:3 * D]], axis=1),
    ])

    table = _project(x, wstack)

    nb, naf, nt = bond_idx.shape[0], angle_idx.shape[0], torsion_idx.shape[0]
    align = 32 * (SC0_W + SC1_W)
    step = C * align
    ncb = ((nb + step - 1) // step) * align
    nca = ((naf + step - 1) // step) * align
    nct = ((nt + step - 1) // step) * align

    def rows_padded(nc):
        return (nc + (nc * SC0_W) // (16 * (SC0_W + SC1_W))) * C

    bidx = _prep_idx(bond_idx, [0, 0], rows_padded(ncb), na_)
    aidx = _prep_idx(angle_idx, [na_, 2 * na_, na_], rows_padded(nca), na_)
    tidx = _prep_idx(torsion_idx, [3 * na_, 4 * na_, 4 * na_, 3 * na_],
                     rows_padded(nct), na_)

    zb = _sc_gather_one(table, bidx, ncb, HALVES["bond"])
    za = _sc_gather_one(table, aidx, nca, HALVES["angle"])
    zt = _sc_gather_one(table, tidx, nct, HALVES["torsion"])

    def tail_for(z4, repr_, params):
        w1, b1, w2, b2, w3, b3 = params
        wr = w1[-1:, :]
        return _tail(z4, repr_, wr, b1.reshape(1, H), w2, b2.reshape(1, H),
                     w3, (2.0 * b3).reshape(1, -1))

    ob = tail_for(zb, bond_repr, bond_params)
    oa = tail_for(za, angle_repr, angle_params)
    ot = tail_for(zt, torsion_repr, torsion_params)

    return jnp.concatenate([ob, oa, ot], axis=0)

# --- scband reference (transcript-rebuilt; emitter-appended) ---
"""Pipeline reference for scband-factor-net-6451040878622 (READ-ONLY COPY).

The authoritative reference and input builder live on the scoring server;
editing this copy changes nothing except your own understanding.
"""

import jax, jax.numpy as jnp
import numpy as np

N_ATOMS = 50000
ATOM_DIM = 128
N_BOND = 100000
N_ANGLE = 120000
N_TORSION = 150000
FACTOR_DIM_IN = 1
FACTOR_DIM_OUT = 10
HIDDEN = 64


def _lin_init(key, d_in, d_out):
    kw, kb = jax.random.split(key)
    s = 1.0 / np.sqrt(d_in)
    W = jax.random.uniform(kw, (d_in, d_out), minval=-s, maxval=s, dtype=jnp.float32)
    b = jax.random.uniform(kb, (d_out,), minval=-s, maxval=s, dtype=jnp.float32)
    return W, b


def _mlp_params(key, d_in, d_out):
    k1, k2, k3 = jax.random.split(key, 3)
    W1, b1 = _lin_init(k1, d_in, HIDDEN)
    W2, b2 = _lin_init(k2, HIDDEN, HIDDEN)
    W3, b3 = _lin_init(k3, HIDDEN, d_out)
    return (W1, b1, W2, b2, W3, b3)


def _mlp(params, x):
    W1, b1, W2, b2, W3, b3 = params
    x = jax.nn.relu(x @ W1 + b1)
    x = jax.nn.relu(x @ W2 + b2)
    return x @ W3 + b3


def setup_inputs(seed: int = 0) -> dict:
    key = jax.random.key(seed)
    ks = jax.random.split(key, 10)
    x = jax.random.normal(ks[0], (N_ATOMS, ATOM_DIM), dtype=jnp.float32)
    bond_idx = jax.random.randint(ks[1], (N_BOND, 2), 0, N_ATOMS, dtype=jnp.int64 if jax.config.jax_enable_x64 else jnp.int32)
    angle_idx = jax.random.randint(ks[2], (N_ANGLE, 3), 0, N_ATOMS, dtype=jnp.int64 if jax.config.jax_enable_x64 else jnp.int32)
    torsion_idx = jax.random.randint(ks[3], (N_TORSION, 4), 0, N_ATOMS, dtype=jnp.int64 if jax.config.jax_enable_x64 else jnp.int32)
    bond_repr = jax.random.normal(ks[4], (N_BOND, FACTOR_DIM_IN), dtype=jnp.float32)
    angle_repr = jax.random.normal(ks[5], (N_ANGLE, FACTOR_DIM_IN), dtype=jnp.float32)
    torsion_repr = jax.random.normal(ks[6], (N_TORSION, FACTOR_DIM_IN), dtype=jnp.float32)
    bond_params = _mlp_params(ks[7], ATOM_DIM * 2 + FACTOR_DIM_IN, FACTOR_DIM_OUT)
    angle_params = _mlp_params(ks[8], ATOM_DIM * 3 + FACTOR_DIM_IN, FACTOR_DIM_OUT)
    torsion_params = _mlp_params(ks[9], ATOM_DIM * 4 + FACTOR_DIM_IN, FACTOR_DIM_OUT)
    return {
        'x': x,
        'bond_idx': bond_idx,
        'angle_idx': angle_idx,
        'torsion_idx': torsion_idx,
        'bond_repr': bond_repr,
        'angle_repr': angle_repr,
        'torsion_repr': torsion_repr,
        'bond_params': bond_params,
        'angle_params': angle_params,
        'torsion_params': torsion_params,
    }


def reference(x, bond_idx, angle_idx, torsion_idx, bond_repr, angle_repr, torsion_repr,
              bond_params, angle_params, torsion_params):
    def factor_update(idx, repr_, params, symmetrize):
        # pull: for each factor node, gather atom message h via labeled edge in[i]
        # (each factor slot has exactly one incoming atom, so sum == copy)
        msgs = [jnp.take(x, idx[:, i], axis=0) for i in range(idx.shape[1])]
        X_f = jnp.concatenate(msgs + [repr_], axis=1)
        out = _mlp(params, X_f)
        if symmetrize:
            X_r = jnp.concatenate(msgs[::-1] + [repr_], axis=1)
            out = out + _mlp(params, X_r)
        return out

    bond_out = factor_update(bond_idx, bond_repr, bond_params, True)
    angle_out = factor_update(angle_idx, angle_repr, angle_params, True)
    torsion_out = factor_update(torsion_idx, torsion_repr, torsion_params, True)  # symmetrize_torsion=True
    return jnp.concatenate([bond_out, angle_out, torsion_out], axis=0)

if __name__ == "__main__":
    import jax
    _d = setup_inputs()
    print(jax.jit(kernel)(*tuple(_d.values())))

</pallas_src>

<mosaic_0001>
#map = affine_map<(d0, d1) -> (0, 0)>
#map1 = affine_map<(d0, d1) -> (0)>
#map2 = affine_map<(d0, d1) -> (0, 0, 0)>
module attributes {stable_mosaic.version = 14 : i64} {
  func.func @_sc_gather_body(%arg0: i32, %arg1: i32, %arg2: memref<250000x128xf32, #tpu.memory_space<hbm>>, %arg3: memref<625152xi32, #tpu.memory_space<hbm>>, %arg4: memref<2368x64x128xf32, #tpu.memory_space<hbm>>, %arg5: memref<18944xi32, #tpu.memory_space<vmem>>, %arg6: memref<256x128xf32, #tpu.memory_space<vmem>>, %arg7: memref<256x128xf32, #tpu.memory_space<vmem>>, %arg8: memref<64x128xf32, #tpu.memory_space<vmem>>, %arg9: memref<64x128xf32, #tpu.memory_space<vmem>>, %arg10: memref<!tpu.dma_semaphore, #tpu.memory_space<semaphore_mem>>, %arg11: memref<!tpu.dma_semaphore, #tpu.memory_space<semaphore_mem>>, %arg12: memref<!tpu.dma_semaphore, #tpu.memory_space<semaphore_mem>>, %arg13: memref<!tpu.dma_semaphore, #tpu.memory_space<semaphore_mem>>) attributes {dimension_semantics = [#tpu.dimension_semantics<core_parallel>, #tpu.dimension_semantics<subcore_parallel>], iteration_bounds = array<i64: 2, 16>, scalar_prefetch = 0 : i64, scratch_operands = 9 : i64, tpu.core_type = #tpu.core_type<sc_vector_subcore>, window_params = [{transform_indices = #map}, {transform_indices = #map1}, {transform_indices = #map2}]} {
    %sub3A = arith.constant 1 : i32
    %sub3A_0 = arith.subi %sub3A, %arg0 : i32
    %mul3A = arith.constant 1 : i32
    %mul3A_1 = arith.muli %mul3A, %arg1 : i32
    %mul3A_2 = arith.muli %sub3A_0, %mul3A_1 : i32
    %mul3A_3 = arith.constant 1 : i32
    %mul3A_4 = arith.muli %mul3A_3, %arg1 : i32
    %add3A = arith.constant 16 : i32
    %add3A_5 = arith.addi %add3A, %mul3A_4 : i32
    %mul3A_6 = arith.muli %arg0, %add3A_5 : i32
    %add3A_7 = arith.addi %mul3A_2, %mul3A_6 : i32
    %mul3A_8 = arith.constant 0 : i32
    %mul3A_9 = arith.muli %mul3A_8, %arg0 : i32
    %sub3A_10 = arith.constant 1 : i32
    %sub3A_11 = arith.subi %sub3A_10, %mul3A_9 : i32
    %mul3A_12 = arith.constant 2368 : i32
    %mul3A_13 = arith.muli %mul3A_12, %add3A_7 : i32
    %jit3A = arith.constant 32 : i32
    %div3A = arith.divsi %mul3A_13, %jit3A : i32
    %sign3A = arith.constant 0 : i32
    %sign3A_14 = arith.cmpi sgt, %mul3A_13, %sign3A : i32
    %sign3A_15 = arith.extui %sign3A_14 : i1 to i32
    %sign3A_16 = arith.constant 0 : i32
    %sign3A_17 = arith.cmpi slt, %mul3A_13, %sign3A_16 : i32
    %sign3A_18 = arith.extui %sign3A_17 : i1 to i32
    %sign3A_19 = arith.subi %sign3A_15, %sign3A_18 : i32
    %sign3A_20 = arith.constant 0 : i32
    %sign3A_21 = arith.cmpi sgt, %jit3A, %sign3A_20 : i32
    %sign3A_22 = arith.extui %sign3A_21 : i1 to i32
    %sign3A_23 = arith.constant 0 : i32
    %sign3A_24 = arith.cmpi slt, %jit3A, %sign3A_23 : i32
    %sign3A_25 = arith.extui %sign3A_24 : i1 to i32
    %sign3A_26 = arith.subi %sign3A_22, %sign3A_25 : i32
    %ne3A = arith.cmpi ne, %sign3A_19, %sign3A_26 : i32
    %rem3A = arith.remsi %mul3A_13, %jit3A : i32
    %ne3A_27 = arith.constant 0 : i32
    %ne3A_28 = arith.cmpi ne, %rem3A, %ne3A_27 : i32
    %and3A = arith.andi %ne3A, %ne3A_28 : i1
    %sub3A_29 = arith.constant 1 : i32
    %sub3A_30 = arith.subi %div3A, %sub3A_29 : i32
    %select_n3A = arith.select %and3A, %sub3A_30, %div3A : i32
    %mul3A_31 = arith.constant 2368 : i32
    %mul3A_32 = arith.muli %mul3A_31, %sub3A_11 : i32
    %jit3A_33 = arith.constant 32 : i32
    %div3A_34 = arith.divsi %mul3A_32, %jit3A_33 : i32
    %sign3A_35 = arith.constant 0 : i32
    %sign3A_36 = arith.cmpi sgt, %mul3A_32, %sign3A_35 : i32
    %sign3A_37 = arith.extui %sign3A_36 : i1 to i32
    %sign3A_38 = arith.constant 0 : i32
    %sign3A_39 = arith.cmpi slt, %mul3A_32, %sign3A_38 : i32
    %sign3A_40 = arith.extui %sign3A_39 : i1 to i32
    %sign3A_41 = arith.subi %sign3A_37, %sign3A_40 : i32
    %sign3A_42 = arith.constant 0 : i32
    %sign3A_43 = arith.cmpi sgt, %jit3A_33, %sign3A_42 : i32
    %sign3A_44 = arith.extui %sign3A_43 : i1 to i32
    %sign3A_45 = arith.constant 0 : i32
    %sign3A_46 = arith.cmpi slt, %jit3A_33, %sign3A_45 : i32
    %sign3A_47 = arith.extui %sign3A_46 : i1 to i32
    %sign3A_48 = arith.subi %sign3A_44, %sign3A_47 : i32
    %ne3A_49 = arith.cmpi ne, %sign3A_41, %sign3A_48 : i32
    %rem3A_50 = arith.remsi %mul3A_32, %jit3A_33 : i32
    %ne3A_51 = arith.constant 0 : i32
    %ne3A_52 = arith.cmpi ne, %rem3A_50, %ne3A_51 : i32
    %and3A_53 = arith.andi %ne3A_49, %ne3A_52 : i1
    %sub3A_54 = arith.constant 1 : i32
    %sub3A_55 = arith.subi %div3A_34, %sub3A_54 : i32
    %select_n3A_56 = arith.select %and3A_53, %sub3A_55, %div3A_34 : i32
    %jit3A_57 = arith.constant 2 : i32
    %div3A_58 = arith.divsi %select_n3A_56, %jit3A_57 : i32
    %sign3A_59 = arith.constant 0 : i32
    %sign3A_60 = arith.cmpi sgt, %select_n3A_56, %sign3A_59 : i32
    %sign3A_61 = arith.extui %sign3A_60 : i1 to i32
    %sign3A_62 = arith.constant 0 : i32
    %sign3A_63 = arith.cmpi slt, %select_n3A_56, %sign3A_62 : i32
    %sign3A_64 = arith.extui %sign3A_63 : i1 to i32
    %sign3A_65 = arith.subi %sign3A_61, %sign3A_64 : i32
    %sign3A_66 = arith.constant 0 : i32
    %sign3A_67 = arith.cmpi sgt, %jit3A_57, %sign3A_66 : i32
    %sign3A_68 = arith.extui %sign3A_67 : i1 to i32
    %sign3A_69 = arith.constant 0 : i32
    %sign3A_70 = arith.cmpi slt, %jit3A_57, %sign3A_69 : i32
    %sign3A_71 = arith.extui %sign3A_70 : i1 to i32
    %sign3A_72 = arith.subi %sign3A_68, %sign3A_71 : i32
    %ne3A_73 = arith.cmpi ne, %sign3A_65, %sign3A_72 : i32
    %rem3A_74 = arith.remsi %select_n3A_56, %jit3A_57 : i32
    %ne3A_75 = arith.constant 0 : i32
    %ne3A_76 = arith.cmpi ne, %rem3A_74, %ne3A_75 : i32
    %and3A_77 = arith.andi %ne3A_73, %ne3A_76 : i1
    %sub3A_78 = arith.constant 1 : i32
    %sub3A_79 = arith.subi %div3A_58, %sub3A_78 : i32
    %select_n3A_80 = arith.select %and3A_77, %sub3A_79, %div3A_58 : i32
    %mul3A_81 = arith.constant 64 : i32
    %mul3A_82 = arith.muli %select_n3A, %mul3A_81 : i32
    %add3A_83 = arith.constant 0 : i32
    %add3A_84 = arith.addi %add3A_83, %mul3A_82 : i32
    "tpu.region"() ({
      %run_scoped3A = tpu.sem_alloc : memref<!tpu.dma_semaphore, #tpu.memory_space<semaphore_mem>>
      %dma_start3A_180 = arith.constant 0 : i32
      %dma_start3A_181 = tpu.memref_slice %arg5[%dma_start3A_180] : memref<18944xi32, #tpu.memory_space<vmem>> -> memref<4736xi32, #tpu.memory_space<vmem>>
      %dma_start3A_182 = tpu.memref_slice %arg3[%add3A_84] : memref<625152xi32, #tpu.memory_space<hbm>> -> memref<4736xi32, #tpu.memory_space<hbm>>
      %dma_start3A_183 = arith.constant 0 : i32
      %dma_start3A_184 = tpu.memref_slice %arg5[%dma_start3A_183] : memref<18944xi32, #tpu.memory_space<vmem>> -> memref<4736xi32, #tpu.memory_space<vmem>>
      %dma_start3A_185 = tpu.memref_slice %arg3[%add3A_84] : memref<625152xi32, #tpu.memory_space<hbm>> -> memref<4736xi32, #tpu.memory_space<hbm>>
      tpu.enqueue_dma source(%dma_start3A_185 : memref<4736xi32, #tpu.memory_space<hbm>>) target(%dma_start3A_184 : memref<4736xi32, #tpu.memory_space<vmem>>) target_semaphore(%run_scoped3A : memref<!tpu.dma_semaphore, #tpu.memory_space<semaphore_mem>>)
      %dma_wait3A_186 = arith.constant 0 : i32
      %dma_wait3A_187 = tpu.memref_slice %arg5[%dma_wait3A_186] : memref<18944xi32, #tpu.memory_space<vmem>> -> memref<4736xi32, #tpu.memory_space<vmem>>
      %dma_wait3A_188 = tpu.memref_slice %arg3[%add3A_84] : memref<625152xi32, #tpu.memory_space<hbm>> -> memref<4736xi32, #tpu.memory_space<hbm>>
      %dma_wait3A_189 = arith.constant 0 : i32
      %dma_wait3A_190 = tpu.memref_slice %arg5[%dma_wait3A_189] : memref<18944xi32, #tpu.memory_space<vmem>> -> memref<4736xi32, #tpu.memory_space<vmem>>
      %dma_wait3A_191 = tpu.memref_slice %arg3[%add3A_84] : memref<625152xi32, #tpu.memory_space<hbm>> -> memref<4736xi32, #tpu.memory_space<hbm>>
      tpu.wait_dma2 semaphore(%run_scoped3A : memref<!tpu.dma_semaphore, #tpu.memory_space<semaphore_mem>>) src(%dma_wait3A_191 : memref<4736xi32, #tpu.memory_space<hbm>>) dst(%dma_wait3A_190 : memref<4736xi32, #tpu.memory_space<vmem>>)
      tpu.yield
    }) : () -> ()
    %mul3A_85 = arith.constant 64 : i32
    %mul3A_86 = arith.muli %select_n3A, %mul3A_85 : i32
    %add3A_87 = arith.constant 156288 : i32
    %add3A_88 = arith.addi %add3A_87, %mul3A_86 : i32
    "tpu.region"() ({
      %run_scoped3A = tpu.sem_alloc : memref<!tpu.dma_semaphore, #tpu.memory_space<semaphore_mem>>
      %dma_start3A_180 = arith.constant 4736 : i32
      %dma_start3A_181 = tpu.memref_slice %arg5[%dma_start3A_180] : memref<18944xi32, #tpu.memory_space<vmem>> -> memref<4736xi32, #tpu.memory_space<vmem>>
      %dma_start3A_182 = tpu.memref_slice %arg3[%add3A_88] : memref<625152xi32, #tpu.memory_space<hbm>> -> memref<4736xi32, #tpu.memory_space<hbm>>
      %dma_start3A_183 = arith.constant 4736 : i32
      %dma_start3A_184 = tpu.memref_slice %arg5[%dma_start3A_183] : memref<18944xi32, #tpu.memory_space<vmem>> -> memref<4736xi32, #tpu.memory_space<vmem>>
      %dma_start3A_185 = tpu.memref_slice %arg3[%add3A_88] : memref<625152xi32, #tpu.memory_space<hbm>> -> memref<4736xi32, #tpu.memory_space<hbm>>
      tpu.enqueue_dma source(%dma_start3A_185 : memref<4736xi32, #tpu.memory_space<hbm>>) target(%dma_start3A_184 : memref<4736xi32, #tpu.memory_space<vmem>>) target_semaphore(%run_scoped3A : memref<!tpu.dma_semaphore, #tpu.memory_space<semaphore_mem>>)
      %dma_wait3A_186 = arith.constant 4736 : i32
      %dma_wait3A_187 = tpu.memref_slice %arg5[%dma_wait3A_186] : memref<18944xi32, #tpu.memory_space<vmem>> -> memref<4736xi32, #tpu.memory_space<vmem>>
      %dma_wait3A_188 = tpu.memref_slice %arg3[%add3A_88] : memref<625152xi32, #tpu.memory_space<hbm>> -> memref<4736xi32, #tpu.memory_space<hbm>>
      %dma_wait3A_189 = arith.constant 4736 : i32
      %dma_wait3A_190 = tpu.memref_slice %arg5[%dma_wait3A_189] : memref<18944xi32, #tpu.memory_space<vmem>> -> memref<4736xi32, #tpu.memory_space<vmem>>
      %dma_wait3A_191 = tpu.memref_slice %arg3[%add3A_88] : memref<625152xi32, #tpu.memory_space<hbm>> -> memref<4736xi32, #tpu.memory_space<hbm>>
      tpu.wait_dma2 semaphore(%run_scoped3A : memref<!tpu.dma_semaphore, #tpu.memory_space<semaphore_mem>>) src(%dma_wait3A_191 : memref<4736xi32, #tpu.memory_space<hbm>>) dst(%dma_wait3A_190 : memref<4736xi32, #tpu.memory_space<vmem>>)
      tpu.yield
    }) : () -> ()
    %mul3A_89 = arith.constant 64 : i32
    %mul3A_90 = arith.muli %select_n3A, %mul3A_89 : i32
    %add3A_91 = arith.constant 312576 : i32
    %add3A_92 = arith.addi %add3A_91, %mul3A_90 : i32
    "tpu.region"() ({
      %run_scoped3A = tpu.sem_alloc : memref<!tpu.dma_semaphore, #tpu.memory_space<semaphore_mem>>
      %dma_start3A_180 = arith.constant 9472 : i32
      %dma_start3A_181 = tpu.memref_slice %arg5[%dma_start3A_180] : memref<18944xi32, #tpu.memory_space<vmem>> -> memref<4736xi32, #tpu.memory_space<vmem>>
      %dma_start3A_182 = tpu.memref_slice %arg3[%add3A_92] : memref<625152xi32, #tpu.memory_space<hbm>> -> memref<4736xi32, #tpu.memory_space<hbm>>
      %dma_start3A_183 = arith.constant 9472 : i32
      %dma_start3A_184 = tpu.memref_slice %arg5[%dma_start3A_183] : memref<18944xi32, #tpu.memory_space<vmem>> -> memref<4736xi32, #tpu.memory_space<vmem>>
      %dma_start3A_185 = tpu.memref_slice %arg3[%add3A_92] : memref<625152xi32, #tpu.memory_space<hbm>> -> memref<4736xi32, #tpu.memory_space<hbm>>
      tpu.enqueue_dma source(%dma_start3A_185 : memref<4736xi32, #tpu.memory_space<hbm>>) target(%dma_start3A_184 : memref<4736xi32, #tpu.memory_space<vmem>>) target_semaphore(%run_scoped3A : memref<!tpu.dma_semaphore, #tpu.memory_space<semaphore_mem>>)
      %dma_wait3A_186 = arith.constant 9472 : i32
      %dma_wait3A_187 = tpu.memref_slice %arg5[%dma_wait3A_186] : memref<18944xi32, #tpu.memory_space<vmem>> -> memref<4736xi32, #tpu.memory_space<vmem>>
      %dma_wait3A_188 = tpu.memref_slice %arg3[%add3A_92] : memref<625152xi32, #tpu.memory_space<hbm>> -> memref<4736xi32, #tpu.memory_space<hbm>>
      %dma_wait3A_189 = arith.constant 9472 : i32
      %dma_wait3A_190 = tpu.memref_slice %arg5[%dma_wait3A_189] : memref<18944xi32, #tpu.memory_space<vmem>> -> memref<4736xi32, #tpu.memory_space<vmem>>
      %dma_wait3A_191 = tpu.memref_slice %arg3[%add3A_92] : memref<625152xi32, #tpu.memory_space<hbm>> -> memref<4736xi32, #tpu.memory_space<hbm>>
      tpu.wait_dma2 semaphore(%run_scoped3A : memref<!tpu.dma_semaphore, #tpu.memory_space<semaphore_mem>>) src(%dma_wait3A_191 : memref<4736xi32, #tpu.memory_space<hbm>>) dst(%dma_wait3A_190 : memref<4736xi32, #tpu.memory_space<vmem>>)
      tpu.yield
    }) : () -> ()
    %mul3A_93 = arith.constant 64 : i32
    %mul3A_94 = arith.muli %select_n3A, %mul3A_93 : i32
    %add3A_95 = arith.constant 468864 : i32
    %add3A_96 = arith.addi %add3A_95, %mul3A_94 : i32
    "tpu.region"() ({
      %run_scoped3A = tpu.sem_alloc : memref<!tpu.dma_semaphore, #tpu.memory_space<semaphore_mem>>
      %dma_start3A_180 = arith.constant 14208 : i32
      %dma_start3A_181 = tpu.memref_slice %arg5[%dma_start3A_180] : memref<18944xi32, #tpu.memory_space<vmem>> -> memref<4736xi32, #tpu.memory_space<vmem>>
      %dma_start3A_182 = tpu.memref_slice %arg3[%add3A_96] : memref<625152xi32, #tpu.memory_space<hbm>> -> memref<4736xi32, #tpu.memory_space<hbm>>
      %dma_start3A_183 = arith.constant 14208 : i32
      %dma_start3A_184 = tpu.memref_slice %arg5[%dma_start3A_183] : memref<18944xi32, #tpu.memory_space<vmem>> -> memref<4736xi32, #tpu.memory_space<vmem>>
      %dma_start3A_185 = tpu.memref_slice %arg3[%add3A_96] : memref<625152xi32, #tpu.memory_space<hbm>> -> memref<4736xi32, #tpu.memory_space<hbm>>
      tpu.enqueue_dma source(%dma_start3A_185 : memref<4736xi32, #tpu.memory_space<hbm>>) target(%dma_start3A_184 : memref<4736xi32, #tpu.memory_space<vmem>>) target_semaphore(%run_scoped3A : memref<!tpu.dma_semaphore, #tpu.memory_space<semaphore_mem>>)
      %dma_wait3A_186 = arith.constant 14208 : i32
      %dma_wait3A_187 = tpu.memref_slice %arg5[%dma_wait3A_186] : memref<18944xi32, #tpu.memory_space<vmem>> -> memref<4736xi32, #tpu.memory_space<vmem>>
      %dma_wait3A_188 = tpu.memref_slice %arg3[%add3A_96] : memref<625152xi32, #tpu.memory_space<hbm>> -> memref<4736xi32, #tpu.memory_space<hbm>>
      %dma_wait3A_189 = arith.constant 14208 : i32
      %dma_wait3A_190 = tpu.memref_slice %arg5[%dma_wait3A_189] : memref<18944xi32, #tpu.memory_space<vmem>> -> memref<4736xi32, #tpu.memory_space<vmem>>
      %dma_wait3A_191 = tpu.memref_slice %arg3[%add3A_96] : memref<625152xi32, #tpu.memory_space<hbm>> -> memref<4736xi32, #tpu.memory_space<hbm>>
      tpu.wait_dma2 semaphore(%run_scoped3A : memref<!tpu.dma_semaphore, #tpu.memory_space<semaphore_mem>>) src(%dma_wait3A_191 : memref<4736xi32, #tpu.memory_space<hbm>>) dst(%dma_wait3A_190 : memref<4736xi32, #tpu.memory_space<vmem>>)
      tpu.yield
    }) : () -> ()
    %dma_start3A = arith.constant 0 : i32
    %dma_start3A_97 = arith.constant 0 : i32
    %dma_start3A_98 = tpu.memref_slice %arg6[%dma_start3A, %dma_start3A_97] : memref<256x128xf32, #tpu.memory_space<vmem>> -> memref<64x128xf32, #tpu.memory_space<vmem>>
    %dma_start3A_99 = arith.constant 0 : i32
    %dma_start3A_100 = tpu.memref_slice %arg5[%dma_start3A_99] : memref<18944xi32, #tpu.memory_space<vmem>> -> memref<64xi32, #tpu.memory_space<vmem>>
    %dma_start3A_101 = arith.constant 0 : i32
    %dma_start3A_102 = arith.constant 0 : i32
    %dma_start3A_103 = tpu.memref_slice %arg2[%dma_start3A_101, %dma_start3A_102] : memref<250000x128xf32, #tpu.memory_space<hbm>> -> memref<250000x128xf32, #tpu.memory_space<hbm>>
    tpu.enqueue_indirect_dma source(%dma_start3A_103 : memref<250000x128xf32, #tpu.memory_space<hbm>>) target(%dma_start3A_98 : memref<64x128xf32, #tpu.memory_space<vmem>>) offsets(%dma_start3A_100 : memref<64xi32, #tpu.memory_space<vmem>>) semaphore(%arg10 : memref<!tpu.dma_semaphore, #tpu.memory_space<semaphore_mem>>)
    %dma_start3A_104 = arith.constant 64 : i32
    %dma_start3A_105 = arith.constant 0 : i32
    %dma_start3A_106 = tpu.memref_slice %arg6[%dma_start3A_104, %dma_start3A_105] : memref<256x128xf32, #tpu.memory_space<vmem>> -> memref<64x128xf32, #tpu.memory_space<vmem>>
    %dma_start3A_107 = arith.constant 4736 : i32
    %dma_start3A_108 = tpu.memref_slice %arg5[%dma_start3A_107] : memref<18944xi32, #tpu.memory_space<vmem>> -> memref<64xi32, #tpu.memory_space<vmem>>
    %dma_start3A_109 = arith.constant 0 : i32
    %dma_start3A_110 = arith.constant 0 : i32
    %dma_start3A_111 = tpu.memref_slice %arg2[%dma_start3A_109, %dma_start3A_110] : memref<250000x128xf32, #tpu.memory_space<hbm>> -> memref<250000x128xf32, #tpu.memory_space<hbm>>
    tpu.enqueue_indirect_dma source(%dma_start3A_111 : memref<250000x128xf32, #tpu.memory_space<hbm>>) target(%dma_start3A_106 : memref<64x128xf32, #tpu.memory_space<vmem>>) offsets(%dma_start3A_108 : memref<64xi32, #tpu.memory_space<vmem>>) semaphore(%arg10 : memref<!tpu.dma_semaphore, #tpu.memory_space<semaphore_mem>>)
    %dma_start3A_112 = arith.constant 128 : i32
    %dma_start3A_113 = arith.constant 0 : i32
    %dma_start3A_114 = tpu.memref_slice %arg6[%dma_start3A_112, %dma_start3A_113] : memref<256x128xf32, #tpu.memory_space<vmem>> -> memref<64x128xf32, #tpu.memory_space<vmem>>
    %dma_start3A_115 = arith.constant 9472 : i32
    %dma_start3A_116 = tpu.memref_slice %arg5[%dma_start3A_115] : memref<18944xi32, #tpu.memory_space<vmem>> -> memref<64xi32, #tpu.memory_space<vmem>>
    %dma_start3A_117 = arith.constant 0 : i32
    %dma_start3A_118 = arith.constant 0 : i32
    %dma_start3A_119 = tpu.memref_slice %arg2[%dma_start3A_117, %dma_start3A_118] : memref<250000x128xf32, #tpu.memory_space<hbm>> -> memref<250000x128xf32, #tpu.memory_space<hbm>>
    tpu.enqueue_indirect_dma source(%dma_start3A_119 : memref<250000x128xf32, #tpu.memory_space<hbm>>) target(%dma_start3A_114 : memref<64x128xf32, #tpu.memory_space<vmem>>) offsets(%dma_start3A_116 : memref<64xi32, #tpu.memory_space<vmem>>) semaphore(%arg10 : memref<!tpu.dma_semaphore, #tpu.memory_space<semaphore_mem>>)
    %dma_start3A_120 = arith.constant 192 : i32
    %dma_start3A_121 = arith.constant 0 : i32
    %dma_start3A_122 = tpu.memref_slice %arg6[%dma_start3A_120, %dma_start3A_121] : memref<256x128xf32, #tpu.memory_space<vmem>> -> memref<64x128xf32, #tpu.memory_space<vmem>>
    %dma_start3A_123 = arith.constant 14208 : i32
    %dma_start3A_124 = tpu.memref_slice %arg5[%dma_start3A_123] : memref<18944xi32, #tpu.memory_space<vmem>> -> memref<64xi32, #tpu.memory_space<vmem>>
    %dma_start3A_125 = arith.constant 0 : i32
    %dma_start3A_126 = arith.constant 0 : i32
    %dma_start3A_127 = tpu.memref_slice %arg2[%dma_start3A_125, %dma_start3A_126] : memref<250000x128xf32, #tpu.memory_space<hbm>> -> memref<250000x128xf32, #tpu.memory_space<hbm>>
    tpu.enqueue_indirect_dma source(%dma_start3A_127 : memref<250000x128xf32, #tpu.memory_space<hbm>>) target(%dma_start3A_122 : memref<64x128xf32, #tpu.memory_space<vmem>>) offsets(%dma_start3A_124 : memref<64xi32, #tpu.memory_space<vmem>>) semaphore(%arg10 : memref<!tpu.dma_semaphore, #tpu.memory_space<semaphore_mem>>)
    %dma_start3A_128 = arith.constant 0 : i32
    %dma_start3A_129 = arith.constant 0 : i32
    %dma_start3A_130 = tpu.memref_slice %arg7[%dma_start3A_128, %dma_start3A_129] : memref<256x128xf32, #tpu.memory_space<vmem>> -> memref<64x128xf32, #tpu.memory_space<vmem>>
    %dma_start3A_131 = arith.constant 64 : i32
    %dma_start3A_132 = tpu.memref_slice %arg5[%dma_start3A_131] : memref<18944xi32, #tpu.memory_space<vmem>> -> memref<64xi32, #tpu.memory_space<vmem>>
    %dma_start3A_133 = arith.constant 0 : i32
    %dma_start3A_134 = arith.constant 0 : i32
    %dma_start3A_135 = tpu.memref_slice %arg2[%dma_start3A_133, %dma_start3A_134] : memref<250000x128xf32, #tpu.memory_space<hbm>> -> memref<250000x128xf32, #tpu.memory_space<hbm>>
    tpu.enqueue_indirect_dma source(%dma_start3A_135 : memref<250000x128xf32, #tpu.memory_space<hbm>>) target(%dma_start3A_130 : memref<64x128xf32, #tpu.memory_space<vmem>>) offsets(%dma_start3A_132 : memref<64xi32, #tpu.memory_space<vmem>>) semaphore(%arg11 : memref<!tpu.dma_semaphore, #tpu.memory_space<semaphore_mem>>)
    %dma_start3A_136 = arith.constant 64 : i32
    %dma_start3A_137 = arith.constant 0 : i32
    %dma_start3A_138 = tpu.memref_slice %arg7[%dma_start3A_136, %dma_start3A_137] : memref<256x128xf32, #tpu.memory_space<vmem>> -> memref<64x128xf32, #tpu.memory_space<vmem>>
    %dma_start3A_139 = arith.constant 4800 : i32
    %dma_start3A_140 = tpu.memref_slice %arg5[%dma_start3A_139] : memref<18944xi32, #tpu.memory_space<vmem>> -> memref<64xi32, #tpu.memory_space<vmem>>
    %dma_start3A_141 = arith.constant 0 : i32
    %dma_start3A_142 = arith.constant 0 : i32
    %dma_start3A_143 = tpu.memref_slice %arg2[%dma_start3A_141, %dma_start3A_142] : memref<250000x128xf32, #tpu.memory_space<hbm>> -> memref<250000x128xf32, #tpu.memory_space<hbm>>
    tpu.enqueue_indirect_dma source(%dma_start3A_143 : memref<250000x128xf32, #tpu.memory_space<hbm>>) target(%dma_start3A_138 : memref<64x128xf32, #tpu.memory_space<vmem>>) offsets(%dma_start3A_140 : memref<64xi32, #tpu.memory_space<vmem>>) semaphore(%arg11 : memref<!tpu.dma_semaphore, #tpu.memory_space<semaphore_mem>>)
    %dma_start3A_144 = arith.constant 128 : i32
    %dma_start3A_145 = arith.constant 0 : i32
    %dma_start3A_146 = tpu.memref_slice %arg7[%dma_start3A_144, %dma_start3A_145] : memref<256x128xf32, #tpu.memory_space<vmem>> -> memref<64x128xf32, #tpu.memory_space<vmem>>
    %dma_start3A_147 = arith.constant 9536 : i32
    %dma_start3A_148 = tpu.memref_slice %arg5[%dma_start3A_147] : memref<18944xi32, #tpu.memory_space<vmem>> -> memref<64xi32, #tpu.memory_space<vmem>>
    %dma_start3A_149 = arith.constant 0 : i32
    %dma_start3A_150 = arith.constant 0 : i32
    %dma_start3A_151 = tpu.memref_slice %arg2[%dma_start3A_149, %dma_start3A_150] : memref<250000x128xf32, #tpu.memory_space<hbm>> -> memref<250000x128xf32, #tpu.memory_space<hbm>>
    tpu.enqueue_indirect_dma source(%dma_start3A_151 : memref<250000x128xf32, #tpu.memory_space<hbm>>) target(%dma_start3A_146 : memref<64x128xf32, #tpu.memory_space<vmem>>) offsets(%dma_start3A_148 : memref<64xi32, #tpu.memory_space<vmem>>) semaphore(%arg11 : memref<!tpu.dma_semaphore, #tpu.memory_space<semaphore_mem>>)
    %dma_start3A_152 = arith.constant 192 : i32
    %dma_start3A_153 = arith.constant 0 : i32
    %dma_start3A_154 = tpu.memref_slice %arg7[%dma_start3A_152, %dma_start3A_153] : memref<256x128xf32, #tpu.memory_space<vmem>> -> memref<64x128xf32, #tpu.memory_space<vmem>>
    %dma_start3A_155 = arith.constant 14272 : i32
    %dma_start3A_156 = tpu.memref_slice %arg5[%dma_start3A_155] : memref<18944xi32, #tpu.memory_space<vmem>> -> memref<64xi32, #tpu.memory_space<vmem>>
    %dma_start3A_157 = arith.constant 0 : i32
    %dma_start3A_158 = arith.constant 0 : i32
    %dma_start3A_159 = tpu.memref_slice %arg2[%dma_start3A_157, %dma_start3A_158] : memref<250000x128xf32, #tpu.memory_space<hbm>> -> memref<250000x128xf32, #tpu.memory_space<hbm>>
    tpu.enqueue_indirect_dma source(%dma_start3A_159 : memref<250000x128xf32, #tpu.memory_space<hbm>>) target(%dma_start3A_154 : memref<64x128xf32, #tpu.memory_space<vmem>>) offsets(%dma_start3A_156 : memref<64xi32, #tpu.memory_space<vmem>>) semaphore(%arg11 : memref<!tpu.dma_semaphore, #tpu.memory_space<semaphore_mem>>)
    %while3A = arith.constant 0 : i32
    %while3A_160 = arith.constant 0 : i32
    %while3A_161 = arith.subi %select_n3A_80, %while3A_160 : i32
    %while3A_162 = arith.addi %while3A_160, %while3A_161 : i32
    %while3A_163 = arith.constant 1 : i32
    %while3A_164 = arith.divsi %while3A_161, %while3A_163 : i32
    %while3A_165 = arith.muli %while3A_164, %while3A_163 : i32
    %while3A_166 = arith.addi %while3A_160, %while3A_165 : i32
    %while3A_167 = arith.constant 1 : i32
    scf.for %while3A_180 = %while3A_160 to %while3A_166 step %while3A_167  : i32 {
      %mul3A_181 = arith.constant 2 : i32
      %mul3A_182 = arith.muli %mul3A_181, %while3A_180 : i32
      %add3A_183 = arith.constant 1 : i32
      %add3A_184 = arith.addi %mul3A_182, %add3A_183 : i32
      %dma_wait3A_185 = arith.constant 0 : i32
      %dma_wait3A_186 = arith.constant 0 : i32
      %dma_wait3A_187 = tpu.memref_slice %arg2[%dma_wait3A_185, %dma_wait3A_186] : memref<250000x128xf32, #tpu.memory_space<hbm>> -> memref<64x128xf32, #tpu.memory_space<hbm>>
      %dma_wait3A_188 = arith.constant 0 : i32
      %dma_wait3A_189 = arith.constant 0 : i32
      %dma_wait3A_190 = tpu.memref_slice %arg2[%dma_wait3A_188, %dma_wait3A_189] : memref<250000x128xf32, #tpu.memory_space<hbm>> -> memref<64x128xf32, #tpu.memory_space<hbm>>
      tpu.wait_dma2 semaphore(%arg10 : memref<!tpu.dma_semaphore, #tpu.memory_space<semaphore_mem>>) src(%dma_wait3A_190 : memref<64x128xf32, #tpu.memory_space<hbm>>) dst(%arg8 : memref<64x128xf32, #tpu.memory_space<vmem>>)
      %dma_wait3A_191 = arith.constant 0 : i32
      %dma_wait3A_192 = arith.constant 0 : i32
      %dma_wait3A_193 = tpu.memref_slice %arg2[%dma_wait3A_191, %dma_wait3A_192] : memref<250000x128xf32, #tpu.memory_space<hbm>> -> memref<64x128xf32, #tpu.memory_space<hbm>>
      %dma_wait3A_194 = arith.constant 0 : i32
      %dma_wait3A_195 = arith.constant 0 : i32
      %dma_wait3A_196 = tpu.memref_slice %arg2[%dma_wait3A_194, %dma_wait3A_195] : memref<250000x128xf32, #tpu.memory_space<hbm>> -> memref<64x128xf32, #tpu.memory_space<hbm>>
      tpu.wait_dma2 semaphore(%arg10 : memref<!tpu.dma_semaphore, #tpu.memory_space<semaphore_mem>>) src(%dma_wait3A_196 : memref<64x128xf32, #tpu.memory_space<hbm>>) dst(%arg8 : memref<64x128xf32, #tpu.memory_space<vmem>>)
      %dma_wait3A_197 = arith.constant 0 : i32
      %dma_wait3A_198 = arith.constant 0 : i32
      %dma_wait3A_199 = tpu.memref_slice %arg2[%dma_wait3A_197, %dma_wait3A_198] : memref<250000x128xf32, #tpu.memory_space<hbm>> -> memref<64x128xf32, #tpu.memory_space<hbm>>
      %dma_wait3A_200 = arith.constant 0 : i32
      %dma_wait3A_201 = arith.constant 0 : i32
      %dma_wait3A_202 = tpu.memref_slice %arg2[%dma_wait3A_200, %dma_wait3A_201] : memref<250000x128xf32, #tpu.memory_space<hbm>> -> memref<64x128xf32, #tpu.memory_space<hbm>>
      tpu.wait_dma2 semaphore(%arg10 : memref<!tpu.dma_semaphore, #tpu.memory_space<semaphore_mem>>) src(%dma_wait3A_202 : memref<64x128xf32, #tpu.memory_space<hbm>>) dst(%arg8 : memref<64x128xf32, #tpu.memory_space<vmem>>)
      %dma_wait3A_203 = arith.constant 0 : i32
      %dma_wait3A_204 = arith.constant 0 : i32
      %dma_wait3A_205 = tpu.memref_slice %arg2[%dma_wait3A_203, %dma_wait3A_204] : memref<250000x128xf32, #tpu.memory_space<hbm>> -> memref<64x128xf32, #tpu.memory_space<hbm>>
      %dma_wait3A_206 = arith.constant 0 : i32
      %dma_wait3A_207 = arith.constant 0 : i32
      %dma_wait3A_208 = tpu.memref_slice %arg2[%dma_wait3A_206, %dma_wait3A_207] : memref<250000x128xf32, #tpu.memory_space<hbm>> -> memref<64x128xf32, #tpu.memory_space<hbm>>
      tpu.wait_dma2 semaphore(%arg10 : memref<!tpu.dma_semaphore, #tpu.memory_space<semaphore_mem>>) src(%dma_wait3A_208 : memref<64x128xf32, #tpu.memory_space<hbm>>) dst(%arg8 : memref<64x128xf32, #tpu.memory_space<vmem>>)
      %gt3A = arith.constant 0 : i32
      %gt3A_209 = arith.cmpi sgt, %while3A_180, %gt3A : i32
      %convert_element_type3A = arith.extui %gt3A_209 : i1 to i32
      %cond3A = arith.constant 0 : i32
      %cond3A_210 = arith.cmpi ne, %convert_element_type3A, %cond3A : i32
      scf.if %cond3A_210 {
        %dma_wait3A_280 = arith.constant 0 : i32
        %dma_wait3A_281 = arith.constant 0 : i32
        %dma_wait3A_282 = tpu.memref_slice %arg2[%dma_wait3A_280, %dma_wait3A_281] : memref<250000x128xf32, #tpu.memory_space<hbm>> -> memref<64x128xf32, #tpu.memory_space<hbm>>
        %dma_wait3A_283 = arith.constant 0 : i32
        %dma_wait3A_284 = arith.constant 0 : i32
        %dma_wait3A_285 = tpu.memref_slice %arg2[%dma_wait3A_283, %dma_wait3A_284] : memref<250000x128xf32, #tpu.memory_space<hbm>> -> memref<64x128xf32, #tpu.memory_space<hbm>>
        tpu.wait_dma2 semaphore(%arg12 : memref<!tpu.dma_semaphore, #tpu.memory_space<semaphore_mem>>) src(%dma_wait3A_285 : memref<64x128xf32, #tpu.memory_space<hbm>>) dst(%arg8 : memref<64x128xf32, #tpu.memory_space<vmem>>)
      } else {
      }
      %scan3A = arith.constant 0 : i32
      %scan3A_211 = arith.constant 0 : i32
      %scan3A_212 = arith.constant 64 : i32
      %scan3A_213 = arith.addi %scan3A_211, %scan3A_212 : i32
      %scan3A_214 = arith.constant 1 : i32
      scf.for %scan3A_280 = %scan3A_211 to %scan3A_213 step %scan3A_214  : i32 {
        %add3A_281 = arith.constant 0 : i32
        %add3A_282 = arith.addi %add3A_281, %scan3A_280 : i32
        %get3A = arith.index_cast %add3A_282 : i32 to index
        %get3A_283 = arith.constant 0 : index
        %get3A_284 = tpu.vector_load %arg6[%get3A, %get3A_283] {strides = array<i32>} : memref<256x128xf32, #tpu.memory_space<vmem>>, vector<1x16xf32>,
        %get3A_285 = vector.shape_cast %get3A_284 : vector<1x16xf32> to vector<16xf32>
        %add3A_286 = arith.constant 0 : i32
        %add3A_287 = arith.addi %add3A_286, %scan3A_280 : i32
        %get3A_288 = arith.index_cast %add3A_287 : i32 to index
        %get3A_289 = arith.constant 64 : index
        %get3A_290 = tpu.vector_load %arg6[%get3A_288, %get3A_289] {strides = array<i32>} : memref<256x128xf32, #tpu.memory_space<vmem>>, vector<1x16xf32>,
        %get3A_291 = vector.shape_cast %get3A_290 : vector<1x16xf32> to vector<16xf32>
        %add3A_292 = arith.constant 64 : i32
        %add3A_293 = arith.addi %add3A_292, %scan3A_280 : i32
        %get3A_294 = arith.index_cast %add3A_293 : i32 to index
        %get3A_295 = arith.constant 0 : index
        %get3A_296 = tpu.vector_load %arg6[%get3A_294, %get3A_295] {strides = array<i32>} : memref<256x128xf32, #tpu.memory_space<vmem>>, vector<1x16xf32>,
        %get3A_297 = vector.shape_cast %get3A_296 : vector<1x16xf32> to vector<16xf32>
        %add3A_298 = arith.constant 64 : i32
        %add3A_299 = arith.addi %add3A_298, %scan3A_280 : i32
        %get3A_300 = arith.index_cast %add3A_299 : i32 to index
        %get3A_301 = arith.constant 64 : index
        %get3A_302 = tpu.vector_load %arg6[%get3A_300, %get3A_301] {strides = array<i32>} : memref<256x128xf32, #tpu.memory_space<vmem>>, vector<1x16xf32>,
        %get3A_303 = vector.shape_cast %get3A_302 : vector<1x16xf32> to vector<16xf32>
        %add3A_304 = arith.addf %get3A_285, %get3A_297 : vector<16xf32>
        %add3A_305 = arith.addf %get3A_291, %get3A_303 : vector<16xf32>
        %add3A_306 = arith.constant 128 : i32
        %add3A_307 = arith.addi %add3A_306, %scan3A_280 : i32
        %get3A_308 = arith.index_cast %add3A_307 : i32 to index
        %get3A_309 = arith.constant 64 : index
        %get3A_310 = tpu.vector_load %arg6[%get3A_308, %get3A_309] {strides = array<i32>} : memref<256x128xf32, #tpu.memory_space<vmem>>, vector<1x16xf32>,
        %get3A_311 = vector.shape_cast %get3A_310 : vector<1x16xf32> to vector<16xf32>
        %add3A_312 = arith.constant 128 : i32
        %add3A_313 = arith.addi %add3A_312, %scan3A_280 : i32
        %get3A_314 = arith.index_cast %add3A_313 : i32 to index
        %get3A_315 = arith.constant 0 : index
        %get3A_316 = tpu.vector_load %arg6[%get3A_314, %get3A_315] {strides = array<i32>} : memref<256x128xf32, #tpu.memory_space<vmem>>, vector<1x16xf32>,
        %get3A_317 = vector.shape_cast %get3A_316 : vector<1x16xf32> to vector<16xf32>
        %add3A_318 = arith.addf %add3A_304, %get3A_311 : vector<16xf32>
        %add3A_319 = arith.addf %add3A_305, %get3A_317 : vector<16xf32>
        %add3A_320 = arith.constant 192 : i32
        %add3A_321 = arith.addi %add3A_320, %scan3A_280 : i32
        %get3A_322 = arith.index_cast %add3A_321 : i32 to index
        %get3A_323 = arith.constant 64 : index
        %get3A_324 = tpu.vector_load %arg6[%get3A_322, %get3A_323] {strides = array<i32>} : memref<256x128xf32, #tpu.memory_space<vmem>>, vector<1x16xf32>,
        %get3A_325 = vector.shape_cast %get3A_324 : vector<1x16xf32> to vector<16xf32>
        %add3A_326 = arith.constant 192 : i32
        %add3A_327 = arith.addi %add3A_326, %scan3A_280 : i32
        %get3A_328 = arith.index_cast %add3A_327 : i32 to index
        %get3A_329 = arith.constant 0 : index
        %get3A_330 = tpu.vector_load %arg6[%get3A_328, %get3A_329] {strides = array<i32>} : memref<256x128xf32, #tpu.memory_space<vmem>>, vector<1x16xf32>,
        %get3A_331 = vector.shape_cast %get3A_330 : vector<1x16xf32> to vector<16xf32>
        %add3A_332 = arith.addf %add3A_318, %get3A_325 : vector<16xf32>
        %add3A_333 = arith.addf %add3A_319, %get3A_331 : vector<16xf32>
        %swap3A = arith.index_cast %scan3A_280 : i32 to index
        %swap3A_334 = arith.constant 0 : index
        %swap3A_335 = tpu.vector_load %arg8[%swap3A, %swap3A_334] {strides = array<i32>} : memref<64x128xf32, #tpu.memory_space<vmem>>, vector<1x16xf32>,
        %swap3A_336 = vector.shape_cast %swap3A_335 : vector<1x16xf32> to vector<16xf32>
        %swap3A_337 = vector.shape_cast %add3A_332 : vector<16xf32> to vector<1x16xf32>
        tpu.vector_store %arg8[%swap3A, %swap3A_334], %swap3A_337 {strides = array<i32>} : memref<64x128xf32, #tpu.memory_space<vmem>>, vector<1x16xf32>,
        %swap3A_338 = arith.index_cast %scan3A_280 : i32 to index
        %swap3A_339 = arith.constant 64 : index
        %swap3A_340 = tpu.vector_load %arg8[%swap3A_338, %swap3A_339] {strides = array<i32>} : memref<64x128xf32, #tpu.memory_space<vmem>>, vector<1x16xf32>,
        %swap3A_341 = vector.shape_cast %swap3A_340 : vector<1x16xf32> to vector<16xf32>
        %swap3A_342 = vector.shape_cast %add3A_333 : vector<16xf32> to vector<1x16xf32>
        tpu.vector_store %arg8[%swap3A_338, %swap3A_339], %swap3A_342 {strides = array<i32>} : memref<64x128xf32, #tpu.memory_space<vmem>>, vector<1x16xf32>,
        %add3A_343 = arith.constant 0 : i32
        %add3A_344 = arith.addi %add3A_343, %scan3A_280 : i32
        %get3A_345 = arith.index_cast %add3A_344 : i32 to index
        %get3A_346 = arith.constant 16 : index
        %get3A_347 = tpu.vector_load %arg6[%get3A_345, %get3A_346] {strides = array<i32>} : memref<256x128xf32, #tpu.memory_space<vmem>>, vector<1x16xf32>,
        %get3A_348 = vector.shape_cast %get3A_347 : vector<1x16xf32> to vector<16xf32>
        %add3A_349 = arith.constant 0 : i32
        %add3A_350 = arith.addi %add3A_349, %scan3A_280 : i32
        %get3A_351 = arith.index_cast %add3A_350 : i32 to index
        %get3A_352 = arith.constant 80 : index
        %get3A_353 = tpu.vector_load %arg6[%get3A_351, %get3A_352] {strides = array<i32>} : memref<256x128xf32, #tpu.memory_space<vmem>>, vector<1x16xf32>,
        %get3A_354 = vector.shape_cast %get3A_353 : vector<1x16xf32> to vector<16xf32>
        %add3A_355 = arith.constant 64 : i32
        %add3A_356 = arith.addi %add3A_355, %scan3A_280 : i32
        %get3A_357 = arith.index_cast %add3A_356 : i32 to index
        %get3A_358 = arith.constant 16 : index
        %get3A_359 = tpu.vector_load %arg6[%get3A_357, %get3A_358] {strides = array<i32>} : memref<256x128xf32, #tpu.memory_space<vmem>>, vector<1x16xf32>,
        %get3A_360 = vector.shape_cast %get3A_359 : vector<1x16xf32> to vector<16xf32>
        %add3A_361 = arith.constant 64 : i32
        %add3A_362 = arith.addi %add3A_361, %scan3A_280 : i32
        %get3A_363 = arith.index_cast %add3A_362 : i32 to index
        %get3A_364 = arith.constant 80 : index
        %get3A_365 = tpu.vector_load %arg6[%get3A_363, %get3A_364] {strides = array<i32>} : memref<256x128xf32, #tpu.memory_space<vmem>>, vector<1x16xf32>,
        %get3A_366 = vector.shape_cast %get3A_365 : vector<1x16xf32> to vector<16xf32>
        %add3A_367 = arith.addf %get3A_348, %get3A_360 : vector<16xf32>
        %add3A_368 = arith.addf %get3A_354, %get3A_366 : vector<16xf32>
        %add3A_369 = arith.constant 128 : i32
        %add3A_370 = arith.addi %add3A_369, %scan3A_280 : i32
        %get3A_371 = arith.index_cast %add3A_370 : i32 to index
        %get3A_372 = arith.constant 80 : index
        %get3A_373 = tpu.vector_load %arg6[%get3A_371, %get3A_372] {strides = array<i32>} : memref<256x128xf32, #tpu.memory_space<vmem>>, vector<1x16xf32>,
        %get3A_374 = vector.shape_cast %get3A_373 : vector<1x16xf32> to vector<16xf32>
        %add3A_375 = arith.constant 128 : i32
        %add3A_376 = arith.addi %add3A_375, %scan3A_280 : i32
        %get3A_377 = arith.index_cast %add3A_376 : i32 to index
        %get3A_378 = arith.constant 16 : index
        %get3A_379 = tpu.vector_load %arg6[%get3A_377, %get3A_378] {strides = array<i32>} : memref<256x128xf32, #tpu.memory_space<vmem>>, vector<1x16xf32>,
        %get3A_380 = vector.shape_cast %get3A_379 : vector<1x16xf32> to vector<16xf32>
        %add3A_381 = arith.addf %add3A_367, %get3A_374 : vector<16xf32>
        %add3A_382 = arith.addf %add3A_368, %get3A_380 : vector<16xf32>
        %add3A_383 = arith.constant 192 : i32
        %add3A_384 = arith.addi %add3A_383, %scan3A_280 : i32
        %get3A_385 = arith.index_cast %add3A_384 : i32 to index
        %get3A_386 = arith.constant 80 : index
        %get3A_387 = tpu.vector_load %arg6[%get3A_385, %get3A_386] {strides = array<i32>} : memref<256x128xf32, #tpu.memory_space<vmem>>, vector<1x16xf32>,
        %get3A_388 = vector.shape_cast %get3A_387 : vector<1x16xf32> to vector<16xf32>
        %add3A_389 = arith.constant 192 : i32
        %add3A_390 = arith.addi %add3A_389, %scan3A_280 : i32
        %get3A_391 = arith.index_cast %add3A_390 : i32 to index
        %get3A_392 = arith.constant 16 : index
        %get3A_393 = tpu.vector_load %arg6[%get3A_391, %get3A_392] {strides = array<i32>} : memref<256x128xf32, #tpu.memory_space<vmem>>, vector<1x16xf32>,
        %get3A_394 = vector.shape_cast %get3A_393 : vector<1x16xf32> to vector<16xf32>
        %add3A_395 = arith.addf %add3A_381, %get3A_388 : vector<16xf32>
        %add3A_396 = arith.addf %add3A_382, %get3A_394 : vector<16xf32>
        %swap3A_397 = arith.index_cast %scan3A_280 : i32 to index
        %swap3A_398 = arith.constant 16 : index
        %swap3A_399 = tpu.vector_load %arg8[%swap3A_397, %swap3A_398] {strides = array<i32>} : memref<64x128xf32, #tpu.memory_space<vmem>>, vector<1x16xf32>,
        %swap3A_400 = vector.shape_cast %swap3A_399 : vector<1x16xf32> to vector<16xf32>
        %swap3A_401 = vector.shape_cast %add3A_395 : vector<16xf32> to vector<1x16xf32>
        tpu.vector_store %arg8[%swap3A_397, %swap3A_398], %swap3A_401 {strides = array<i32>} : memref<64x128xf32, #tpu.memory_space<vmem>>, vector<1x16xf32>,
        %swap3A_402 = arith.index_cast %scan3A_280 : i32 to index
        %swap3A_403 = arith.constant 80 : index
        %swap3A_404 = tpu.vector_load %arg8[%swap3A_402, %swap3A_403] {strides = array<i32>} : memref<64x128xf32, #tpu.memory_space<vmem>>, vector<1x16xf32>,
        %swap3A_405 = vector.shape_cast %swap3A_404 : vector<1x16xf32> to vector<16xf32>
        %swap3A_406 = vector.shape_cast %add3A_396 : vector<16xf32> to vector<1x16xf32>
        tpu.vector_store %arg8[%swap3A_402, %swap3A_403], %swap3A_406 {strides = array<i32>} : memref<64x128xf32, #tpu.memory_space<vmem>>, vector<1x16xf32>,
        %add3A_407 = arith.constant 0 : i32
        %add3A_408 = arith.addi %add3A_407, %scan3A_280 : i32
        %get3A_409 = arith.index_cast %add3A_408 : i32 to index
        %get3A_410 = arith.constant 32 : index
        %get3A_411 = tpu.vector_load %arg6[%get3A_409, %get3A_410] {strides = array<i32>} : memref<256x128xf32, #tpu.memory_space<vmem>>, vector<1x16xf32>,
        %get3A_412 = vector.shape_cast %get3A_411 : vector<1x16xf32> to vector<16xf32>
        %add3A_413 = arith.constant 0 : i32
        %add3A_414 = arith.addi %add3A_413, %scan3A_280 : i32
        %get3A_415 = arith.index_cast %add3A_414 : i32 to index
        %get3A_416 = arith.constant 96 : index
        %get3A_417 = tpu.vector_load %arg6[%get3A_415, %get3A_416] {strides = array<i32>} : memref<256x128xf32, #tpu.memory_space<vmem>>, vector<1x16xf32>,
        %get3A_418 = vector.shape_cast %get3A_417 : vector<1x16xf32> to vector<16xf32>
        %add3A_419 = arith.constant 64 : i32
        %add3A_420 = arith.addi %add3A_419, %scan3A_280 : i32
        %get3A_421 = arith.index_cast %add3A_420 : i32 to index
        %get3A_422 = arith.constant 32 : index
        %get3A_423 = tpu.vector_load %arg6[%get3A_421, %get3A_422] {strides = array<i32>} : memref<256x128xf32, #tpu.memory_space<vmem>>, vector<1x16xf32>,
        %get3A_424 = vector.shape_cast %get3A_423 : vector<1x16xf32> to vector<16xf32>
        %add3A_425 = arith.constant 64 : i32
        %add3A_426 = arith.addi %add3A_425, %scan3A_280 : i32
        %get3A_427 = arith.index_cast %add3A_426 : i32 to index
        %get3A_428 = arith.constant 96 : index
        %get3A_429 = tpu.vector_load %arg6[%get3A_427, %get3A_428] {strides = array<i32>} : memref<256x128xf32, #tpu.memory_space<vmem>>, vector<1x16xf32>,
        %get3A_430 = vector.shape_cast %get3A_429 : vector<1x16xf32> to vector<16xf32>
        %add3A_431 = arith.addf %get3A_412, %get3A_424 : vector<16xf32>
        %add3A_432 = arith.addf %get3A_418, %get3A_430 : vector<16xf32>
        %add3A_433 = arith.constant 128 : i32
        %add3A_434 = arith.addi %add3A_433, %scan3A_280 : i32
        %get3A_435 = arith.index_cast %add3A_434 : i32 to index
        %get3A_436 = arith.constant 96 : index
        %get3A_437 = tpu.vector_load %arg6[%get3A_435, %get3A_436] {strides = array<i32>} : memref<256x128xf32, #tpu.memory_space<vmem>>, vector<1x16xf32>,
        %get3A_438 = vector.shape_cast %get3A_437 : vector<1x16xf32> to vector<16xf32>
        %add3A_439 = arith.constant 128 : i32
        %add3A_440 = arith.addi %add3A_439, %scan3A_280 : i32
        %get3A_441 = arith.index_cast %add3A_440 : i32 to index
        %get3A_442 = arith.constant 32 : index
        %get3A_443 = tpu.vector_load %arg6[%get3A_441, %get3A_442] {strides = array<i32>} : memref<256x128xf32, #tpu.memory_space<vmem>>, vector<1x16xf32>,
        %get3A_444 = vector.shape_cast %get3A_443 : vector<1x16xf32> to vector<16xf32>
        %add3A_445 = arith.addf %add3A_431, %get3A_438 : vector<16xf32>
        %add3A_446 = arith.addf %add3A_432, %get3A_444 : vector<16xf32>
        %add3A_447 = arith.constant 192 : i32
        %add3A_448 = arith.addi %add3A_447, %scan3A_280 : i32
        %get3A_449 = arith.index_cast %add3A_448 : i32 to index
        %get3A_450 = arith.constant 96 : index
        %get3A_451 = tpu.vector_load %arg6[%get3A_449, %get3A_450] {strides = array<i32>} : memref<256x128xf32, #tpu.memory_space<vmem>>, vector<1x16xf32>,
        %get3A_452 = vector.shape_cast %get3A_451 : vector<1x16xf32> to vector<16xf32>
        %add3A_453 = arith.constant 192 : i32
        %add3A_454 = arith.addi %add3A_453, %scan3A_280 : i32
        %get3A_455 = arith.index_cast %add3A_454 : i32 to index
        %get3A_456 = arith.constant 32 : index
        %get3A_457 = tpu.vector_load %arg6[%get3A_455, %get3A_456] {strides = array<i32>} : memref<256x128xf32, #tpu.memory_space<vmem>>, vector<1x16xf32>,
        %get3A_458 = vector.shape_cast %get3A_457 : vector<1x16xf32> to vector<16xf32>
        %add3A_459 = arith.addf %add3A_445, %get3A_452 : vector<16xf32>
        %add3A_460 = arith.addf %add3A_446, %get3A_458 : vector<16xf32>
        %swap3A_461 = arith.index_cast %scan3A_280 : i32 to index
        %swap3A_462 = arith.constant 32 : index
        %swap3A_463 = tpu.vector_load %arg8[%swap3A_461, %swap3A_462] {strides = array<i32>} : memref<64x128xf32, #tpu.memory_space<vmem>>, vector<1x16xf32>,
        %swap3A_464 = vector.shape_cast %swap3A_463 : vector<1x16xf32> to vector<16xf32>
        %swap3A_465 = vector.shape_cast %add3A_459 : vector<16xf32> to vector<1x16xf32>
        tpu.vector_store %arg8[%swap3A_461, %swap3A_462], %swap3A_465 {strides = array<i32>} : memref<64x128xf32, #tpu.memory_space<vmem>>, vector<1x16xf32>,
        %swap3A_466 = arith.index_cast %scan3A_280 : i32 to index
        %swap3A_467 = arith.constant 96 : index
        %swap3A_468 = tpu.vector_load %arg8[%swap3A_466, %swap3A_467] {strides = array<i32>} : memref<64x128xf32, #tpu.memory_space<vmem>>, vector<1x16xf32>,
        %swap3A_469 = vector.shape_cast %swap3A_468 : vector<1x16xf32> to vector<16xf32>
        %swap3A_470 = vector.shape_cast %add3A_460 : vector<16xf32> to vector<1x16xf32>
        tpu.vector_store %arg8[%swap3A_466, %swap3A_467], %swap3A_470 {strides = array<i32>} : memref<64x128xf32, #tpu.memory_space<vmem>>, vector<1x16xf32>,
        %add3A_471 = arith.constant 0 : i32
        %add3A_472 = arith.addi %add3A_471, %scan3A_280 : i32
        %get3A_473 = arith.index_cast %add3A_472 : i32 to index
        %get3A_474 = arith.constant 48 : index
        %get3A_475 = tpu.vector_load %arg6[%get3A_473, %get3A_474] {strides = array<i32>} : memref<256x128xf32, #tpu.memory_space<vmem>>, vector<1x16xf32>,
        %get3A_476 = vector.shape_cast %get3A_475 : vector<1x16xf32> to vector<16xf32>
        %add3A_477 = arith.constant 0 : i32
        %add3A_478 = arith.addi %add3A_477, %scan3A_280 : i32
        %get3A_479 = arith.index_cast %add3A_478 : i32 to index
        %get3A_480 = arith.constant 112 : index
        %get3A_481 = tpu.vector_load %arg6[%get3A_479, %get3A_480] {strides = array<i32>} : memref<256x128xf32, #tpu.memory_space<vmem>>, vector<1x16xf32>,
        %get3A_482 = vector.shape_cast %get3A_481 : vector<1x16xf32> to vector<16xf32>
        %add3A_483 = arith.constant 64 : i32
        %add3A_484 = arith.addi %add3A_483, %scan3A_280 : i32
        %get3A_485 = arith.index_cast %add3A_484 : i32 to index
        %get3A_486 = arith.constant 48 : index
        %get3A_487 = tpu.vector_load %arg6[%get3A_485, %get3A_486] {strides = array<i32>} : memref<256x128xf32, #tpu.memory_space<vmem>>, vector<1x16xf32>,
        %get3A_488 = vector.shape_cast %get3A_487 : vector<1x16xf32> to vector<16xf32>
        %add3A_489 = arith.constant 64 : i32
        %add3A_490 = arith.addi %add3A_489, %scan3A_280 : i32
        %get3A_491 = arith.index_cast %add3A_490 : i32 to index
        %get3A_492 = arith.constant 112 : index
        %get3A_493 = tpu.vector_load %arg6[%get3A_491, %get3A_492] {strides = array<i32>} : memref<256x128xf32, #tpu.memory_space<vmem>>, vector<1x16xf32>,
        %get3A_494 = vector.shape_cast %get3A_493 : vector<1x16xf32> to vector<16xf32>
        %add3A_495 = arith.addf %get3A_476, %get3A_488 : vector<16xf32>
        %add3A_496 = arith.addf %get3A_482, %get3A_494 : vector<16xf32>
        %add3A_497 = arith.constant 128 : i32
        %add3A_498 = arith.addi %add3A_497, %scan3A_280 : i32
        %get3A_499 = arith.index_cast %add3A_498 : i32 to index
        %get3A_500 = arith.constant 112 : index
        %get3A_501 = tpu.vector_load %arg6[%get3A_499, %get3A_500] {strides = array<i32>} : memref<256x128xf32, #tpu.memory_space<vmem>>, vector<1x16xf32>,
        %get3A_502 = vector.shape_cast %get3A_501 : vector<1x16xf32> to vector<16xf32>
        %add3A_503 = arith.constant 128 : i32
        %add3A_504 = arith.addi %add3A_503, %scan3A_280 : i32
        %get3A_505 = arith.index_cast %add3A_504 : i32 to index
        %get3A_506 = arith.constant 48 : index
        %get3A_507 = tpu.vector_load %arg6[%get3A_505, %get3A_506] {strides = array<i32>} : memref<256x128xf32, #tpu.memory_space<vmem>>, vector<1x16xf32>,
        %get3A_508 = vector.shape_cast %get3A_507 : vector<1x16xf32> to vector<16xf32>
        %add3A_509 = arith.addf %add3A_495, %get3A_502 : vector<16xf32>
        %add3A_510 = arith.addf %add3A_496, %get3A_508 : vector<16xf32>
        %add3A_511 = arith.constant 192 : i32
        %add3A_512 = arith.addi %add3A_511, %scan3A_280 : i32
        %get3A_513 = arith.index_cast %add3A_512 : i32 to index
        %get3A_514 = arith.constant 112 : index
        %get3A_515 = tpu.vector_load %arg6[%get3A_513, %get3A_514] {strides = array<i32>} : memref<256x128xf32, #tpu.memory_space<vmem>>, vector<1x16xf32>,
        %get3A_516 = vector.shape_cast %get3A_515 : vector<1x16xf32> to vector<16xf32>
        %add3A_517 = arith.constant 192 : i32
        %add3A_518 = arith.addi %add3A_517, %scan3A_280 : i32
        %get3A_519 = arith.index_cast %add3A_518 : i32 to index
        %get3A_520 = arith.constant 48 : index
        %get3A_521 = tpu.vector_load %arg6[%get3A_519, %get3A_520] {strides = array<i32>} : memref<256x128xf32, #tpu.memory_space<vmem>>, vector<1x16xf32>,
        %get3A_522 = vector.shape_cast %get3A_521 : vector<1x16xf32> to vector<16xf32>
        %add3A_523 = arith.addf %add3A_509, %get3A_516 : vector<16xf32>
        %add3A_524 = arith.addf %add3A_510, %get3A_522 : vector<16xf32>
        %swap3A_525 = arith.index_cast %scan3A_280 : i32 to index
        %swap3A_526 = arith.constant 48 : index
        %swap3A_527 = tpu.vector_load %arg8[%swap3A_525, %swap3A_526] {strides = array<i32>} : memref<64x128xf32, #tpu.memory_space<vmem>>, vector<1x16xf32>,
        %swap3A_528 = vector.shape_cast %swap3A_527 : vector<1x16xf32> to vector<16xf32>
        %swap3A_529 = vector.shape_cast %add3A_523 : vector<16xf32> to vector<1x16xf32>
        tpu.vector_store %arg8[%swap3A_525, %swap3A_526], %swap3A_529 {strides = array<i32>} : memref<64x128xf32, #tpu.memory_space<vmem>>, vector<1x16xf32>,
        %swap3A_530 = arith.index_cast %scan3A_280 : i32 to index
        %swap3A_531 = arith.constant 112 : index
        %swap3A_532 = tpu.vector_load %arg8[%swap3A_530, %swap3A_531] {strides = array<i32>} : memref<64x128xf32, #tpu.memory_space<vmem>>, vector<1x16xf32>,
        %swap3A_533 = vector.shape_cast %swap3A_532 : vector<1x16xf32> to vector<16xf32>
        %swap3A_534 = vector.shape_cast %add3A_524 : vector<16xf32> to vector<1x16xf32>
        tpu.vector_store %arg8[%swap3A_530, %swap3A_531], %swap3A_534 {strides = array<i32>} : memref<64x128xf32, #tpu.memory_space<vmem>>, vector<1x16xf32>,
      }
      %scan3A_215 = arith.constant 64 : i32
      %add3A_216 = arith.addi %select_n3A, %mul3A_182 : i32
      %dma_start3A_217 = arith.constant 0 : i32
      %dma_start3A_218 = arith.constant 0 : i32
      %dma_start3A_219 = tpu.memref_slice %arg4[%add3A_216, %dma_start3A_217, %dma_start3A_218] : memref<2368x64x128xf32, #tpu.memory_space<hbm>> -> memref<1x64x128xf32, #tpu.memory_space<hbm>>
      %dma_start3A_220 = tpu.memref_squeeze %dma_start3A_219 : memref<1x64x128xf32, #tpu.memory_space<hbm>> -> memref<64x128xf32, #tpu.memory_space<hbm>>
      %dma_start3A_221 = arith.constant 0 : i32
      %dma_start3A_222 = arith.constant 0 : i32
      %dma_start3A_223 = tpu.memref_slice %arg4[%add3A_216, %dma_start3A_221, %dma_start3A_222] : memref<2368x64x128xf32, #tpu.memory_space<hbm>> -> memref<1x64x128xf32, #tpu.memory_space<hbm>>
      %dma_start3A_224 = tpu.memref_squeeze %dma_start3A_223 : memref<1x64x128xf32, #tpu.memory_space<hbm>> -> memref<64x128xf32, #tpu.memory_space<hbm>>
      tpu.enqueue_dma source(%arg8 : memref<64x128xf32, #tpu.memory_space<vmem>>) target(%dma_start3A_224 : memref<64x128xf32, #tpu.memory_space<hbm>>) target_semaphore(%arg12 : memref<!tpu.dma_semaphore, #tpu.memory_space<semaphore_mem>>)
      %add3A_225 = arith.constant 1 : i32
      %add3A_226 = arith.addi %while3A_180, %add3A_225 : i32
      %lt3A = arith.cmpi slt, %add3A_226, %select_n3A_80 : i32
      %convert_element_type3A_227 = arith.extui %lt3A : i1 to i32
      %cond3A_228 = arith.constant 0 : i32
      %cond3A_229 = arith.cmpi ne, %convert_element_type3A_227, %cond3A_228 : i32
      scf.if %cond3A_229 {
        %add3A_280 = arith.constant 2 : i32
        %add3A_281 = arith.addi %mul3A_182, %add3A_280 : i32
        %mul3A_282 = arith.constant 64 : i32
        %mul3A_283 = arith.muli %add3A_281, %mul3A_282 : i32
        %add3A_284 = arith.constant 0 : i32
        %add3A_285 = arith.addi %add3A_284, %mul3A_283 : i32
        %dma_start3A_286 = arith.constant 0 : i32
        %dma_start3A_287 = arith.constant 0 : i32
        %dma_start3A_288 = tpu.memref_slice %arg6[%dma_start3A_286, %dma_start3A_287] : memref<256x128xf32, #tpu.memory_space<vmem>> -> memref<64x128xf32, #tpu.memory_space<vmem>>
        %dma_start3A_289 = tpu.memref_slice %arg5[%add3A_285] : memref<18944xi32, #tpu.memory_space<vmem>> -> memref<64xi32, #tpu.memory_space<vmem>>
        %dma_start3A_290 = arith.constant 0 : i32
        %dma_start3A_291 = arith.constant 0 : i32
        %dma_start3A_292 = tpu.memref_slice %arg2[%dma_start3A_290, %dma_start3A_291] : memref<250000x128xf32, #tpu.memory_space<hbm>> -> memref<250000x128xf32, #tpu.memory_space<hbm>>
        tpu.enqueue_indirect_dma source(%dma_start3A_292 : memref<250000x128xf32, #tpu.memory_space<hbm>>) target(%dma_start3A_288 : memref<64x128xf32, #tpu.memory_space<vmem>>) offsets(%dma_start3A_289 : memref<64xi32, #tpu.memory_space<vmem>>) semaphore(%arg10 : memref<!tpu.dma_semaphore, #tpu.memory_space<semaphore_mem>>)
        %mul3A_293 = arith.constant 64 : i32
        %mul3A_294 = arith.muli %add3A_281, %mul3A_293 : i32
        %add3A_295 = arith.constant 4736 : i32
        %add3A_296 = arith.addi %add3A_295, %mul3A_294 : i32
        %dma_start3A_297 = arith.constant 64 : i32
        %dma_start3A_298 = arith.constant 0 : i32
        %dma_start3A_299 = tpu.memref_slice %arg6[%dma_start3A_297, %dma_start3A_298] : memref<256x128xf32, #tpu.memory_space<vmem>> -> memref<64x128xf32, #tpu.memory_space<vmem>>
        %dma_start3A_300 = tpu.memref_slice %arg5[%add3A_296] : memref<18944xi32, #tpu.memory_space<vmem>> -> memref<64xi32, #tpu.memory_space<vmem>>
        %dma_start3A_301 = arith.constant 0 : i32
        %dma_start3A_302 = arith.constant 0 : i32
        %dma_start3A_303 = tpu.memref_slice %arg2[%dma_start3A_301, %dma_start3A_302] : memref<250000x128xf32, #tpu.memory_space<hbm>> -> memref<250000x128xf32, #tpu.memory_space<hbm>>
        tpu.enqueue_indirect_dma source(%dma_start3A_303 : memref<250000x128xf32, #tpu.memory_space<hbm>>) target(%dma_start3A_299 : memref<64x128xf32, #tpu.memory_space<vmem>>) offsets(%dma_start3A_300 : memref<64xi32, #tpu.memory_space<vmem>>) semaphore(%arg10 : memref<!tpu.dma_semaphore, #tpu.memory_space<semaphore_mem>>)
        %mul3A_304 = arith.constant 64 : i32
        %mul3A_305 = arith.muli %add3A_281, %mul3A_304 : i32
        %add3A_306 = arith.constant 9472 : i32
        %add3A_307 = arith.addi %add3A_306, %mul3A_305 : i32
        %dma_start3A_308 = arith.constant 128 : i32
        %dma_start3A_309 = arith.constant 0 : i32
        %dma_start3A_310 = tpu.memref_slice %arg6[%dma_start3A_308, %dma_start3A_309] : memref<256x128xf32, #tpu.memory_space<vmem>> -> memref<64x128xf32, #tpu.memory_space<vmem>>
        %dma_start3A_311 = tpu.memref_slice %arg5[%add3A_307] : memref<18944xi32, #tpu.memory_space<vmem>> -> memref<64xi32, #tpu.memory_space<vmem>>
        %dma_start3A_312 = arith.constant 0 : i32
        %dma_start3A_313 = arith.constant 0 : i32
        %dma_start3A_314 = tpu.memref_slice %arg2[%dma_start3A_312, %dma_start3A_313] : memref<250000x128xf32, #tpu.memory_space<hbm>> -> memref<250000x128xf32, #tpu.memory_space<hbm>>
        tpu.enqueue_indirect_dma source(%dma_start3A_314 : memref<250000x128xf32, #tpu.memory_space<hbm>>) target(%dma_start3A_310 : memref<64x128xf32, #tpu.memory_space<vmem>>) offsets(%dma_start3A_311 : memref<64xi32, #tpu.memory_space<vmem>>) semaphore(%arg10 : memref<!tpu.dma_semaphore, #tpu.memory_space<semaphore_mem>>)
        %mul3A_315 = arith.constant 64 : i32
        %mul3A_316 = arith.muli %add3A_281, %mul3A_315 : i32
        %add3A_317 = arith.constant 14208 : i32
        %add3A_318 = arith.addi %add3A_317, %mul3A_316 : i32
        %dma_start3A_319 = arith.constant 192 : i32
        %dma_start3A_320 = arith.constant 0 : i32
        %dma_start3A_321 = tpu.memref_slice %arg6[%dma_start3A_319, %dma_start3A_320] : memref<256x128xf32, #tpu.memory_space<vmem>> -> memref<64x128xf32, #tpu.memory_space<vmem>>
        %dma_start3A_322 = tpu.memref_slice %arg5[%add3A_318] : memref<18944xi32, #tpu.memory_space<vmem>> -> memref<64xi32, #tpu.memory_space<vmem>>
        %dma_start3A_323 = arith.constant 0 : i32
        %dma_start3A_324 = arith.constant 0 : i32
        %dma_start3A_325 = tpu.memref_slice %arg2[%dma_start3A_323, %dma_start3A_324] : memref<250000x128xf32, #tpu.memory_space<hbm>> -> memref<250000x128xf32, #tpu.memory_space<hbm>>
        tpu.enqueue_indirect_dma source(%dma_start3A_325 : memref<250000x128xf32, #tpu.memory_space<hbm>>) target(%dma_start3A_321 : memref<64x128xf32, #tpu.memory_space<vmem>>) offsets(%dma_start3A_322 : memref<64xi32, #tpu.memory_space<vmem>>) semaphore(%arg10 : memref<!tpu.dma_semaphore, #tpu.memory_space<semaphore_mem>>)
      } else {
      }
      %dma_wait3A_230 = arith.constant 0 : i32
      %dma_wait3A_231 = arith.constant 0 : i32
      %dma_wait3A_232 = tpu.memref_slice %arg2[%dma_wait3A_230, %dma_wait3A_231] : memref<250000x128xf32, #tpu.memory_space<hbm>> -> memref<64x128xf32, #tpu.memory_space<hbm>>
      %dma_wait3A_233 = arith.constant 0 : i32
      %dma_wait3A_234 = arith.constant 0 : i32
      %dma_wait3A_235 = tpu.memref_slice %arg2[%dma_wait3A_233, %dma_wait3A_234] : memref<250000x128xf32, #tpu.memory_space<hbm>> -> memref<64x128xf32, #tpu.memory_space<hbm>>
      tpu.wait_dma2 semaphore(%arg11 : memref<!tpu.dma_semaphore, #tpu.memory_space<semaphore_mem>>) src(%dma_wait3A_235 : memref<64x128xf32, #tpu.memory_space<hbm>>) dst(%arg8 : memref<64x128xf32, #tpu.memory_space<vmem>>)
      %dma_wait3A_236 = arith.constant 0 : i32
      %dma_wait3A_237 = arith.constant 0 : i32
      %dma_wait3A_238 = tpu.memref_slice %arg2[%dma_wait3A_236, %dma_wait3A_237] : memref<250000x128xf32, #tpu.memory_space<hbm>> -> memref<64x128xf32, #tpu.memory_space<hbm>>
      %dma_wait3A_239 = arith.constant 0 : i32
      %dma_wait3A_240 = arith.constant 0 : i32
      %dma_wait3A_241 = tpu.memref_slice %arg2[%dma_wait3A_239, %dma_wait3A_240] : memref<250000x128xf32, #tpu.memory_space<hbm>> -> memref<64x128xf32, #tpu.memory_space<hbm>>
      tpu.wait_dma2 semaphore(%arg11 : memref<!tpu.dma_semaphore, #tpu.memory_space<semaphore_mem>>) src(%dma_wait3A_241 : memref<64x128xf32, #tpu.memory_space<hbm>>) dst(%arg8 : memref<64x128xf32, #tpu.memory_space<vmem>>)
      %dma_wait3A_242 = arith.constant 0 : i32
      %dma_wait3A_243 = arith.constant 0 : i32
      %dma_wait3A_244 = tpu.memref_slice %arg2[%dma_wait3A_242, %dma_wait3A_243] : memref<250000x128xf32, #tpu.memory_space<hbm>> -> memref<64x128xf32, #tpu.memory_space<hbm>>
      %dma_wait3A_245 = arith.constant 0 : i32
      %dma_wait3A_246 = arith.constant 0 : i32
      %dma_wait3A_247 = tpu.memref_slice %arg2[%dma_wait3A_245, %dma_wait3A_246] : memref<250000x128xf32, #tpu.memory_space<hbm>> -> memref<64x128xf32, #tpu.memory_space<hbm>>
      tpu.wait_dma2 semaphore(%arg11 : memref<!tpu.dma_semaphore, #tpu.memory_space<semaphore_mem>>) src(%dma_wait3A_247 : memref<64x128xf32, #tpu.memory_space<hbm>>) dst(%arg8 : memref<64x128xf32, #tpu.memory_space<vmem>>)
      %dma_wait3A_248 = arith.constant 0 : i32
      %dma_wait3A_249 = arith.constant 0 : i32
      %dma_wait3A_250 = tpu.memref_slice %arg2[%dma_wait3A_248, %dma_wait3A_249] : memref<250000x128xf32, #tpu.memory_space<hbm>> -> memref<64x128xf32, #tpu.memory_space<hbm>>
      %dma_wait3A_251 = arith.constant 0 : i32
      %dma_wait3A_252 = arith.constant 0 : i32
      %dma_wait3A_253 = tpu.memref_slice %arg2[%dma_wait3A_251, %dma_wait3A_252] : memref<250000x128xf32, #tpu.memory_space<hbm>> -> memref<64x128xf32, #tpu.memory_space<hbm>>
      tpu.wait_dma2 semaphore(%arg11 : memref<!tpu.dma_semaphore, #tpu.memory_space<semaphore_mem>>) src(%dma_wait3A_253 : memref<64x128xf32, #tpu.memory_space<hbm>>) dst(%arg8 : memref<64x128xf32, #tpu.memory_space<vmem>>)
      %gt3A_254 = arith.constant 0 : i32
      %gt3A_255 = arith.cmpi sgt, %while3A_180, %gt3A_254 : i32
      %convert_element_type3A_256 = arith.extui %gt3A_255 : i1 to i32
      %cond3A_257 = arith.constant 0 : i32
      %cond3A_258 = arith.cmpi ne, %convert_element_type3A_256, %cond3A_257 : i32
      scf.if %cond3A_258 {
        %dma_wait3A_280 = arith.constant 0 : i32
        %dma_wait3A_281 = arith.constant 0 : i32
        %dma_wait3A_282 = tpu.memref_slice %arg2[%dma_wait3A_280, %dma_wait3A_281] : memref<250000x128xf32, #tpu.memory_space<hbm>> -> memref<64x128xf32, #tpu.memory_space<hbm>>
        %dma_wait3A_283 = arith.constant 0 : i32
        %dma_wait3A_284 = arith.constant 0 : i32
        %dma_wait3A_285 = tpu.memref_slice %arg2[%dma_wait3A_283, %dma_wait3A_284] : memref<250000x128xf32, #tpu.memory_space<hbm>> -> memref<64x128xf32, #tpu.memory_space<hbm>>
        tpu.wait_dma2 semaphore(%arg13 : memref<!tpu.dma_semaphore, #tpu.memory_space<semaphore_mem>>) src(%dma_wait3A_285 : memref<64x128xf32, #tpu.memory_space<hbm>>) dst(%arg8 : memref<64x128xf32, #tpu.memory_space<vmem>>)
      } else {
      }
      %scan3A_259 = arith.constant 0 : i32
      %scan3A_260 = arith.constant 0 : i32
      %scan3A_261 = arith.constant 64 : i32
      %scan3A_262 = arith.addi %scan3A_260, %scan3A_261 : i32
      %scan3A_263 = arith.constant 1 : i32
      scf.for %scan3A_280 = %scan3A_260 to %scan3A_262 step %scan3A_263  : i32 {
        %add3A_281 = arith.constant 0 : i32
        %add3A_282 = arith.addi %add3A_281, %scan3A_280 : i32
        %get3A = arith.index_cast %add3A_282 : i32 to index
        %get3A_283 = arith.constant 0 : index
        %get3A_284 = tpu.vector_load %arg7[%get3A, %get3A_283] {strides = array<i32>} : memref<256x128xf32, #tpu.memory_space<vmem>>, vector<1x16xf32>,
        %get3A_285 = vector.shape_cast %get3A_284 : vector<1x16xf32> to vector<16xf32>
        %add3A_286 = arith.constant 0 : i32
        %add3A_287 = arith.addi %add3A_286, %scan3A_280 : i32
        %get3A_288 = arith.index_cast %add3A_287 : i32 to index
        %get3A_289 = arith.constant 64 : index
        %get3A_290 = tpu.vector_load %arg7[%get3A_288, %get3A_289] {strides = array<i32>} : memref<256x128xf32, #tpu.memory_space<vmem>>, vector<1x16xf32>,
        %get3A_291 = vector.shape_cast %get3A_290 : vector<1x16xf32> to vector<16xf32>
        %add3A_292 = arith.constant 64 : i32
        %add3A_293 = arith.addi %add3A_292, %scan3A_280 : i32
        %get3A_294 = arith.index_cast %add3A_293 : i32 to index
        %get3A_295 = arith.constant 0 : index
        %get3A_296 = tpu.vector_load %arg7[%get3A_294, %get3A_295] {strides = array<i32>} : memref<256x128xf32, #tpu.memory_space<vmem>>, vector<1x16xf32>,
        %get3A_297 = vector.shape_cast %get3A_296 : vector<1x16xf32> to vector<16xf32>
        %add3A_298 = arith.constant 64 : i32
        %add3A_299 = arith.addi %add3A_298, %scan3A_280 : i32
        %get3A_300 = arith.index_cast %add3A_299 : i32 to index
        %get3A_301 = arith.constant 64 : index
        %get3A_302 = tpu.vector_load %arg7[%get3A_300, %get3A_301] {strides = array<i32>} : memref<256x128xf32, #tpu.memory_space<vmem>>, vector<1x16xf32>,
        %get3A_303 = vector.shape_cast %get3A_302 : vector<1x16xf32> to vector<16xf32>
        %add3A_304 = arith.addf %get3A_285, %get3A_297 : vector<16xf32>
        %add3A_305 = arith.addf %get3A_291, %get3A_303 : vector<16xf32>
        %add3A_306 = arith.constant 128 : i32
        %add3A_307 = arith.addi %add3A_306, %scan3A_280 : i32
        %get3A_308 = arith.index_cast %add3A_307 : i32 to index
        %get3A_309 = arith.constant 64 : index
        %get3A_310 = tpu.vector_load %arg7[%get3A_308, %get3A_309] {strides = array<i32>} : memref<256x128xf32, #tpu.memory_space<vmem>>, vector<1x16xf32>,
        %get3A_311 = vector.shape_cast %get3A_310 : vector<1x16xf32> to vector<16xf32>
        %add3A_312 = arith.constant 128 : i32
        %add3A_313 = arith.addi %add3A_312, %scan3A_280 : i32
        %get3A_314 = arith.index_cast %add3A_313 : i32 to index
        %get3A_315 = arith.constant 0 : index
        %get3A_316 = tpu.vector_load %arg7[%get3A_314, %get3A_315] {strides = array<i32>} : memref<256x128xf32, #tpu.memory_space<vmem>>, vector<1x16xf32>,
        %get3A_317 = vector.shape_cast %get3A_316 : vector<1x16xf32> to vector<16xf32>
        %add3A_318 = arith.addf %add3A_304, %get3A_311 : vector<16xf32>
        %add3A_319 = arith.addf %add3A_305, %get3A_317 : vector<16xf32>
        %add3A_320 = arith.constant 192 : i32
        %add3A_321 = arith.addi %add3A_320, %scan3A_280 : i32
        %get3A_322 = arith.index_cast %add3A_321 : i32 to index
        %get3A_323 = arith.constant 64 : index
        %get3A_324 = tpu.vector_load %arg7[%get3A_322, %get3A_323] {strides = array<i32>} : memref<256x128xf32, #tpu.memory_space<vmem>>, vector<1x16xf32>,
        %get3A_325 = vector.shape_cast %get3A_324 : vector<1x16xf32> to vector<16xf32>
        %add3A_326 = arith.constant 192 : i32
        %add3A_327 = arith.addi %add3A_326, %scan3A_280 : i32
        %get3A_328 = arith.index_cast %add3A_327 : i32 to index
        %get3A_329 = arith.constant 0 : index
        %get3A_330 = tpu.vector_load %arg7[%get3A_328, %get3A_329] {strides = array<i32>} : memref<256x128xf32, #tpu.memory_space<vmem>>, vector<1x16xf32>,
        %get3A_331 = vector.shape_cast %get3A_330 : vector<1x16xf32> to vector<16xf32>
        %add3A_332 = arith.addf %add3A_318, %get3A_325 : vector<16xf32>
        %add3A_333 = arith.addf %add3A_319, %get3A_331 : vector<16xf32>
        %swap3A = arith.index_cast %scan3A_280 : i32 to index
        %swap3A_334 = arith.constant 0 : index
        %swap3A_335 = tpu.vector_load %arg9[%swap3A, %swap3A_334] {strides = array<i32>} : memref<64x128xf32, #tpu.memory_space<vmem>>, vector<1x16xf32>,
        %swap3A_336 = vector.shape_cast %swap3A_335 : vector<1x16xf32> to vector<16xf32>
        %swap3A_337 = vector.shape_cast %add3A_332 : vector<16xf32> to vector<1x16xf32>
        tpu.vector_store %arg9[%swap3A, %swap3A_334], %swap3A_337 {strides = array<i32>} : memref<64x128xf32, #tpu.memory_space<vmem>>, vector<1x16xf32>,
        %swap3A_338 = arith.index_cast %scan3A_280 : i32 to index
        %swap3A_339 = arith.constant 64 : index
        %swap3A_340 = tpu.vector_load %arg9[%swap3A_338, %swap3A_339] {strides = array<i32>} : memref<64x128xf32, #tpu.memory_space<vmem>>, vector<1x16xf32>,
        %swap3A_341 = vector.shape_cast %swap3A_340 : vector<1x16xf32> to vector<16xf32>
        %swap3A_342 = vector.shape_cast %add3A_333 : vector<16xf32> to vector<1x16xf32>
        tpu.vector_store %arg9[%swap3A_338, %swap3A_339], %swap3A_342 {strides = array<i32>} : memref<64x128xf32, #tpu.memory_space<vmem>>, vector<1x16xf32>,
        %add3A_343 = arith.constant 0 : i32
        %add3A_344 = arith.addi %add3A_343, %scan3A_280 : i32
        %get3A_345 = arith.index_cast %add3A_344 : i32 to index
        %get3A_346 = arith.constant 16 : index
        %get3A_347 = tpu.vector_load %arg7[%get3A_345, %get3A_346] {strides = array<i32>} : memref<256x128xf32, #tpu.memory_space<vmem>>, vector<1x16xf32>,
        %get3A_348 = vector.shape_cast %get3A_347 : vector<1x16xf32> to vector<16xf32>
        %add3A_349 = arith.constant 0 : i32
        %add3A_350 = arith.addi %add3A_349, %scan3A_280 : i32
        %get3A_351 = arith.index_cast %add3A_350 : i32 to index
        %get3A_352 = arith.constant 80 : index
        %get3A_353 = tpu.vector_load %arg7[%get3A_351, %get3A_352] {strides = array<i32>} : memref<256x128xf32, #tpu.memory_space<vmem>>, vector<1x16xf32>,
        %get3A_354 = vector.shape_cast %get3A_353 : vector<1x16xf32> to vector<16xf32>
        %add3A_355 = arith.constant 64 : i32
        %add3A_356 = arith.addi %add3A_355, %scan3A_280 : i32
        %get3A_357 = arith.index_cast %add3A_356 : i32 to index
        %get3A_358 = arith.constant 16 : index
        %get3A_359 = tpu.vector_load %arg7[%get3A_357, %get3A_358] {strides = array<i32>} : memref<256x128xf32, #tpu.memory_space<vmem>>, vector<1x16xf32>,
        %get3A_360 = vector.shape_cast %get3A_359 : vector<1x16xf32> to vector<16xf32>
        %add3A_361 = arith.constant 64 : i32
        %add3A_362 = arith.addi %add3A_361, %scan3A_280 : i32
        %get3A_363 = arith.index_cast %add3A_362 : i32 to index
        %get3A_364 = arith.constant 80 : index
        %get3A_365 = tpu.vector_load %arg7[%get3A_363, %get3A_364] {strides = array<i32>} : memref<256x128xf32, #tpu.memory_space<vmem>>, vector<1x16xf32>,
        %get3A_366 = vector.shape_cast %get3A_365 : vector<1x16xf32> to vector<16xf32>
        %add3A_367 = arith.addf %get3A_348, %get3A_360 : vector<16xf32>
        %add3A_368 = arith.addf %get3A_354, %get3A_366 : vector<16xf32>
        %add3A_369 = arith.constant 128 : i32
        %add3A_370 = arith.addi %add3A_369, %scan3A_280 : i32
        %get3A_371 = arith.index_cast %add3A_370 : i32 to index
        %get3A_372 = arith.constant 80 : index
        %get3A_373 = tpu.vector_load %arg7[%get3A_371, %get3A_372] {strides = array<i32>} : memref<256x128xf32, #tpu.memory_space<vmem>>, vector<1x16xf32>,
        %get3A_374 = vector.shape_cast %get3A_373 : vector<1x16xf32> to vector<16xf32>
        %add3A_375 = arith.constant 128 : i32
        %add3A_376 = arith.addi %add3A_375, %scan3A_280 : i32
        %get3A_377 = arith.index_cast %add3A_376 : i32 to index
        %get3A_378 = arith.constant 16 : index
        %get3A_379 = tpu.vector_load %arg7[%get3A_377, %get3A_378] {strides = array<i32>} : memref<256x128xf32, #tpu.memory_space<vmem>>, vector<1x16xf32>,
        %get3A_380 = vector.shape_cast %get3A_379 : vector<1x16xf32> to vector<16xf32>
        %add3A_381 = arith.addf %add3A_367, %get3A_374 : vector<16xf32>
        %add3A_382 = arith.addf %add3A_368, %get3A_380 : vector<16xf32>
        %add3A_383 = arith.constant 192 : i32
        %add3A_384 = arith.addi %add3A_383, %scan3A_280 : i32
        %get3A_385 = arith.index_cast %add3A_384 : i32 to index
        %get3A_386 = arith.constant 80 : index
        %get3A_387 = tpu.vector_load %arg7[%get3A_385, %get3A_386] {strides = array<i32>} : memref<256x128xf32, #tpu.memory_space<vmem>>, vector<1x16xf32>,
        %get3A_388 = vector.shape_cast %get3A_387 : vector<1x16xf32> to vector<16xf32>
        %add3A_389 = arith.constant 192 : i32
        %add3A_390 = arith.addi %add3A_389, %scan3A_280 : i32
        %get3A_391 = arith.index_cast %add3A_390 : i32 to index
        %get3A_392 = arith.constant 16 : index
        %get3A_393 = tpu.vector_load %arg7[%get3A_391, %get3A_392] {strides = array<i32>} : memref<256x128xf32, #tpu.memory_space<vmem>>, vector<1x16xf32>,
        %get3A_394 = vector.shape_cast %get3A_393 : vector<1x16xf32> to vector<16xf32>
        %add3A_395 = arith.addf %add3A_381, %get3A_388 : vector<16xf32>
        %add3A_396 = arith.addf %add3A_382, %get3A_394 : vector<16xf32>
        %swap3A_397 = arith.index_cast %scan3A_280 : i32 to index
        %swap3A_398 = arith.constant 16 : index
        %swap3A_399 = tpu.vector_load %arg9[%swap3A_397, %swap3A_398] {strides = array<i32>} : memref<64x128xf32, #tpu.memory_space<vmem>>, vector<1x16xf32>,
        %swap3A_400 = vector.shape_cast %swap3A_399 : vector<1x16xf32> to vector<16xf32>
        %swap3A_401 = vector.shape_cast %add3A_395 : vector<16xf32> to vector<1x16xf32>
        tpu.vector_store %arg9[%swap3A_397, %swap3A_398], %swap3A_401 {strides = array<i32>} : memref<64x128xf32, #tpu.memory_space<vmem>>, vector<1x16xf32>,
        %swap3A_402 = arith.index_cast %scan3A_280 : i32 to index
        %swap3A_403 = arith.constant 80 : index
        %swap3A_404 = tpu.vector_load %arg9[%swap3A_402, %swap3A_403] {strides = array<i32>} : memref<64x128xf32, #tpu.memory_space<vmem>>, vector<1x16xf32>,
        %swap3A_405 = vector.shape_cast %swap3A_404 : vector<1x16xf32> to vector<16xf32>
        %swap3A_406 = vector.shape_cast %add3A_396 : vector<16xf32> to vector<1x16xf32>
        tpu.vector_store %arg9[%swap3A_402, %swap3A_403], %swap3A_406 {strides = array<i32>} : memref<64x128xf32, #tpu.memory_space<vmem>>, vector<1x16xf32>,
        %add3A_407 = arith.constant 0 : i32
        %add3A_408 = arith.addi %add3A_407, %scan3A_280 : i32
        %get3A_409 = arith.index_cast %add3A_408 : i32 to index
        %get3A_410 = arith.constant 32 : index
        %get3A_411 = tpu.vector_load %arg7[%get3A_409, %get3A_410] {strides = array<i32>} : memref<256x128xf32, #tpu.memory_space<vmem>>, vector<1x16xf32>,
        %get3A_412 = vector.shape_cast %get3A_411 : vector<1x16xf32> to vector<16xf32>
        %add3A_413 = arith.constant 0 : i32
        %add3A_414 = arith.addi %add3A_413, %scan3A_280 : i32
        %get3A_415 = arith.index_cast %add3A_414 : i32 to index
        %get3A_416 = arith.constant 96 : index
        %get3A_417 = tpu.vector_load %arg7[%get3A_415, %get3A_416] {strides = array<i32>} : memref<256x128xf32, #tpu.memory_space<vmem>>, vector<1x16xf32>,
        %get3A_418 = vector.shape_cast %get3A_417 : vector<1x16xf32> to vector<16xf32>
        %add3A_419 = arith.constant 64 : i32
        %add3A_420 = arith.addi %add3A_419, %scan3A_280 : i32
        %get3A_421 = arith.index_cast %add3A_420 : i32 to index
        %get3A_422 = arith.constant 32 : index
        %get3A_423 = tpu.vector_load %arg7[%get3A_421, %get3A_422] {strides = array<i32>} : memref<256x128xf32, #tpu.memory_space<vmem>>, vector<1x16xf32>,
        %get3A_424 = vector.shape_cast %get3A_423 : vector<1x16xf32> to vector<16xf32>
        %add3A_425 = arith.constant 64 : i32
        %add3A_426 = arith.addi %add3A_425, %scan3A_280 : i32
        %get3A_427 = arith.index_cast %add3A_426 : i32 to index
        %get3A_428 = arith.constant 96 : index
        %get3A_429 = tpu.vector_load %arg7[%get3A_427, %get3A_428] {strides = array<i32>} : memref<256x128xf32, #tpu.memory_space<vmem>>, vector<1x16xf32>,
        %get3A_430 = vector.shape_cast %get3A_429 : vector<1x16xf32> to vector<16xf32>
        %add3A_431 = arith.addf %get3A_412, %get3A_424 : vector<16xf32>
        %add3A_432 = arith.addf %get3A_418, %get3A_430 : vector<16xf32>
        %add3A_433 = arith.constant 128 : i32
        %add3A_434 = arith.addi %add3A_433, %scan3A_280 : i32
        %get3A_435 = arith.index_cast %add3A_434 : i32 to index
        %get3A_436 = arith.constant 96 : index
        %get3A_437 = tpu.vector_load %arg7[%get3A_435, %get3A_436] {strides = array<i32>} : memref<256x128xf32, #tpu.memory_space<vmem>>, vector<1x16xf32>,
        %get3A_438 = vector.shape_cast %get3A_437 : vector<1x16xf32> to vector<16xf32>
        %add3A_439 = arith.constant 128 : i32
        %add3A_440 = arith.addi %add3A_439, %scan3A_280 : i32
        %get3A_441 = arith.index_cast %add3A_440 : i32 to index
        %get3A_442 = arith.constant 32 : index
        %get3A_443 = tpu.vector_load %arg7[%get3A_441, %get3A_442] {strides = array<i32>} : memref<256x128xf32, #tpu.memory_space<vmem>>, vector<1x16xf32>,
        %get3A_444 = vector.shape_cast %get3A_443 : vector<1x16xf32> to vector<16xf32>
        %add3A_445 = arith.addf %add3A_431, %get3A_438 : vector<16xf32>
        %add3A_446 = arith.addf %add3A_432, %get3A_444 : vector<16xf32>
        %add3A_447 = arith.constant 192 : i32
        %add3A_448 = arith.addi %add3A_447, %scan3A_280 : i32
        %get3A_449 = arith.index_cast %add3A_448 : i32 to index
        %get3A_450 = arith.constant 96 : index
        %get3A_451 = tpu.vector_load %arg7[%get3A_449, %get3A_450] {strides = array<i32>} : memref<256x128xf32, #tpu.memory_space<vmem>>, vector<1x16xf32>,
        %get3A_452 = vector.shape_cast %get3A_451 : vector<1x16xf32> to vector<16xf32>
        %add3A_453 = arith.constant 192 : i32
        %add3A_454 = arith.addi %add3A_453, %scan3A_280 : i32
        %get3A_455 = arith.index_cast %add3A_454 : i32 to index
        %get3A_456 = arith.constant 32 : index
        %get3A_457 = tpu.vector_load %arg7[%get3A_455, %get3A_456] {strides = array<i32>} : memref<256x128xf32, #tpu.memory_space<vmem>>, vector<1x16xf32>,
        %get3A_458 = vector.shape_cast %get3A_457 : vector<1x16xf32> to vector<16xf32>
        %add3A_459 = arith.addf %add3A_445, %get3A_452 : vector<16xf32>
        %add3A_460 = arith.addf %add3A_446, %get3A_458 : vector<16xf32>
        %swap3A_461 = arith.index_cast %scan3A_280 : i32 to index
        %swap3A_462 = arith.constant 32 : index
        %swap3A_463 = tpu.vector_load %arg9[%swap3A_461, %swap3A_462] {strides = array<i32>} : memref<64x128xf32, #tpu.memory_space<vmem>>, vector<1x16xf32>,
        %swap3A_464 = vector.shape_cast %swap3A_463 : vector<1x16xf32> to vector<16xf32>
        %swap3A_465 = vector.shape_cast %add3A_459 : vector<16xf32> to vector<1x16xf32>
        tpu.vector_store %arg9[%swap3A_461, %swap3A_462], %swap3A_465 {strides = array<i32>} : memref<64x128xf32, #tpu.memory_space<vmem>>, vector<1x16xf32>,
        %swap3A_466 = arith.index_cast %scan3A_280 : i32 to index
        %swap3A_467 = arith.constant 96 : index
        %swap3A_468 = tpu.vector_load %arg9[%swap3A_466, %swap3A_467] {strides = array<i32>} : memref<64x128xf32, #tpu.memory_space<vmem>>, vector<1x16xf32>,
        %swap3A_469 = vector.shape_cast %swap3A_468 : vector<1x16xf32> to vector<16xf32>
        %swap3A_470 = vector.shape_cast %add3A_460 : vector<16xf32> to vector<1x16xf32>
        tpu.vector_store %arg9[%swap3A_466, %swap3A_467], %swap3A_470 {strides = array<i32>} : memref<64x128xf32, #tpu.memory_space<vmem>>, vector<1x16xf32>,
        %add3A_471 = arith.constant 0 : i32
        %add3A_472 = arith.addi %add3A_471, %scan3A_280 : i32
        %get3A_473 = arith.index_cast %add3A_472 : i32 to index
        %get3A_474 = arith.constant 48 : index
        %get3A_475 = tpu.vector_load %arg7[%get3A_473, %get3A_474] {strides = array<i32>} : memref<256x128xf32, #tpu.memory_space<vmem>>, vector<1x16xf32>,
        %get3A_476 = vector.shape_cast %get3A_475 : vector<1x16xf32> to vector<16xf32>
        %add3A_477 = arith.constant 0 : i32
        %add3A_478 = arith.addi %add3A_477, %scan3A_280 : i32
        %get3A_479 = arith.index_cast %add3A_478 : i32 to index
        %get3A_480 = arith.constant 112 : index
        %get3A_481 = tpu.vector_load %arg7[%get3A_479, %get3A_480] {strides = array<i32>} : memref<256x128xf32, #tpu.memory_space<vmem>>, vector<1x16xf32>,
        %get3A_482 = vector.shape_cast %get3A_481 : vector<1x16xf32> to vector<16xf32>
        %add3A_483 = arith.constant 64 : i32
        %add3A_484 = arith.addi %add3A_483, %scan3A_280 : i32
        %get3A_485 = arith.index_cast %add3A_484 : i32 to index
        %get3A_486 = arith.constant 48 : index
        %get3A_487 = tpu.vector_load %arg7[%get3A_485, %get3A_486] {strides = array<i32>} : memref<256x128xf32, #tpu.memory_space<vmem>>, vector<1x16xf32>,
        %get3A_488 = vector.shape_cast %get3A_487 : vector<1x16xf32> to vector<16xf32>
        %add3A_489 = arith.constant 64 : i32
        %add3A_490 = arith.addi %add3A_489, %scan3A_280 : i32
        %get3A_491 = arith.index_cast %add3A_490 : i32 to index
        %get3A_492 = arith.constant 112 : index
        %get3A_493 = tpu.vector_load %arg7[%get3A_491, %get3A_492] {strides = array<i32>} : memref<256x128xf32, #tpu.memory_space<vmem>>, vector<1x16xf32>,
        %get3A_494 = vector.shape_cast %get3A_493 : vector<1x16xf32> to vector<16xf32>
        %add3A_495 = arith.addf %get3A_476, %get3A_488 : vector<16xf32>
        %add3A_496 = arith.addf %get3A_482, %get3A_494 : vector<16xf32>
        %add3A_497 = arith.constant 128 : i32
        %add3A_498 = arith.addi %add3A_497, %scan3A_280 : i32
        %get3A_499 = arith.index_cast %add3A_498 : i32 to index
        %get3A_500 = arith.constant 112 : index
        %get3A_501 = tpu.vector_load %arg7[%get3A_499, %get3A_500] {strides = array<i32>} : memref<256x128xf32, #tpu.memory_space<vmem>>, vector<1x16xf32>,
        %get3A_502 = vector.shape_cast %get3A_501 : vector<1x16xf32> to vector<16xf32>
        %add3A_503 = arith.constant 128 : i32
        %add3A_504 = arith.addi %add3A_503, %scan3A_280 : i32
        %get3A_505 = arith.index_cast %add3A_504 : i32 to index
        %get3A_506 = arith.constant 48 : index
        %get3A_507 = tpu.vector_load %arg7[%get3A_505, %get3A_506] {strides = array<i32>} : memref<256x128xf32, #tpu.memory_space<vmem>>, vector<1x16xf32>,
        %get3A_508 = vector.shape_cast %get3A_507 : vector<1x16xf32> to vector<16xf32>
        %add3A_509 = arith.addf %add3A_495, %get3A_502 : vector<16xf32>
        %add3A_510 = arith.addf %add3A_496, %get3A_508 : vector<16xf32>
        %add3A_511 = arith.constant 192 : i32
        %add3A_512 = arith.addi %add3A_511, %scan3A_280 : i32
        %get3A_513 = arith.index_cast %add3A_512 : i32 to index
        %get3A_514 = arith.constant 112 : index
        %get3A_515 = tpu.vector_load %arg7[%get3A_513, %get3A_514] {strides = array<i32>} : memref<256x128xf32, #tpu.memory_space<vmem>>, vector<1x16xf32>,
        %get3A_516 = vector.shape_cast %get3A_515 : vector<1x16xf32> to vector<16xf32>
        %add3A_517 = arith.constant 192 : i32
        %add3A_518 = arith.addi %add3A_517, %scan3A_280 : i32
        %get3A_519 = arith.index_cast %add3A_518 : i32 to index
        %get3A_520 = arith.constant 48 : index
        %get3A_521 = tpu.vector_load %arg7[%get3A_519, %get3A_520] {strides = array<i32>} : memref<256x128xf32, #tpu.memory_space<vmem>>, vector<1x16xf32>,
        %get3A_522 = vector.shape_cast %get3A_521 : vector<1x16xf32> to vector<16xf32>
        %add3A_523 = arith.addf %add3A_509, %get3A_516 : vector<16xf32>
        %add3A_524 = arith.addf %add3A_510, %get3A_522 : vector<16xf32>
        %swap3A_525 = arith.index_cast %scan3A_280 : i32 to index
        %swap3A_526 = arith.constant 48 : index
        %swap3A_527 = tpu.vector_load %arg9[%swap3A_525, %swap3A_526] {strides = array<i32>} : memref<64x128xf32, #tpu.memory_space<vmem>>, vector<1x16xf32>,
        %swap3A_528 = vector.shape_cast %swap3A_527 : vector<1x16xf32> to vector<16xf32>
        %swap3A_529 = vector.shape_cast %add3A_523 : vector<16xf32> to vector<1x16xf32>
        tpu.vector_store %arg9[%swap3A_525, %swap3A_526], %swap3A_529 {strides = array<i32>} : memref<64x128xf32, #tpu.memory_space<vmem>>, vector<1x16xf32>,
        %swap3A_530 = arith.index_cast %scan3A_280 : i32 to index
        %swap3A_531 = arith.constant 112 : index
        %swap3A_532 = tpu.vector_load %arg9[%swap3A_530, %swap3A_531] {strides = array<i32>} : memref<64x128xf32, #tpu.memory_space<vmem>>, vector<1x16xf32>,
        %swap3A_533 = vector.shape_cast %swap3A_532 : vector<1x16xf32> to vector<16xf32>
        %swap3A_534 = vector.shape_cast %add3A_524 : vector<16xf32> to vector<1x16xf32>
        tpu.vector_store %arg9[%swap3A_530, %swap3A_531], %swap3A_534 {strides = array<i32>} : memref<64x128xf32, #tpu.memory_space<vmem>>, vector<1x16xf32>,
      }
      %scan3A_264 = arith.constant 64 : i32
      %add3A_265 = arith.addi %select_n3A, %add3A_184 : i32
      %dma_start3A_266 = arith.constant 0 : i32
      %dma_start3A_267 = arith.constant 0 : i32
      %dma_start3A_268 = tpu.memref_slice %arg4[%add3A_265, %dma_start3A_266, %dma_start3A_267] : memref<2368x64x128xf32, #tpu.memory_space<hbm>> -> memref<1x64x128xf32, #tpu.memory_space<hbm>>
      %dma_start3A_269 = tpu.memref_squeeze %dma_start3A_268 : memref<1x64x128xf32, #tpu.memory_space<hbm>> -> memref<64x128xf32, #tpu.memory_space<hbm>>
      %dma_start3A_270 = arith.constant 0 : i32
      %dma_start3A_271 = arith.constant 0 : i32
      %dma_start3A_272 = tpu.memref_slice %arg4[%add3A_265, %dma_start3A_270, %dma_start3A_271] : memref<2368x64x128xf32, #tpu.memory_space<hbm>> -> memref<1x64x128xf32, #tpu.memory_space<hbm>>
      %dma_start3A_273 = tpu.memref_squeeze %dma_start3A_272 : memref<1x64x128xf32, #tpu.memory_space<hbm>> -> memref<64x128xf32, #tpu.memory_space<hbm>>
      tpu.enqueue_dma source(%arg9 : memref<64x128xf32, #tpu.memory_space<vmem>>) target(%dma_start3A_273 : memref<64x128xf32, #tpu.memory_space<hbm>>) target_semaphore(%arg13 : memref<!tpu.dma_semaphore, #tpu.memory_space<semaphore_mem>>)
      %add3A_274 = arith.constant 1 : i32
      %add3A_275 = arith.addi %while3A_180, %add3A_274 : i32
      %lt3A_276 = arith.cmpi slt, %add3A_275, %select_n3A_80 : i32
      %convert_element_type3A_277 = arith.extui %lt3A_276 : i1 to i32
      %cond3A_278 = arith.constant 0 : i32
      %cond3A_279 = arith.cmpi ne, %convert_element_type3A_277, %cond3A_278 : i32
      scf.if %cond3A_279 {
        %add3A_280 = arith.constant 2 : i32
        %add3A_281 = arith.addi %add3A_184, %add3A_280 : i32
        %mul3A_282 = arith.constant 64 : i32
        %mul3A_283 = arith.muli %add3A_281, %mul3A_282 : i32
        %add3A_284 = arith.constant 0 : i32
        %add3A_285 = arith.addi %add3A_284, %mul3A_283 : i32
        %dma_start3A_286 = arith.constant 0 : i32
        %dma_start3A_287 = arith.constant 0 : i32
        %dma_start3A_288 = tpu.memref_slice %arg7[%dma_start3A_286, %dma_start3A_287] : memref<256x128xf32, #tpu.memory_space<vmem>> -> memref<64x128xf32, #tpu.memory_space<vmem>>
        %dma_start3A_289 = tpu.memref_slice %arg5[%add3A_285] : memref<18944xi32, #tpu.memory_space<vmem>> -> memref<64xi32, #tpu.memory_space<vmem>>
        %dma_start3A_290 = arith.constant 0 : i32
        %dma_start3A_291 = arith.constant 0 : i32
        %dma_start3A_292 = tpu.memref_slice %arg2[%dma_start3A_290, %dma_start3A_291] : memref<250000x128xf32, #tpu.memory_space<hbm>> -> memref<250000x128xf32, #tpu.memory_space<hbm>>
        tpu.enqueue_indirect_dma source(%dma_start3A_292 : memref<250000x128xf32, #tpu.memory_space<hbm>>) target(%dma_start3A_288 : memref<64x128xf32, #tpu.memory_space<vmem>>) offsets(%dma_start3A_289 : memref<64xi32, #tpu.memory_space<vmem>>) semaphore(%arg11 : memref<!tpu.dma_semaphore, #tpu.memory_space<semaphore_mem>>)
        %mul3A_293 = arith.constant 64 : i32
        %mul3A_294 = arith.muli %add3A_281, %mul3A_293 : i32
        %add3A_295 = arith.constant 4736 : i32
        %add3A_296 = arith.addi %add3A_295, %mul3A_294 : i32
        %dma_start3A_297 = arith.constant 64 : i32
        %dma_start3A_298 = arith.constant 0 : i32
        %dma_start3A_299 = tpu.memref_slice %arg7[%dma_start3A_297, %dma_start3A_298] : memref<256x128xf32, #tpu.memory_space<vmem>> -> memref<64x128xf32, #tpu.memory_space<vmem>>
        %dma_start3A_300 = tpu.memref_slice %arg5[%add3A_296] : memref<18944xi32, #tpu.memory_space<vmem>> -> memref<64xi32, #tpu.memory_space<vmem>>
        %dma_start3A_301 = arith.constant 0 : i32
        %dma_start3A_302 = arith.constant 0 : i32
        %dma_start3A_303 = tpu.memref_slice %arg2[%dma_start3A_301, %dma_start3A_302] : memref<250000x128xf32, #tpu.memory_space<hbm>> -> memref<250000x128xf32, #tpu.memory_space<hbm>>
        tpu.enqueue_indirect_dma source(%dma_start3A_303 : memref<250000x128xf32, #tpu.memory_space<hbm>>) target(%dma_start3A_299 : memref<64x128xf32, #tpu.memory_space<vmem>>) offsets(%dma_start3A_300 : memref<64xi32, #tpu.memory_space<vmem>>) semaphore(%arg11 : memref<!tpu.dma_semaphore, #tpu.memory_space<semaphore_mem>>)
        %mul3A_304 = arith.constant 64 : i32
        %mul3A_305 = arith.muli %add3A_281, %mul3A_304 : i32
        %add3A_306 = arith.constant 9472 : i32
        %add3A_307 = arith.addi %add3A_306, %mul3A_305 : i32
        %dma_start3A_308 = arith.constant 128 : i32
        %dma_start3A_309 = arith.constant 0 : i32
        %dma_start3A_310 = tpu.memref_slice %arg7[%dma_start3A_308, %dma_start3A_309] : memref<256x128xf32, #tpu.memory_space<vmem>> -> memref<64x128xf32, #tpu.memory_space<vmem>>
        %dma_start3A_311 = tpu.memref_slice %arg5[%add3A_307] : memref<18944xi32, #tpu.memory_space<vmem>> -> memref<64xi32, #tpu.memory_space<vmem>>
        %dma_start3A_312 = arith.constant 0 : i32
        %dma_start3A_313 = arith.constant 0 : i32
        %dma_start3A_314 = tpu.memref_slice %arg2[%dma_start3A_312, %dma_start3A_313] : memref<250000x128xf32, #tpu.memory_space<hbm>> -> memref<250000x128xf32, #tpu.memory_space<hbm>>
        tpu.enqueue_indirect_dma source(%dma_start3A_314 : memref<250000x128xf32, #tpu.memory_space<hbm>>) target(%dma_start3A_310 : memref<64x128xf32, #tpu.memory_space<vmem>>) offsets(%dma_start3A_311 : memref<64xi32, #tpu.memory_space<vmem>>) semaphore(%arg11 : memref<!tpu.dma_semaphore, #tpu.memory_space<semaphore_mem>>)
        %mul3A_315 = arith.constant 64 : i32
        %mul3A_316 = arith.muli %add3A_281, %mul3A_315 : i32
        %add3A_317 = arith.constant 14208 : i32
        %add3A_318 = arith.addi %add3A_317, %mul3A_316 : i32
        %dma_start3A_319 = arith.constant 192 : i32
        %dma_start3A_320 = arith.constant 0 : i32
        %dma_start3A_321 = tpu.memref_slice %arg7[%dma_start3A_319, %dma_start3A_320] : memref<256x128xf32, #tpu.memory_space<vmem>> -> memref<64x128xf32, #tpu.memory_space<vmem>>
        %dma_start3A_322 = tpu.memref_slice %arg5[%add3A_318] : memref<18944xi32, #tpu.memory_space<vmem>> -> memref<64xi32, #tpu.memory_space<vmem>>
        %dma_start3A_323 = arith.constant 0 : i32
        %dma_start3A_324 = arith.constant 0 : i32
        %dma_start3A_325 = tpu.memref_slice %arg2[%dma_start3A_323, %dma_start3A_324] : memref<250000x128xf32, #tpu.memory_space<hbm>> -> memref<250000x128xf32, #tpu.memory_space<hbm>>
        tpu.enqueue_indirect_dma source(%dma_start3A_325 : memref<250000x128xf32, #tpu.memory_space<hbm>>) target(%dma_start3A_321 : memref<64x128xf32, #tpu.memory_space<vmem>>) offsets(%dma_start3A_322 : memref<64xi32, #tpu.memory_space<vmem>>) semaphore(%arg11 : memref<!tpu.dma_semaphore, #tpu.memory_space<semaphore_mem>>)
      } else {
      }
    }
    %while3A_168 = arith.constant 1 : i32
    scf.for %while3A_180 = %while3A_166 to %while3A_162 step %while3A_168  : i32 {
      %mul3A_181 = arith.constant 2 : i32
      %mul3A_182 = arith.muli %mul3A_181, %while3A_180 : i32
      %add3A_183 = arith.constant 1 : i32
      %add3A_184 = arith.addi %mul3A_182, %add3A_183 : i32
      %dma_wait3A_185 = arith.constant 0 : i32
      %dma_wait3A_186 = arith.constant 0 : i32
      %dma_wait3A_187 = tpu.memref_slice %arg2[%dma_wait3A_185, %dma_wait3A_186] : memref<250000x128xf32, #tpu.memory_space<hbm>> -> memref<64x128xf32, #tpu.memory_space<hbm>>
      %dma_wait3A_188 = arith.constant 0 : i32
      %dma_wait3A_189 = arith.constant 0 : i32
      %dma_wait3A_190 = tpu.memref_slice %arg2[%dma_wait3A_188, %dma_wait3A_189] : memref<250000x128xf32, #tpu.memory_space<hbm>> -> memref<64x128xf32, #tpu.memory_space<hbm>>
      tpu.wait_dma2 semaphore(%arg10 : memref<!tpu.dma_semaphore, #tpu.memory_space<semaphore_mem>>) src(%dma_wait3A_190 : memref<64x128xf32, #tpu.memory_space<hbm>>) dst(%arg8 : memref<64x128xf32, #tpu.memory_space<vmem>>)
      %dma_wait3A_191 = arith.constant 0 : i32
      %dma_wait3A_192 = arith.constant 0 : i32
      %dma_wait3A_193 = tpu.memref_slice %arg2[%dma_wait3A_191, %dma_wait3A_192] : memref<250000x128xf32, #tpu.memory_space<hbm>> -> memref<64x128xf32, #tpu.memory_space<hbm>>
      %dma_wait3A_194 = arith.constant 0 : i32
      %dma_wait3A_195 = arith.constant 0 : i32
      %dma_wait3A_196 = tpu.memref_slice %arg2[%dma_wait3A_194, %dma_wait3A_195] : memref<250000x128xf32, #tpu.memory_space<hbm>> -> memref<64x128xf32, #tpu.memory_space<hbm>>
      tpu.wait_dma2 semaphore(%arg10 : memref<!tpu.dma_semaphore, #tpu.memory_space<semaphore_mem>>) src(%dma_wait3A_196 : memref<64x128xf32, #tpu.memory_space<hbm>>) dst(%arg8 : memref<64x128xf32, #tpu.memory_space<vmem>>)
      %dma_wait3A_197 = arith.constant 0 : i32
      %dma_wait3A_198 = arith.constant 0 : i32
      %dma_wait3A_199 = tpu.memref_slice %arg2[%dma_wait3A_197, %dma_wait3A_198] : memref<250000x128xf32, #tpu.memory_space<hbm>> -> memref<64x128xf32, #tpu.memory_space<hbm>>
      %dma_wait3A_200 = arith.constant 0 : i32
      %dma_wait3A_201 = arith.constant 0 : i32
      %dma_wait3A_202 = tpu.memref_slice %arg2[%dma_wait3A_200, %dma_wait3A_201] : memref<250000x128xf32, #tpu.memory_space<hbm>> -> memref<64x128xf32, #tpu.memory_space<hbm>>
      tpu.wait_dma2 semaphore(%arg10 : memref<!tpu.dma_semaphore, #tpu.memory_space<semaphore_mem>>) src(%dma_wait3A_202 : memref<64x128xf32, #tpu.memory_space<hbm>>) dst(%arg8 : memref<64x128xf32, #tpu.memory_space<vmem>>)
      %dma_wait3A_203 = arith.constant 0 : i32
      %dma_wait3A_204 = arith.constant 0 : i32
      %dma_wait3A_205 = tpu.memref_slice %arg2[%dma_wait3A_203, %dma_wait3A_204] : memref<250000x128xf32, #tpu.memory_space<hbm>> -> memref<64x128xf32, #tpu.memory_space<hbm>>
      %dma_wait3A_206 = arith.constant 0 : i32
      %dma_wait3A_207 = arith.constant 0 : i32
      %dma_wait3A_208 = tpu.memref_slice %arg2[%dma_wait3A_206, %dma_wait3A_207] : memref<250000x128xf32, #tpu.memory_space<hbm>> -> memref<64x128xf32, #tpu.memory_space<hbm>>
      tpu.wait_dma2 semaphore(%arg10 : memref<!tpu.dma_semaphore, #tpu.memory_space<semaphore_mem>>) src(%dma_wait3A_208 : memref<64x128xf32, #tpu.memory_space<hbm>>) dst(%arg8 : memref<64x128xf32, #tpu.memory_space<vmem>>)
      %gt3A = arith.constant 0 : i32
      %gt3A_209 = arith.cmpi sgt, %while3A_180, %gt3A : i32
      %convert_element_type3A = arith.extui %gt3A_209 : i1 to i32
      %cond3A = arith.constant 0 : i32
      %cond3A_210 = arith.cmpi ne, %convert_element_type3A, %cond3A : i32
      scf.if %cond3A_210 {
        %dma_wait3A_280 = arith.constant 0 : i32
        %dma_wait3A_281 = arith.constant 0 : i32
        %dma_wait3A_282 = tpu.memref_slice %arg2[%dma_wait3A_280, %dma_wait3A_281] : memref<250000x128xf32, #tpu.memory_space<hbm>> -> memref<64x128xf32, #tpu.memory_space<hbm>>
        %dma_wait3A_283 = arith.constant 0 : i32
        %dma_wait3A_284 = arith.constant 0 : i32
        %dma_wait3A_285 = tpu.memref_slice %arg2[%dma_wait3A_283, %dma_wait3A_284] : memref<250000x128xf32, #tpu.memory_space<hbm>> -> memref<64x128xf32, #tpu.memory_space<hbm>>
        tpu.wait_dma2 semaphore(%arg12 : memref<!tpu.dma_semaphore, #tpu.memory_space<semaphore_mem>>) src(%dma_wait3A_285 : memref<64x128xf32, #tpu.memory_space<hbm>>) dst(%arg8 : memref<64x128xf32, #tpu.memory_space<vmem>>)
      } else {
      }
      %scan3A = arith.constant 0 : i32
      %scan3A_211 = arith.constant 0 : i32
      %scan3A_212 = arith.constant 64 : i32
      %scan3A_213 = arith.addi %scan3A_211, %scan3A_212 : i32
      %scan3A_214 = arith.constant 1 : i32
      scf.for %scan3A_280 = %scan3A_211 to %scan3A_213 step %scan3A_214  : i32 {
        %add3A_281 = arith.constant 0 : i32
        %add3A_282 = arith.addi %add3A_281, %scan3A_280 : i32
        %get3A = arith.index_cast %add3A_282 : i32 to index
        %get3A_283 = arith.constant 0 : index
        %get3A_284 = tpu.vector_load %arg6[%get3A, %get3A_283] {strides = array<i32>} : memref<256x128xf32, #tpu.memory_space<vmem>>, vector<1x16xf32>,
        %get3A_285 = vector.shape_cast %get3A_284 : vector<1x16xf32> to vector<16xf32>
        %add3A_286 = arith.constant 0 : i32
        %add3A_287 = arith.addi %add3A_286, %scan3A_280 : i32
        %get3A_288 = arith.index_cast %add3A_287 : i32 to index
        %get3A_289 = arith.constant 64 : index
        %get3A_290 = tpu.vector_load %arg6[%get3A_288, %get3A_289] {strides = array<i32>} : memref<256x128xf32, #tpu.memory_space<vmem>>, vector<1x16xf32>,
        %get3A_291 = vector.shape_cast %get3A_290 : vector<1x16xf32> to vector<16xf32>
        %add3A_292 = arith.constant 64 : i32
        %add3A_293 = arith.addi %add3A_292, %scan3A_280 : i32
        %get3A_294 = arith.index_cast %add3A_293 : i32 to index
        %get3A_295 = arith.constant 0 : index
        %get3A_296 = tpu.vector_load %arg6[%get3A_294, %get3A_295] {strides = array<i32>} : memref<256x128xf32, #tpu.memory_space<vmem>>, vector<1x16xf32>,
        %get3A_297 = vector.shape_cast %get3A_296 : vector<1x16xf32> to vector<16xf32>
        %add3A_298 = arith.constant 64 : i32
        %add3A_299 = arith.addi %add3A_298, %scan3A_280 : i32
        %get3A_300 = arith.index_cast %add3A_299 : i32 to index
        %get3A_301 = arith.constant 64 : index
        %get3A_302 = tpu.vector_load %arg6[%get3A_300, %get3A_301] {strides = array<i32>} : memref<256x128xf32, #tpu.memory_space<vmem>>, vector<1x16xf32>,
        %get3A_303 = vector.shape_cast %get3A_302 : vector<1x16xf32> to vector<16xf32>
        %add3A_304 = arith.addf %get3A_285, %get3A_297 : vector<16xf32>
        %add3A_305 = arith.addf %get3A_291, %get3A_303 : vector<16xf32>
        %add3A_306 = arith.constant 128 : i32
        %add3A_307 = arith.addi %add3A_306, %scan3A_280 : i32
        %get3A_308 = arith.index_cast %add3A_307 : i32 to index
        %get3A_309 = arith.constant 64 : index
        %get3A_310 = tpu.vector_load %arg6[%get3A_308, %get3A_309] {strides = array<i32>} : memref<256x128xf32, #tpu.memory_space<vmem>>, vector<1x16xf32>,
        %get3A_311 = vector.shape_cast %get3A_310 : vector<1x16xf32> to vector<16xf32>
        %add3A_312 = arith.constant 128 : i32
        %add3A_313 = arith.addi %add3A_312, %scan3A_280 : i32
        %get3A_314 = arith.index_cast %add3A_313 : i32 to index
        %get3A_315 = arith.constant 0 : index
        %get3A_316 = tpu.vector_load %arg6[%get3A_314, %get3A_315] {strides = array<i32>} : memref<256x128xf32, #tpu.memory_space<vmem>>, vector<1x16xf32>,
        %get3A_317 = vector.shape_cast %get3A_316 : vector<1x16xf32> to vector<16xf32>
        %add3A_318 = arith.addf %add3A_304, %get3A_311 : vector<16xf32>
        %add3A_319 = arith.addf %add3A_305, %get3A_317 : vector<16xf32>
        %add3A_320 = arith.constant 192 : i32
        %add3A_321 = arith.addi %add3A_320, %scan3A_280 : i32
        %get3A_322 = arith.index_cast %add3A_321 : i32 to index
        %get3A_323 = arith.constant 64 : index
        %get3A_324 = tpu.vector_load %arg6[%get3A_322, %get3A_323] {strides = array<i32>} : memref<256x128xf32, #tpu.memory_space<vmem>>, vector<1x16xf32>,
        %get3A_325 = vector.shape_cast %get3A_324 : vector<1x16xf32> to vector<16xf32>
        %add3A_326 = arith.constant 192 : i32
        %add3A_327 = arith.addi %add3A_326, %scan3A_280 : i32
        %get3A_328 = arith.index_cast %add3A_327 : i32 to index
        %get3A_329 = arith.constant 0 : index
        %get3A_330 = tpu.vector_load %arg6[%get3A_328, %get3A_329] {strides = array<i32>} : memref<256x128xf32, #tpu.memory_space<vmem>>, vector<1x16xf32>,
        %get3A_331 = vector.shape_cast %get3A_330 : vector<1x16xf32> to vector<16xf32>
        %add3A_332 = arith.addf %add3A_318, %get3A_325 : vector<16xf32>
        %add3A_333 = arith.addf %add3A_319, %get3A_331 : vector<16xf32>
        %swap3A = arith.index_cast %scan3A_280 : i32 to index
        %swap3A_334 = arith.constant 0 : index
        %swap3A_335 = tpu.vector_load %arg8[%swap3A, %swap3A_334] {strides = array<i32>} : memref<64x128xf32, #tpu.memory_space<vmem>>, vector<1x16xf32>,
        %swap3A_336 = vector.shape_cast %swap3A_335 : vector<1x16xf32> to vector<16xf32>
        %swap3A_337 = vector.shape_cast %add3A_332 : vector<16xf32> to vector<1x16xf32>
        tpu.vector_store %arg8[%swap3A, %swap3A_334], %swap3A_337 {strides = array<i32>} : memref<64x128xf32, #tpu.memory_space<vmem>>, vector<1x16xf32>,
        %swap3A_338 = arith.index_cast %scan3A_280 : i32 to index
        %swap3A_339 = arith.constant 64 : index
        %swap3A_340 = tpu.vector_load %arg8[%swap3A_338, %swap3A_339] {strides = array<i32>} : memref<64x128xf32, #tpu.memory_space<vmem>>, vector<1x16xf32>,
        %swap3A_341 = vector.shape_cast %swap3A_340 : vector<1x16xf32> to vector<16xf32>
        %swap3A_342 = vector.shape_cast %add3A_333 : vector<16xf32> to vector<1x16xf32>
        tpu.vector_store %arg8[%swap3A_338, %swap3A_339], %swap3A_342 {strides = array<i32>} : memref<64x128xf32, #tpu.memory_space<vmem>>, vector<1x16xf32>,
        %add3A_343 = arith.constant 0 : i32
        %add3A_344 = arith.addi %add3A_343, %scan3A_280 : i32
        %get3A_345 = arith.index_cast %add3A_344 : i32 to index
        %get3A_346 = arith.constant 16 : index
        %get3A_347 = tpu.vector_load %arg6[%get3A_345, %get3A_346] {strides = array<i32>} : memref<256x128xf32, #tpu.memory_space<vmem>>, vector<1x16xf32>,
        %get3A_348 = vector.shape_cast %get3A_347 : vector<1x16xf32> to vector<16xf32>
        %add3A_349 = arith.constant 0 : i32
        %add3A_350 = arith.addi %add3A_349, %scan3A_280 : i32
        %get3A_351 = arith.index_cast %add3A_350 : i32 to index
        %get3A_352 = arith.constant 80 : index
        %get3A_353 = tpu.vector_load %arg6[%get3A_351, %get3A_352] {strides = array<i32>} : memref<256x128xf32, #tpu.memory_space<vmem>>, vector<1x16xf32>,
        %get3A_354 = vector.shape_cast %get3A_353 : vector<1x16xf32> to vector<16xf32>
        %add3A_355 = arith.constant 64 : i32
        %add3A_356 = arith.addi %add3A_355, %scan3A_280 : i32
        %get3A_357 = arith.index_cast %add3A_356 : i32 to index
        %get3A_358 = arith.constant 16 : index
        %get3A_359 = tpu.vector_load %arg6[%get3A_357, %get3A_358] {strides = array<i32>} : memref<256x128xf32, #tpu.memory_space<vmem>>, vector<1x16xf32>,
        %get3A_360 = vector.shape_cast %get3A_359 : vector<1x16xf32> to vector<16xf32>
        %add3A_361 = arith.constant 64 : i32
        %add3A_362 = arith.addi %add3A_361, %scan3A_280 : i32
        %get3A_363 = arith.index_cast %add3A_362 : i32 to index
        %get3A_364 = arith.constant 80 : index
        %get3A_365 = tpu.vector_load %arg6[%get3A_363, %get3A_364] {strides = array<i32>} : memref<256x128xf32, #tpu.memory_space<vmem>>, vector<1x16xf32>,
        %get3A_366 = vector.shape_cast %get3A_365 : vector<1x16xf32> to vector<16xf32>
        %add3A_367 = arith.addf %get3A_348, %get3A_360 : vector<16xf32>
        %add3A_368 = arith.addf %get3A_354, %get3A_366 : vector<16xf32>
        %add3A_369 = arith.constant 128 : i32
        %add3A_370 = arith.addi %add3A_369, %scan3A_280 : i32
        %get3A_371 = arith.index_cast %add3A_370 : i32 to index
        %get3A_372 = arith.constant 80 : index
        %get3A_373 = tpu.vector_load %arg6[%get3A_371, %get3A_372] {strides = array<i32>} : memref<256x128xf32, #tpu.memory_space<vmem>>, vector<1x16xf32>,
        %get3A_374 = vector.shape_cast %get3A_373 : vector<1x16xf32> to vector<16xf32>
        %add3A_375 = arith.constant 128 : i32
        %add3A_376 = arith.addi %add3A_375, %scan3A_280 : i32
        %get3A_377 = arith.index_cast %add3A_376 : i32 to index
        %get3A_378 = arith.constant 16 : index
        %get3A_379 = tpu.vector_load %arg6[%get3A_377, %get3A_378] {strides = array<i32>} : memref<256x128xf32, #tpu.memory_space<vmem>>, vector<1x16xf32>,
        %get3A_380 = vector.shape_cast %get3A_379 : vector<1x16xf32> to vector<16xf32>
        %add3A_381 = arith.addf %add3A_367, %get3A_374 : vector<16xf32>
        %add3A_382 = arith.addf %add3A_368, %get3A_380 : vector<16xf32>
        %add3A_383 = arith.constant 192 : i32
        %add3A_384 = arith.addi %add3A_383, %scan3A_280 : i32
        %get3A_385 = arith.index_cast %add3A_384 : i32 to index
        %get3A_386 = arith.constant 80 : index
        %get3A_387 = tpu.vector_load %arg6[%get3A_385, %get3A_386] {strides = array<i32>} : memref<256x128xf32, #tpu.memory_space<vmem>>, vector<1x16xf32>,
        %get3A_388 = vector.shape_cast %get3A_387 : vector<1x16xf32> to vector<16xf32>
        %add3A_389 = arith.constant 192 : i32
        %add3A_390 = arith.addi %add3A_389, %scan3A_280 : i32
        %get3A_391 = arith.index_cast %add3A_390 : i32 to index
        %get3A_392 = arith.constant 16 : index
        %get3A_393 = tpu.vector_load %arg6[%get3A_391, %get3A_392] {strides = array<i32>} : memref<256x128xf32, #tpu.memory_space<vmem>>, vector<1x16xf32>,
        %get3A_394 = vector.shape_cast %get3A_393 : vector<1x16xf32> to vector<16xf32>
        %add3A_395 = arith.addf %add3A_381, %get3A_388 : vector<16xf32>
        %add3A_396 = arith.addf %add3A_382, %get3A_394 : vector<16xf32>
        %swap3A_397 = arith.index_cast %scan3A_280 : i32 to index
        %swap3A_398 = arith.constant 16 : index
        %swap3A_399 = tpu.vector_load %arg8[%swap3A_397, %swap3A_398] {strides = array<i32>} : memref<64x128xf32, #tpu.memory_space<vmem>>, vector<1x16xf32>,
        %swap3A_400 = vector.shape_cast %swap3A_399 : vector<1x16xf32> to vector<16xf32>
        %swap3A_401 = vector.shape_cast %add3A_395 : vector<16xf32> to vector<1x16xf32>
        tpu.vector_store %arg8[%swap3A_397, %swap3A_398], %swap3A_401 {strides = array<i32>} : memref<64x128xf32, #tpu.memory_space<vmem>>, vector<1x16xf32>,
        %swap3A_402 = arith.index_cast %scan3A_280 : i32 to index
        %swap3A_403 = arith.constant 80 : index
        %swap3A_404 = tpu.vector_load %arg8[%swap3A_402, %swap3A_403] {strides = array<i32>} : memref<64x128xf32, #tpu.memory_space<vmem>>, vector<1x16xf32>,
        %swap3A_405 = vector.shape_cast %swap3A_404 : vector<1x16xf32> to vector<16xf32>
        %swap3A_406 = vector.shape_cast %add3A_396 : vector<16xf32> to vector<1x16xf32>
        tpu.vector_store %arg8[%swap3A_402, %swap3A_403], %swap3A_406 {strides = array<i32>} : memref<64x128xf32, #tpu.memory_space<vmem>>, vector<1x16xf32>,
        %add3A_407 = arith.constant 0 : i32
        %add3A_408 = arith.addi %add3A_407, %scan3A_280 : i32
        %get3A_409 = arith.index_cast %add3A_408 : i32 to index
        %get3A_410 = arith.constant 32 : index
        %get3A_411 = tpu.vector_load %arg6[%get3A_409, %get3A_410] {strides = array<i32>} : memref<256x128xf32, #tpu.memory_space<vmem>>, vector<1x16xf32>,
        %get3A_412 = vector.shape_cast %get3A_411 : vector<1x16xf32> to vector<16xf32>
        %add3A_413 = arith.constant 0 : i32
        %add3A_414 = arith.addi %add3A_413, %scan3A_280 : i32
        %get3A_415 = arith.index_cast %add3A_414 : i32 to index
        %get3A_416 = arith.constant 96 : index
        %get3A_417 = tpu.vector_load %arg6[%get3A_415, %get3A_416] {strides = array<i32>} : memref<256x128xf32, #tpu.memory_space<vmem>>, vector<1x16xf32>,
        %get3A_418 = vector.shape_cast %get3A_417 : vector<1x16xf32> to vector<16xf32>
        %add3A_419 = arith.constant 64 : i32
        %add3A_420 = arith.addi %add3A_419, %scan3A_280 : i32
        %get3A_421 = arith.index_cast %add3A_420 : i32 to index
        %get3A_422 = arith.constant 32 : index
        %get3A_423 = tpu.vector_load %arg6[%get3A_421, %get3A_422] {strides = array<i32>} : memref<256x128xf32, #tpu.memory_space<vmem>>, vector<1x16xf32>,
        %get3A_424 = vector.shape_cast %get3A_423 : vector<1x16xf32> to vector<16xf32>
        %add3A_425 = arith.constant 64 : i32
        %add3A_426 = arith.addi %add3A_425, %scan3A_280 : i32
        %get3A_427 = arith.index_cast %add3A_426 : i32 to index
        %get3A_428 = arith.constant 96 : index
        %get3A_429 = tpu.vector_load %arg6[%get3A_427, %get3A_428] {strides = array<i32>} : memref<256x128xf32, #tpu.memory_space<vmem>>, vector<1x16xf32>,
        %get3A_430 = vector.shape_cast %get3A_429 : vector<1x16xf32> to vector<16xf32>
        %add3A_431 = arith.addf %get3A_412, %get3A_424 : vector<16xf32>
        %add3A_432 = arith.addf %get3A_418, %get3A_430 : vector<16xf32>
        %add3A_433 = arith.constant 128 : i32
        %add3A_434 = arith.addi %add3A_433, %scan3A_280 : i32
        %get3A_435 = arith.index_cast %add3A_434 : i32 to index
        %get3A_436 = arith.constant 96 : index
        %get3A_437 = tpu.vector_load %arg6[%get3A_435, %get3A_436] {strides = array<i32>} : memref<256x128xf32, #tpu.memory_space<vmem>>, vector<1x16xf32>,
        %get3A_438 = vector.shape_cast %get3A_437 : vector<1x16xf32> to vector<16xf32>
        %add3A_439 = arith.constant 128 : i32
        %add3A_440 = arith.addi %add3A_439, %scan3A_280 : i32
        %get3A_441 = arith.index_cast %add3A_440 : i32 to index
        %get3A_442 = arith.constant 32 : index
        %get3A_443 = tpu.vector_load %arg6[%get3A_441, %get3A_442] {strides = array<i32>} : memref<256x128xf32, #tpu.memory_space<vmem>>, vector<1x16xf32>,
        %get3A_444 = vector.shape_cast %get3A_443 : vector<1x16xf32> to vector<16xf32>
        %add3A_445 = arith.addf %add3A_431, %get3A_438 : vector<16xf32>
        %add3A_446 = arith.addf %add3A_432, %get3A_444 : vector<16xf32>
        %add3A_447 = arith.constant 192 : i32
        %add3A_448 = arith.addi %add3A_447, %scan3A_280 : i32
        %get3A_449 = arith.index_cast %add3A_448 : i32 to index
        %get3A_450 = arith.constant 96 : index
        %get3A_451 = tpu.vector_load %arg6[%get3A_449, %get3A_450] {strides = array<i32>} : memref<256x128xf32, #tpu.memory_space<vmem>>, vector<1x16xf32>,
        %get3A_452 = vector.shape_cast %get3A_451 : vector<1x16xf32> to vector<16xf32>
        %add3A_453 = arith.constant 192 : i32
        %add3A_454 = arith.addi %add3A_453, %scan3A_280 : i32
        %get3A_455 = arith.index_cast %add3A_454 : i32 to index
        %get3A_456 = arith.constant 32 : index
        %get3A_457 = tpu.vector_load %arg6[%get3A_455, %get3A_456] {strides = array<i32>} : memref<256x128xf32, #tpu.memory_space<vmem>>, vector<1x16xf32>,
        %get3A_458 = vector.shape_cast %get3A_457 : vector<1x16xf32> to vector<16xf32>
        %add3A_459 = arith.addf %add3A_445, %get3A_452 : vector<16xf32>
        %add3A_460 = arith.addf %add3A_446, %get3A_458 : vector<16xf32>
        %swap3A_461 = arith.index_cast %scan3A_280 : i32 to index
        %swap3A_462 = arith.constant 32 : index
        %swap3A_463 = tpu.vector_load %arg8[%swap3A_461, %swap3A_462] {strides = array<i32>} : memref<64x128xf32, #tpu.memory_space<vmem>>, vector<1x16xf32>,
        %swap3A_464 = vector.shape_cast %swap3A_463 : vector<1x16xf32> to vector<16xf32>
        %swap3A_465 = vector.shape_cast %add3A_459 : vector<16xf32> to vector<1x16xf32>
        tpu.vector_store %arg8[%swap3A_461, %swap3A_462], %swap3A_465 {strides = array<i32>} : memref<64x128xf32, #tpu.memory_space<vmem>>, vector<1x16xf32>,
        %swap3A_466 = arith.index_cast %scan3A_280 : i32 to index
        %swap3A_467 = arith.constant 96 : index
        %swap3A_468 = tpu.vector_load %arg8[%swap3A_466, %swap3A_467] {strides = array<i32>} : memref<64x128xf32, #tpu.memory_space<vmem>>, vector<1x16xf32>,
        %swap3A_469 = vector.shape_cast %swap3A_468 : vector<1x16xf32> to vector<16xf32>
        %swap3A_470 = vector.shape_cast %add3A_460 : vector<16xf32> to vector<1x16xf32>
        tpu.vector_store %arg8[%swap3A_466, %swap3A_467], %swap3A_470 {strides = array<i32>} : memref<64x128xf32, #tpu.memory_space<vmem>>, vector<1x16xf32>,
        %add3A_471 = arith.constant 0 : i32
        %add3A_472 = arith.addi %add3A_471, %scan3A_280 : i32
        %get3A_473 = arith.index_cast %add3A_472 : i32 to index
        %get3A_474 = arith.constant 48 : index
        %get3A_475 = tpu.vector_load %arg6[%get3A_473, %get3A_474] {strides = array<i32>} : memref<256x128xf32, #tpu.memory_space<vmem>>, vector<1x16xf32>,
        %get3A_476 = vector.shape_cast %get3A_475 : vector<1x16xf32> to vector<16xf32>
        %add3A_477 = arith.constant 0 : i32
        %add3A_478 = arith.addi %add3A_477, %scan3A_280 : i32
        %get3A_479 = arith.index_cast %add3A_478 : i32 to index
        %get3A_480 = arith.constant 112 : index
        %get3A_481 = tpu.vector_load %arg6[%get3A_479, %get3A_480] {strides = array<i32>} : memref<256x128xf32, #tpu.memory_space<vmem>>, vector<1x16xf32>,
        %get3A_482 = vector.shape_cast %get3A_481 : vector<1x16xf32> to vector<16xf32>
        %add3A_483 = arith.constant 64 : i32
        %add3A_484 = arith.addi %add3A_483, %scan3A_280 : i32
        %get3A_485 = arith.index_cast %add3A_484 : i32 to index
        %get3A_486 = arith.constant 48 : index
        %get3A_487 = tpu.vector_load %arg6[%get3A_485, %get3A_486] {strides = array<i32>} : memref<256x128xf32, #tpu.memory_space<vmem>>, vector<1x16xf32>,
        %get3A_488 = vector.shape_cast %get3A_487 : vector<1x16xf32> to vector<16xf32>
        %add3A_489 = arith.constant 64 : i32
        %add3A_490 = arith.addi %add3A_489, %scan3A_280 : i32
        %get3A_491 = arith.index_cast %add3A_490 : i32 to index
        %get3A_492 = arith.constant 112 : index
        %get3A_493 = tpu.vector_load %arg6[%get3A_491, %get3A_492] {strides = array<i32>} : memref<256x128xf32, #tpu.memory_space<vmem>>, vector<1x16xf32>,
        %get3A_494 = vector.shape_cast %get3A_493 : vector<1x16xf32> to vector<16xf32>
        %add3A_495 = arith.addf %get3A_476, %get3A_488 : vector<16xf32>
        %add3A_496 = arith.addf %get3A_482, %get3A_494 : vector<16xf32>
        %add3A_497 = arith.constant 128 : i32
        %add3A_498 = arith.addi %add3A_497, %scan3A_280 : i32
        %get3A_499 = arith.index_cast %add3A_498 : i32 to index
        %get3A_500 = arith.constant 112 : index
        %get3A_501 = tpu.vector_load %arg6[%get3A_499, %get3A_500] {strides = array<i32>} : memref<256x128xf32, #tpu.memory_space<vmem>>, vector<1x16xf32>,
        %get3A_502 = vector.shape_cast %get3A_501 : vector<1x16xf32> to vector<16xf32>
        %add3A_503 = arith.constant 128 : i32
        %add3A_504 = arith.addi %add3A_503, %scan3A_280 : i32
        %get3A_505 = arith.index_cast %add3A_504 : i32 to index
        %get3A_506 = arith.constant 48 : index
        %get3A_507 = tpu.vector_load %arg6[%get3A_505, %get3A_506] {strides = array<i32>} : memref<256x128xf32, #tpu.memory_space<vmem>>, vector<1x16xf32>,
        %get3A_508 = vector.shape_cast %get3A_507 : vector<1x16xf32> to vector<16xf32>
        %add3A_509 = arith.addf %add3A_495, %get3A_502 : vector<16xf32>
        %add3A_510 = arith.addf %add3A_496, %get3A_508 : vector<16xf32>
        %add3A_511 = arith.constant 192 : i32
        %add3A_512 = arith.addi %add3A_511, %scan3A_280 : i32
        %get3A_513 = arith.index_cast %add3A_512 : i32 to index
        %get3A_514 = arith.constant 112 : index
        %get3A_515 = tpu.vector_load %arg6[%get3A_513, %get3A_514] {strides = array<i32>} : memref<256x128xf32, #tpu.memory_space<vmem>>, vector<1x16xf32>,
        %get3A_516 = vector.shape_cast %get3A_515 : vector<1x16xf32> to vector<16xf32>
        %add3A_517 = arith.constant 192 : i32
        %add3A_518 = arith.addi %add3A_517, %scan3A_280 : i32
        %get3A_519 = arith.index_cast %add3A_518 : i32 to index
        %get3A_520 = arith.constant 48 : index
        %get3A_521 = tpu.vector_load %arg6[%get3A_519, %get3A_520] {strides = array<i32>} : memref<256x128xf32, #tpu.memory_space<vmem>>, vector<1x16xf32>,
        %get3A_522 = vector.shape_cast %get3A_521 : vector<1x16xf32> to vector<16xf32>
        %add3A_523 = arith.addf %add3A_509, %get3A_516 : vector<16xf32>
        %add3A_524 = arith.addf %add3A_510, %get3A_522 : vector<16xf32>
        %swap3A_525 = arith.index_cast %scan3A_280 : i32 to index
        %swap3A_526 = arith.constant 48 : index
        %swap3A_527 = tpu.vector_load %arg8[%swap3A_525, %swap3A_526] {strides = array<i32>} : memref<64x128xf32, #tpu.memory_space<vmem>>, vector<1x16xf32>,
        %swap3A_528 = vector.shape_cast %swap3A_527 : vector<1x16xf32> to vector<16xf32>
        %swap3A_529 = vector.shape_cast %add3A_523 : vector<16xf32> to vector<1x16xf32>
        tpu.vector_store %arg8[%swap3A_525, %swap3A_526], %swap3A_529 {strides = array<i32>} : memref<64x128xf32, #tpu.memory_space<vmem>>, vector<1x16xf32>,
        %swap3A_530 = arith.index_cast %scan3A_280 : i32 to index
        %swap3A_531 = arith.constant 112 : index
        %swap3A_532 = tpu.vector_load %arg8[%swap3A_530, %swap3A_531] {strides = array<i32>} : memref<64x128xf32, #tpu.memory_space<vmem>>, vector<1x16xf32>,
        %swap3A_533 = vector.shape_cast %swap3A_532 : vector<1x16xf32> to vector<16xf32>
        %swap3A_534 = vector.shape_cast %add3A_524 : vector<16xf32> to vector<1x16xf32>
        tpu.vector_store %arg8[%swap3A_530, %swap3A_531], %swap3A_534 {strides = array<i32>} : memref<64x128xf32, #tpu.memory_space<vmem>>, vector<1x16xf32>,
      }
      %scan3A_215 = arith.constant 64 : i32
      %add3A_216 = arith.addi %select_n3A, %mul3A_182 : i32
      %dma_start3A_217 = arith.constant 0 : i32
      %dma_start3A_218 = arith.constant 0 : i32
      %dma_start3A_219 = tpu.memref_slice %arg4[%add3A_216, %dma_start3A_217, %dma_start3A_218] : memref<2368x64x128xf32, #tpu.memory_space<hbm>> -> memref<1x64x128xf32, #tpu.memory_space<hbm>>
      %dma_start3A_220 = tpu.memref_squeeze %dma_start3A_219 : memref<1x64x128xf32, #tpu.memory_space<hbm>> -> memref<64x128xf32, #tpu.memory_space<hbm>>
      %dma_start3A_221 = arith.constant 0 : i32
      %dma_start3A_222 = arith.constant 0 : i32
      %dma_start3A_223 = tpu.memref_slice %arg4[%add3A_216, %dma_start3A_221, %dma_start3A_222] : memref<2368x64x128xf32, #tpu.memory_space<hbm>> -> memref<1x64x128xf32, #tpu.memory_space<hbm>>
      %dma_start3A_224 = tpu.memref_squeeze %dma_start3A_223 : memref<1x64x128xf32, #tpu.memory_space<hbm>> -> memref<64x128xf32, #tpu.memory_space<hbm>>
      tpu.enqueue_dma source(%arg8 : memref<64x128xf32, #tpu.memory_space<vmem>>) target(%dma_start3A_224 : memref<64x128xf32, #tpu.memory_space<hbm>>) target_semaphore(%arg12 : memref<!tpu.dma_semaphore, #tpu.memory_space<semaphore_mem>>)
      %add3A_225 = arith.constant 1 : i32
      %add3A_226 = arith.addi %while3A_180, %add3A_225 : i32
      %lt3A = arith.cmpi slt, %add3A_226, %select_n3A_80 : i32
      %convert_element_type3A_227 = arith.extui %lt3A : i1 to i32
      %cond3A_228 = arith.constant 0 : i32
      %cond3A_229 = arith.cmpi ne, %convert_element_type3A_227, %cond3A_228 : i32
      scf.if %cond3A_229 {
        %add3A_280 = arith.constant 2 : i32
        %add3A_281 = arith.addi %mul3A_182, %add3A_280 : i32
        %mul3A_282 = arith.constant 64 : i32
        %mul3A_283 = arith.muli %add3A_281, %mul3A_282 : i32
        %add3A_284 = arith.constant 0 : i32
        %add3A_285 = arith.addi %add3A_284, %mul3A_283 : i32
        %dma_start3A_286 = arith.constant 0 : i32
        %dma_start3A_287 = arith.constant 0 : i32
        %dma_start3A_288 = tpu.memref_slice %arg6[%dma_start3A_286, %dma_start3A_287] : memref<256x128xf32, #tpu.memory_space<vmem>> -> memref<64x128xf32, #tpu.memory_space<vmem>>
        %dma_start3A_289 = tpu.memref_slice %arg5[%add3A_285] : memref<18944xi32, #tpu.memory_space<vmem>> -> memref<64xi32, #tpu.memory_space<vmem>>
        %dma_start3A_290 = arith.constant 0 : i32
        %dma_start3A_291 = arith.constant 0 : i32
        %dma_start3A_292 = tpu.memref_slice %arg2[%dma_start3A_290, %dma_start3A_291] : memref<250000x128xf32, #tpu.memory_space<hbm>> -> memref<250000x128xf32, #tpu.memory_space<hbm>>
        tpu.enqueue_indirect_dma source(%dma_start3A_292 : memref<250000x128xf32, #tpu.memory_space<hbm>>) target(%dma_start3A_288 : memref<64x128xf32, #tpu.memory_space<vmem>>) offsets(%dma_start3A_289 : memref<64xi32, #tpu.memory_space<vmem>>) semaphore(%arg10 : memref<!tpu.dma_semaphore, #tpu.memory_space<semaphore_mem>>)
        %mul3A_293 = arith.constant 64 : i32
        %mul3A_294 = arith.muli %add3A_281, %mul3A_293 : i32
        %add3A_295 = arith.constant 4736 : i32
        %add3A_296 = arith.addi %add3A_295, %mul3A_294 : i32
        %dma_start3A_297 = arith.constant 64 : i32
        %dma_start3A_298 = arith.constant 0 : i32
        %dma_start3A_299 = tpu.memref_slice %arg6[%dma_start3A_297, %dma_start3A_298] : memref<256x128xf32, #tpu.memory_space<vmem>> -> memref<64x128xf32, #tpu.memory_space<vmem>>
        %dma_start3A_300 = tpu.memref_slice %arg5[%add3A_296] : memref<18944xi32, #tpu.memory_space<vmem>> -> memref<64xi32, #tpu.memory_space<vmem>>
        %dma_start3A_301 = arith.constant 0 : i32
        %dma_start3A_302 = arith.constant 0 : i32
        %dma_start3A_303 = tpu.memref_slice %arg2[%dma_start3A_301, %dma_start3A_302] : memref<250000x128xf32, #tpu.memory_space<hbm>> -> memref<250000x128xf32, #tpu.memory_space<hbm>>
        tpu.enqueue_indirect_dma source(%dma_start3A_303 : memref<250000x128xf32, #tpu.memory_space<hbm>>) target(%dma_start3A_299 : memref<64x128xf32, #tpu.memory_space<vmem>>) offsets(%dma_start3A_300 : memref<64xi32, #tpu.memory_space<vmem>>) semaphore(%arg10 : memref<!tpu.dma_semaphore, #tpu.memory_space<semaphore_mem>>)
        %mul3A_304 = arith.constant 64 : i32
        %mul3A_305 = arith.muli %add3A_281, %mul3A_304 : i32
        %add3A_306 = arith.constant 9472 : i32
        %add3A_307 = arith.addi %add3A_306, %mul3A_305 : i32
        %dma_start3A_308 = arith.constant 128 : i32
        %dma_start3A_309 = arith.constant 0 : i32
        %dma_start3A_310 = tpu.memref_slice %arg6[%dma_start3A_308, %dma_start3A_309] : memref<256x128xf32, #tpu.memory_space<vmem>> -> memref<64x128xf32, #tpu.memory_space<vmem>>
        %dma_start3A_311 = tpu.memref_slice %arg5[%add3A_307] : memref<18944xi32, #tpu.memory_space<vmem>> -> memref<64xi32, #tpu.memory_space<vmem>>
        %dma_start3A_312 = arith.constant 0 : i32
        %dma_start3A_313 = arith.constant 0 : i32
        %dma_start3A_314 = tpu.memref_slice %arg2[%dma_start3A_312, %dma_start3A_313] : memref<250000x128xf32, #tpu.memory_space<hbm>> -> memref<250000x128xf32, #tpu.memory_space<hbm>>
        tpu.enqueue_indirect_dma source(%dma_start3A_314 : memref<250000x128xf32, #tpu.memory_space<hbm>>) target(%dma_start3A_310 : memref<64x128xf32, #tpu.memory_space<vmem>>) offsets(%dma_start3A_311 : memref<64xi32, #tpu.memory_space<vmem>>) semaphore(%arg10 : memref<!tpu.dma_semaphore, #tpu.memory_space<semaphore_mem>>)
        %mul3A_315 = arith.constant 64 : i32
        %mul3A_316 = arith.muli %add3A_281, %mul3A_315 : i32
        %add3A_317 = arith.constant 14208 : i32
        %add3A_318 = arith.addi %add3A_317, %mul3A_316 : i32
        %dma_start3A_319 = arith.constant 192 : i32
        %dma_start3A_320 = arith.constant 0 : i32
        %dma_start3A_321 = tpu.memref_slice %arg6[%dma_start3A_319, %dma_start3A_320] : memref<256x128xf32, #tpu.memory_space<vmem>> -> memref<64x128xf32, #tpu.memory_space<vmem>>
        %dma_start3A_322 = tpu.memref_slice %arg5[%add3A_318] : memref<18944xi32, #tpu.memory_space<vmem>> -> memref<64xi32, #tpu.memory_space<vmem>>
        %dma_start3A_323 = arith.constant 0 : i32
        %dma_start3A_324 = arith.constant 0 : i32
        %dma_start3A_325 = tpu.memref_slice %arg2[%dma_start3A_323, %dma_start3A_324] : memref<250000x128xf32, #tpu.memory_space<hbm>> -> memref<250000x128xf32, #tpu.memory_space<hbm>>
        tpu.enqueue_indirect_dma source(%dma_start3A_325 : memref<250000x128xf32, #tpu.memory_space<hbm>>) target(%dma_start3A_321 : memref<64x128xf32, #tpu.memory_space<vmem>>) offsets(%dma_start3A_322 : memref<64xi32, #tpu.memory_space<vmem>>) semaphore(%arg10 : memref<!tpu.dma_semaphore, #tpu.memory_space<semaphore_mem>>)
      } else {
      }
      %dma_wait3A_230 = arith.constant 0 : i32
      %dma_wait3A_231 = arith.constant 0 : i32
      %dma_wait3A_232 = tpu.memref_slice %arg2[%dma_wait3A_230, %dma_wait3A_231] : memref<250000x128xf32, #tpu.memory_space<hbm>> -> memref<64x128xf32, #tpu.memory_space<hbm>>
      %dma_wait3A_233 = arith.constant 0 : i32
      %dma_wait3A_234 = arith.constant 0 : i32
      %dma_wait3A_235 = tpu.memref_slice %arg2[%dma_wait3A_233, %dma_wait3A_234] : memref<250000x128xf32, #tpu.memory_space<hbm>> -> memref<64x128xf32, #tpu.memory_space<hbm>>
      tpu.wait_dma2 semaphore(%arg11 : memref<!tpu.dma_semaphore, #tpu.memory_space<semaphore_mem>>) src(%dma_wait3A_235 : memref<64x128xf32, #tpu.memory_space<hbm>>) dst(%arg8 : memref<64x128xf32, #tpu.memory_space<vmem>>)
      %dma_wait3A_236 = arith.constant 0 : i32
      %dma_wait3A_237 = arith.constant 0 : i32
      %dma_wait3A_238 = tpu.memref_slice %arg2[%dma_wait3A_236, %dma_wait3A_237] : memref<250000x128xf32, #tpu.memory_space<hbm>> -> memref<64x128xf32, #tpu.memory_space<hbm>>
      %dma_wait3A_239 = arith.constant 0 : i32
      %dma_wait3A_240 = arith.constant 0 : i32
      %dma_wait3A_241 = tpu.memref_slice %arg2[%dma_wait3A_239, %dma_wait3A_240] : memref<250000x128xf32, #tpu.memory_space<hbm>> -> memref<64x128xf32, #tpu.memory_space<hbm>>
      tpu.wait_dma2 semaphore(%arg11 : memref<!tpu.dma_semaphore, #tpu.memory_space<semaphore_mem>>) src(%dma_wait3A_241 : memref<64x128xf32, #tpu.memory_space<hbm>>) dst(%arg8 : memref<64x128xf32, #tpu.memory_space<vmem>>)
      %dma_wait3A_242 = arith.constant 0 : i32
      %dma_wait3A_243 = arith.constant 0 : i32
      %dma_wait3A_244 = tpu.memref_slice %arg2[%dma_wait3A_242, %dma_wait3A_243] : memref<250000x128xf32, #tpu.memory_space<hbm>> -> memref<64x128xf32, #tpu.memory_space<hbm>>
      %dma_wait3A_245 = arith.constant 0 : i32
      %dma_wait3A_246 = arith.constant 0 : i32
      %dma_wait3A_247 = tpu.memref_slice %arg2[%dma_wait3A_245, %dma_wait3A_246] : memref<250000x128xf32, #tpu.memory_space<hbm>> -> memref<64x128xf32, #tpu.memory_space<hbm>>
      tpu.wait_dma2 semaphore(%arg11 : memref<!tpu.dma_semaphore, #tpu.memory_space<semaphore_mem>>) src(%dma_wait3A_247 : memref<64x128xf32, #tpu.memory_space<hbm>>) dst(%arg8 : memref<64x128xf32, #tpu.memory_space<vmem>>)
      %dma_wait3A_248 = arith.constant 0 : i32
      %dma_wait3A_249 = arith.constant 0 : i32
      %dma_wait3A_250 = tpu.memref_slice %arg2[%dma_wait3A_248, %dma_wait3A_249] : memref<250000x128xf32, #tpu.memory_space<hbm>> -> memref<64x128xf32, #tpu.memory_space<hbm>>
      %dma_wait3A_251 = arith.constant 0 : i32
      %dma_wait3A_252 = arith.constant 0 : i32
      %dma_wait3A_253 = tpu.memref_slice %arg2[%dma_wait3A_251, %dma_wait3A_252] : memref<250000x128xf32, #tpu.memory_space<hbm>> -> memref<64x128xf32, #tpu.memory_space<hbm>>
      tpu.wait_dma2 semaphore(%arg11 : memref<!tpu.dma_semaphore, #tpu.memory_space<semaphore_mem>>) src(%dma_wait3A_253 : memref<64x128xf32, #tpu.memory_space<hbm>>) dst(%arg8 : memref<64x128xf32, #tpu.memory_space<vmem>>)
      %gt3A_254 = arith.constant 0 : i32
      %gt3A_255 = arith.cmpi sgt, %while3A_180, %gt3A_254 : i32
      %convert_element_type3A_256 = arith.extui %gt3A_255 : i1 to i32
      %cond3A_257 = arith.constant 0 : i32
      %cond3A_258 = arith.cmpi ne, %convert_element_type3A_256, %cond3A_257 : i32
      scf.if %cond3A_258 {
        %dma_wait3A_280 = arith.constant 0 : i32
        %dma_wait3A_281 = arith.constant 0 : i32
        %dma_wait3A_282 = tpu.memref_slice %arg2[%dma_wait3A_280, %dma_wait3A_281] : memref<250000x128xf32, #tpu.memory_space<hbm>> -> memref<64x128xf32, #tpu.memory_space<hbm>>
        %dma_wait3A_283 = arith.constant 0 : i32
        %dma_wait3A_284 = arith.constant 0 : i32
        %dma_wait3A_285 = tpu.memref_slice %arg2[%dma_wait3A_283, %dma_wait3A_284] : memref<250000x128xf32, #tpu.memory_space<hbm>> -> memref<64x128xf32, #tpu.memory_space<hbm>>
        tpu.wait_dma2 semaphore(%arg13 : memref<!tpu.dma_semaphore, #tpu.memory_space<semaphore_mem>>) src(%dma_wait3A_285 : memref<64x128xf32, #tpu.memory_space<hbm>>) dst(%arg8 : memref<64x128xf32, #tpu.memory_space<vmem>>)
      } else {
      }
      %scan3A_259 = arith.constant 0 : i32
      %scan3A_260 = arith.constant 0 : i32
      %scan3A_261 = arith.constant 64 : i32
      %scan3A_262 = arith.addi %scan3A_260, %scan3A_261 : i32
      %scan3A_263 = arith.constant 1 : i32
      scf.for %scan3A_280 = %scan3A_260 to %scan3A_262 step %scan3A_263  : i32 {
        %add3A_281 = arith.constant 0 : i32
        %add3A_282 = arith.addi %add3A_281, %scan3A_280 : i32
        %get3A = arith.index_cast %add3A_282 : i32 to index
        %get3A_283 = arith.constant 0 : index
        %get3A_284 = tpu.vector_load %arg7[%get3A, %get3A_283] {strides = array<i32>} : memref<256x128xf32, #tpu.memory_space<vmem>>, vector<1x16xf32>,
        %get3A_285 = vector.shape_cast %get3A_284 : vector<1x16xf32> to vector<16xf32>
        %add3A_286 = arith.constant 0 : i32
        %add3A_287 = arith.addi %add3A_286, %scan3A_280 : i32
        %get3A_288 = arith.index_cast %add3A_287 : i32 to index
        %get3A_289 = arith.constant 64 : index
        %get3A_290 = tpu.vector_load %arg7[%get3A_288, %get3A_289] {strides = array<i32>} : memref<256x128xf32, #tpu.memory_space<vmem>>, vector<1x16xf32>,
        %get3A_291 = vector.shape_cast %get3A_290 : vector<1x16xf32> to vector<16xf32>
        %add3A_292 = arith.constant 64 : i32
        %add3A_293 = arith.addi %add3A_292, %scan3A_280 : i32
        %get3A_294 = arith.index_cast %add3A_293 : i32 to index
        %get3A_295 = arith.constant 0 : index
        %get3A_296 = tpu.vector_load %arg7[%get3A_294, %get3A_295] {strides = array<i32>} : memref<256x128xf32, #tpu.memory_space<vmem>>, vector<1x16xf32>,
        %get3A_297 = vector.shape_cast %get3A_296 : vector<1x16xf32> to vector<16xf32>
        %add3A_298 = arith.constant 64 : i32
        %add3A_299 = arith.addi %add3A_298, %scan3A_280 : i32
        %get3A_300 = arith.index_cast %add3A_299 : i32 to index
        %get3A_301 = arith.constant 64 : index
        %get3A_302 = tpu.vector_load %arg7[%get3A_300, %get3A_301] {strides = array<i32>} : memref<256x128xf32, #tpu.memory_space<vmem>>, vector<1x16xf32>,
        %get3A_303 = vector.shape_cast %get3A_302 : vector<1x16xf32> to vector<16xf32>
        %add3A_304 = arith.addf %get3A_285, %get3A_297 : vector<16xf32>
        %add3A_305 = arith.addf %get3A_291, %get3A_303 : vector<16xf32>
        %add3A_306 = arith.constant 128 : i32
        %add3A_307 = arith.addi %add3A_306, %scan3A_280 : i32
        %get3A_308 = arith.index_cast %add3A_307 : i32 to index
        %get3A_309 = arith.constant 64 : index
        %get3A_310 = tpu.vector_load %arg7[%get3A_308, %get3A_309] {strides = array<i32>} : memref<256x128xf32, #tpu.memory_space<vmem>>, vector<1x16xf32>,
        %get3A_311 = vector.shape_cast %get3A_310 : vector<1x16xf32> to vector<16xf32>
        %add3A_312 = arith.constant 128 : i32
        %add3A_313 = arith.addi %add3A_312, %scan3A_280 : i32
        %get3A_314 = arith.index_cast %add3A_313 : i32 to index
        %get3A_315 = arith.constant 0 : index
        %get3A_316 = tpu.vector_load %arg7[%get3A_314, %get3A_315] {strides = array<i32>} : memref<256x128xf32, #tpu.memory_space<vmem>>, vector<1x16xf32>,
        %get3A_317 = vector.shape_cast %get3A_316 : vector<1x16xf32> to vector<16xf32>
        %add3A_318 = arith.addf %add3A_304, %get3A_311 : vector<16xf32>
        %add3A_319 = arith.addf %add3A_305, %get3A_317 : vector<16xf32>
        %add3A_320 = arith.constant 192 : i32
        %add3A_321 = arith.addi %add3A_320, %scan3A_280 : i32
        %get3A_322 = arith.index_cast %add3A_321 : i32 to index
        %get3A_323 = arith.constant 64 : index
        %get3A_324 = tpu.vector_load %arg7[%get3A_322, %get3A_323] {strides = array<i32>} : memref<256x128xf32, #tpu.memory_space<vmem>>, vector<1x16xf32>,
        %get3A_325 = vector.shape_cast %get3A_324 : vector<1x16xf32> to vector<16xf32>
        %add3A_326 = arith.constant 192 : i32
        %add3A_327 = arith.addi %add3A_326, %scan3A_280 : i32
        %get3A_328 = arith.index_cast %add3A_327 : i32 to index
        %get3A_329 = arith.constant 0 : index
        %get3A_330 = tpu.vector_load %arg7[%get3A_328, %get3A_329] {strides = array<i32>} : memref<256x128xf32, #tpu.memory_space<vmem>>, vector<1x16xf32>,
        %get3A_331 = vector.shape_cast %get3A_330 : vector<1x16xf32> to vector<16xf32>
        %add3A_332 = arith.addf %add3A_318, %get3A_325 : vector<16xf32>
        %add3A_333 = arith.addf %add3A_319, %get3A_331 : vector<16xf32>
        %swap3A = arith.index_cast %scan3A_280 : i32 to index
        %swap3A_334 = arith.constant 0 : index
        %swap3A_335 = tpu.vector_load %arg9[%swap3A, %swap3A_334] {strides = array<i32>} : memref<64x128xf32, #tpu.memory_space<vmem>>, vector<1x16xf32>,
        %swap3A_336 = vector.shape_cast %swap3A_335 : vector<1x16xf32> to vector<16xf32>
        %swap3A_337 = vector.shape_cast %add3A_332 : vector<16xf32> to vector<1x16xf32>
        tpu.vector_store %arg9[%swap3A, %swap3A_334], %swap3A_337 {strides = array<i32>} : memref<64x128xf32, #tpu.memory_space<vmem>>, vector<1x16xf32>,
        %swap3A_338 = arith.index_cast %scan3A_280 : i32 to index
        %swap3A_339 = arith.constant 64 : index
        %swap3A_340 = tpu.vector_load %arg9[%swap3A_338, %swap3A_339] {strides = array<i32>} : memref<64x128xf32, #tpu.memory_space<vmem>>, vector<1x16xf32>,
        %swap3A_341 = vector.shape_cast %swap3A_340 : vector<1x16xf32> to vector<16xf32>
        %swap3A_342 = vector.shape_cast %add3A_333 : vector<16xf32> to vector<1x16xf32>
        tpu.vector_store %arg9[%swap3A_338, %swap3A_339], %swap3A_342 {strides = array<i32>} : memref<64x128xf32, #tpu.memory_space<vmem>>, vector<1x16xf32>,
        %add3A_343 = arith.constant 0 : i32
        %add3A_344 = arith.addi %add3A_343, %scan3A_280 : i32
        %get3A_345 = arith.index_cast %add3A_344 : i32 to index
        %get3A_346 = arith.constant 16 : index
        %get3A_347 = tpu.vector_load %arg7[%get3A_345, %get3A_346] {strides = array<i32>} : memref<256x128xf32, #tpu.memory_space<vmem>>, vector<1x16xf32>,
        %get3A_348 = vector.shape_cast %get3A_347 : vector<1x16xf32> to vector<16xf32>
        %add3A_349 = arith.constant 0 : i32
        %add3A_350 = arith.addi %add3A_349, %scan3A_280 : i32
        %get3A_351 = arith.index_cast %add3A_350 : i32 to index
        %get3A_352 = arith.constant 80 : index
        %get3A_353 = tpu.vector_load %arg7[%get3A_351, %get3A_352] {strides = array<i32>} : memref<256x128xf32, #tpu.memory_space<vmem>>, vector<1x16xf32>,
        %get3A_354 = vector.shape_cast %get3A_353 : vector<1x16xf32> to vector<16xf32>
        %add3A_355 = arith.constant 64 : i32
        %add3A_356 = arith.addi %add3A_355, %scan3A_280 : i32
        %get3A_357 = arith.index_cast %add3A_356 : i32 to index
        %get3A_358 = arith.constant 16 : index
        %get3A_359 = tpu.vector_load %arg7[%get3A_357, %get3A_358] {strides = array<i32>} : memref<256x128xf32, #tpu.memory_space<vmem>>, vector<1x16xf32>,
        %get3A_360 = vector.shape_cast %get3A_359 : vector<1x16xf32> to vector<16xf32>
        %add3A_361 = arith.constant 64 : i32
        %add3A_362 = arith.addi %add3A_361, %scan3A_280 : i32
        %get3A_363 = arith.index_cast %add3A_362 : i32 to index
        %get3A_364 = arith.constant 80 : index
        %get3A_365 = tpu.vector_load %arg7[%get3A_363, %get3A_364] {strides = array<i32>} : memref<256x128xf32, #tpu.memory_space<vmem>>, vector<1x16xf32>,
        %get3A_366 = vector.shape_cast %get3A_365 : vector<1x16xf32> to vector<16xf32>
        %add3A_367 = arith.addf %get3A_348, %get3A_360 : vector<16xf32>
        %add3A_368 = arith.addf %get3A_354, %get3A_366 : vector<16xf32>
        %add3A_369 = arith.constant 128 : i32
        %add3A_370 = arith.addi %add3A_369, %scan3A_280 : i32
        %get3A_371 = arith.index_cast %add3A_370 : i32 to index
        %get3A_372 = arith.constant 80 : index
        %get3A_373 = tpu.vector_load %arg7[%get3A_371, %get3A_372] {strides = array<i32>} : memref<256x128xf32, #tpu.memory_space<vmem>>, vector<1x16xf32>,
        %get3A_374 = vector.shape_cast %get3A_373 : vector<1x16xf32> to vector<16xf32>
        %add3A_375 = arith.constant 128 : i32
        %add3A_376 = arith.addi %add3A_375, %scan3A_280 : i32
        %get3A_377 = arith.index_cast %add3A_376 : i32 to index
        %get3A_378 = arith.constant 16 : index
        %get3A_379 = tpu.vector_load %arg7[%get3A_377, %get3A_378] {strides = array<i32>} : memref<256x128xf32, #tpu.memory_space<vmem>>, vector<1x16xf32>,
        %get3A_380 = vector.shape_cast %get3A_379 : vector<1x16xf32> to vector<16xf32>
        %add3A_381 = arith.addf %add3A_367, %get3A_374 : vector<16xf32>
        %add3A_382 = arith.addf %add3A_368, %get3A_380 : vector<16xf32>
        %add3A_383 = arith.constant 192 : i32
        %add3A_384 = arith.addi %add3A_383, %scan3A_280 : i32
        %get3A_385 = arith.index_cast %add3A_384 : i32 to index
        %get3A_386 = arith.constant 80 : index
        %get3A_387 = tpu.vector_load %arg7[%get3A_385, %get3A_386] {strides = array<i32>} : memref<256x128xf32, #tpu.memory_space<vmem>>, vector<1x16xf32>,
        %get3A_388 = vector.shape_cast %get3A_387 : vector<1x16xf32> to vector<16xf32>
        %add3A_389 = arith.constant 192 : i32
        %add3A_390 = arith.addi %add3A_389, %scan3A_280 : i32
        %get3A_391 = arith.index_cast %add3A_390 : i32 to index
        %get3A_392 = arith.constant 16 : index
        %get3A_393 = tpu.vector_load %arg7[%get3A_391, %get3A_392] {strides = array<i32>} : memref<256x128xf32, #tpu.memory_space<vmem>>, vector<1x16xf32>,
        %get3A_394 = vector.shape_cast %get3A_393 : vector<1x16xf32> to vector<16xf32>
        %add3A_395 = arith.addf %add3A_381, %get3A_388 : vector<16xf32>
        %add3A_396 = arith.addf %add3A_382, %get3A_394 : vector<16xf32>
        %swap3A_397 = arith.index_cast %scan3A_280 : i32 to index
        %swap3A_398 = arith.constant 16 : index
        %swap3A_399 = tpu.vector_load %arg9[%swap3A_397, %swap3A_398] {strides = array<i32>} : memref<64x128xf32, #tpu.memory_space<vmem>>, vector<1x16xf32>,
        %swap3A_400 = vector.shape_cast %swap3A_399 : vector<1x16xf32> to vector<16xf32>
        %swap3A_401 = vector.shape_cast %add3A_395 : vector<16xf32> to vector<1x16xf32>
        tpu.vector_store %arg9[%swap3A_397, %swap3A_398], %swap3A_401 {strides = array<i32>} : memref<64x128xf32, #tpu.memory_space<vmem>>, vector<1x16xf32>,
        %swap3A_402 = arith.index_cast %scan3A_280 : i32 to index
        %swap3A_403 = arith.constant 80 : index
        %swap3A_404 = tpu.vector_load %arg9[%swap3A_402, %swap3A_403] {strides = array<i32>} : memref<64x128xf32, #tpu.memory_space<vmem>>, vector<1x16xf32>,
        %swap3A_405 = vector.shape_cast %swap3A_404 : vector<1x16xf32> to vector<16xf32>
        %swap3A_406 = vector.shape_cast %add3A_396 : vector<16xf32> to vector<1x16xf32>
        tpu.vector_store %arg9[%swap3A_402, %swap3A_403], %swap3A_406 {strides = array<i32>} : memref<64x128xf32, #tpu.memory_space<vmem>>, vector<1x16xf32>,
        %add3A_407 = arith.constant 0 : i32
        %add3A_408 = arith.addi %add3A_407, %scan3A_280 : i32
        %get3A_409 = arith.index_cast %add3A_408 : i32 to index
        %get3A_410 = arith.constant 32 : index
        %get3A_411 = tpu.vector_load %arg7[%get3A_409, %get3A_410] {strides = array<i32>} : memref<256x128xf32, #tpu.memory_space<vmem>>, vector<1x16xf32>,
        %get3A_412 = vector.shape_cast %get3A_411 : vector<1x16xf32> to vector<16xf32>
        %add3A_413 = arith.constant 0 : i32
        %add3A_414 = arith.addi %add3A_413, %scan3A_280 : i32
        %get3A_415 = arith.index_cast %add3A_414 : i32 to index
        %get3A_416 = arith.constant 96 : index
        %get3A_417 = tpu.vector_load %arg7[%get3A_415, %get3A_416] {strides = array<i32>} : memref<256x128xf32, #tpu.memory_space<vmem>>, vector<1x16xf32>,
        %get3A_418 = vector.shape_cast %get3A_417 : vector<1x16xf32> to vector<16xf32>
        %add3A_419 = arith.constant 64 : i32
        %add3A_420 = arith.addi %add3A_419, %scan3A_280 : i32
        %get3A_421 = arith.index_cast %add3A_420 : i32 to index
        %get3A_422 = arith.constant 32 : index
        %get3A_423 = tpu.vector_load %arg7[%get3A_421, %get3A_422] {strides = array<i32>} : memref<256x128xf32, #tpu.memory_space<vmem>>, vector<1x16xf32>,
        %get3A_424 = vector.shape_cast %get3A_423 : vector<1x16xf32> to vector<16xf32>
        %add3A_425 = arith.constant 64 : i32
        %add3A_426 = arith.addi %add3A_425, %scan3A_280 : i32
        %get3A_427 = arith.index_cast %add3A_426 : i32 to index
        %get3A_428 = arith.constant 96 : index
        %get3A_429 = tpu.vector_load %arg7[%get3A_427, %get3A_428] {strides = array<i32>} : memref<256x128xf32, #tpu.memory_space<vmem>>, vector<1x16xf32>,
        %get3A_430 = vector.shape_cast %get3A_429 : vector<1x16xf32> to vector<16xf32>
        %add3A_431 = arith.addf %get3A_412, %get3A_424 : vector<16xf32>
        %add3A_432 = arith.addf %get3A_418, %get3A_430 : vector<16xf32>
        %add3A_433 = arith.constant 128 : i32
        %add3A_434 = arith.addi %add3A_433, %scan3A_280 : i32
        %get3A_435 = arith.index_cast %add3A_434 : i32 to index
        %get3A_436 = arith.constant 96 : index
        %get3A_437 = tpu.vector_load %arg7[%get3A_435, %get3A_436] {strides = array<i32>} : memref<256x128xf32, #tpu.memory_space<vmem>>, vector<1x16xf32>,
        %get3A_438 = vector.shape_cast %get3A_437 : vector<1x16xf32> to vector<16xf32>
        %add3A_439 = arith.constant 128 : i32
        %add3A_440 = arith.addi %add3A_439, %scan3A_280 : i32
        %get3A_441 = arith.index_cast %add3A_440 : i32 to index
        %get3A_442 = arith.constant 32 : index
        %get3A_443 = tpu.vector_load %arg7[%get3A_441, %get3A_442] {strides = array<i32>} : memref<256x128xf32, #tpu.memory_space<vmem>>, vector<1x16xf32>,
        %get3A_444 = vector.shape_cast %get3A_443 : vector<1x16xf32> to vector<16xf32>
        %add3A_445 = arith.addf %add3A_431, %get3A_438 : vector<16xf32>
        %add3A_446 = arith.addf %add3A_432, %get3A_444 : vector<16xf32>
        %add3A_447 = arith.constant 192 : i32
        %add3A_448 = arith.addi %add3A_447, %scan3A_280 : i32
        %get3A_449 = arith.index_cast %add3A_448 : i32 to index
        %get3A_450 = arith.constant 96 : index
        %get3A_451 = tpu.vector_load %arg7[%get3A_449, %get3A_450] {strides = array<i32>} : memref<256x128xf32, #tpu.memory_space<vmem>>, vector<1x16xf32>,
        %get3A_452 = vector.shape_cast %get3A_451 : vector<1x16xf32> to vector<16xf32>
        %add3A_453 = arith.constant 192 : i32
        %add3A_454 = arith.addi %add3A_453, %scan3A_280 : i32
        %get3A_455 = arith.index_cast %add3A_454 : i32 to index
        %get3A_456 = arith.constant 32 : index
        %get3A_457 = tpu.vector_load %arg7[%get3A_455, %get3A_456] {strides = array<i32>} : memref<256x128xf32, #tpu.memory_space<vmem>>, vector<1x16xf32>,
        %get3A_458 = vector.shape_cast %get3A_457 : vector<1x16xf32> to vector<16xf32>
        %add3A_459 = arith.addf %add3A_445, %get3A_452 : vector<16xf32>
        %add3A_460 = arith.addf %add3A_446, %get3A_458 : vector<16xf32>
        %swap3A_461 = arith.index_cast %scan3A_280 : i32 to index
        %swap3A_462 = arith.constant 32 : index
        %swap3A_463 = tpu.vector_load %arg9[%swap3A_461, %swap3A_462] {strides = array<i32>} : memref<64x128xf32, #tpu.memory_space<vmem>>, vector<1x16xf32>,
        %swap3A_464 = vector.shape_cast %swap3A_463 : vector<1x16xf32> to vector<16xf32>
        %swap3A_465 = vector.shape_cast %add3A_459 : vector<16xf32> to vector<1x16xf32>
        tpu.vector_store %arg9[%swap3A_461, %swap3A_462], %swap3A_465 {strides = array<i32>} : memref<64x128xf32, #tpu.memory_space<vmem>>, vector<1x16xf32>,
        %swap3A_466 = arith.index_cast %scan3A_280 : i32 to index
        %swap3A_467 = arith.constant 96 : index
        %swap3A_468 = tpu.vector_load %arg9[%swap3A_466, %swap3A_467] {strides = array<i32>} : memref<64x128xf32, #tpu.memory_space<vmem>>, vector<1x16xf32>,
        %swap3A_469 = vector.shape_cast %swap3A_468 : vector<1x16xf32> to vector<16xf32>
        %swap3A_470 = vector.shape_cast %add3A_460 : vector<16xf32> to vector<1x16xf32>
        tpu.vector_store %arg9[%swap3A_466, %swap3A_467], %swap3A_470 {strides = array<i32>} : memref<64x128xf32, #tpu.memory_space<vmem>>, vector<1x16xf32>,
        %add3A_471 = arith.constant 0 : i32
        %add3A_472 = arith.addi %add3A_471, %scan3A_280 : i32
        %get3A_473 = arith.index_cast %add3A_472 : i32 to index
        %get3A_474 = arith.constant 48 : index
        %get3A_475 = tpu.vector_load %arg7[%get3A_473, %get3A_474] {strides = array<i32>} : memref<256x128xf32, #tpu.memory_space<vmem>>, vector<1x16xf32>,
        %get3A_476 = vector.shape_cast %get3A_475 : vector<1x16xf32> to vector<16xf32>
        %add3A_477 = arith.constant 0 : i32
        %add3A_478 = arith.addi %add3A_477, %scan3A_280 : i32
        %get3A_479 = arith.index_cast %add3A_478 : i32 to index
        %get3A_480 = arith.constant 112 : index
        %get3A_481 = tpu.vector_load %arg7[%get3A_479, %get3A_480] {strides = array<i32>} : memref<256x128xf32, #tpu.memory_space<vmem>>, vector<1x16xf32>,
        %get3A_482 = vector.shape_cast %get3A_481 : vector<1x16xf32> to vector<16xf32>
        %add3A_483 = arith.constant 64 : i32
        %add3A_484 = arith.addi %add3A_483, %scan3A_280 : i32
        %get3A_485 = arith.index_cast %add3A_484 : i32 to index
        %get3A_486 = arith.constant 48 : index
        %get3A_487 = tpu.vector_load %arg7[%get3A_485, %get3A_486] {strides = array<i32>} : memref<256x128xf32, #tpu.memory_space<vmem>>, vector<1x16xf32>,
        %get3A_488 = vector.shape_cast %get3A_487 : vector<1x16xf32> to vector<16xf32>
        %add3A_489 = arith.constant 64 : i32
        %add3A_490 = arith.addi %add3A_489, %scan3A_280 : i32
        %get3A_491 = arith.index_cast %add3A_490 : i32 to index
        %get3A_492 = arith.constant 112 : index
        %get3A_493 = tpu.vector_load %arg7[%get3A_491, %get3A_492] {strides = array<i32>} : memref<256x128xf32, #tpu.memory_space<vmem>>, vector<1x16xf32>,
        %get3A_494 = vector.shape_cast %get3A_493 : vector<1x16xf32> to vector<16xf32>
        %add3A_495 = arith.addf %get3A_476, %get3A_488 : vector<16xf32>
        %add3A_496 = arith.addf %get3A_482, %get3A_494 : vector<16xf32>
        %add3A_497 = arith.constant 128 : i32
        %add3A_498 = arith.addi %add3A_497, %scan3A_280 : i32
        %get3A_499 = arith.index_cast %add3A_498 : i32 to index
        %get3A_500 = arith.constant 112 : index
        %get3A_501 = tpu.vector_load %arg7[%get3A_499, %get3A_500] {strides = array<i32>} : memref<256x128xf32, #tpu.memory_space<vmem>>, vector<1x16xf32>,
        %get3A_502 = vector.shape_cast %get3A_501 : vector<1x16xf32> to vector<16xf32>
        %add3A_503 = arith.constant 128 : i32
        %add3A_504 = arith.addi %add3A_503, %scan3A_280 : i32
        %get3A_505 = arith.index_cast %add3A_504 : i32 to index
        %get3A_506 = arith.constant 48 : index
        %get3A_507 = tpu.vector_load %arg7[%get3A_505, %get3A_506] {strides = array<i32>} : memref<256x128xf32, #tpu.memory_space<vmem>>, vector<1x16xf32>,
        %get3A_508 = vector.shape_cast %get3A_507 : vector<1x16xf32> to vector<16xf32>
        %add3A_509 = arith.addf %add3A_495, %get3A_502 : vector<16xf32>
        %add3A_510 = arith.addf %add3A_496, %get3A_508 : vector<16xf32>
        %add3A_511 = arith.constant 192 : i32
        %add3A_512 = arith.addi %add3A_511, %scan3A_280 : i32
        %get3A_513 = arith.index_cast %add3A_512 : i32 to index
        %get3A_514 = arith.constant 112 : index
        %get3A_515 = tpu.vector_load %arg7[%get3A_513, %get3A_514] {strides = array<i32>} : memref<256x128xf32, #tpu.memory_space<vmem>>, vector<1x16xf32>,
        %get3A_516 = vector.shape_cast %get3A_515 : vector<1x16xf32> to vector<16xf32>
        %add3A_517 = arith.constant 192 : i32
        %add3A_518 = arith.addi %add3A_517, %scan3A_280 : i32
        %get3A_519 = arith.index_cast %add3A_518 : i32 to index
        %get3A_520 = arith.constant 48 : index
        %get3A_521 = tpu.vector_load %arg7[%get3A_519, %get3A_520] {strides = array<i32>} : memref<256x128xf32, #tpu.memory_space<vmem>>, vector<1x16xf32>,
        %get3A_522 = vector.shape_cast %get3A_521 : vector<1x16xf32> to vector<16xf32>
        %add3A_523 = arith.addf %add3A_509, %get3A_516 : vector<16xf32>
        %add3A_524 = arith.addf %add3A_510, %get3A_522 : vector<16xf32>
        %swap3A_525 = arith.index_cast %scan3A_280 : i32 to index
        %swap3A_526 = arith.constant 48 : index
        %swap3A_527 = tpu.vector_load %arg9[%swap3A_525, %swap3A_526] {strides = array<i32>} : memref<64x128xf32, #tpu.memory_space<vmem>>, vector<1x16xf32>,
        %swap3A_528 = vector.shape_cast %swap3A_527 : vector<1x16xf32> to vector<16xf32>
        %swap3A_529 = vector.shape_cast %add3A_523 : vector<16xf32> to vector<1x16xf32>
        tpu.vector_store %arg9[%swap3A_525, %swap3A_526], %swap3A_529 {strides = array<i32>} : memref<64x128xf32, #tpu.memory_space<vmem>>, vector<1x16xf32>,
        %swap3A_530 = arith.index_cast %scan3A_280 : i32 to index
        %swap3A_531 = arith.constant 112 : index
        %swap3A_532 = tpu.vector_load %arg9[%swap3A_530, %swap3A_531] {strides = array<i32>} : memref<64x128xf32, #tpu.memory_space<vmem>>, vector<1x16xf32>,
        %swap3A_533 = vector.shape_cast %swap3A_532 : vector<1x16xf32> to vector<16xf32>
        %swap3A_534 = vector.shape_cast %add3A_524 : vector<16xf32> to vector<1x16xf32>
        tpu.vector_store %arg9[%swap3A_530, %swap3A_531], %swap3A_534 {strides = array<i32>} : memref<64x128xf32, #tpu.memory_space<vmem>>, vector<1x16xf32>,
      }
      %scan3A_264 = arith.constant 64 : i32
      %add3A_265 = arith.addi %select_n3A, %add3A_184 : i32
      %dma_start3A_266 = arith.constant 0 : i32
      %dma_start3A_267 = arith.constant 0 : i32
      %dma_start3A_268 = tpu.memref_slice %arg4[%add3A_265, %dma_start3A_266, %dma_start3A_267] : memref<2368x64x128xf32, #tpu.memory_space<hbm>> -> memref<1x64x128xf32, #tpu.memory_space<hbm>>
      %dma_start3A_269 = tpu.memref_squeeze %dma_start3A_268 : memref<1x64x128xf32, #tpu.memory_space<hbm>> -> memref<64x128xf32, #tpu.memory_space<hbm>>
      %dma_start3A_270 = arith.constant 0 : i32
      %dma_start3A_271 = arith.constant 0 : i32
      %dma_start3A_272 = tpu.memref_slice %arg4[%add3A_265, %dma_start3A_270, %dma_start3A_271] : memref<2368x64x128xf32, #tpu.memory_space<hbm>> -> memref<1x64x128xf32, #tpu.memory_space<hbm>>
      %dma_start3A_273 = tpu.memref_squeeze %dma_start3A_272 : memref<1x64x128xf32, #tpu.memory_space<hbm>> -> memref<64x128xf32, #tpu.memory_space<hbm>>
      tpu.enqueue_dma source(%arg9 : memref<64x128xf32, #tpu.memory_space<vmem>>) target(%dma_start3A_273 : memref<64x128xf32, #tpu.memory_space<hbm>>) target_semaphore(%arg13 : memref<!tpu.dma_semaphore, #tpu.memory_space<semaphore_mem>>)
      %add3A_274 = arith.constant 1 : i32
      %add3A_275 = arith.addi %while3A_180, %add3A_274 : i32
      %lt3A_276 = arith.cmpi slt, %add3A_275, %select_n3A_80 : i32
      %convert_element_type3A_277 = arith.extui %lt3A_276 : i1 to i32
      %cond3A_278 = arith.constant 0 : i32
      %cond3A_279 = arith.cmpi ne, %convert_element_type3A_277, %cond3A_278 : i32
      scf.if %cond3A_279 {
        %add3A_280 = arith.constant 2 : i32
        %add3A_281 = arith.addi %add3A_184, %add3A_280 : i32
        %mul3A_282 = arith.constant 64 : i32
        %mul3A_283 = arith.muli %add3A_281, %mul3A_282 : i32
        %add3A_284 = arith.constant 0 : i32
        %add3A_285 = arith.addi %add3A_284, %mul3A_283 : i32
        %dma_start3A_286 = arith.constant 0 : i32
        %dma_start3A_287 = arith.constant 0 : i32
        %dma_start3A_288 = tpu.memref_slice %arg7[%dma_start3A_286, %dma_start3A_287] : memref<256x128xf32, #tpu.memory_space<vmem>> -> memref<64x128xf32, #tpu.memory_space<vmem>>
        %dma_start3A_289 = tpu.memref_slice %arg5[%add3A_285] : memref<18944xi32, #tpu.memory_space<vmem>> -> memref<64xi32, #tpu.memory_space<vmem>>
        %dma_start3A_290 = arith.constant 0 : i32
        %dma_start3A_291 = arith.constant 0 : i32
        %dma_start3A_292 = tpu.memref_slice %arg2[%dma_start3A_290, %dma_start3A_291] : memref<250000x128xf32, #tpu.memory_space<hbm>> -> memref<250000x128xf32, #tpu.memory_space<hbm>>
        tpu.enqueue_indirect_dma source(%dma_start3A_292 : memref<250000x128xf32, #tpu.memory_space<hbm>>) target(%dma_start3A_288 : memref<64x128xf32, #tpu.memory_space<vmem>>) offsets(%dma_start3A_289 : memref<64xi32, #tpu.memory_space<vmem>>) semaphore(%arg11 : memref<!tpu.dma_semaphore, #tpu.memory_space<semaphore_mem>>)
        %mul3A_293 = arith.constant 64 : i32
        %mul3A_294 = arith.muli %add3A_281, %mul3A_293 : i32
        %add3A_295 = arith.constant 4736 : i32
        %add3A_296 = arith.addi %add3A_295, %mul3A_294 : i32
        %dma_start3A_297 = arith.constant 64 : i32
        %dma_start3A_298 = arith.constant 0 : i32
        %dma_start3A_299 = tpu.memref_slice %arg7[%dma_start3A_297, %dma_start3A_298] : memref<256x128xf32, #tpu.memory_space<vmem>> -> memref<64x128xf32, #tpu.memory_space<vmem>>
        %dma_start3A_300 = tpu.memref_slice %arg5[%add3A_296] : memref<18944xi32, #tpu.memory_space<vmem>> -> memref<64xi32, #tpu.memory_space<vmem>>
        %dma_start3A_301 = arith.constant 0 : i32
        %dma_start3A_302 = arith.constant 0 : i32
        %dma_start3A_303 = tpu.memref_slice %arg2[%dma_start3A_301, %dma_start3A_302] : memref<250000x128xf32, #tpu.memory_space<hbm>> -> memref<250000x128xf32, #tpu.memory_space<hbm>>
        tpu.enqueue_indirect_dma source(%dma_start3A_303 : memref<250000x128xf32, #tpu.memory_space<hbm>>) target(%dma_start3A_299 : memref<64x128xf32, #tpu.memory_space<vmem>>) offsets(%dma_start3A_300 : memref<64xi32, #tpu.memory_space<vmem>>) semaphore(%arg11 : memref<!tpu.dma_semaphore, #tpu.memory_space<semaphore_mem>>)
        %mul3A_304 = arith.constant 64 : i32
        %mul3A_305 = arith.muli %add3A_281, %mul3A_304 : i32
        %add3A_306 = arith.constant 9472 : i32
        %add3A_307 = arith.addi %add3A_306, %mul3A_305 : i32
        %dma_start3A_308 = arith.constant 128 : i32
        %dma_start3A_309 = arith.constant 0 : i32
        %dma_start3A_310 = tpu.memref_slice %arg7[%dma_start3A_308, %dma_start3A_309] : memref<256x128xf32, #tpu.memory_space<vmem>> -> memref<64x128xf32, #tpu.memory_space<vmem>>
        %dma_start3A_311 = tpu.memref_slice %arg5[%add3A_307] : memref<18944xi32, #tpu.memory_space<vmem>> -> memref<64xi32, #tpu.memory_space<vmem>>
        %dma_start3A_312 = arith.constant 0 : i32
        %dma_start3A_313 = arith.constant 0 : i32
        %dma_start3A_314 = tpu.memref_slice %arg2[%dma_start3A_312, %dma_start3A_313] : memref<250000x128xf32, #tpu.memory_space<hbm>> -> memref<250000x128xf32, #tpu.memory_space<hbm>>
        tpu.enqueue_indirect_dma source(%dma_start3A_314 : memref<250000x128xf32, #tpu.memory_space<hbm>>) target(%dma_start3A_310 : memref<64x128xf32, #tpu.memory_space<vmem>>) offsets(%dma_start3A_311 : memref<64xi32, #tpu.memory_space<vmem>>) semaphore(%arg11 : memref<!tpu.dma_semaphore, #tpu.memory_space<semaphore_mem>>)
        %mul3A_315 = arith.constant 64 : i32
        %mul3A_316 = arith.muli %add3A_281, %mul3A_315 : i32
        %add3A_317 = arith.constant 14208 : i32
        %add3A_318 = arith.addi %add3A_317, %mul3A_316 : i32
        %dma_start3A_319 = arith.constant 192 : i32
        %dma_start3A_320 = arith.constant 0 : i32
        %dma_start3A_321 = tpu.memref_slice %arg7[%dma_start3A_319, %dma_start3A_320] : memref<256x128xf32, #tpu.memory_space<vmem>> -> memref<64x128xf32, #tpu.memory_space<vmem>>
        %dma_start3A_322 = tpu.memref_slice %arg5[%add3A_318] : memref<18944xi32, #tpu.memory_space<vmem>> -> memref<64xi32, #tpu.memory_space<vmem>>
        %dma_start3A_323 = arith.constant 0 : i32
        %dma_start3A_324 = arith.constant 0 : i32
        %dma_start3A_325 = tpu.memref_slice %arg2[%dma_start3A_323, %dma_start3A_324] : memref<250000x128xf32, #tpu.memory_space<hbm>> -> memref<250000x128xf32, #tpu.memory_space<hbm>>
        tpu.enqueue_indirect_dma source(%dma_start3A_325 : memref<250000x128xf32, #tpu.memory_space<hbm>>) target(%dma_start3A_321 : memref<64x128xf32, #tpu.memory_space<vmem>>) offsets(%dma_start3A_322 : memref<64xi32, #tpu.memory_space<vmem>>) semaphore(%arg11 : memref<!tpu.dma_semaphore, #tpu.memory_space<semaphore_mem>>)
      } else {
      }
    }
    %dma_wait3A = arith.constant 0 : i32
    %dma_wait3A_169 = arith.constant 0 : i32
    %dma_wait3A_170 = tpu.memref_slice %arg2[%dma_wait3A, %dma_wait3A_169] : memref<250000x128xf32, #tpu.memory_space<hbm>> -> memref<64x128xf32, #tpu.memory_space<hbm>>
    %dma_wait3A_171 = arith.constant 0 : i32
    %dma_wait3A_172 = arith.constant 0 : i32
    %dma_wait3A_173 = tpu.memref_slice %arg2[%dma_wait3A_171, %dma_wait3A_172] : memref<250000x128xf32, #tpu.memory_space<hbm>> -> memref<64x128xf32, #tpu.memory_space<hbm>>
    tpu.wait_dma2 semaphore(%arg12 : memref<!tpu.dma_semaphore, #tpu.memory_space<semaphore_mem>>) src(%dma_wait3A_173 : memref<64x128xf32, #tpu.memory_space<hbm>>) dst(%arg8 : memref<64x128xf32, #tpu.memory_space<vmem>>)
    %dma_wait3A_174 = arith.constant 0 : i32
    %dma_wait3A_175 = arith.constant 0 : i32
    %dma_wait3A_176 = tpu.memref_slice %arg2[%dma_wait3A_174, %dma_wait3A_175] : memref<250000x128xf32, #tpu.memory_space<hbm>> -> memref<64x128xf32, #tpu.memory_space<hbm>>
    %dma_wait3A_177 = arith.constant 0 : i32
    %dma_wait3A_178 = arith.constant 0 : i32
    %dma_wait3A_179 = tpu.memref_slice %arg2[%dma_wait3A_177, %dma_wait3A_178] : memref<250000x128xf32, #tpu.memory_space<hbm>> -> memref<64x128xf32, #tpu.memory_space<hbm>>
    tpu.wait_dma2 semaphore(%arg13 : memref<!tpu.dma_semaphore, #tpu.memory_space<semaphore_mem>>) src(%dma_wait3A_179 : memref<64x128xf32, #tpu.memory_space<hbm>>) dst(%arg8 : memref<64x128xf32, #tpu.memory_space<vmem>>)
    return
  }
}

#map = affine_map<(d0, d1) -> (0, 0)>
#map1 = affine_map<(d0, d1) -> (0)>
#map2 = affine_map<(d0, d1) -> (0, 0, 0)>
module attributes {stable_mosaic.version = 14 : i64} {
  func.func @_sc_gather_body(%arg0: i32, %arg1: i32, %arg2: memref<250000x128xf32, #tpu.memory_space<hbm>>, %arg3: memref<211200xi32, #tpu.memory_space<hbm>>, %arg4: memref<1600x64x128xf32, #tpu.memory_space<hbm>>, %arg5: memref<6400xi32, #tpu.memory_space<vmem>>, %arg6: memref<128x128xf32, #tpu.memory_space<vmem>>, %arg7: memref<128x128xf32, #tpu.memory_space<vmem>>, %arg8: memref<64x128xf32, #tpu.memory_space<vmem>>, %arg9: memref<64x128xf32, #tpu.memory_space<vmem>>, %arg10: memref<!tpu.dma_semaphore, #tpu.memory_space<semaphore_mem>>, %arg11: memref<!tpu.dma_semaphore, #tpu.memory_space<semaphore_mem>>, %arg12: memref<!tpu.dma_semaphore, #tpu.memory_space<semaphore_mem>>, %arg13: memref<!tpu.dma_semaphore, #tpu.memory_space<semaphore_mem>>) attributes {dimension_semantics = [#tpu.dimension_semantics<core_parallel>, #tpu.dimension_semantics<subcore_parallel>], iteration_bounds = array<i64: 2, 16>, scalar_prefetch = 0 : i64, scratch_operands = 9 : i64, tpu.core_type = #tpu.core_type<sc_vector_subcore>, window_params = [{transform_indices = #map}, {transform_indices = #map1}, {transform_indices = #map2}]} {
    %sub3A = arith.constant 1 : i32
    %sub3A_0 = arith.subi %sub3A, %arg0 : i32
    %mul3A = arith.constant 1 : i32
    %mul3A_1 = arith.muli %mul3A, %arg1 : i32
    %mul3A_2 = arith.muli %sub3A_0, %mul3A_1 : i32
    %mul3A_3 = arith.constant 1 : i32
    %mul3A_4 = arith.muli %mul3A_3, %arg1 : i32
    %add3A = arith.constant 16 : i32
    %add3A_5 = arith.addi %add3A, %mul3A_4 : i32
    %mul3A_6 = arith.muli %arg0, %add3A_5 : i32
    %add3A_7 = arith.addi %mul3A_2, %mul3A_6 : i32
    %mul3A_8 = arith.constant 0 : i32
    %mul3A_9 = arith.muli %mul3A_8, %arg0 : i32
    %sub3A_10 = arith.constant 1 : i32
    %sub3A_11 = arith.subi %sub3A_10, %mul3A_9 : i32
    %mul3A_12 = arith.constant 1600 : i32
    %mul3A_13 = arith.muli %mul3A_12, %add3A_7 : i32
    %jit3A = arith.constant 32 : i32
    %div3A = arith.divsi %mul3A_13, %jit3A : i32
    %sign3A = arith.constant 0 : i32
    %sign3A_14 = arith.cmpi sgt, %mul3A_13, %sign3A : i32
    %sign3A_15 = arith.extui %sign3A_14 : i1 to i32
    %sign3A_16 = arith.constant 0 : i32
    %sign3A_17 = arith.cmpi slt, %mul3A_13, %sign3A_16 : i32
    %sign3A_18 = arith.extui %sign3A_17 : i1 to i32
    %sign3A_19 = arith.subi %sign3A_15, %sign3A_18 : i32
    %sign3A_20 = arith.constant 0 : i32
    %sign3A_21 = arith.cmpi sgt, %jit3A, %sign3A_20 : i32
    %sign3A_22 = arith.extui %sign3A_21 : i1 to i32
    %sign3A_23 = arith.constant 0 : i32
    %sign3A_24 = arith.cmpi slt, %jit3A, %sign3A_23 : i32
    %sign3A_25 = arith.extui %sign3A_24 : i1 to i32
    %sign3A_26 = arith.subi %sign3A_22, %sign3A_25 : i32
    %ne3A = arith.cmpi ne, %sign3A_19, %sign3A_26 : i32
    %rem3A = arith.remsi %mul3A_13, %jit3A : i32
    %ne3A_27 = arith.constant 0 : i32
    %ne3A_28 = arith.cmpi ne, %rem3A, %ne3A_27 : i32
    %and3A = arith.andi %ne3A, %ne3A_28 : i1
    %sub3A_29 = arith.constant 1 : i32
    %sub3A_30 = arith.subi %div3A, %sub3A_29 : i32
    %select_n3A = arith.select %and3A, %sub3A_30, %div3A : i32
    %mul3A_31 = arith.constant 1600 : i32
    %mul3A_32 = arith.muli %mul3A_31, %sub3A_11 : i32
    %jit3A_33 = arith.constant 32 : i32
    %div3A_34 = arith.divsi %mul3A_32, %jit3A_33 : i32
    %sign3A_35 = arith.constant 0 : i32
    %sign3A_36 = arith.cmpi sgt, %mul3A_32, %sign3A_35 : i32
    %sign3A_37 = arith.extui %sign3A_36 : i1 to i32
    %sign3A_38 = arith.constant 0 : i32
    %sign3A_39 = arith.cmpi slt, %mul3A_32, %sign3A_38 : i32
    %sign3A_40 = arith.extui %sign3A_39 : i1 to i32
    %sign3A_41 = arith.subi %sign3A_37, %sign3A_40 : i32
    %sign3A_42 = arith.constant 0 : i32
    %sign3A_43 = arith.cmpi sgt, %jit3A_33, %sign3A_42 : i32
    %sign3A_44 = arith.extui %sign3A_43 : i1 to i32
    %sign3A_45 = arith.constant 0 : i32
    %sign3A_46 = arith.cmpi slt, %jit3A_33, %sign3A_45 : i32
    %sign3A_47 = arith.extui %sign3A_46 : i1 to i32
    %sign3A_48 = arith.subi %sign3A_44, %sign3A_47 : i32
    %ne3A_49 = arith.cmpi ne, %sign3A_41, %sign3A_48 : i32
    %rem3A_50 = arith.remsi %mul3A_32, %jit3A_33 : i32
    %ne3A_51 = arith.constant 0 : i32
    %ne3A_52 = arith.cmpi ne, %rem3A_50, %ne3A_51 : i32
    %and3A_53 = arith.andi %ne3A_49, %ne3A_52 : i1
    %sub3A_54 = arith.constant 1 : i32
    %sub3A_55 = arith.subi %div3A_34, %sub3A_54 : i32
    %select_n3A_56 = arith.select %and3A_53, %sub3A_55, %div3A_34 : i32
    %jit3A_57 = arith.constant 2 : i32
    %div3A_58 = arith.divsi %select_n3A_56, %jit3A_57 : i32
    %sign3A_59 = arith.constant 0 : i32
    %sign3A_60 = arith.cmpi sgt, %select_n3A_56, %sign3A_59 : i32
    %sign3A_61 = arith.extui %sign3A_60 : i1 to i32
    %sign3A_62 = arith.constant 0 : i32
    %sign3A_63 = arith.cmpi slt, %select_n3A_56, %sign3A_62 : i32
    %sign3A_64 = arith.extui %sign3A_63 : i1 to i32
    %sign3A_65 = arith.subi %sign3A_61, %sign3A_64 : i32
    %sign3A_66 = arith.constant 0 : i32
    %sign3A_67 = arith.cmpi sgt, %jit3A_57, %sign3A_66 : i32
    %sign3A_68 = arith.extui %sign3A_67 : i1 to i32
    %sign3A_69 = arith.constant 0 : i32
    %sign3A_70 = arith.cmpi slt, %jit3A_57, %sign3A_69 : i32
    %sign3A_71 = arith.extui %sign3A_70 : i1 to i32
    %sign3A_72 = arith.subi %sign3A_68, %sign3A_71 : i32
    %ne3A_73 = arith.cmpi ne, %sign3A_65, %sign3A_72 : i32
    %rem3A_74 = arith.remsi %select_n3A_56, %jit3A_57 : i32
    %ne3A_75 = arith.constant 0 : i32
    %ne3A_76 = arith.cmpi ne, %rem3A_74, %ne3A_75 : i32
    %and3A_77 = arith.andi %ne3A_73, %ne3A_76 : i1
    %sub3A_78 = arith.constant 1 : i32
    %sub3A_79 = arith.subi %div3A_58, %sub3A_78 : i32
    %select_n3A_80 = arith.select %and3A_77, %sub3A_79, %div3A_58 : i32
    %mul3A_81 = arith.constant 64 : i32
    %mul3A_82 = arith.muli %select_n3A, %mul3A_81 : i32
    %add3A_83 = arith.constant 0 : i32
    %add3A_84 = arith.addi %add3A_83, %mul3A_82 : i32
    "tpu.region"() ({
      %run_scoped3A = tpu.sem_alloc : memref<!tpu.dma_semaphore, #tpu.memory_space<semaphore_mem>>
      %dma_start3A_140 = arith.constant 0 : i32
      %dma_start3A_141 = tpu.memref_slice %arg5[%dma_start3A_140] : memref<6400xi32, #tpu.memory_space<vmem>> -> memref<3200xi32, #tpu.memory_space<vmem>>
      %dma_start3A_142 = tpu.memref_slice %arg3[%add3A_84] : memref<211200xi32, #tpu.memory_space<hbm>> -> memref<3200xi32, #tpu.memory_space<hbm>>
      %dma_start3A_143 = arith.constant 0 : i32
      %dma_start3A_144 = tpu.memref_slice %arg5[%dma_start3A_143] : memref<6400xi32, #tpu.memory_space<vmem>> -> memref<3200xi32, #tpu.memory_space<vmem>>
      %dma_start3A_145 = tpu.memref_slice %arg3[%add3A_84] : memref<211200xi32, #tpu.memory_space<hbm>> -> memref<3200xi32, #tpu.memory_space<hbm>>
      tpu.enqueue_dma source(%dma_start3A_145 : memref<3200xi32, #tpu.memory_space<hbm>>) target(%dma_start3A_144 : memref<3200xi32, #tpu.memory_space<vmem>>) target_semaphore(%run_scoped3A : memref<!tpu.dma_semaphore, #tpu.memory_space<semaphore_mem>>)
      %dma_wait3A_146 = arith.constant 0 : i32
      %dma_wait3A_147 = tpu.memref_slice %arg5[%dma_wait3A_146] : memref<6400xi32, #tpu.memory_space<vmem>> -> memref<3200xi32, #tpu.memory_space<vmem>>
      %dma_wait3A_148 = tpu.memref_slice %arg3[%add3A_84] : memref<211200xi32, #tpu.memory_space<hbm>> -> memref<3200xi32, #tpu.memory_space<hbm>>
      %dma_wait3A_149 = arith.constant 0 : i32
      %dma_wait3A_150 = tpu.memref_slice %arg5[%dma_wait3A_149] : memref<6400xi32, #tpu.memory_space<vmem>> -> memref<3200xi32, #tpu.memory_space<vmem>>
      %dma_wait3A_151 = tpu.memref_slice %arg3[%add3A_84] : memref<211200xi32, #tpu.memory_space<hbm>> -> memref<3200xi32, #tpu.memory_space<hbm>>
      tpu.wait_dma2 semaphore(%run_scoped3A : memref<!tpu.dma_semaphore, #tpu.memory_space<semaphore_mem>>) src(%dma_wait3A_151 : memref<3200xi32, #tpu.memory_space<hbm>>) dst(%dma_wait3A_150 : memref<3200xi32, #tpu.memory_space<vmem>>)
      tpu.yield
    }) : () -> ()
    %mul3A_85 = arith.constant 64 : i32
    %mul3A_86 = arith.muli %select_n3A, %mul3A_85 : i32
    %add3A_87 = arith.constant 105600 : i32
    %add3A_88 = arith.addi %add3A_87, %mul3A_86 : i32
    "tpu.region"() ({
      %run_scoped3A = tpu.sem_alloc : memref<!tpu.dma_semaphore, #tpu.memory_space<semaphore_mem>>
      %dma_start3A_140 = arith.constant 3200 : i32
      %dma_start3A_141 = tpu.memref_slice %arg5[%dma_start3A_140] : memref<6400xi32, #tpu.memory_space<vmem>> -> memref<3200xi32, #tpu.memory_space<vmem>>
      %dma_start3A_142 = tpu.memref_slice %arg3[%add3A_88] : memref<211200xi32, #tpu.memory_space<hbm>> -> memref<3200xi32, #tpu.memory_space<hbm>>
      %dma_start3A_143 = arith.constant 3200 : i32
      %dma_start3A_144 = tpu.memref_slice %arg5[%dma_start3A_143] : memref<6400xi32, #tpu.memory_space<vmem>> -> memref<3200xi32, #tpu.memory_space<vmem>>
      %dma_start3A_145 = tpu.memref_slice %arg3[%add3A_88] : memref<211200xi32, #tpu.memory_space<hbm>> -> memref<3200xi32, #tpu.memory_space<hbm>>
      tpu.enqueue_dma source(%dma_start3A_145 : memref<3200xi32, #tpu.memory_space<hbm>>) target(%dma_start3A_144 : memref<3200xi32, #tpu.memory_space<vmem>>) target_semaphore(%run_scoped3A : memref<!tpu.dma_semaphore, #tpu.memory_space<semaphore_mem>>)
      %dma_wait3A_146 = arith.constant 3200 : i32
      %dma_wait3A_147 = tpu.memref_slice %arg5[%dma_wait3A_146] : memref<6400xi32, #tpu.memory_space<vmem>> -> memref<3200xi32, #tpu.memory_space<vmem>>
      %dma_wait3A_148 = tpu.memref_slice %arg3[%add3A_88] : memref<211200xi32, #tpu.memory_space<hbm>> -> memref<3200xi32, #tpu.memory_space<hbm>>
      %dma_wait3A_149 = arith.constant 3200 : i32
      %dma_wait3A_150 = tpu.memref_slice %arg5[%dma_wait3A_149] : memref<6400xi32, #tpu.memory_space<vmem>> -> memref<3200xi32, #tpu.memory_space<vmem>>
      %dma_wait3A_151 = tpu.memref_slice %arg3[%add3A_88] : memref<211200xi32, #tpu.memory_space<hbm>> -> memref<3200xi32, #tpu.memory_space<hbm>>
      tpu.wait_dma2 semaphore(%run_scoped3A : memref<!tpu.dma_semaphore, #tpu.memory_space<semaphore_mem>>) src(%dma_wait3A_151 : memref<3200xi32, #tpu.memory_space<hbm>>) dst(%dma_wait3A_150 : memref<3200xi32, #tpu.memory_space<vmem>>)
      tpu.yield
    }) : () -> ()
    %dma_start3A = arith.constant 0 : i32
    %dma_start3A_89 = arith.constant 0 : i32
    %dma_start3A_90 = tpu.memref_slice %arg6[%dma_start3A, %dma_start3A_89] : memref<128x128xf32, #tpu.memory_space<vmem>> -> memref<64x128xf32, #tpu.memory_space<vmem>>
    %dma_start3A_91 = arith.constant 0 : i32
    %dma_start3A_92 = tpu.memref_slice %arg5[%dma_start3A_91] : memref<6400xi32, #tpu.memory_space<vmem>> -> memref<64xi32, #tpu.memory_space<vmem>>
    %dma_start3A_93 = arith.constant 0 : i32
    %dma_start3A_94 = arith.constant 0 : i32
    %dma_start3A_95 = tpu.memref_slice %arg2[%dma_start3A_93, %dma_start3A_94] : memref<250000x128xf32, #tpu.memory_space<hbm>> -> memref<250000x128xf32, #tpu.memory_space<hbm>>
    tpu.enqueue_indirect_dma source(%dma_start3A_95 : memref<250000x128xf32, #tpu.memory_space<hbm>>) target(%dma_start3A_90 : memref<64x128xf32, #tpu.memory_space<vmem>>) offsets(%dma_start3A_92 : memref<64xi32, #tpu.memory_space<vmem>>) semaphore(%arg10 : memref<!tpu.dma_semaphore, #tpu.memory_space<semaphore_mem>>)
    %dma_start3A_96 = arith.constant 64 : i32
    %dma_start3A_97 = arith.constant 0 : i32
    %dma_start3A_98 = tpu.memref_slice %arg6[%dma_start3A_96, %dma_start3A_97] : memref<128x128xf32, #tpu.memory_space<vmem>> -> memref<64x128xf32, #tpu.memory_space<vmem>>
    %dma_start3A_99 = arith.constant 3200 : i32
    %dma_start3A_100 = tpu.memref_slice %arg5[%dma_start3A_99] : memref<6400xi32, #tpu.memory_space<vmem>> -> memref<64xi32, #tpu.memory_space<vmem>>
    %dma_start3A_101 = arith.constant 0 : i32
    %dma_start3A_102 = arith.constant 0 : i32
    %dma_start3A_103 = tpu.memref_slice %arg2[%dma_start3A_101, %dma_start3A_102] : memref<250000x128xf32, #tpu.memory_space<hbm>> -> memref<250000x128xf32, #tpu.memory_space<hbm>>
    tpu.enqueue_indirect_dma source(%dma_start3A_103 : memref<250000x128xf32, #tpu.memory_space<hbm>>) target(%dma_start3A_98 : memref<64x128xf32, #tpu.memory_space<vmem>>) offsets(%dma_start3A_100 : memref<64xi32, #tpu.memory_space<vmem>>) semaphore(%arg10 : memref<!tpu.dma_semaphore, #tpu.memory_space<semaphore_mem>>)
    %dma_start3A_104 = arith.constant 0 : i32
    %dma_start3A_105 = arith.constant 0 : i32
    %dma_start3A_106 = tpu.memref_slice %arg7[%dma_start3A_104, %dma_start3A_105] : memref<128x128xf32, #tpu.memory_space<vmem>> -> memref<64x128xf32, #tpu.memory_space<vmem>>
    %dma_start3A_107 = arith.constant 64 : i32
    %dma_start3A_108 = tpu.memref_slice %arg5[%dma_start3A_107] : memref<6400xi32, #tpu.memory_space<vmem>> -> memref<64xi32, #tpu.memory_space<vmem>>
    %dma_start3A_109 = arith.constant 0 : i32
    %dma_start3A_110 = arith.constant 0 : i32
    %dma_start3A_111 = tpu.memref_slice %arg2[%dma_start3A_109, %dma_start3A_110] : memref<250000x128xf32, #tpu.memory_space<hbm>> -> memref<250000x128xf32, #tpu.memory_space<hbm>>
    tpu.enqueue_indirect_dma source(%dma_start3A_111 : memref<250000x128xf32, #tpu.memory_space<hbm>>) target(%dma_start3A_106 : memref<64x128xf32, #tpu.memory_space<vmem>>) offsets(%dma_start3A_108 : memref<64xi32, #tpu.memory_space<vmem>>) semaphore(%arg11 : memref<!tpu.dma_semaphore, #tpu.memory_space<semaphore_mem>>)
    %dma_start3A_112 = arith.constant 64 : i32
    %dma_start3A_113 = arith.constant 0 : i32
    %dma_start3A_114 = tpu.memref_slice %arg7[%dma_start3A_112, %dma_start3A_113] : memref<128x128xf32, #tpu.memory_space<vmem>> -> memref<64x128xf32, #tpu.memory_space<vmem>>
    %dma_start3A_115 = arith.constant 3264 : i32
    %dma_start3A_116 = tpu.memref_slice %arg5[%dma_start3A_115] : memref<6400xi32, #tpu.memory_space<vmem>> -> memref<64xi32, #tpu.memory_space<vmem>>
    %dma_start3A_117 = arith.constant 0 : i32
    %dma_start3A_118 = arith.constant 0 : i32
    %dma_start3A_119 = tpu.memref_slice %arg2[%dma_start3A_117, %dma_start3A_118] : memref<250000x128xf32, #tpu.memory_space<hbm>> -> memref<250000x128xf32, #tpu.memory_space<hbm>>
    tpu.enqueue_indirect_dma source(%dma_start3A_119 : memref<250000x128xf32, #tpu.memory_space<hbm>>) target(%dma_start3A_114 : memref<64x128xf32, #tpu.memory_space<vmem>>) offsets(%dma_start3A_116 : memref<64xi32, #tpu.memory_space<vmem>>) semaphore(%arg11 : memref<!tpu.dma_semaphore, #tpu.memory_space<semaphore_mem>>)
    %while3A = arith.constant 0 : i32
    %while3A_120 = arith.constant 0 : i32
    %while3A_121 = arith.subi %select_n3A_80, %while3A_120 : i32
    %while3A_122 = arith.addi %while3A_120, %while3A_121 : i32
    %while3A_123 = arith.constant 1 : i32
    %while3A_124 = arith.divsi %while3A_121, %while3A_123 : i32
    %while3A_125 = arith.muli %while3A_124, %while3A_123 : i32
    %while3A_126 = arith.addi %while3A_120, %while3A_125 : i32
    %while3A_127 = arith.constant 1 : i32
    scf.for %while3A_140 = %while3A_120 to %while3A_126 step %while3A_127  : i32 {
      %mul3A_141 = arith.constant 2 : i32
      %mul3A_142 = arith.muli %mul3A_141, %while3A_140 : i32
      %add3A_143 = arith.constant 1 : i32
      %add3A_144 = arith.addi %mul3A_142, %add3A_143 : i32
      %dma_wait3A_145 = arith.constant 0 : i32
      %dma_wait3A_146 = arith.constant 0 : i32
      %dma_wait3A_147 = tpu.memref_slice %arg2[%dma_wait3A_145, %dma_wait3A_146] : memref<250000x128xf32, #tpu.memory_space<hbm>> -> memref<64x128xf32, #tpu.memory_space<hbm>>
      %dma_wait3A_148 = arith.constant 0 : i32
      %dma_wait3A_149 = arith.constant 0 : i32
      %dma_wait3A_150 = tpu.memref_slice %arg2[%dma_wait3A_148, %dma_wait3A_149] : memref<250000x128xf32, #tpu.memory_space<hbm>> -> memref<64x128xf32, #tpu.memory_space<hbm>>
      tpu.wait_dma2 semaphore(%arg10 : memref<!tpu.dma_semaphore, #tpu.memory_space<semaphore_mem>>) src(%dma_wait3A_150 : memref<64x128xf32, #tpu.memory_space<hbm>>) dst(%arg8 : memref<64x128xf32, #tpu.memory_space<vmem>>)
      %dma_wait3A_151 = arith.constant 0 : i32
      %dma_wait3A_152 = arith.constant 0 : i32
      %dma_wait3A_153 = tpu.memref_slice %arg2[%dma_wait3A_151, %dma_wait3A_152] : memref<250000x128xf32, #tpu.memory_space<hbm>> -> memref<64x128xf32, #tpu.memory_space<hbm>>
      %dma_wait3A_154 = arith.constant 0 : i32
      %dma_wait3A_155 = arith.constant 0 : i32
      %dma_wait3A_156 = tpu.memref_slice %arg2[%dma_wait3A_154, %dma_wait3A_155] : memref<250000x128xf32, #tpu.memory_space<hbm>> -> memref<64x128xf32, #tpu.memory_space<hbm>>
      tpu.wait_dma2 semaphore(%arg10 : memref<!tpu.dma_semaphore, #tpu.memory_space<semaphore_mem>>) src(%dma_wait3A_156 : memref<64x128xf32, #tpu.memory_space<hbm>>) dst(%arg8 : memref<64x128xf32, #tpu.memory_space<vmem>>)
      %gt3A = arith.constant 0 : i32
      %gt3A_157 = arith.cmpi sgt, %while3A_140, %gt3A : i32
      %convert_element_type3A = arith.extui %gt3A_157 : i1 to i32
      %cond3A = arith.constant 0 : i32
      %cond3A_158 = arith.cmpi ne, %convert_element_type3A, %cond3A : i32
      scf.if %cond3A_158 {
        %dma_wait3A_216 = arith.constant 0 : i32
        %dma_wait3A_217 = arith.constant 0 : i32
        %dma_wait3A_218 = tpu.memref_slice %arg2[%dma_wait3A_216, %dma_wait3A_217] : memref<250000x128xf32, #tpu.memory_space<hbm>> -> memref<64x128xf32, #tpu.memory_space<hbm>>
        %dma_wait3A_219 = arith.constant 0 : i32
        %dma_wait3A_220 = arith.constant 0 : i32
        %dma_wait3A_221 = tpu.memref_slice %arg2[%dma_wait3A_219, %dma_wait3A_220] : memref<250000x128xf32, #tpu.memory_space<hbm>> -> memref<64x128xf32, #tpu.memory_space<hbm>>
        tpu.wait_dma2 semaphore(%arg12 : memref<!tpu.dma_semaphore, #tpu.memory_space<semaphore_mem>>) src(%dma_wait3A_221 : memref<64x128xf32, #tpu.memory_space<hbm>>) dst(%arg8 : memref<64x128xf32, #tpu.memory_space<vmem>>)
      } else {
      }
      %scan3A = arith.constant 0 : i32
      %scan3A_159 = arith.constant 0 : i32
      %scan3A_160 = arith.constant 64 : i32
      %scan3A_161 = arith.addi %scan3A_159, %scan3A_160 : i32
      %scan3A_162 = arith.constant 1 : i32
      scf.for %scan3A_216 = %scan3A_159 to %scan3A_161 step %scan3A_162  : i32 {
        %add3A_217 = arith.constant 0 : i32
        %add3A_218 = arith.addi %add3A_217, %scan3A_216 : i32
        %get3A = arith.index_cast %add3A_218 : i32 to index
        %get3A_219 = arith.constant 0 : index
        %get3A_220 = tpu.vector_load %arg6[%get3A, %get3A_219] {strides = array<i32>} : memref<128x128xf32, #tpu.memory_space<vmem>>, vector<1x16xf32>,
        %get3A_221 = vector.shape_cast %get3A_220 : vector<1x16xf32> to vector<16xf32>
        %add3A_222 = arith.constant 0 : i32
        %add3A_223 = arith.addi %add3A_222, %scan3A_216 : i32
        %get3A_224 = arith.index_cast %add3A_223 : i32 to index
        %get3A_225 = arith.constant 64 : index
        %get3A_226 = tpu.vector_load %arg6[%get3A_224, %get3A_225] {strides = array<i32>} : memref<128x128xf32, #tpu.memory_space<vmem>>, vector<1x16xf32>,
        %get3A_227 = vector.shape_cast %get3A_226 : vector<1x16xf32> to vector<16xf32>
        %add3A_228 = arith.constant 64 : i32
        %add3A_229 = arith.addi %add3A_228, %scan3A_216 : i32
        %get3A_230 = arith.index_cast %add3A_229 : i32 to index
        %get3A_231 = arith.constant 64 : index
        %get3A_232 = tpu.vector_load %arg6[%get3A_230, %get3A_231] {strides = array<i32>} : memref<128x128xf32, #tpu.memory_space<vmem>>, vector<1x16xf32>,
        %get3A_233 = vector.shape_cast %get3A_232 : vector<1x16xf32> to vector<16xf32>
        %add3A_234 = arith.constant 64 : i32
        %add3A_235 = arith.addi %add3A_234, %scan3A_216 : i32
        %get3A_236 = arith.index_cast %add3A_235 : i32 to index
        %get3A_237 = arith.constant 0 : index
        %get3A_238 = tpu.vector_load %arg6[%get3A_236, %get3A_237] {strides = array<i32>} : memref<128x128xf32, #tpu.memory_space<vmem>>, vector<1x16xf32>,
        %get3A_239 = vector.shape_cast %get3A_238 : vector<1x16xf32> to vector<16xf32>
        %add3A_240 = arith.addf %get3A_221, %get3A_233 : vector<16xf32>
        %add3A_241 = arith.addf %get3A_227, %get3A_239 : vector<16xf32>
        %swap3A = arith.index_cast %scan3A_216 : i32 to index
        %swap3A_242 = arith.constant 0 : index
        %swap3A_243 = tpu.vector_load %arg8[%swap3A, %swap3A_242] {strides = array<i32>} : memref<64x128xf32, #tpu.memory_space<vmem>>, vector<1x16xf32>,
        %swap3A_244 = vector.shape_cast %swap3A_243 : vector<1x16xf32> to vector<16xf32>
        %swap3A_245 = vector.shape_cast %add3A_240 : vector<16xf32> to vector<1x16xf32>
        tpu.vector_store %arg8[%swap3A, %swap3A_242], %swap3A_245 {strides = array<i32>} : memref<64x128xf32, #tpu.memory_space<vmem>>, vector<1x16xf32>,
        %swap3A_246 = arith.index_cast %scan3A_216 : i32 to index
        %swap3A_247 = arith.constant 64 : index
        %swap3A_248 = tpu.vector_load %arg8[%swap3A_246, %swap3A_247] {strides = array<i32>} : memref<64x128xf32, #tpu.memory_space<vmem>>, vector<1x16xf32>,
        %swap3A_249 = vector.shape_cast %swap3A_248 : vector<1x16xf32> to vector<16xf32>
        %swap3A_250 = vector.shape_cast %add3A_241 : vector<16xf32> to vector<1x16xf32>
        tpu.vector_store %arg8[%swap3A_246, %swap3A_247], %swap3A_250 {strides = array<i32>} : memref<64x128xf32, #tpu.memory_space<vmem>>, vector<1x16xf32>,
        %add3A_251 = arith.constant 0 : i32
        %add3A_252 = arith.addi %add3A_251, %scan3A_216 : i32
        %get3A_253 = arith.index_cast %add3A_252 : i32 to index
        %get3A_254 = arith.constant 16 : index
        %get3A_255 = tpu.vector_load %arg6[%get3A_253, %get3A_254] {strides = array<i32>} : memref<128x128xf32, #tpu.memory_space<vmem>>, vector<1x16xf32>,
        %get3A_256 = vector.shape_cast %get3A_255 : vector<1x16xf32> to vector<16xf32>
        %add3A_257 = arith.constant 0 : i32
        %add3A_258 = arith.addi %add3A_257, %scan3A_216 : i32
        %get3A_259 = arith.index_cast %add3A_258 : i32 to index
        %get3A_260 = arith.constant 80 : index
        %get3A_261 = tpu.vector_load %arg6[%get3A_259, %get3A_260] {strides = array<i32>} : memref<128x128xf32, #tpu.memory_space<vmem>>, vector<1x16xf32>,
        %get3A_262 = vector.shape_cast %get3A_261 : vector<1x16xf32> to vector<16xf32>
        %add3A_263 = arith.constant 64 : i32
        %add3A_264 = arith.addi %add3A_263, %scan3A_216 : i32
        %get3A_265 = arith.index_cast %add3A_264 : i32 to index
        %get3A_266 = arith.constant 80 : index
        %get3A_267 = tpu.vector_load %arg6[%get3A_265, %get3A_266] {strides = array<i32>} : memref<128x128xf32, #tpu.memory_space<vmem>>, vector<1x16xf32>,
        %get3A_268 = vector.shape_cast %get3A_267 : vector<1x16xf32> to vector<16xf32>
        %add3A_269 = arith.constant 64 : i32
        %add3A_270 = arith.addi %add3A_269, %scan3A_216 : i32
        %get3A_271 = arith.index_cast %add3A_270 : i32 to index
        %get3A_272 = arith.constant 16 : index
        %get3A_273 = tpu.vector_load %arg6[%get3A_271, %get3A_272] {strides = array<i32>} : memref<128x128xf32, #tpu.memory_space<vmem>>, vector<1x16xf32>,
        %get3A_274 = vector.shape_cast %get3A_273 : vector<1x16xf32> to vector<16xf32>
        %add3A_275 = arith.addf %get3A_256, %get3A_268 : vector<16xf32>
        %add3A_276 = arith.addf %get3A_262, %get3A_274 : vector<16xf32>
        %swap3A_277 = arith.index_cast %scan3A_216 : i32 to index
        %swap3A_278 = arith.constant 16 : index
        %swap3A_279 = tpu.vector_load %arg8[%swap3A_277, %swap3A_278] {strides = array<i32>} : memref<64x128xf32, #tpu.memory_space<vmem>>, vector<1x16xf32>,
        %swap3A_280 = vector.shape_cast %swap3A_279 : vector<1x16xf32> to vector<16xf32>
        %swap3A_281 = vector.shape_cast %add3A_275 : vector<16xf32> to vector<1x16xf32>
        tpu.vector_store %arg8[%swap3A_277, %swap3A_278], %swap3A_281 {strides = array<i32>} : memref<64x128xf32, #tpu.memory_space<vmem>>, vector<1x16xf32>,
        %swap3A_282 = arith.index_cast %scan3A_216 : i32 to index
        %swap3A_283 = arith.constant 80 : index
        %swap3A_284 = tpu.vector_load %arg8[%swap3A_282, %swap3A_283] {strides = array<i32>} : memref<64x128xf32, #tpu.memory_space<vmem>>, vector<1x16xf32>,
        %swap3A_285 = vector.shape_cast %swap3A_284 : vector<1x16xf32> to vector<16xf32>
        %swap3A_286 = vector.shape_cast %add3A_276 : vector<16xf32> to vector<1x16xf32>
        tpu.vector_store %arg8[%swap3A_282, %swap3A_283], %swap3A_286 {strides = array<i32>} : memref<64x128xf32, #tpu.memory_space<vmem>>, vector<1x16xf32>,
        %add3A_287 = arith.constant 0 : i32
        %add3A_288 = arith.addi %add3A_287, %scan3A_216 : i32
        %get3A_289 = arith.index_cast %add3A_288 : i32 to index
        %get3A_290 = arith.constant 32 : index
        %get3A_291 = tpu.vector_load %arg6[%get3A_289, %get3A_290] {strides = array<i32>} : memref<128x128xf32, #tpu.memory_space<vmem>>, vector<1x16xf32>,
        %get3A_292 = vector.shape_cast %get3A_291 : vector<1x16xf32> to vector<16xf32>
        %add3A_293 = arith.constant 0 : i32
        %add3A_294 = arith.addi %add3A_293, %scan3A_216 : i32
        %get3A_295 = arith.index_cast %add3A_294 : i32 to index
        %get3A_296 = arith.constant 96 : index
        %get3A_297 = tpu.vector_load %arg6[%get3A_295, %get3A_296] {strides = array<i32>} : memref<128x128xf32, #tpu.memory_space<vmem>>, vector<1x16xf32>,
        %get3A_298 = vector.shape_cast %get3A_297 : vector<1x16xf32> to vector<16xf32>
        %add3A_299 = arith.constant 64 : i32
        %add3A_300 = arith.addi %add3A_299, %scan3A_216 : i32
        %get3A_301 = arith.index_cast %add3A_300 : i32 to index
        %get3A_302 = arith.constant 96 : index
        %get3A_303 = tpu.vector_load %arg6[%get3A_301, %get3A_302] {strides = array<i32>} : memref<128x128xf32, #tpu.memory_space<vmem>>, vector<1x16xf32>,
        %get3A_304 = vector.shape_cast %get3A_303 : vector<1x16xf32> to vector<16xf32>
        %add3A_305 = arith.constant 64 : i32
        %add3A_306 = arith.addi %add3A_305, %scan3A_216 : i32
        %get3A_307 = arith.index_cast %add3A_306 : i32 to index
        %get3A_308 = arith.constant 32 : index
        %get3A_309 = tpu.vector_load %arg6[%get3A_307, %get3A_308] {strides = array<i32>} : memref<128x128xf32, #tpu.memory_space<vmem>>, vector<1x16xf32>,
        %get3A_310 = vector.shape_cast %get3A_309 : vector<1x16xf32> to vector<16xf32>
        %add3A_311 = arith.addf %get3A_292, %get3A_304 : vector<16xf32>
        %add3A_312 = arith.addf %get3A_298, %get3A_310 : vector<16xf32>
        %swap3A_313 = arith.index_cast %scan3A_216 : i32 to index
        %swap3A_314 = arith.constant 32 : index
        %swap3A_315 = tpu.vector_load %arg8[%swap3A_313, %swap3A_314] {strides = array<i32>} : memref<64x128xf32, #tpu.memory_space<vmem>>, vector<1x16xf32>,
        %swap3A_316 = vector.shape_cast %swap3A_315 : vector<1x16xf32> to vector<16xf32>
        %swap3A_317 = vector.shape_cast %add3A_311 : vector<16xf32> to vector<1x16xf32>
        tpu.vector_store %arg8[%swap3A_313, %swap3A_314], %swap3A_317 {strides = array<i32>} : memref<64x128xf32, #tpu.memory_space<vmem>>, vector<1x16xf32>,
        %swap3A_318 = arith.index_cast %scan3A_216 : i32 to index
        %swap3A_319 = arith.constant 96 : index
        %swap3A_320 = tpu.vector_load %arg8[%swap3A_318, %swap3A_319] {strides = array<i32>} : memref<64x128xf32, #tpu.memory_space<vmem>>, vector<1x16xf32>,
        %swap3A_321 = vector.shape_cast %swap3A_320 : vector<1x16xf32> to vector<16xf32>
        %swap3A_322 = vector.shape_cast %add3A_312 : vector<16xf32> to vector<1x16xf32>
        tpu.vector_store %arg8[%swap3A_318, %swap3A_319], %swap3A_322 {strides = array<i32>} : memref<64x128xf32, #tpu.memory_space<vmem>>, vector<1x16xf32>,
        %add3A_323 = arith.constant 0 : i32
        %add3A_324 = arith.addi %add3A_323, %scan3A_216 : i32
        %get3A_325 = arith.index_cast %add3A_324 : i32 to index
        %get3A_326 = arith.constant 48 : index
        %get3A_327 = tpu.vector_load %arg6[%get3A_325, %get3A_326] {strides = array<i32>} : memref<128x128xf32, #tpu.memory_space<vmem>>, vector<1x16xf32>,
        %get3A_328 = vector.shape_cast %get3A_327 : vector<1x16xf32> to vector<16xf32>
        %add3A_329 = arith.constant 0 : i32
        %add3A_330 = arith.addi %add3A_329, %scan3A_216 : i32
        %get3A_331 = arith.index_cast %add3A_330 : i32 to index
        %get3A_332 = arith.constant 112 : index
        %get3A_333 = tpu.vector_load %arg6[%get3A_331, %get3A_332] {strides = array<i32>} : memref<128x128xf32, #tpu.memory_space<vmem>>, vector<1x16xf32>,
        %get3A_334 = vector.shape_cast %get3A_333 : vector<1x16xf32> to vector<16xf32>
        %add3A_335 = arith.constant 64 : i32
        %add3A_336 = arith.addi %add3A_335, %scan3A_216 : i32
        %get3A_337 = arith.index_cast %add3A_336 : i32 to index
        %get3A_338 = arith.constant 112 : index
        %get3A_339 = tpu.vector_load %arg6[%get3A_337, %get3A_338] {strides = array<i32>} : memref<128x128xf32, #tpu.memory_space<vmem>>, vector<1x16xf32>,
        %get3A_340 = vector.shape_cast %get3A_339 : vector<1x16xf32> to vector<16xf32>
        %add3A_341 = arith.constant 64 : i32
        %add3A_342 = arith.addi %add3A_341, %scan3A_216 : i32
        %get3A_343 = arith.index_cast %add3A_342 : i32 to index
        %get3A_344 = arith.constant 48 : index
        %get3A_345 = tpu.vector_load %arg6[%get3A_343, %get3A_344] {strides = array<i32>} : memref<128x128xf32, #tpu.memory_space<vmem>>, vector<1x16xf32>,
        %get3A_346 = vector.shape_cast %get3A_345 : vector<1x16xf32> to vector<16xf32>
        %add3A_347 = arith.addf %get3A_328, %get3A_340 : vector<16xf32>
        %add3A_348 = arith.addf %get3A_334, %get3A_346 : vector<16xf32>
        %swap3A_349 = arith.index_cast %scan3A_216 : i32 to index
        %swap3A_350 = arith.constant 48 : index
        %swap3A_351 = tpu.vector_load %arg8[%swap3A_349, %swap3A_350] {strides = array<i32>} : memref<64x128xf32, #tpu.memory_space<vmem>>, vector<1x16xf32>,
        %swap3A_352 = vector.shape_cast %swap3A_351 : vector<1x16xf32> to vector<16xf32>
        %swap3A_353 = vector.shape_cast %add3A_347 : vector<16xf32> to vector<1x16xf32>
        tpu.vector_store %arg8[%swap3A_349, %swap3A_350], %swap3A_353 {strides = array<i32>} : memref<64x128xf32, #tpu.memory_space<vmem>>, vector<1x16xf32>,
        %swap3A_354 = arith.index_cast %scan3A_216 : i32 to index
        %swap3A_355 = arith.constant 112 : index
        %swap3A_356 = tpu.vector_load %arg8[%swap3A_354, %swap3A_355] {strides = array<i32>} : memref<64x128xf32, #tpu.memory_space<vmem>>, vector<1x16xf32>,
        %swap3A_357 = vector.shape_cast %swap3A_356 : vector<1x16xf32> to vector<16xf32>
        %swap3A_358 = vector.shape_cast %add3A_348 : vector<16xf32> to vector<1x16xf32>
        tpu.vector_store %arg8[%swap3A_354, %swap3A_355], %swap3A_358 {strides = array<i32>} : memref<64x128xf32, #tpu.memory_space<vmem>>, vector<1x16xf32>,
      }
      %scan3A_163 = arith.constant 64 : i32
      %add3A_164 = arith.addi %select_n3A, %mul3A_142 : i32
      %dma_start3A_165 = arith.constant 0 : i32
      %dma_start3A_166 = arith.constant 0 : i32
      %dma_start3A_167 = tpu.memref_slice %arg4[%add3A_164, %dma_start3A_165, %dma_start3A_166] : memref<1600x64x128xf32, #tpu.memory_space<hbm>> -> memref<1x64x128xf32, #tpu.memory_space<hbm>>
      %dma_start3A_168 = tpu.memref_squeeze %dma_start3A_167 : memref<1x64x128xf32, #tpu.memory_space<hbm>> -> memref<64x128xf32, #tpu.memory_space<hbm>>
      %dma_start3A_169 = arith.constant 0 : i32
      %dma_start3A_170 = arith.constant 0 : i32
      %dma_start3A_171 = tpu.memref_slice %arg4[%add3A_164, %dma_start3A_169, %dma_start3A_170] : memref<1600x64x128xf32, #tpu.memory_space<hbm>> -> memref<1x64x128xf32, #tpu.memory_space<hbm>>
      %dma_start3A_172 = tpu.memref_squeeze %dma_start3A_171 : memref<1x64x128xf32, #tpu.memory_space<hbm>> -> memref<64x128xf32, #tpu.memory_space<hbm>>
      tpu.enqueue_dma source(%arg8 : memref<64x128xf32, #tpu.memory_space<vmem>>) target(%dma_start3A_172 : memref<64x128xf32, #tpu.memory_space<hbm>>) target_semaphore(%arg12 : memref<!tpu.dma_semaphore, #tpu.memory_space<semaphore_mem>>)
      %add3A_173 = arith.constant 1 : i32
      %add3A_174 = arith.addi %while3A_140, %add3A_173 : i32
      %lt3A = arith.cmpi slt, %add3A_174, %select_n3A_80 : i32
      %convert_element_type3A_175 = arith.extui %lt3A : i1 to i32
      %cond3A_176 = arith.constant 0 : i32
      %cond3A_177 = arith.cmpi ne, %convert_element_type3A_175, %cond3A_176 : i32
      scf.if %cond3A_177 {
        %add3A_216 = arith.constant 2 : i32
        %add3A_217 = arith.addi %mul3A_142, %add3A_216 : i32
        %mul3A_218 = arith.constant 64 : i32
        %mul3A_219 = arith.muli %add3A_217, %mul3A_218 : i32
        %add3A_220 = arith.constant 0 : i32
        %add3A_221 = arith.addi %add3A_220, %mul3A_219 : i32
        %dma_start3A_222 = arith.constant 0 : i32
        %dma_start3A_223 = arith.constant 0 : i32
        %dma_start3A_224 = tpu.memref_slice %arg6[%dma_start3A_222, %dma_start3A_223] : memref<128x128xf32, #tpu.memory_space<vmem>> -> memref<64x128xf32, #tpu.memory_space<vmem>>
        %dma_start3A_225 = tpu.memref_slice %arg5[%add3A_221] : memref<6400xi32, #tpu.memory_space<vmem>> -> memref<64xi32, #tpu.memory_space<vmem>>
        %dma_start3A_226 = arith.constant 0 : i32
        %dma_start3A_227 = arith.constant 0 : i32
        %dma_start3A_228 = tpu.memref_slice %arg2[%dma_start3A_226, %dma_start3A_227] : memref<250000x128xf32, #tpu.memory_space<hbm>> -> memref<250000x128xf32, #tpu.memory_space<hbm>>
        tpu.enqueue_indirect_dma source(%dma_start3A_228 : memref<250000x128xf32, #tpu.memory_space<hbm>>) target(%dma_start3A_224 : memref<64x128xf32, #tpu.memory_space<vmem>>) offsets(%dma_start3A_225 : memref<64xi32, #tpu.memory_space<vmem>>) semaphore(%arg10 : memref<!tpu.dma_semaphore, #tpu.memory_space<semaphore_mem>>)
        %mul3A_229 = arith.constant 64 : i32
        %mul3A_230 = arith.muli %add3A_217, %mul3A_229 : i32
        %add3A_231 = arith.constant 3200 : i32
        %add3A_232 = arith.addi %add3A_231, %mul3A_230 : i32
        %dma_start3A_233 = arith.constant 64 : i32
        %dma_start3A_234 = arith.constant 0 : i32
        %dma_start3A_235 = tpu.memref_slice %arg6[%dma_start3A_233, %dma_start3A_234] : memref<128x128xf32, #tpu.memory_space<vmem>> -> memref<64x128xf32, #tpu.memory_space<vmem>>
        %dma_start3A_236 = tpu.memref_slice %arg5[%add3A_232] : memref<6400xi32, #tpu.memory_space<vmem>> -> memref<64xi32, #tpu.memory_space<vmem>>
        %dma_start3A_237 = arith.constant 0 : i32
        %dma_start3A_238 = arith.constant 0 : i32
        %dma_start3A_239 = tpu.memref_slice %arg2[%dma_start3A_237, %dma_start3A_238] : memref<250000x128xf32, #tpu.memory_space<hbm>> -> memref<250000x128xf32, #tpu.memory_space<hbm>>
        tpu.enqueue_indirect_dma source(%dma_start3A_239 : memref<250000x128xf32, #tpu.memory_space<hbm>>) target(%dma_start3A_235 : memref<64x128xf32, #tpu.memory_space<vmem>>) offsets(%dma_start3A_236 : memref<64xi32, #tpu.memory_space<vmem>>) semaphore(%arg10 : memref<!tpu.dma_semaphore, #tpu.memory_space<semaphore_mem>>)
      } else {
      }
      %dma_wait3A_178 = arith.constant 0 : i32
      %dma_wait3A_179 = arith.constant 0 : i32
      %dma_wait3A_180 = tpu.memref_slice %arg2[%dma_wait3A_178, %dma_wait3A_179] : memref<250000x128xf32, #tpu.memory_space<hbm>> -> memref<64x128xf32, #tpu.memory_space<hbm>>
      %dma_wait3A_181 = arith.constant 0 : i32
      %dma_wait3A_182 = arith.constant 0 : i32
      %dma_wait3A_183 = tpu.memref_slice %arg2[%dma_wait3A_181, %dma_wait3A_182] : memref<250000x128xf32, #tpu.memory_space<hbm>> -> memref<64x128xf32, #tpu.memory_space<hbm>>
      tpu.wait_dma2 semaphore(%arg11 : memref<!tpu.dma_semaphore, #tpu.memory_space<semaphore_mem>>) src(%dma_wait3A_183 : memref<64x128xf32, #tpu.memory_space<hbm>>) dst(%arg8 : memref<64x128xf32, #tpu.memory_space<vmem>>)
      %dma_wait3A_184 = arith.constant 0 : i32
      %dma_wait3A_185 = arith.constant 0 : i32
      %dma_wait3A_186 = tpu.memref_slice %arg2[%dma_wait3A_184, %dma_wait3A_185] : memref<250000x128xf32, #tpu.memory_space<hbm>> -> memref<64x128xf32, #tpu.memory_space<hbm>>
      %dma_wait3A_187 = arith.constant 0 : i32
      %dma_wait3A_188 = arith.constant 0 : i32
      %dma_wait3A_189 = tpu.memref_slice %arg2[%dma_wait3A_187, %dma_wait3A_188] : memref<250000x128xf32, #tpu.memory_space<hbm>> -> memref<64x128xf32, #tpu.memory_space<hbm>>
      tpu.wait_dma2 semaphore(%arg11 : memref<!tpu.dma_semaphore, #tpu.memory_space<semaphore_mem>>) src(%dma_wait3A_189 : memref<64x128xf32, #tpu.memory_space<hbm>>) dst(%arg8 : memref<64x128xf32, #tpu.memory_space<vmem>>)
      %gt3A_190 = arith.constant 0 : i32
      %gt3A_191 = arith.cmpi sgt, %while3A_140, %gt3A_190 : i32
      %convert_element_type3A_192 = arith.extui %gt3A_191 : i1 to i32
      %cond3A_193 = arith.constant 0 : i32
      %cond3A_194 = arith.cmpi ne, %convert_element_type3A_192, %cond3A_193 : i32
      scf.if %cond3A_194 {
        %dma_wait3A_216 = arith.constant 0 : i32
        %dma_wait3A_217 = arith.constant 0 : i32
        %dma_wait3A_218 = tpu.memref_slice %arg2[%dma_wait3A_216, %dma_wait3A_217] : memref<250000x128xf32, #tpu.memory_space<hbm>> -> memref<64x128xf32, #tpu.memory_space<hbm>>
        %dma_wait3A_219 = arith.constant 0 : i32
        %dma_wait3A_220 = arith.constant 0 : i32
        %dma_wait3A_221 = tpu.memref_slice %arg2[%dma_wait3A_219, %dma_wait3A_220] : memref<250000x128xf32, #tpu.memory_space<hbm>> -> memref<64x128xf32, #tpu.memory_space<hbm>>
        tpu.wait_dma2 semaphore(%arg13 : memref<!tpu.dma_semaphore, #tpu.memory_space<semaphore_mem>>) src(%dma_wait3A_221 : memref<64x128xf32, #tpu.memory_space<hbm>>) dst(%arg8 : memref<64x128xf32, #tpu.memory_space<vmem>>)
      } else {
      }
      %scan3A_195 = arith.constant 0 : i32
      %scan3A_196 = arith.constant 0 : i32
      %scan3A_197 = arith.constant 64 : i32
      %scan3A_198 = arith.addi %scan3A_196, %scan3A_197 : i32
      %scan3A_199 = arith.constant 1 : i32
      scf.for %scan3A_216 = %scan3A_196 to %scan3A_198 step %scan3A_199  : i32 {
        %add3A_217 = arith.constant 0 : i32
        %add3A_218 = arith.addi %add3A_217, %scan3A_216 : i32
        %get3A = arith.index_cast %add3A_218 : i32 to index
        %get3A_219 = arith.constant 0 : index
        %get3A_220 = tpu.vector_load %arg7[%get3A, %get3A_219] {strides = array<i32>} : memref<128x128xf32, #tpu.memory_space<vmem>>, vector<1x16xf32>,
        %get3A_221 = vector.shape_cast %get3A_220 : vector<1x16xf32> to vector<16xf32>
        %add3A_222 = arith.constant 0 : i32
        %add3A_223 = arith.addi %add3A_222, %scan3A_216 : i32
        %get3A_224 = arith.index_cast %add3A_223 : i32 to index
        %get3A_225 = arith.constant 64 : index
        %get3A_226 = tpu.vector_load %arg7[%get3A_224, %get3A_225] {strides = array<i32>} : memref<128x128xf32, #tpu.memory_space<vmem>>, vector<1x16xf32>,
        %get3A_227 = vector.shape_cast %get3A_226 : vector<1x16xf32> to vector<16xf32>
        %add3A_228 = arith.constant 64 : i32
        %add3A_229 = arith.addi %add3A_228, %scan3A_216 : i32
        %get3A_230 = arith.index_cast %add3A_229 : i32 to index
        %get3A_231 = arith.constant 64 : index
        %get3A_232 = tpu.vector_load %arg7[%get3A_230, %get3A_231] {strides = array<i32>} : memref<128x128xf32, #tpu.memory_space<vmem>>, vector<1x16xf32>,
        %get3A_233 = vector.shape_cast %get3A_232 : vector<1x16xf32> to vector<16xf32>
        %add3A_234 = arith.constant 64 : i32
        %add3A_235 = arith.addi %add3A_234, %scan3A_216 : i32
        %get3A_236 = arith.index_cast %add3A_235 : i32 to index
        %get3A_237 = arith.constant 0 : index
        %get3A_238 = tpu.vector_load %arg7[%get3A_236, %get3A_237] {strides = array<i32>} : memref<128x128xf32, #tpu.memory_space<vmem>>, vector<1x16xf32>,
        %get3A_239 = vector.shape_cast %get3A_238 : vector<1x16xf32> to vector<16xf32>
        %add3A_240 = arith.addf %get3A_221, %get3A_233 : vector<16xf32>
        %add3A_241 = arith.addf %get3A_227, %get3A_239 : vector<16xf32>
        %swap3A = arith.index_cast %scan3A_216 : i32 to index
        %swap3A_242 = arith.constant 0 : index
        %swap3A_243 = tpu.vector_load %arg9[%swap3A, %swap3A_242] {strides = array<i32>} : memref<64x128xf32, #tpu.memory_space<vmem>>, vector<1x16xf32>,
        %swap3A_244 = vector.shape_cast %swap3A_243 : vector<1x16xf32> to vector<16xf32>
        %swap3A_245 = vector.shape_cast %add3A_240 : vector<16xf32> to vector<1x16xf32>
        tpu.vector_store %arg9[%swap3A, %swap3A_242], %swap3A_245 {strides = array<i32>} : memref<64x128xf32, #tpu.memory_space<vmem>>, vector<1x16xf32>,
        %swap3A_246 = arith.index_cast %scan3A_216 : i32 to index
        %swap3A_247 = arith.constant 64 : index
        %swap3A_248 = tpu.vector_load %arg9[%swap3A_246, %swap3A_247] {strides = array<i32>} : memref<64x128xf32, #tpu.memory_space<vmem>>, vector<1x16xf32>,
        %swap3A_249 = vector.shape_cast %swap3A_248 : vector<1x16xf32> to vector<16xf32>
        %swap3A_250 = vector.shape_cast %add3A_241 : vector<16xf32> to vector<1x16xf32>
        tpu.vector_store %arg9[%swap3A_246, %swap3A_247], %swap3A_250 {strides = array<i32>} : memref<64x128xf32, #tpu.memory_space<vmem>>, vector<1x16xf32>,
        %add3A_251 = arith.constant 0 : i32
        %add3A_252 = arith.addi %add3A_251, %scan3A_216 : i32
        %get3A_253 = arith.index_cast %add3A_252 : i32 to index
        %get3A_254 = arith.constant 16 : index
        %get3A_255 = tpu.vector_load %arg7[%get3A_253, %get3A_254] {strides = array<i32>} : memref<128x128xf32, #tpu.memory_space<vmem>>, vector<1x16xf32>,
        %get3A_256 = vector.shape_cast %get3A_255 : vector<1x16xf32> to vector<16xf32>
        %add3A_257 = arith.constant 0 : i32
        %add3A_258 = arith.addi %add3A_257, %scan3A_216 : i32
        %get3A_259 = arith.index_cast %add3A_258 : i32 to index
        %get3A_260 = arith.constant 80 : index
        %get3A_261 = tpu.vector_load %arg7[%get3A_259, %get3A_260] {strides = array<i32>} : memref<128x128xf32, #tpu.memory_space<vmem>>, vector<1x16xf32>,
        %get3A_262 = vector.shape_cast %get3A_261 : vector<1x16xf32> to vector<16xf32>
        %add3A_263 = arith.constant 64 : i32
        %add3A_264 = arith.addi %add3A_263, %scan3A_216 : i32
        %get3A_265 = arith.index_cast %add3A_264 : i32 to index
        %get3A_266 = arith.constant 80 : index
        %get3A_267 = tpu.vector_load %arg7[%get3A_265, %get3A_266] {strides = array<i32>} : memref<128x128xf32, #tpu.memory_space<vmem>>, vector<1x16xf32>,
        %get3A_268 = vector.shape_cast %get3A_267 : vector<1x16xf32> to vector<16xf32>
        %add3A_269 = arith.constant 64 : i32
        %add3A_270 = arith.addi %add3A_269, %scan3A_216 : i32
        %get3A_271 = arith.index_cast %add3A_270 : i32 to index
        %get3A_272 = arith.constant 16 : index
        %get3A_273 = tpu.vector_load %arg7[%get3A_271, %get3A_272] {strides = array<i32>} : memref<128x128xf32, #tpu.memory_space<vmem>>, vector<1x16xf32>,
        %get3A_274 = vector.shape_cast %get3A_273 : vector<1x16xf32> to vector<16xf32>
        %add3A_275 = arith.addf %get3A_256, %get3A_268 : vector<16xf32>
        %add3A_276 = arith.addf %get3A_262, %get3A_274 : vector<16xf32>
        %swap3A_277 = arith.index_cast %scan3A_216 : i32 to index
        %swap3A_278 = arith.constant 16 : index
        %swap3A_279 = tpu.vector_load %arg9[%swap3A_277, %swap3A_278] {strides = array<i32>} : memref<64x128xf32, #tpu.memory_space<vmem>>, vector<1x16xf32>,
        %swap3A_280 = vector.shape_cast %swap3A_279 : vector<1x16xf32> to vector<16xf32>
        %swap3A_281 = vector.shape_cast %add3A_275 : vector<16xf32> to vector<1x16xf32>
        tpu.vector_store %arg9[%swap3A_277, %swap3A_278], %swap3A_281 {strides = array<i32>} : memref<64x128xf32, #tpu.memory_space<vmem>>, vector<1x16xf32>,
        %swap3A_282 = arith.index_cast %scan3A_216 : i32 to index
        %swap3A_283 = arith.constant 80 : index
        %swap3A_284 = tpu.vector_load %arg9[%swap3A_282, %swap3A_283] {strides = array<i32>} : memref<64x128xf32, #tpu.memory_space<vmem>>, vector<1x16xf32>,
        %swap3A_285 = vector.shape_cast %swap3A_284 : vector<1x16xf32> to vector<16xf32>
        %swap3A_286 = vector.shape_cast %add3A_276 : vector<16xf32> to vector<1x16xf32>
        tpu.vector_store %arg9[%swap3A_282, %swap3A_283], %swap3A_286 {strides = array<i32>} : memref<64x128xf32, #tpu.memory_space<vmem>>, vector<1x16xf32>,
        %add3A_287 = arith.constant 0 : i32
        %add3A_288 = arith.addi %add3A_287, %scan3A_216 : i32
        %get3A_289 = arith.index_cast %add3A_288 : i32 to index
        %get3A_290 = arith.constant 32 : index
        %get3A_291 = tpu.vector_load %arg7[%get3A_289, %get3A_290] {strides = array<i32>} : memref<128x128xf32, #tpu.memory_space<vmem>>, vector<1x16xf32>,
        %get3A_292 = vector.shape_cast %get3A_291 : vector<1x16xf32> to vector<16xf32>
        %add3A_293 = arith.constant 0 : i32
        %add3A_294 = arith.addi %add3A_293, %scan3A_216 : i32
        %get3A_295 = arith.index_cast %add3A_294 : i32 to index
        %get3A_296 = arith.constant 96 : index
        %get3A_297 = tpu.vector_load %arg7[%get3A_295, %get3A_296] {strides = array<i32>} : memref<128x128xf32, #tpu.memory_space<vmem>>, vector<1x16xf32>,
        %get3A_298 = vector.shape_cast %get3A_297 : vector<1x16xf32> to vector<16xf32>
        %add3A_299 = arith.constant 64 : i32
        %add3A_300 = arith.addi %add3A_299, %scan3A_216 : i32
        %get3A_301 = arith.index_cast %add3A_300 : i32 to index
        %get3A_302 = arith.constant 96 : index
        %get3A_303 = tpu.vector_load %arg7[%get3A_301, %get3A_302] {strides = array<i32>} : memref<128x128xf32, #tpu.memory_space<vmem>>, vector<1x16xf32>,
        %get3A_304 = vector.shape_cast %get3A_303 : vector<1x16xf32> to vector<16xf32>
        %add3A_305 = arith.constant 64 : i32
        %add3A_306 = arith.addi %add3A_305, %scan3A_216 : i32
        %get3A_307 = arith.index_cast %add3A_306 : i32 to index
        %get3A_308 = arith.constant 32 : index
        %get3A_309 = tpu.vector_load %arg7[%get3A_307, %get3A_308] {strides = array<i32>} : memref<128x128xf32, #tpu.memory_space<vmem>>, vector<1x16xf32>,
        %get3A_310 = vector.shape_cast %get3A_309 : vector<1x16xf32> to vector<16xf32>
        %add3A_311 = arith.addf %get3A_292, %get3A_304 : vector<16xf32>
        %add3A_312 = arith.addf %get3A_298, %get3A_310 : vector<16xf32>
        %swap3A_313 = arith.index_cast %scan3A_216 : i32 to index
        %swap3A_314 = arith.constant 32 : index
        %swap3A_315 = tpu.vector_load %arg9[%swap3A_313, %swap3A_314] {strides = array<i32>} : memref<64x128xf32, #tpu.memory_space<vmem>>, vector<1x16xf32>,
        %swap3A_316 = vector.shape_cast %swap3A_315 : vector<1x16xf32> to vector<16xf32>
        %swap3A_317 = vector.shape_cast %add3A_311 : vector<16xf32> to vector<1x16xf32>
        tpu.vector_store %arg9[%swap3A_313, %swap3A_314], %swap3A_317 {strides = array<i32>} : memref<64x128xf32, #tpu.memory_space<vmem>>, vector<1x16xf32>,
        %swap3A_318 = arith.index_cast %scan3A_216 : i32 to index
        %swap3A_319 = arith.constant 96 : index
        %swap3A_320 = tpu.vector_load %arg9[%swap3A_318, %swap3A_319] {strides = array<i32>} : memref<64x128xf32, #tpu.memory_space<vmem>>, vector<1x16xf32>,
        %swap3A_321 = vector.shape_cast %swap3A_320 : vector<1x16xf32> to vector<16xf32>
        %swap3A_322 = vector.shape_cast %add3A_312 : vector<16xf32> to vector<1x16xf32>
        tpu.vector_store %arg9[%swap3A_318, %swap3A_319], %swap3A_322 {strides = array<i32>} : memref<64x128xf32, #tpu.memory_space<vmem>>, vector<1x16xf32>,
        %add3A_323 = arith.constant 0 : i32
        %add3A_324 = arith.addi %add3A_323, %scan3A_216 : i32
        %get3A_325 = arith.index_cast %add3A_324 : i32 to index
        %get3A_326 = arith.constant 48 : index
        %get3A_327 = tpu.vector_load %arg7[%get3A_325, %get3A_326] {strides = array<i32>} : memref<128x128xf32, #tpu.memory_space<vmem>>, vector<1x16xf32>,
        %get3A_328 = vector.shape_cast %get3A_327 : vector<1x16xf32> to vector<16xf32>
        %add3A_329 = arith.constant 0 : i32
        %add3A_330 = arith.addi %add3A_329, %scan3A_216 : i32
        %get3A_331 = arith.index_cast %add3A_330 : i32 to index
        %get3A_332 = arith.constant 112 : index
        %get3A_333 = tpu.vector_load %arg7[%get3A_331, %get3A_332] {strides = array<i32>} : memref<128x128xf32, #tpu.memory_space<vmem>>, vector<1x16xf32>,
        %get3A_334 = vector.shape_cast %get3A_333 : vector<1x16xf32> to vector<16xf32>
        %add3A_335 = arith.constant 64 : i32
        %add3A_336 = arith.addi %add3A_335, %scan3A_216 : i32
        %get3A_337 = arith.index_cast %add3A_336 : i32 to index
        %get3A_338 = arith.constant 112 : index
        %get3A_339 = tpu.vector_load %arg7[%get3A_337, %get3A_338] {strides = array<i32>} : memref<128x128xf32, #tpu.memory_space<vmem>>, vector<1x16xf32>,
        %get3A_340 = vector.shape_cast %get3A_339 : vector<1x16xf32> to vector<16xf32>
        %add3A_341 = arith.constant 64 : i32
        %add3A_342 = arith.addi %add3A_341, %scan3A_216 : i32
        %get3A_343 = arith.index_cast %add3A_342 : i32 to index
        %get3A_344 = arith.constant 48 : index
        %get3A_345 = tpu.vector_load %arg7[%get3A_343, %get3A_344] {strides = array<i32>} : memref<128x128xf32, #tpu.memory_space<vmem>>, vector<1x16xf32>,
        %get3A_346 = vector.shape_cast %get3A_345 : vector<1x16xf32> to vector<16xf32>
        %add3A_347 = arith.addf %get3A_328, %get3A_340 : vector<16xf32>
        %add3A_348 = arith.addf %get3A_334, %get3A_346 : vector<16xf32>
        %swap3A_349 = arith.index_cast %scan3A_216 : i32 to index
        %swap3A_350 = arith.constant 48 : index
        %swap3A_351 = tpu.vector_load %arg9[%swap3A_349, %swap3A_350] {strides = array<i32>} : memref<64x128xf32, #tpu.memory_space<vmem>>, vector<1x16xf32>,
        %swap3A_352 = vector.shape_cast %swap3A_351 : vector<1x16xf32> to vector<16xf32>
        %swap3A_353 = vector.shape_cast %add3A_347 : vector<16xf32> to vector<1x16xf32>
        tpu.vector_store %arg9[%swap3A_349, %swap3A_350], %swap3A_353 {strides = array<i32>} : memref<64x128xf32, #tpu.memory_space<vmem>>, vector<1x16xf32>,
        %swap3A_354 = arith.index_cast %scan3A_216 : i32 to index
        %swap3A_355 = arith.constant 112 : index
        %swap3A_356 = tpu.vector_load %arg9[%swap3A_354, %swap3A_355] {strides = array<i32>} : memref<64x128xf32, #tpu.memory_space<vmem>>, vector<1x16xf32>,
        %swap3A_357 = vector.shape_cast %swap3A_356 : vector<1x16xf32> to vector<16xf32>
        %swap3A_358 = vector.shape_cast %add3A_348 : vector<16xf32> to vector<1x16xf32>
        tpu.vector_store %arg9[%swap3A_354, %swap3A_355], %swap3A_358 {strides = array<i32>} : memref<64x128xf32, #tpu.memory_space<vmem>>, vector<1x16xf32>,
      }
      %scan3A_200 = arith.constant 64 : i32
      %add3A_201 = arith.addi %select_n3A, %add3A_144 : i32
      %dma_start3A_202 = arith.constant 0 : i32
      %dma_start3A_203 = arith.constant 0 : i32
      %dma_start3A_204 = tpu.memref_slice %arg4[%add3A_201, %dma_start3A_202, %dma_start3A_203] : memref<1600x64x128xf32, #tpu.memory_space<hbm>> -> memref<1x64x128xf32, #tpu.memory_space<hbm>>
      %dma_start3A_205 = tpu.memref_squeeze %dma_start3A_204 : memref<1x64x128xf32, #tpu.memory_space<hbm>> -> memref<64x128xf32, #tpu.memory_space<hbm>>
      %dma_start3A_206 = arith.constant 0 : i32
      %dma_start3A_207 = arith.constant 0 : i32
      %dma_start3A_208 = tpu.memref_slice %arg4[%add3A_201, %dma_start3A_206, %dma_start3A_207] : memref<1600x64x128xf32, #tpu.memory_space<hbm>> -> memref<1x64x128xf32, #tpu.memory_space<hbm>>
      %dma_start3A_209 = tpu.memref_squeeze %dma_start3A_208 : memref<1x64x128xf32, #tpu.memory_space<hbm>> -> memref<64x128xf32, #tpu.memory_space<hbm>>
      tpu.enqueue_dma source(%arg9 : memref<64x128xf32, #tpu.memory_space<vmem>>) target(%dma_start3A_209 : memref<64x128xf32, #tpu.memory_space<hbm>>) target_semaphore(%arg13 : memref<!tpu.dma_semaphore, #tpu.memory_space<semaphore_mem>>)
      %add3A_210 = arith.constant 1 : i32
      %add3A_211 = arith.addi %while3A_140, %add3A_210 : i32
      %lt3A_212 = arith.cmpi slt, %add3A_211, %select_n3A_80 : i32
      %convert_element_type3A_213 = arith.extui %lt3A_212 : i1 to i32
      %cond3A_214 = arith.constant 0 : i32
      %cond3A_215 = arith.cmpi ne, %convert_element_type3A_213, %cond3A_214 : i32
      scf.if %cond3A_215 {
        %add3A_216 = arith.constant 2 : i32
        %add3A_217 = arith.addi %add3A_144, %add3A_216 : i32
        %mul3A_218 = arith.constant 64 : i32
        %mul3A_219 = arith.muli %add3A_217, %mul3A_218 : i32
        %add3A_220 = arith.constant 0 : i32
        %add3A_221 = arith.addi %add3A_220, %mul3A_219 : i32
        %dma_start3A_222 = arith.constant 0 : i32
        %dma_start3A_223 = arith.constant 0 : i32
        %dma_start3A_224 = tpu.memref_slice %arg7[%dma_start3A_222, %dma_start3A_223] : memref<128x128xf32, #tpu.memory_space<vmem>> -> memref<64x128xf32, #tpu.memory_space<vmem>>
        %dma_start3A_225 = tpu.memref_slice %arg5[%add3A_221] : memref<6400xi32, #tpu.memory_space<vmem>> -> memref<64xi32, #tpu.memory_space<vmem>>
        %dma_start3A_226 = arith.constant 0 : i32
        %dma_start3A_227 = arith.constant 0 : i32
        %dma_start3A_228 = tpu.memref_slice %arg2[%dma_start3A_226, %dma_start3A_227] : memref<250000x128xf32, #tpu.memory_space<hbm>> -> memref<250000x128xf32, #tpu.memory_space<hbm>>
        tpu.enqueue_indirect_dma source(%dma_start3A_228 : memref<250000x128xf32, #tpu.memory_space<hbm>>) target(%dma_start3A_224 : memref<64x128xf32, #tpu.memory_space<vmem>>) offsets(%dma_start3A_225 : memref<64xi32, #tpu.memory_space<vmem>>) semaphore(%arg11 : memref<!tpu.dma_semaphore, #tpu.memory_space<semaphore_mem>>)
        %mul3A_229 = arith.constant 64 : i32
        %mul3A_230 = arith.muli %add3A_217, %mul3A_229 : i32
        %add3A_231 = arith.constant 3200 : i32
        %add3A_232 = arith.addi %add3A_231, %mul3A_230 : i32
        %dma_start3A_233 = arith.constant 64 : i32
        %dma_start3A_234 = arith.constant 0 : i32
        %dma_start3A_235 = tpu.memref_slice %arg7[%dma_start3A_233, %dma_start3A_234] : memref<128x128xf32, #tpu.memory_space<vmem>> -> memref<64x128xf32, #tpu.memory_space<vmem>>
        %dma_start3A_236 = tpu.memref_slice %arg5[%add3A_232] : memref<6400xi32, #tpu.memory_space<vmem>> -> memref<64xi32, #tpu.memory_space<vmem>>
        %dma_start3A_237 = arith.constant 0 : i32
        %dma_start3A_238 = arith.constant 0 : i32
        %dma_start3A_239 = tpu.memref_slice %arg2[%dma_start3A_237, %dma_start3A_238] : memref<250000x128xf32, #tpu.memory_space<hbm>> -> memref<250000x128xf32, #tpu.memory_space<hbm>>
        tpu.enqueue_indirect_dma source(%dma_start3A_239 : memref<250000x128xf32, #tpu.memory_space<hbm>>) target(%dma_start3A_235 : memref<64x128xf32, #tpu.memory_space<vmem>>) offsets(%dma_start3A_236 : memref<64xi32, #tpu.memory_space<vmem>>) semaphore(%arg11 : memref<!tpu.dma_semaphore, #tpu.memory_space<semaphore_mem>>)
      } else {
      }
    }
    %while3A_128 = arith.constant 1 : i32
    scf.for %while3A_140 = %while3A_126 to %while3A_122 step %while3A_128  : i32 {
      %mul3A_141 = arith.constant 2 : i32
      %mul3A_142 = arith.muli %mul3A_141, %while3A_140 : i32
      %add3A_143 = arith.constant 1 : i32
      %add3A_144 = arith.addi %mul3A_142, %add3A_143 : i32
      %dma_wait3A_145 = arith.constant 0 : i32
      %dma_wait3A_146 = arith.constant 0 : i32
      %dma_wait3A_147 = tpu.memref_slice %arg2[%dma_wait3A_145, %dma_wait3A_146] : memref<250000x128xf32, #tpu.memory_space<hbm>> -> memref<64x128xf32, #tpu.memory_space<hbm>>
      %dma_wait3A_148 = arith.constant 0 : i32
      %dma_wait3A_149 = arith.constant 0 : i32
      %dma_wait3A_150 = tpu.memref_slice %arg2[%dma_wait3A_148, %dma_wait3A_149] : memref<250000x128xf32, #tpu.memory_space<hbm>> -> memref<64x128xf32, #tpu.memory_space<hbm>>
      tpu.wait_dma2 semaphore(%arg10 : memref<!tpu.dma_semaphore, #tpu.memory_space<semaphore_mem>>) src(%dma_wait3A_150 : memref<64x128xf32, #tpu.memory_space<hbm>>) dst(%arg8 : memref<64x128xf32, #tpu.memory_space<vmem>>)
      %dma_wait3A_151 = arith.constant 0 : i32
      %dma_wait3A_152 = arith.constant 0 : i32
      %dma_wait3A_153 = tpu.memref_slice %arg2[%dma_wait3A_151, %dma_wait3A_152] : memref<250000x128xf32, #tpu.memory_space<hbm>> -> memref<64x128xf32, #tpu.memory_space<hbm>>
      %dma_wait3A_154 = arith.constant 0 : i32
      %dma_wait3A_155 = arith.constant 0 : i32
      %dma_wait3A_156 = tpu.memref_slice %arg2[%dma_wait3A_154, %dma_wait3A_155] : memref<250000x128xf32, #tpu.memory_space<hbm>> -> memref<64x128xf32, #tpu.memory_space<hbm>>
      tpu.wait_dma2 semaphore(%arg10 : memref<!tpu.dma_semaphore, #tpu.memory_space<semaphore_mem>>) src(%dma_wait3A_156 : memref<64x128xf32, #tpu.memory_space<hbm>>) dst(%arg8 : memref<64x128xf32, #tpu.memory_space<vmem>>)
      %gt3A = arith.constant 0 : i32
      %gt3A_157 = arith.cmpi sgt, %while3A_140, %gt3A : i32
      %convert_element_type3A = arith.extui %gt3A_157 : i1 to i32
      %cond3A = arith.constant 0 : i32
      %cond3A_158 = arith.cmpi ne, %convert_element_type3A, %cond3A : i32
      scf.if %cond3A_158 {
        %dma_wait3A_216 = arith.constant 0 : i32
        %dma_wait3A_217 = arith.constant 0 : i32
        %dma_wait3A_218 = tpu.memref_slice %arg2[%dma_wait3A_216, %dma_wait3A_217] : memref<250000x128xf32, #tpu.memory_space<hbm>> -> memref<64x128xf32, #tpu.memory_space<hbm>>
        %dma_wait3A_219 = arith.constant 0 : i32
        %dma_wait3A_220 = arith.constant 0 : i32
        %dma_wait3A_221 = tpu.memref_slice %arg2[%dma_wait3A_219, %dma_wait3A_220] : memref<250000x128xf32, #tpu.memory_space<hbm>> -> memref<64x128xf32, #tpu.memory_space<hbm>>
        tpu.wait_dma2 semaphore(%arg12 : memref<!tpu.dma_semaphore, #tpu.memory_space<semaphore_mem>>) src(%dma_wait3A_221 : memref<64x128xf32, #tpu.memory_space<hbm>>) dst(%arg8 : memref<64x128xf32, #tpu.memory_space<vmem>>)
      } else {
      }
      %scan3A = arith.constant 0 : i32
      %scan3A_159 = arith.constant 0 : i32
      %scan3A_160 = arith.constant 64 : i32
      %scan3A_161 = arith.addi %scan3A_159, %scan3A_160 : i32
      %scan3A_162 = arith.constant 1 : i32
      scf.for %scan3A_216 = %scan3A_159 to %scan3A_161 step %scan3A_162  : i32 {
        %add3A_217 = arith.constant 0 : i32
        %add3A_218 = arith.addi %add3A_217, %scan3A_216 : i32
        %get3A = arith.index_cast %add3A_218 : i32 to index
        %get3A_219 = arith.constant 0 : index
        %get3A_220 = tpu.vector_load %arg6[%get3A, %get3A_219] {strides = array<i32>} : memref<128x128xf32, #tpu.memory_space<vmem>>, vector<1x16xf32>,
        %get3A_221 = vector.shape_cast %get3A_220 : vector<1x16xf32> to vector<16xf32>
        %add3A_222 = arith.constant 0 : i32
        %add3A_223 = arith.addi %add3A_222, %scan3A_216 : i32
        %get3A_224 = arith.index_cast %add3A_223 : i32 to index
        %get3A_225 = arith.constant 64 : index
        %get3A_226 = tpu.vector_load %arg6[%get3A_224, %get3A_225] {strides = array<i32>} : memref<128x128xf32, #tpu.memory_space<vmem>>, vector<1x16xf32>,
        %get3A_227 = vector.shape_cast %get3A_226 : vector<1x16xf32> to vector<16xf32>
        %add3A_228 = arith.constant 64 : i32
        %add3A_229 = arith.addi %add3A_228, %scan3A_216 : i32
        %get3A_230 = arith.index_cast %add3A_229 : i32 to index
        %get3A_231 = arith.constant 64 : index
        %get3A_232 = tpu.vector_load %arg6[%get3A_230, %get3A_231] {strides = array<i32>} : memref<128x128xf32, #tpu.memory_space<vmem>>, vector<1x16xf32>,
        %get3A_233 = vector.shape_cast %get3A_232 : vector<1x16xf32> to vector<16xf32>
        %add3A_234 = arith.constant 64 : i32
        %add3A_235 = arith.addi %add3A_234, %scan3A_216 : i32
        %get3A_236 = arith.index_cast %add3A_235 : i32 to index
        %get3A_237 = arith.constant 0 : index
        %get3A_238 = tpu.vector_load %arg6[%get3A_236, %get3A_237] {strides = array<i32>} : memref<128x128xf32, #tpu.memory_space<vmem>>, vector<1x16xf32>,
        %get3A_239 = vector.shape_cast %get3A_238 : vector<1x16xf32> to vector<16xf32>
        %add3A_240 = arith.addf %get3A_221, %get3A_233 : vector<16xf32>
        %add3A_241 = arith.addf %get3A_227, %get3A_239 : vector<16xf32>
        %swap3A = arith.index_cast %scan3A_216 : i32 to index
        %swap3A_242 = arith.constant 0 : index
        %swap3A_243 = tpu.vector_load %arg8[%swap3A, %swap3A_242] {strides = array<i32>} : memref<64x128xf32, #tpu.memory_space<vmem>>, vector<1x16xf32>,
        %swap3A_244 = vector.shape_cast %swap3A_243 : vector<1x16xf32> to vector<16xf32>
        %swap3A_245 = vector.shape_cast %add3A_240 : vector<16xf32> to vector<1x16xf32>
        tpu.vector_store %arg8[%swap3A, %swap3A_242], %swap3A_245 {strides = array<i32>} : memref<64x128xf32, #tpu.memory_space<vmem>>, vector<1x16xf32>,
        %swap3A_246 = arith.index_cast %scan3A_216 : i32 to index
        %swap3A_247 = arith.constant 64 : index
        %swap3A_248 = tpu.vector_load %arg8[%swap3A_246, %swap3A_247] {strides = array<i32>} : memref<64x128xf32, #tpu.memory_space<vmem>>, vector<1x16xf32>,
        %swap3A_249 = vector.shape_cast %swap3A_248 : vector<1x16xf32> to vector<16xf32>
        %swap3A_250 = vector.shape_cast %add3A_241 : vector<16xf32> to vector<1x16xf32>
        tpu.vector_store %arg8[%swap3A_246, %swap3A_247], %swap3A_250 {strides = array<i32>} : memref<64x128xf32, #tpu.memory_space<vmem>>, vector<1x16xf32>,
        %add3A_251 = arith.constant 0 : i32
        %add3A_252 = arith.addi %add3A_251, %scan3A_216 : i32
        %get3A_253 = arith.index_cast %add3A_252 : i32 to index
        %get3A_254 = arith.constant 16 : index
        %get3A_255 = tpu.vector_load %arg6[%get3A_253, %get3A_254] {strides = array<i32>} : memref<128x128xf32, #tpu.memory_space<vmem>>, vector<1x16xf32>,
        %get3A_256 = vector.shape_cast %get3A_255 : vector<1x16xf32> to vector<16xf32>
        %add3A_257 = arith.constant 0 : i32
        %add3A_258 = arith.addi %add3A_257, %scan3A_216 : i32
        %get3A_259 = arith.index_cast %add3A_258 : i32 to index
        %get3A_260 = arith.constant 80 : index
        %get3A_261 = tpu.vector_load %arg6[%get3A_259, %get3A_260] {strides = array<i32>} : memref<128x128xf32, #tpu.memory_space<vmem>>, vector<1x16xf32>,
        %get3A_262 = vector.shape_cast %get3A_261 : vector<1x16xf32> to vector<16xf32>
        %add3A_263 = arith.constant 64 : i32
        %add3A_264 = arith.addi %add3A_263, %scan3A_216 : i32
        %get3A_265 = arith.index_cast %add3A_264 : i32 to index
        %get3A_266 = arith.constant 80 : index
        %get3A_267 = tpu.vector_load %arg6[%get3A_265, %get3A_266] {strides = array<i32>} : memref<128x128xf32, #tpu.memory_space<vmem>>, vector<1x16xf32>,
        %get3A_268 = vector.shape_cast %get3A_267 : vector<1x16xf32> to vector<16xf32>
        %add3A_269 = arith.constant 64 : i32
        %add3A_270 = arith.addi %add3A_269, %scan3A_216 : i32
        %get3A_271 = arith.index_cast %add3A_270 : i32 to index
        %get3A_272 = arith.constant 16 : index
        %get3A_273 = tpu.vector_load %arg6[%get3A_271, %get3A_272] {strides = array<i32>} : memref<128x128xf32, #tpu.memory_space<vmem>>, vector<1x16xf32>,
        %get3A_274 = vector.shape_cast %get3A_273 : vector<1x16xf32> to vector<16xf32>
        %add3A_275 = arith.addf %get3A_256, %get3A_268 : vector<16xf32>
        %add3A_276 = arith.addf %get3A_262, %get3A_274 : vector<16xf32>
        %swap3A_277 = arith.index_cast %scan3A_216 : i32 to index
        %swap3A_278 = arith.constant 16 : index
        %swap3A_279 = tpu.vector_load %arg8[%swap3A_277, %swap3A_278] {strides = array<i32>} : memref<64x128xf32, #tpu.memory_space<vmem>>, vector<1x16xf32>,
        %swap3A_280 = vector.shape_cast %swap3A_279 : vector<1x16xf32> to vector<16xf32>
        %swap3A_281 = vector.shape_cast %add3A_275 : vector<16xf32> to vector<1x16xf32>
        tpu.vector_store %arg8[%swap3A_277, %swap3A_278], %swap3A_281 {strides = array<i32>} : memref<64x128xf32, #tpu.memory_space<vmem>>, vector<1x16xf32>,
        %swap3A_282 = arith.index_cast %scan3A_216 : i32 to index
        %swap3A_283 = arith.constant 80 : index
        %swap3A_284 = tpu.vector_load %arg8[%swap3A_282, %swap3A_283] {strides = array<i32>} : memref<64x128xf32, #tpu.memory_space<vmem>>, vector<1x16xf32>,
        %swap3A_285 = vector.shape_cast %swap3A_284 : vector<1x16xf32> to vector<16xf32>
        %swap3A_286 = vector.shape_cast %add3A_276 : vector<16xf32> to vector<1x16xf32>
        tpu.vector_store %arg8[%swap3A_282, %swap3A_283], %swap3A_286 {strides = array<i32>} : memref<64x128xf32, #tpu.memory_space<vmem>>, vector<1x16xf32>,
        %add3A_287 = arith.constant 0 : i32
        %add3A_288 = arith.addi %add3A_287, %scan3A_216 : i32
        %get3A_289 = arith.index_cast %add3A_288 : i32 to index
        %get3A_290 = arith.constant 32 : index
        %get3A_291 = tpu.vector_load %arg6[%get3A_289, %get3A_290] {strides = array<i32>} : memref<128x128xf32, #tpu.memory_space<vmem>>, vector<1x16xf32>,
        %get3A_292 = vector.shape_cast %get3A_291 : vector<1x16xf32> to vector<16xf32>
        %add3A_293 = arith.constant 0 : i32
        %add3A_294 = arith.addi %add3A_293, %scan3A_216 : i32
        %get3A_295 = arith.index_cast %add3A_294 : i32 to index
        %get3A_296 = arith.constant 96 : index
        %get3A_297 = tpu.vector_load %arg6[%get3A_295, %get3A_296] {strides = array<i32>} : memref<128x128xf32, #tpu.memory_space<vmem>>, vector<1x16xf32>,
        %get3A_298 = vector.shape_cast %get3A_297 : vector<1x16xf32> to vector<16xf32>
        %add3A_299 = arith.constant 64 : i32
        %add3A_300 = arith.addi %add3A_299, %scan3A_216 : i32
        %get3A_301 = arith.index_cast %add3A_300 : i32 to index
        %get3A_302 = arith.constant 96 : index
        %get3A_303 = tpu.vector_load %arg6[%get3A_301, %get3A_302] {strides = array<i32>} : memref<128x128xf32, #tpu.memory_space<vmem>>, vector<1x16xf32>,
        %get3A_304 = vector.shape_cast %get3A_303 : vector<1x16xf32> to vector<16xf32>
        %add3A_305 = arith.constant 64 : i32
        %add3A_306 = arith.addi %add3A_305, %scan3A_216 : i32
        %get3A_307 = arith.index_cast %add3A_306 : i32 to index
        %get3A_308 = arith.constant 32 : index
        %get3A_309 = tpu.vector_load %arg6[%get3A_307, %get3A_308] {strides = array<i32>} : memref<128x128xf32, #tpu.memory_space<vmem>>, vector<1x16xf32>,
        %get3A_310 = vector.shape_cast %get3A_309 : vector<1x16xf32> to vector<16xf32>
        %add3A_311 = arith.addf %get3A_292, %get3A_304 : vector<16xf32>
        %add3A_312 = arith.addf %get3A_298, %get3A_310 : vector<16xf32>
        %swap3A_313 = arith.index_cast %scan3A_216 : i32 to index
        %swap3A_314 = arith.constant 32 : index
        %swap3A_315 = tpu.vector_load %arg8[%swap3A_313, %swap3A_314] {strides = array<i32>} : memref<64x128xf32, #tpu.memory_space<vmem>>, vector<1x16xf32>,
        %swap3A_316 = vector.shape_cast %swap3A_315 : vector<1x16xf32> to vector<16xf32>
        %swap3A_317 = vector.shape_cast %add3A_311 : vector<16xf32> to vector<1x16xf32>
        tpu.vector_store %arg8[%swap3A_313, %swap3A_314], %swap3A_317 {strides = array<i32>} : memref<64x128xf32, #tpu.memory_space<vmem>>, vector<1x16xf32>,
        %swap3A_318 = arith.index_cast %scan3A_216 : i32 to index
        %swap3A_319 = arith.constant 96 : index
        %swap3A_320 = tpu.vector_load %arg8[%swap3A_318, %swap3A_319] {strides = array<i32>} : memref<64x128xf32, #tpu.memory_space<vmem>>, vector<1x16xf32>,
        %swap3A_321 = vector.shape_cast %swap3A_320 : vector<1x16xf32> to vector<16xf32>
        %swap3A_322 = vector.shape_cast %add3A_312 : vector<16xf32> to vector<1x16xf32>
        tpu.vector_store %arg8[%swap3A_318, %swap3A_319], %swap3A_322 {strides = array<i32>} : memref<64x128xf32, #tpu.memory_space<vmem>>, vector<1x16xf32>,
        %add3A_323 = arith.constant 0 : i32
        %add3A_324 = arith.addi %add3A_323, %scan3A_216 : i32
        %get3A_325 = arith.index_cast %add3A_324 : i32 to index
        %get3A_326 = arith.constant 48 : index
        %get3A_327 = tpu.vector_load %arg6[%get3A_325, %get3A_326] {strides = array<i32>} : memref<128x128xf32, #tpu.memory_space<vmem>>, vector<1x16xf32>,
        %get3A_328 = vector.shape_cast %get3A_327 : vector<1x16xf32> to vector<16xf32>
        %add3A_329 = arith.constant 0 : i32
        %add3A_330 = arith.addi %add3A_329, %scan3A_216 : i32
        %get3A_331 = arith.index_cast %add3A_330 : i32 to index
        %get3A_332 = arith.constant 112 : index
        %get3A_333 = tpu.vector_load %arg6[%get3A_331, %get3A_332] {strides = array<i32>} : memref<128x128xf32, #tpu.memory_space<vmem>>, vector<1x16xf32>,
        %get3A_334 = vector.shape_cast %get3A_333 : vector<1x16xf32> to vector<16xf32>
        %add3A_335 = arith.constant 64 : i32
        %add3A_336 = arith.addi %add3A_335, %scan3A_216 : i32
        %get3A_337 = arith.index_cast %add3A_336 : i32 to index
        %get3A_338 = arith.constant 112 : index
        %get3A_339 = tpu.vector_load %arg6[%get3A_337, %get3A_338] {strides = array<i32>} : memref<128x128xf32, #tpu.memory_space<vmem>>, vector<1x16xf32>,
        %get3A_340 = vector.shape_cast %get3A_339 : vector<1x16xf32> to vector<16xf32>
        %add3A_341 = arith.constant 64 : i32
        %add3A_342 = arith.addi %add3A_341, %scan3A_216 : i32
        %get3A_343 = arith.index_cast %add3A_342 : i32 to index
        %get3A_344 = arith.constant 48 : index
        %get3A_345 = tpu.vector_load %arg6[%get3A_343, %get3A_344] {strides = array<i32>} : memref<128x128xf32, #tpu.memory_space<vmem>>, vector<1x16xf32>,
        %get3A_346 = vector.shape_cast %get3A_345 : vector<1x16xf32> to vector<16xf32>
        %add3A_347 = arith.addf %get3A_328, %get3A_340 : vector<16xf32>
        %add3A_348 = arith.addf %get3A_334, %get3A_346 : vector<16xf32>
        %swap3A_349 = arith.index_cast %scan3A_216 : i32 to index
        %swap3A_350 = arith.constant 48 : index
        %swap3A_351 = tpu.vector_load %arg8[%swap3A_349, %swap3A_350] {strides = array<i32>} : memref<64x128xf32, #tpu.memory_space<vmem>>, vector<1x16xf32>,
        %swap3A_352 = vector.shape_cast %swap3A_351 : vector<1x16xf32> to vector<16xf32>
        %swap3A_353 = vector.shape_cast %add3A_347 : vector<16xf32> to vector<1x16xf32>
        tpu.vector_store %arg8[%swap3A_349, %swap3A_350], %swap3A_353 {strides = array<i32>} : memref<64x128xf32, #tpu.memory_space<vmem>>, vector<1x16xf32>,
        %swap3A_354 = arith.index_cast %scan3A_216 : i32 to index
        %swap3A_355 = arith.constant 112 : index
        %swap3A_356 = tpu.vector_load %arg8[%swap3A_354, %swap3A_355] {strides = array<i32>} : memref<64x128xf32, #tpu.memory_space<vmem>>, vector<1x16xf32>,
        %swap3A_357 = vector.shape_cast %swap3A_356 : vector<1x16xf32> to vector<16xf32>
        %swap3A_358 = vector.shape_cast %add3A_348 : vector<16xf32> to vector<1x16xf32>
        tpu.vector_store %arg8[%swap3A_354, %swap3A_355], %swap3A_358 {strides = array<i32>} : memref<64x128xf32, #tpu.memory_space<vmem>>, vector<1x16xf32>,
      }
      %scan3A_163 = arith.constant 64 : i32
      %add3A_164 = arith.addi %select_n3A, %mul3A_142 : i32
      %dma_start3A_165 = arith.constant 0 : i32
      %dma_start3A_166 = arith.constant 0 : i32
      %dma_start3A_167 = tpu.memref_slice %arg4[%add3A_164, %dma_start3A_165, %dma_start3A_166] : memref<1600x64x128xf32, #tpu.memory_space<hbm>> -> memref<1x64x128xf32, #tpu.memory_space<hbm>>
      %dma_start3A_168 = tpu.memref_squeeze %dma_start3A_167 : memref<1x64x128xf32, #tpu.memory_space<hbm>> -> memref<64x128xf32, #tpu.memory_space<hbm>>
      %dma_start3A_169 = arith.constant 0 : i32
      %dma_start3A_170 = arith.constant 0 : i32
      %dma_start3A_171 = tpu.memref_slice %arg4[%add3A_164, %dma_start3A_169, %dma_start3A_170] : memref<1600x64x128xf32, #tpu.memory_space<hbm>> -> memref<1x64x128xf32, #tpu.memory_space<hbm>>
      %dma_start3A_172 = tpu.memref_squeeze %dma_start3A_171 : memref<1x64x128xf32, #tpu.memory_space<hbm>> -> memref<64x128xf32, #tpu.memory_space<hbm>>
      tpu.enqueue_dma source(%arg8 : memref<64x128xf32, #tpu.memory_space<vmem>>) target(%dma_start3A_172 : memref<64x128xf32, #tpu.memory_space<hbm>>) target_semaphore(%arg12 : memref<!tpu.dma_semaphore, #tpu.memory_space<semaphore_mem>>)
      %add3A_173 = arith.constant 1 : i32
      %add3A_174 = arith.addi %while3A_140, %add3A_173 : i32
      %lt3A = arith.cmpi slt, %add3A_174, %select_n3A_80 : i32
      %convert_element_type3A_175 = arith.extui %lt3A : i1 to i32
      %cond3A_176 = arith.constant 0 : i32
      %cond3A_177 = arith.cmpi ne, %convert_element_type3A_175, %cond3A_176 : i32
      scf.if %cond3A_177 {
        %add3A_216 = arith.constant 2 : i32
        %add3A_217 = arith.addi %mul3A_142, %add3A_216 : i32
        %mul3A_218 = arith.constant 64 : i32
        %mul3A_219 = arith.muli %add3A_217, %mul3A_218 : i32
        %add3A_220 = arith.constant 0 : i32
        %add3A_221 = arith.addi %add3A_220, %mul3A_219 : i32
        %dma_start3A_222 = arith.constant 0 : i32
        %dma_start3A_223 = arith.constant 0 : i32
        %dma_start3A_224 = tpu.memref_slice %arg6[%dma_start3A_222, %dma_start3A_223] : memref<128x128xf32, #tpu.memory_space<vmem>> -> memref<64x128xf32, #tpu.memory_space<vmem>>
        %dma_start3A_225 = tpu.memref_slice %arg5[%add3A_221] : memref<6400xi32, #tpu.memory_space<vmem>> -> memref<64xi32, #tpu.memory_space<vmem>>
        %dma_start3A_226 = arith.constant 0 : i32
        %dma_start3A_227 = arith.constant 0 : i32
        %dma_start3A_228 = tpu.memref_slice %arg2[%dma_start3A_226, %dma_start3A_227] : memref<250000x128xf32, #tpu.memory_space<hbm>> -> memref<250000x128xf32, #tpu.memory_space<hbm>>
        tpu.enqueue_indirect_dma source(%dma_start3A_228 : memref<250000x128xf32, #tpu.memory_space<hbm>>) target(%dma_start3A_224 : memref<64x128xf32, #tpu.memory_space<vmem>>) offsets(%dma_start3A_225 : memref<64xi32, #tpu.memory_space<vmem>>) semaphore(%arg10 : memref<!tpu.dma_semaphore, #tpu.memory_space<semaphore_mem>>)
        %mul3A_229 = arith.constant 64 : i32
        %mul3A_230 = arith.muli %add3A_217, %mul3A_229 : i32
        %add3A_231 = arith.constant 3200 : i32
        %add3A_232 = arith.addi %add3A_231, %mul3A_230 : i32
        %dma_start3A_233 = arith.constant 64 : i32
        %dma_start3A_234 = arith.constant 0 : i32
        %dma_start3A_235 = tpu.memref_slice %arg6[%dma_start3A_233, %dma_start3A_234] : memref<128x128xf32, #tpu.memory_space<vmem>> -> memref<64x128xf32, #tpu.memory_space<vmem>>
        %dma_start3A_236 = tpu.memref_slice %arg5[%add3A_232] : memref<6400xi32, #tpu.memory_space<vmem>> -> memref<64xi32, #tpu.memory_space<vmem>>
        %dma_start3A_237 = arith.constant 0 : i32
        %dma_start3A_238 = arith.constant 0 : i32
        %dma_start3A_239 = tpu.memref_slice %arg2[%dma_start3A_237, %dma_start3A_238] : memref<250000x128xf32, #tpu.memory_space<hbm>> -> memref<250000x128xf32, #tpu.memory_space<hbm>>
        tpu.enqueue_indirect_dma source(%dma_start3A_239 : memref<250000x128xf32, #tpu.memory_space<hbm>>) target(%dma_start3A_235 : memref<64x128xf32, #tpu.memory_space<vmem>>) offsets(%dma_start3A_236 : memref<64xi32, #tpu.memory_space<vmem>>) semaphore(%arg10 : memref<!tpu.dma_semaphore, #tpu.memory_space<semaphore_mem>>)
      } else {
      }
      %dma_wait3A_178 = arith.constant 0 : i32
      %dma_wait3A_179 = arith.constant 0 : i32
      %dma_wait3A_180 = tpu.memref_slice %arg2[%dma_wait3A_178, %dma_wait3A_179] : memref<250000x128xf32, #tpu.memory_space<hbm>> -> memref<64x128xf32, #tpu.memory_space<hbm>>
      %dma_wait3A_181 = arith.constant 0 : i32
      %dma_wait3A_182 = arith.constant 0 : i32
      %dma_wait3A_183 = tpu.memref_slice %arg2[%dma_wait3A_181, %dma_wait3A_182] : memref<250000x128xf32, #tpu.memory_space<hbm>> -> memref<64x128xf32, #tpu.memory_space<hbm>>
      tpu.wait_dma2 semaphore(%arg11 : memref<!tpu.dma_semaphore, #tpu.memory_space<semaphore_mem>>) src(%dma_wait3A_183 : memref<64x128xf32, #tpu.memory_space<hbm>>) dst(%arg8 : memref<64x128xf32, #tpu.memory_space<vmem>>)
      %dma_wait3A_184 = arith.constant 0 : i32
      %dma_wait3A_185 = arith.constant 0 : i32
      %dma_wait3A_186 = tpu.memref_slice %arg2[%dma_wait3A_184, %dma_wait3A_185] : memref<250000x128xf32, #tpu.memory_space<hbm>> -> memref<64x128xf32, #tpu.memory_space<hbm>>
      %dma_wait3A_187 = arith.constant 0 : i32
      %dma_wait3A_188 = arith.constant 0 : i32
      %dma_wait3A_189 = tpu.memref_slice %arg2[%dma_wait3A_187, %dma_wait3A_188] : memref<250000x128xf32, #tpu.memory_space<hbm>> -> memref<64x128xf32, #tpu.memory_space<hbm>>
      tpu.wait_dma2 semaphore(%arg11 : memref<!tpu.dma_semaphore, #tpu.memory_space<semaphore_mem>>) src(%dma_wait3A_189 : memref<64x128xf32, #tpu.memory_space<hbm>>) dst(%arg8 : memref<64x128xf32, #tpu.memory_space<vmem>>)
      %gt3A_190 = arith.constant 0 : i32
      %gt3A_191 = arith.cmpi sgt, %while3A_140, %gt3A_190 : i32
      %convert_element_type3A_192 = arith.extui %gt3A_191 : i1 to i32
      %cond3A_193 = arith.constant 0 : i32
      %cond3A_194 = arith.cmpi ne, %convert_element_type3A_192, %cond3A_193 : i32
      scf.if %cond3A_194 {
        %dma_wait3A_216 = arith.constant 0 : i32
        %dma_wait3A_217 = arith.constant 0 : i32
        %dma_wait3A_218 = tpu.memref_slice %arg2[%dma_wait3A_216, %dma_wait3A_217] : memref<250000x128xf32, #tpu.memory_space<hbm>> -> memref<64x128xf32, #tpu.memory_space<hbm>>
        %dma_wait3A_219 = arith.constant 0 : i32
        %dma_wait3A_220 = arith.constant 0 : i32
        %dma_wait3A_221 = tpu.memref_slice %arg2[%dma_wait3A_219, %dma_wait3A_220] : memref<250000x128xf32, #tpu.memory_space<hbm>> -> memref<64x128xf32, #tpu.memory_space<hbm>>
        tpu.wait_dma2 semaphore(%arg13 : memref<!tpu.dma_semaphore, #tpu.memory_space<semaphore_mem>>) src(%dma_wait3A_221 : memref<64x128xf32, #tpu.memory_space<hbm>>) dst(%arg8 : memref<64x128xf32, #tpu.memory_space<vmem>>)
      } else {
      }
      %scan3A_195 = arith.constant 0 : i32
      %scan3A_196 = arith.constant 0 : i32
      %scan3A_197 = arith.constant 64 : i32
      %scan3A_198 = arith.addi %scan3A_196, %scan3A_197 : i32
      %scan3A_199 = arith.constant 1 : i32
      scf.for %scan3A_216 = %scan3A_196 to %scan3A_198 step %scan3A_199  : i32 {
        %add3A_217 = arith.constant 0 : i32
        %add3A_218 = arith.addi %add3A_217, %scan3A_216 : i32
        %get3A = arith.index_cast %add3A_218 : i32 to index
        %get3A_219 = arith.constant 0 : index
        %get3A_220 = tpu.vector_load %arg7[%get3A, %get3A_219] {strides = array<i32>} : memref<128x128xf32, #tpu.memory_space<vmem>>, vector<1x16xf32>,
        %get3A_221 = vector.shape_cast %get3A_220 : vector<1x16xf32> to vector<16xf32>
        %add3A_222 = arith.constant 0 : i32
        %add3A_223 = arith.addi %add3A_222, %scan3A_216 : i32
        %get3A_224 = arith.index_cast %add3A_223 : i32 to index
        %get3A_225 = arith.constant 64 : index
        %get3A_226 = tpu.vector_load %arg7[%get3A_224, %get3A_225] {strides = array<i32>} : memref<128x128xf32, #tpu.memory_space<vmem>>, vector<1x16xf32>,
        %get3A_227 = vector.shape_cast %get3A_226 : vector<1x16xf32> to vector<16xf32>
        %add3A_228 = arith.constant 64 : i32
        %add3A_229 = arith.addi %add3A_228, %scan3A_216 : i32
        %get3A_230 = arith.index_cast %add3A_229 : i32 to index
        %get3A_231 = arith.constant 64 : index
        %get3A_232 = tpu.vector_load %arg7[%get3A_230, %get3A_231] {strides = array<i32>} : memref<128x128xf32, #tpu.memory_space<vmem>>, vector<1x16xf32>,
        %get3A_233 = vector.shape_cast %get3A_232 : vector<1x16xf32> to vector<16xf32>
        %add3A_234 = arith.constant 64 : i32
        %add3A_235 = arith.addi %add3A_234, %scan3A_216 : i32
        %get3A_236 = arith.index_cast %add3A_235 : i32 to index
        %get3A_237 = arith.constant 0 : index
        %get3A_238 = tpu.vector_load %arg7[%get3A_236, %get3A_237] {strides = array<i32>} : memref<128x128xf32, #tpu.memory_space<vmem>>, vector<1x16xf32>,
        %get3A_239 = vector.shape_cast %get3A_238 : vector<1x16xf32> to vector<16xf32>
        %add3A_240 = arith.addf %get3A_221, %get3A_233 : vector<16xf32>
        %add3A_241 = arith.addf %get3A_227, %get3A_239 : vector<16xf32>
        %swap3A = arith.index_cast %scan3A_216 : i32 to index
        %swap3A_242 = arith.constant 0 : index
        %swap3A_243 = tpu.vector_load %arg9[%swap3A, %swap3A_242] {strides = array<i32>} : memref<64x128xf32, #tpu.memory_space<vmem>>, vector<1x16xf32>,
        %swap3A_244 = vector.shape_cast %swap3A_243 : vector<1x16xf32> to vector<16xf32>
        %swap3A_245 = vector.shape_cast %add3A_240 : vector<16xf32> to vector<1x16xf32>
        tpu.vector_store %arg9[%swap3A, %swap3A_242], %swap3A_245 {strides = array<i32>} : memref<64x128xf32, #tpu.memory_space<vmem>>, vector<1x16xf32>,
        %swap3A_246 = arith.index_cast %scan3A_216 : i32 to index
        %swap3A_247 = arith.constant 64 : index
        %swap3A_248 = tpu.vector_load %arg9[%swap3A_246, %swap3A_247] {strides = array<i32>} : memref<64x128xf32, #tpu.memory_space<vmem>>, vector<1x16xf32>,
        %swap3A_249 = vector.shape_cast %swap3A_248 : vector<1x16xf32> to vector<16xf32>
        %swap3A_250 = vector.shape_cast %add3A_241 : vector<16xf32> to vector<1x16xf32>
        tpu.vector_store %arg9[%swap3A_246, %swap3A_247], %swap3A_250 {strides = array<i32>} : memref<64x128xf32, #tpu.memory_space<vmem>>, vector<1x16xf32>,
        %add3A_251 = arith.constant 0 : i32
        %add3A_252 = arith.addi %add3A_251, %scan3A_216 : i32
        %get3A_253 = arith.index_cast %add3A_252 : i32 to index
        %get3A_254 = arith.constant 16 : index
        %get3A_255 = tpu.vector_load %arg7[%get3A_253, %get3A_254] {strides = array<i32>} : memref<128x128xf32, #tpu.memory_space<vmem>>, vector<1x16xf32>,
        %get3A_256 = vector.shape_cast %get3A_255 : vector<1x16xf32> to vector<16xf32>
        %add3A_257 = arith.constant 0 : i32
        %add3A_258 = arith.addi %add3A_257, %scan3A_216 : i32
        %get3A_259 = arith.index_cast %add3A_258 : i32 to index
        %get3A_260 = arith.constant 80 : index
        %get3A_261 = tpu.vector_load %arg7[%get3A_259, %get3A_260] {strides = array<i32>} : memref<128x128xf32, #tpu.memory_space<vmem>>, vector<1x16xf32>,
        %get3A_262 = vector.shape_cast %get3A_261 : vector<1x16xf32> to vector<16xf32>
        %add3A_263 = arith.constant 64 : i32
        %add3A_264 = arith.addi %add3A_263, %scan3A_216 : i32
        %get3A_265 = arith.index_cast %add3A_264 : i32 to index
        %get3A_266 = arith.constant 80 : index
        %get3A_267 = tpu.vector_load %arg7[%get3A_265, %get3A_266] {strides = array<i32>} : memref<128x128xf32, #tpu.memory_space<vmem>>, vector<1x16xf32>,
        %get3A_268 = vector.shape_cast %get3A_267 : vector<1x16xf32> to vector<16xf32>
        %add3A_269 = arith.constant 64 : i32
        %add3A_270 = arith.addi %add3A_269, %scan3A_216 : i32
        %get3A_271 = arith.index_cast %add3A_270 : i32 to index
        %get3A_272 = arith.constant 16 : index
        %get3A_273 = tpu.vector_load %arg7[%get3A_271, %get3A_272] {strides = array<i32>} : memref<128x128xf32, #tpu.memory_space<vmem>>, vector<1x16xf32>,
        %get3A_274 = vector.shape_cast %get3A_273 : vector<1x16xf32> to vector<16xf32>
        %add3A_275 = arith.addf %get3A_256, %get3A_268 : vector<16xf32>
        %add3A_276 = arith.addf %get3A_262, %get3A_274 : vector<16xf32>
        %swap3A_277 = arith.index_cast %scan3A_216 : i32 to index
        %swap3A_278 = arith.constant 16 : index
        %swap3A_279 = tpu.vector_load %arg9[%swap3A_277, %swap3A_278] {strides = array<i32>} : memref<64x128xf32, #tpu.memory_space<vmem>>, vector<1x16xf32>,
        %swap3A_280 = vector.shape_cast %swap3A_279 : vector<1x16xf32> to vector<16xf32>
        %swap3A_281 = vector.shape_cast %add3A_275 : vector<16xf32> to vector<1x16xf32>
        tpu.vector_store %arg9[%swap3A_277, %swap3A_278], %swap3A_281 {strides = array<i32>} : memref<64x128xf32, #tpu.memory_space<vmem>>, vector<1x16xf32>,
        %swap3A_282 = arith.index_cast %scan3A_216 : i32 to index
        %swap3A_283 = arith.constant 80 : index
        %swap3A_284 = tpu.vector_load %arg9[%swap3A_282, %swap3A_283] {strides = array<i32>} : memref<64x128xf32, #tpu.memory_space<vmem>>, vector<1x16xf32>,
        %swap3A_285 = vector.shape_cast %swap3A_284 : vector<1x16xf32> to vector<16xf32>
        %swap3A_286 = vector.shape_cast %add3A_276 : vector<16xf32> to vector<1x16xf32>
        tpu.vector_store %arg9[%swap3A_282, %swap3A_283], %swap3A_286 {strides = array<i32>} : memref<64x128xf32, #tpu.memory_space<vmem>>, vector<1x16xf32>,
        %add3A_287 = arith.constant 0 : i32
        %add3A_288 = arith.addi %add3A_287, %scan3A_216 : i32
        %get3A_289 = arith.index_cast %add3A_288 : i32 to index
        %get3A_290 = arith.constant 32 : index
        %get3A_291 = tpu.vector_load %arg7[%get3A_289, %get3A_290] {strides = array<i32>} : memref<128x128xf32, #tpu.memory_space<vmem>>, vector<1x16xf32>,
        %get3A_292 = vector.shape_cast %get3A_291 : vector<1x16xf32> to vector<16xf32>
        %add3A_293 = arith.constant 0 : i32
        %add3A_294 = arith.addi %add3A_293, %scan3A_216 : i32
        %get3A_295 = arith.index_cast %add3A_294 : i32 to index
        %get3A_296 = arith.constant 96 : index
        %get3A_297 = tpu.vector_load %arg7[%get3A_295, %get3A_296] {strides = array<i32>} : memref<128x128xf32, #tpu.memory_space<vmem>>, vector<1x16xf32>,
        %get3A_298 = vector.shape_cast %get3A_297 : vector<1x16xf32> to vector<16xf32>
        %add3A_299 = arith.constant 64 : i32
        %add3A_300 = arith.addi %add3A_299, %scan3A_216 : i32
        %get3A_301 = arith.index_cast %add3A_300 : i32 to index
        %get3A_302 = arith.constant 96 : index
        %get3A_303 = tpu.vector_load %arg7[%get3A_301, %get3A_302] {strides = array<i32>} : memref<128x128xf32, #tpu.memory_space<vmem>>, vector<1x16xf32>,
        %get3A_304 = vector.shape_cast %get3A_303 : vector<1x16xf32> to vector<16xf32>
        %add3A_305 = arith.constant 64 : i32
        %add3A_306 = arith.addi %add3A_305, %scan3A_216 : i32
        %get3A_307 = arith.index_cast %add3A_306 : i32 to index
        %get3A_308 = arith.constant 32 : index
        %get3A_309 = tpu.vector_load %arg7[%get3A_307, %get3A_308] {strides = array<i32>} : memref<128x128xf32, #tpu.memory_space<vmem>>, vector<1x16xf32>,
        %get3A_310 = vector.shape_cast %get3A_309 : vector<1x16xf32> to vector<16xf32>
        %add3A_311 = arith.addf %get3A_292, %get3A_304 : vector<16xf32>
        %add3A_312 = arith.addf %get3A_298, %get3A_310 : vector<16xf32>
        %swap3A_313 = arith.index_cast %scan3A_216 : i32 to index
        %swap3A_314 = arith.constant 32 : index
        %swap3A_315 = tpu.vector_load %arg9[%swap3A_313, %swap3A_314] {strides = array<i32>} : memref<64x128xf32, #tpu.memory_space<vmem>>, vector<1x16xf32>,
        %swap3A_316 = vector.shape_cast %swap3A_315 : vector<1x16xf32> to vector<16xf32>
        %swap3A_317 = vector.shape_cast %add3A_311 : vector<16xf32> to vector<1x16xf32>
        tpu.vector_store %arg9[%swap3A_313, %swap3A_314], %swap3A_317 {strides = array<i32>} : memref<64x128xf32, #tpu.memory_space<vmem>>, vector<1x16xf32>,
        %swap3A_318 = arith.index_cast %scan3A_216 : i32 to index
        %swap3A_319 = arith.constant 96 : index
        %swap3A_320 = tpu.vector_load %arg9[%swap3A_318, %swap3A_319] {strides = array<i32>} : memref<64x128xf32, #tpu.memory_space<vmem>>, vector<1x16xf32>,
        %swap3A_321 = vector.shape_cast %swap3A_320 : vector<1x16xf32> to vector<16xf32>
        %swap3A_322 = vector.shape_cast %add3A_312 : vector<16xf32> to vector<1x16xf32>
        tpu.vector_store %arg9[%swap3A_318, %swap3A_319], %swap3A_322 {strides = array<i32>} : memref<64x128xf32, #tpu.memory_space<vmem>>, vector<1x16xf32>,
        %add3A_323 = arith.constant 0 : i32
        %add3A_324 = arith.addi %add3A_323, %scan3A_216 : i32
        %get3A_325 = arith.index_cast %add3A_324 : i32 to index
        %get3A_326 = arith.constant 48 : index
        %get3A_327 = tpu.vector_load %arg7[%get3A_325, %get3A_326] {strides = array<i32>} : memref<128x128xf32, #tpu.memory_space<vmem>>, vector<1x16xf32>,
        %get3A_328 = vector.shape_cast %get3A_327 : vector<1x16xf32> to vector<16xf32>
        %add3A_329 = arith.constant 0 : i32
        %add3A_330 = arith.addi %add3A_329, %scan3A_216 : i32
        %get3A_331 = arith.index_cast %add3A_330 : i32 to index
        %get3A_332 = arith.constant 112 : index
        %get3A_333 = tpu.vector_load %arg7[%get3A_331, %get3A_332] {strides = array<i32>} : memref<128x128xf32, #tpu.memory_space<vmem>>, vector<1x16xf32>,
        %get3A_334 = vector.shape_cast %get3A_333 : vector<1x16xf32> to vector<16xf32>
        %add3A_335 = arith.constant 64 : i32
        %add3A_336 = arith.addi %add3A_335, %scan3A_216 : i32
        %get3A_337 = arith.index_cast %add3A_336 : i32 to index
        %get3A_338 = arith.constant 112 : index
        %get3A_339 = tpu.vector_load %arg7[%get3A_337, %get3A_338] {strides = array<i32>} : memref<128x128xf32, #tpu.memory_space<vmem>>, vector<1x16xf32>,
        %get3A_340 = vector.shape_cast %get3A_339 : vector<1x16xf32> to vector<16xf32>
        %add3A_341 = arith.constant 64 : i32
        %add3A_342 = arith.addi %add3A_341, %scan3A_216 : i32
        %get3A_343 = arith.index_cast %add3A_342 : i32 to index
        %get3A_344 = arith.constant 48 : index
        %get3A_345 = tpu.vector_load %arg7[%get3A_343, %get3A_344] {strides = array<i32>} : memref<128x128xf32, #tpu.memory_space<vmem>>, vector<1x16xf32>,
        %get3A_346 = vector.shape_cast %get3A_345 : vector<1x16xf32> to vector<16xf32>
        %add3A_347 = arith.addf %get3A_328, %get3A_340 : vector<16xf32>
        %add3A_348 = arith.addf %get3A_334, %get3A_346 : vector<16xf32>
        %swap3A_349 = arith.index_cast %scan3A_216 : i32 to index
        %swap3A_350 = arith.constant 48 : index
        %swap3A_351 = tpu.vector_load %arg9[%swap3A_349, %swap3A_350] {strides = array<i32>} : memref<64x128xf32, #tpu.memory_space<vmem>>, vector<1x16xf32>,
        %swap3A_352 = vector.shape_cast %swap3A_351 : vector<1x16xf32> to vector<16xf32>
        %swap3A_353 = vector.shape_cast %add3A_347 : vector<16xf32> to vector<1x16xf32>
        tpu.vector_store %arg9[%swap3A_349, %swap3A_350], %swap3A_353 {strides = array<i32>} : memref<64x128xf32, #tpu.memory_space<vmem>>, vector<1x16xf32>,
        %swap3A_354 = arith.index_cast %scan3A_216 : i32 to index
        %swap3A_355 = arith.constant 112 : index
        %swap3A_356 = tpu.vector_load %arg9[%swap3A_354, %swap3A_355] {strides = array<i32>} : memref<64x128xf32, #tpu.memory_space<vmem>>, vector<1x16xf32>,
        %swap3A_357 = vector.shape_cast %swap3A_356 : vector<1x16xf32> to vector<16xf32>
        %swap3A_358 = vector.shape_cast %add3A_348 : vector<16xf32> to vector<1x16xf32>
        tpu.vector_store %arg9[%swap3A_354, %swap3A_355], %swap3A_358 {strides = array<i32>} : memref<64x128xf32, #tpu.memory_space<vmem>>, vector<1x16xf32>,
      }
      %scan3A_200 = arith.constant 64 : i32
      %add3A_201 = arith.addi %select_n3A, %add3A_144 : i32
      %dma_start3A_202 = arith.constant 0 : i32
      %dma_start3A_203 = arith.constant 0 : i32
      %dma_start3A_204 = tpu.memref_slice %arg4[%add3A_201, %dma_start3A_202, %dma_start3A_203] : memref<1600x64x128xf32, #tpu.memory_space<hbm>> -> memref<1x64x128xf32, #tpu.memory_space<hbm>>
      %dma_start3A_205 = tpu.memref_squeeze %dma_start3A_204 : memref<1x64x128xf32, #tpu.memory_space<hbm>> -> memref<64x128xf32, #tpu.memory_space<hbm>>
      %dma_start3A_206 = arith.constant 0 : i32
      %dma_start3A_207 = arith.constant 0 : i32
      %dma_start3A_208 = tpu.memref_slice %arg4[%add3A_201, %dma_start3A_206, %dma_start3A_207] : memref<1600x64x128xf32, #tpu.memory_space<hbm>> -> memref<1x64x128xf32, #tpu.memory_space<hbm>>
      %dma_start3A_209 = tpu.memref_squeeze %dma_start3A_208 : memref<1x64x128xf32, #tpu.memory_space<hbm>> -> memref<64x128xf32, #tpu.memory_space<hbm>>
      tpu.enqueue_dma source(%arg9 : memref<64x128xf32, #tpu.memory_space<vmem>>) target(%dma_start3A_209 : memref<64x128xf32, #tpu.memory_space<hbm>>) target_semaphore(%arg13 : memref<!tpu.dma_semaphore, #tpu.memory_space<semaphore_mem>>)
      %add3A_210 = arith.constant 1 : i32
      %add3A_211 = arith.addi %while3A_140, %add3A_210 : i32
      %lt3A_212 = arith.cmpi slt, %add3A_211, %select_n3A_80 : i32
      %convert_element_type3A_213 = arith.extui %lt3A_212 : i1 to i32
      %cond3A_214 = arith.constant 0 : i32
      %cond3A_215 = arith.cmpi ne, %convert_element_type3A_213, %cond3A_214 : i32
      scf.if %cond3A_215 {
        %add3A_216 = arith.constant 2 : i32
        %add3A_217 = arith.addi %add3A_144, %add3A_216 : i32
        %mul3A_218 = arith.constant 64 : i32
        %mul3A_219 = arith.muli %add3A_217, %mul3A_218 : i32
        %add3A_220 = arith.constant 0 : i32
        %add3A_221 = arith.addi %add3A_220, %mul3A_219 : i32
        %dma_start3A_222 = arith.constant 0 : i32
        %dma_start3A_223 = arith.constant 0 : i32
        %dma_start3A_224 = tpu.memref_slice %arg7[%dma_start3A_222, %dma_start3A_223] : memref<128x128xf32, #tpu.memory_space<vmem>> -> memref<64x128xf32, #tpu.memory_space<vmem>>
        %dma_start3A_225 = tpu.memref_slice %arg5[%add3A_221] : memref<6400xi32, #tpu.memory_space<vmem>> -> memref<64xi32, #tpu.memory_space<vmem>>
        %dma_start3A_226 = arith.constant 0 : i32
        %dma_start3A_227 = arith.constant 0 : i32
        %dma_start3A_228 = tpu.memref_slice %arg2[%dma_start3A_226, %dma_start3A_227] : memref<250000x128xf32, #tpu.memory_space<hbm>> -> memref<250000x128xf32, #tpu.memory_space<hbm>>
        tpu.enqueue_indirect_dma source(%dma_start3A_228 : memref<250000x128xf32, #tpu.memory_space<hbm>>) target(%dma_start3A_224 : memref<64x128xf32, #tpu.memory_space<vmem>>) offsets(%dma_start3A_225 : memref<64xi32, #tpu.memory_space<vmem>>) semaphore(%arg11 : memref<!tpu.dma_semaphore, #tpu.memory_space<semaphore_mem>>)
        %mul3A_229 = arith.constant 64 : i32
        %mul3A_230 = arith.muli %add3A_217, %mul3A_229 : i32
        %add3A_231 = arith.constant 3200 : i32
        %add3A_232 = arith.addi %add3A_231, %mul3A_230 : i32
        %dma_start3A_233 = arith.constant 64 : i32
        %dma_start3A_234 = arith.constant 0 : i32
        %dma_start3A_235 = tpu.memref_slice %arg7[%dma_start3A_233, %dma_start3A_234] : memref<128x128xf32, #tpu.memory_space<vmem>> -> memref<64x128xf32, #tpu.memory_space<vmem>>
        %dma_start3A_236 = tpu.memref_slice %arg5[%add3A_232] : memref<6400xi32, #tpu.memory_space<vmem>> -> memref<64xi32, #tpu.memory_space<vmem>>
        %dma_start3A_237 = arith.constant 0 : i32
        %dma_start3A_238 = arith.constant 0 : i32
        %dma_start3A_239 = tpu.memref_slice %arg2[%dma_start3A_237, %dma_start3A_238] : memref<250000x128xf32, #tpu.memory_space<hbm>> -> memref<250000x128xf32, #tpu.memory_space<hbm>>
        tpu.enqueue_indirect_dma source(%dma_start3A_239 : memref<250000x128xf32, #tpu.memory_space<hbm>>) target(%dma_start3A_235 : memref<64x128xf32, #tpu.memory_space<vmem>>) offsets(%dma_start3A_236 : memref<64xi32, #tpu.memory_space<vmem>>) semaphore(%arg11 : memref<!tpu.dma_semaphore, #tpu.memory_space<semaphore_mem>>)
      } else {
      }
    }
    %dma_wait3A = arith.constant 0 : i32
    %dma_wait3A_129 = arith.constant 0 : i32
    %dma_wait3A_130 = tpu.memref_slice %arg2[%dma_wait3A, %dma_wait3A_129] : memref<250000x128xf32, #tpu.memory_space<hbm>> -> memref<64x128xf32, #tpu.memory_space<hbm>>
    %dma_wait3A_131 = arith.constant 0 : i32
    %dma_wait3A_132 = arith.constant 0 : i32
    %dma_wait3A_133 = tpu.memref_slice %arg2[%dma_wait3A_131, %dma_wait3A_132] : memref<250000x128xf32, #tpu.memory_space<hbm>> -> memref<64x128xf32, #tpu.memory_space<hbm>>
    tpu.wait_dma2 semaphore(%arg12 : memref<!tpu.dma_semaphore, #tpu.memory_space<semaphore_mem>>) src(%dma_wait3A_133 : memref<64x128xf32, #tpu.memory_space<hbm>>) dst(%arg8 : memref<64x128xf32, #tpu.memory_space<vmem>>)
    %dma_wait3A_134 = arith.constant 0 : i32
    %dma_wait3A_135 = arith.constant 0 : i32
    %dma_wait3A_136 = tpu.memref_slice %arg2[%dma_wait3A_134, %dma_wait3A_135] : memref<250000x128xf32, #tpu.memory_space<hbm>> -> memref<64x128xf32, #tpu.memory_space<hbm>>
    %dma_wait3A_137 = arith.constant 0 : i32
    %dma_wait3A_138 = arith.constant 0 : i32
    %dma_wait3A_139 = tpu.memref_slice %arg2[%dma_wait3A_137, %dma_wait3A_138] : memref<250000x128xf32, #tpu.memory_space<hbm>> -> memref<64x128xf32, #tpu.memory_space<hbm>>
    tpu.wait_dma2 semaphore(%arg13 : memref<!tpu.dma_semaphore, #tpu.memory_space<semaphore_mem>>) src(%dma_wait3A_139 : memref<64x128xf32, #tpu.memory_space<hbm>>) dst(%arg8 : memref<64x128xf32, #tpu.memory_space<vmem>>)
    return
  }
}

#map = affine_map<(d0, d1) -> (0, 0)>
#map1 = affine_map<(d0, d1) -> (0)>
#map2 = affine_map<(d0, d1) -> (0, 0, 0)>
module attributes {stable_mosaic.version = 14 : i64} {
  func.func @_sc_gather_body(%arg0: i32, %arg1: i32, %arg2: memref<250000x128xf32, #tpu.memory_space<hbm>>, %arg3: memref<380160xi32, #tpu.memory_space<hbm>>, %arg4: memref<1920x64x128xf32, #tpu.memory_space<hbm>>, %arg5: memref<11520xi32, #tpu.memory_space<vmem>>, %arg6: memref<192x128xf32, #tpu.memory_space<vmem>>, %arg7: memref<192x128xf32, #tpu.memory_space<vmem>>, %arg8: memref<64x128xf32, #tpu.memory_space<vmem>>, %arg9: memref<64x128xf32, #tpu.memory_space<vmem>>, %arg10: memref<!tpu.dma_semaphore, #tpu.memory_space<semaphore_mem>>, %arg11: memref<!tpu.dma_semaphore, #tpu.memory_space<semaphore_mem>>, %arg12: memref<!tpu.dma_semaphore, #tpu.memory_space<semaphore_mem>>, %arg13: memref<!tpu.dma_semaphore, #tpu.memory_space<semaphore_mem>>) attributes {dimension_semantics = [#tpu.dimension_semantics<core_parallel>, #tpu.dimension_semantics<subcore_parallel>], iteration_bounds = array<i64: 2, 16>, scalar_prefetch = 0 : i64, scratch_operands = 9 : i64, tpu.core_type = #tpu.core_type<sc_vector_subcore>, window_params = [{transform_indices = #map}, {transform_indices = #map1}, {transform_indices = #map2}]} {
    %sub3A = arith.constant 1 : i32
    %sub3A_0 = arith.subi %sub3A, %arg0 : i32
    %mul3A = arith.constant 1 : i32
    %mul3A_1 = arith.muli %mul3A, %arg1 : i32
    %mul3A_2 = arith.muli %sub3A_0, %mul3A_1 : i32
    %mul3A_3 = arith.constant 1 : i32
    %mul3A_4 = arith.muli %mul3A_3, %arg1 : i32
    %add3A = arith.constant 16 : i32
    %add3A_5 = arith.addi %add3A, %mul3A_4 : i32
    %mul3A_6 = arith.muli %arg0, %add3A_5 : i32
    %add3A_7 = arith.addi %mul3A_2, %mul3A_6 : i32
    %mul3A_8 = arith.constant 0 : i32
    %mul3A_9 = arith.muli %mul3A_8, %arg0 : i32
    %sub3A_10 = arith.constant 1 : i32
    %sub3A_11 = arith.subi %sub3A_10, %mul3A_9 : i32
    %mul3A_12 = arith.constant 1920 : i32
    %mul3A_13 = arith.muli %mul3A_12, %add3A_7 : i32
    %jit3A = arith.constant 32 : i32
    %div3A = arith.divsi %mul3A_13, %jit3A : i32
    %sign3A = arith.constant 0 : i32
    %sign3A_14 = arith.cmpi sgt, %mul3A_13, %sign3A : i32
    %sign3A_15 = arith.extui %sign3A_14 : i1 to i32
    %sign3A_16 = arith.constant 0 : i32
    %sign3A_17 = arith.cmpi slt, %mul3A_13, %sign3A_16 : i32
    %sign3A_18 = arith.extui %sign3A_17 : i1 to i32
    %sign3A_19 = arith.subi %sign3A_15, %sign3A_18 : i32
    %sign3A_20 = arith.constant 0 : i32
    %sign3A_21 = arith.cmpi sgt, %jit3A, %sign3A_20 : i32
    %sign3A_22 = arith.extui %sign3A_21 : i1 to i32
    %sign3A_23 = arith.constant 0 : i32
    %sign3A_24 = arith.cmpi slt, %jit3A, %sign3A_23 : i32
    %sign3A_25 = arith.extui %sign3A_24 : i1 to i32
    %sign3A_26 = arith.subi %sign3A_22, %sign3A_25 : i32
    %ne3A = arith.cmpi ne, %sign3A_19, %sign3A_26 : i32
    %rem3A = arith.remsi %mul3A_13, %jit3A : i32
    %ne3A_27 = arith.constant 0 : i32
    %ne3A_28 = arith.cmpi ne, %rem3A, %ne3A_27 : i32
    %and3A = arith.andi %ne3A, %ne3A_28 : i1
    %sub3A_29 = arith.constant 1 : i32
    %sub3A_30 = arith.subi %div3A, %sub3A_29 : i32
    %select_n3A = arith.select %and3A, %sub3A_30, %div3A : i32
    %mul3A_31 = arith.constant 1920 : i32
    %mul3A_32 = arith.muli %mul3A_31, %sub3A_11 : i32
    %jit3A_33 = arith.constant 32 : i32
    %div3A_34 = arith.divsi %mul3A_32, %jit3A_33 : i32
    %sign3A_35 = arith.constant 0 : i32
    %sign3A_36 = arith.cmpi sgt, %mul3A_32, %sign3A_35 : i32
    %sign3A_37 = arith.extui %sign3A_36 : i1 to i32
    %sign3A_38 = arith.constant 0 : i32
    %sign3A_39 = arith.cmpi slt, %mul3A_32, %sign3A_38 : i32
    %sign3A_40 = arith.extui %sign3A_39 : i1 to i32
    %sign3A_41 = arith.subi %sign3A_37, %sign3A_40 : i32
    %sign3A_42 = arith.constant 0 : i32
    %sign3A_43 = arith.cmpi sgt, %jit3A_33, %sign3A_42 : i32
    %sign3A_44 = arith.extui %sign3A_43 : i1 to i32
    %sign3A_45 = arith.constant 0 : i32
    %sign3A_46 = arith.cmpi slt, %jit3A_33, %sign3A_45 : i32
    %sign3A_47 = arith.extui %sign3A_46 : i1 to i32
    %sign3A_48 = arith.subi %sign3A_44, %sign3A_47 : i32
    %ne3A_49 = arith.cmpi ne, %sign3A_41, %sign3A_48 : i32
    %rem3A_50 = arith.remsi %mul3A_32, %jit3A_33 : i32
    %ne3A_51 = arith.constant 0 : i32
    %ne3A_52 = arith.cmpi ne, %rem3A_50, %ne3A_51 : i32
    %and3A_53 = arith.andi %ne3A_49, %ne3A_52 : i1
    %sub3A_54 = arith.constant 1 : i32
    %sub3A_55 = arith.subi %div3A_34, %sub3A_54 : i32
    %select_n3A_56 = arith.select %and3A_53, %sub3A_55, %div3A_34 : i32
    %jit3A_57 = arith.constant 2 : i32
    %div3A_58 = arith.divsi %select_n3A_56, %jit3A_57 : i32
    %sign3A_59 = arith.constant 0 : i32
    %sign3A_60 = arith.cmpi sgt, %select_n3A_56, %sign3A_59 : i32
    %sign3A_61 = arith.extui %sign3A_60 : i1 to i32
    %sign3A_62 = arith.constant 0 : i32
    %sign3A_63 = arith.cmpi slt, %select_n3A_56, %sign3A_62 : i32
    %sign3A_64 = arith.extui %sign3A_63 : i1 to i32
    %sign3A_65 = arith.subi %sign3A_61, %sign3A_64 : i32
    %sign3A_66 = arith.constant 0 : i32
    %sign3A_67 = arith.cmpi sgt, %jit3A_57, %sign3A_66 : i32
    %sign3A_68 = arith.extui %sign3A_67 : i1 to i32
    %sign3A_69 = arith.constant 0 : i32
    %sign3A_70 = arith.cmpi slt, %jit3A_57, %sign3A_69 : i32
    %sign3A_71 = arith.extui %sign3A_70 : i1 to i32
    %sign3A_72 = arith.subi %sign3A_68, %sign3A_71 : i32
    %ne3A_73 = arith.cmpi ne, %sign3A_65, %sign3A_72 : i32
    %rem3A_74 = arith.remsi %select_n3A_56, %jit3A_57 : i32
    %ne3A_75 = arith.constant 0 : i32
    %ne3A_76 = arith.cmpi ne, %rem3A_74, %ne3A_75 : i32
    %and3A_77 = arith.andi %ne3A_73, %ne3A_76 : i1
    %sub3A_78 = arith.constant 1 : i32
    %sub3A_79 = arith.subi %div3A_58, %sub3A_78 : i32
    %select_n3A_80 = arith.select %and3A_77, %sub3A_79, %div3A_58 : i32
    %mul3A_81 = arith.constant 64 : i32
    %mul3A_82 = arith.muli %select_n3A, %mul3A_81 : i32
    %add3A_83 = arith.constant 0 : i32
    %add3A_84 = arith.addi %add3A_83, %mul3A_82 : i32
    "tpu.region"() ({
      %run_scoped3A = tpu.sem_alloc : memref<!tpu.dma_semaphore, #tpu.memory_space<semaphore_mem>>
      %dma_start3A_160 = arith.constant 0 : i32
      %dma_start3A_161 = tpu.memref_slice %arg5[%dma_start3A_160] : memref<11520xi32, #tpu.memory_space<vmem>> -> memref<3840xi32, #tpu.memory_space<vmem>>
      %dma_start3A_162 = tpu.memref_slice %arg3[%add3A_84] : memref<380160xi32, #tpu.memory_space<hbm>> -> memref<3840xi32, #tpu.memory_space<hbm>>
      %dma_start3A_163 = arith.constant 0 : i32
      %dma_start3A_164 = tpu.memref_slice %arg5[%dma_start3A_163] : memref<11520xi32, #tpu.memory_space<vmem>> -> memref<3840xi32, #tpu.memory_space<vmem>>
      %dma_start3A_165 = tpu.memref_slice %arg3[%add3A_84] : memref<380160xi32, #tpu.memory_space<hbm>> -> memref<3840xi32, #tpu.memory_space<hbm>>
      tpu.enqueue_dma source(%dma_start3A_165 : memref<3840xi32, #tpu.memory_space<hbm>>) target(%dma_start3A_164 : memref<3840xi32, #tpu.memory_space<vmem>>) target_semaphore(%run_scoped3A : memref<!tpu.dma_semaphore, #tpu.memory_space<semaphore_mem>>)
      %dma_wait3A_166 = arith.constant 0 : i32
      %dma_wait3A_167 = tpu.memref_slice %arg5[%dma_wait3A_166] : memref<11520xi32, #tpu.memory_space<vmem>> -> memref<3840xi32, #tpu.memory_space<vmem>>
      %dma_wait3A_168 = tpu.memref_slice %arg3[%add3A_84] : memref<380160xi32, #tpu.memory_space<hbm>> -> memref<3840xi32, #tpu.memory_space<hbm>>
      %dma_wait3A_169 = arith.constant 0 : i32
      %dma_wait3A_170 = tpu.memref_slice %arg5[%dma_wait3A_169] : memref<11520xi32, #tpu.memory_space<vmem>> -> memref<3840xi32, #tpu.memory_space<vmem>>
      %dma_wait3A_171 = tpu.memref_slice %arg3[%add3A_84] : memref<380160xi32, #tpu.memory_space<hbm>> -> memref<3840xi32, #tpu.memory_space<hbm>>
      tpu.wait_dma2 semaphore(%run_scoped3A : memref<!tpu.dma_semaphore, #tpu.memory_space<semaphore_mem>>) src(%dma_wait3A_171 : memref<3840xi32, #tpu.memory_space<hbm>>) dst(%dma_wait3A_170 : memref<3840xi32, #tpu.memory_space<vmem>>)
      tpu.yield
    }) : () -> ()
    %mul3A_85 = arith.constant 64 : i32
    %mul3A_86 = arith.muli %select_n3A, %mul3A_85 : i32
    %add3A_87 = arith.constant 126720 : i32
    %add3A_88 = arith.addi %add3A_87, %mul3A_86 : i32
    "tpu.region"() ({
      %run_scoped3A = tpu.sem_alloc : memref<!tpu.dma_semaphore, #tpu.memory_space<semaphore_mem>>
      %dma_start3A_160 = arith.constant 3840 : i32
      %dma_start3A_161 = tpu.memref_slice %arg5[%dma_start3A_160] : memref<11520xi32, #tpu.memory_space<vmem>> -> memref<3840xi32, #tpu.memory_space<vmem>>
      %dma_start3A_162 = tpu.memref_slice %arg3[%add3A_88] : memref<380160xi32, #tpu.memory_space<hbm>> -> memref<3840xi32, #tpu.memory_space<hbm>>
      %dma_start3A_163 = arith.constant 3840 : i32
      %dma_start3A_164 = tpu.memref_slice %arg5[%dma_start3A_163] : memref<11520xi32, #tpu.memory_space<vmem>> -> memref<3840xi32, #tpu.memory_space<vmem>>
      %dma_start3A_165 = tpu.memref_slice %arg3[%add3A_88] : memref<380160xi32, #tpu.memory_space<hbm>> -> memref<3840xi32, #tpu.memory_space<hbm>>
      tpu.enqueue_dma source(%dma_start3A_165 : memref<3840xi32, #tpu.memory_space<hbm>>) target(%dma_start3A_164 : memref<3840xi32, #tpu.memory_space<vmem>>) target_semaphore(%run_scoped3A : memref<!tpu.dma_semaphore, #tpu.memory_space<semaphore_mem>>)
      %dma_wait3A_166 = arith.constant 3840 : i32
      %dma_wait3A_167 = tpu.memref_slice %arg5[%dma_wait3A_166] : memref<11520xi32, #tpu.memory_space<vmem>> -> memref<3840xi32, #tpu.memory_space<vmem>>
      %dma_wait3A_168 = tpu.memref_slice %arg3[%add3A_88] : memref<380160xi32, #tpu.memory_space<hbm>> -> memref<3840xi32, #tpu.memory_space<hbm>>
      %dma_wait3A_169 = arith.constant 3840 : i32
      %dma_wait3A_170 = tpu.memref_slice %arg5[%dma_wait3A_169] : memref<11520xi32, #tpu.memory_space<vmem>> -> memref<3840xi32, #tpu.memory_space<vmem>>
      %dma_wait3A_171 = tpu.memref_slice %arg3[%add3A_88] : memref<380160xi32, #tpu.memory_space<hbm>> -> memref<3840xi32, #tpu.memory_space<hbm>>
      tpu.wait_dma2 semaphore(%run_scoped3A : memref<!tpu.dma_semaphore, #tpu.memory_space<semaphore_mem>>) src(%dma_wait3A_171 : memref<3840xi32, #tpu.memory_space<hbm>>) dst(%dma_wait3A_170 : memref<3840xi32, #tpu.memory_space<vmem>>)
      tpu.yield
    }) : () -> ()
    %mul3A_89 = arith.constant 64 : i32
    %mul3A_90 = arith.muli %select_n3A, %mul3A_89 : i32
    %add3A_91 = arith.constant 253440 : i32
    %add3A_92 = arith.addi %add3A_91, %mul3A_90 : i32
    "tpu.region"() ({
      %run_scoped3A = tpu.sem_alloc : memref<!tpu.dma_semaphore, #tpu.memory_space<semaphore_mem>>
      %dma_start3A_160 = arith.constant 7680 : i32
      %dma_start3A_161 = tpu.memref_slice %arg5[%dma_start3A_160] : memref<11520xi32, #tpu.memory_space<vmem>> -> memref<3840xi32, #tpu.memory_space<vmem>>
      %dma_start3A_162 = tpu.memref_slice %arg3[%add3A_92] : memref<380160xi32, #tpu.memory_space<hbm>> -> memref<3840xi32, #tpu.memory_space<hbm>>
      %dma_start3A_163 = arith.constant 7680 : i32
      %dma_start3A_164 = tpu.memref_slice %arg5[%dma_start3A_163] : memref<11520xi32, #tpu.memory_space<vmem>> -> memref<3840xi32, #tpu.memory_space<vmem>>
      %dma_start3A_165 = tpu.memref_slice %arg3[%add3A_92] : memref<380160xi32, #tpu.memory_space<hbm>> -> memref<3840xi32, #tpu.memory_space<hbm>>
      tpu.enqueue_dma source(%dma_start3A_165 : memref<3840xi32, #tpu.memory_space<hbm>>) target(%dma_start3A_164 : memref<3840xi32, #tpu.memory_space<vmem>>) target_semaphore(%run_scoped3A : memref<!tpu.dma_semaphore, #tpu.memory_space<semaphore_mem>>)
      %dma_wait3A_166 = arith.constant 7680 : i32
      %dma_wait3A_167 = tpu.memref_slice %arg5[%dma_wait3A_166] : memref<11520xi32, #tpu.memory_space<vmem>> -> memref<3840xi32, #tpu.memory_space<vmem>>
      %dma_wait3A_168 = tpu.memref_slice %arg3[%add3A_92] : memref<380160xi32, #tpu.memory_space<hbm>> -> memref<3840xi32, #tpu.memory_space<hbm>>
      %dma_wait3A_169 = arith.constant 7680 : i32
      %dma_wait3A_170 = tpu.memref_slice %arg5[%dma_wait3A_169] : memref<11520xi32, #tpu.memory_space<vmem>> -> memref<3840xi32, #tpu.memory_space<vmem>>
      %dma_wait3A_171 = tpu.memref_slice %arg3[%add3A_92] : memref<380160xi32, #tpu.memory_space<hbm>> -> memref<3840xi32, #tpu.memory_space<hbm>>
      tpu.wait_dma2 semaphore(%run_scoped3A : memref<!tpu.dma_semaphore, #tpu.memory_space<semaphore_mem>>) src(%dma_wait3A_171 : memref<3840xi32, #tpu.memory_space<hbm>>) dst(%dma_wait3A_170 : memref<3840xi32, #tpu.memory_space<vmem>>)
      tpu.yield
    }) : () -> ()
    %dma_start3A = arith.constant 0 : i32
    %dma_start3A_93 = arith.constant 0 : i32
    %dma_start3A_94 = tpu.memref_slice %arg6[%dma_start3A, %dma_start3A_93] : memref<192x128xf32, #tpu.memory_space<vmem>> -> memref<64x128xf32, #tpu.memory_space<vmem>>
    %dma_start3A_95 = arith.constant 0 : i32
    %dma_start3A_96 = tpu.memref_slice %arg5[%dma_start3A_95] : memref<11520xi32, #tpu.memory_space<vmem>> -> memref<64xi32, #tpu.memory_space<vmem>>
    %dma_start3A_97 = arith.constant 0 : i32
    %dma_start3A_98 = arith.constant 0 : i32
    %dma_start3A_99 = tpu.memref_slice %arg2[%dma_start3A_97, %dma_start3A_98] : memref<250000x128xf32, #tpu.memory_space<hbm>> -> memref<250000x128xf32, #tpu.memory_space<hbm>>
    tpu.enqueue_indirect_dma source(%dma_start3A_99 : memref<250000x128xf32, #tpu.memory_space<hbm>>) target(%dma_start3A_94 : memref<64x128xf32, #tpu.memory_space<vmem>>) offsets(%dma_start3A_96 : memref<64xi32, #tpu.memory_space<vmem>>) semaphore(%arg10 : memref<!tpu.dma_semaphore, #tpu.memory_space<semaphore_mem>>)
    %dma_start3A_100 = arith.constant 64 : i32
    %dma_start3A_101 = arith.constant 0 : i32
    %dma_start3A_102 = tpu.memref_slice %arg6[%dma_start3A_100, %dma_start3A_101] : memref<192x128xf32, #tpu.memory_space<vmem>> -> memref<64x128xf32, #tpu.memory_space<vmem>>
    %dma_start3A_103 = arith.constant 3840 : i32
    %dma_start3A_104 = tpu.memref_slice %arg5[%dma_start3A_103] : memref<11520xi32, #tpu.memory_space<vmem>> -> memref<64xi32, #tpu.memory_space<vmem>>
    %dma_start3A_105 = arith.constant 0 : i32
    %dma_start3A_106 = arith.constant 0 : i32
    %dma_start3A_107 = tpu.memref_slice %arg2[%dma_start3A_105, %dma_start3A_106] : memref<250000x128xf32, #tpu.memory_space<hbm>> -> memref<250000x128xf32, #tpu.memory_space<hbm>>
    tpu.enqueue_indirect_dma source(%dma_start3A_107 : memref<250000x128xf32, #tpu.memory_space<hbm>>) target(%dma_start3A_102 : memref<64x128xf32, #tpu.memory_space<vmem>>) offsets(%dma_start3A_104 : memref<64xi32, #tpu.memory_space<vmem>>) semaphore(%arg10 : memref<!tpu.dma_semaphore, #tpu.memory_space<semaphore_mem>>)
    %dma_start3A_108 = arith.constant 128 : i32
    %dma_start3A_109 = arith.constant 0 : i32
    %dma_start3A_110 = tpu.memref_slice %arg6[%dma_start3A_108, %dma_start3A_109] : memref<192x128xf32, #tpu.memory_space<vmem>> -> memref<64x128xf32, #tpu.memory_space<vmem>>
    %dma_start3A_111 = arith.constant 7680 : i32
    %dma_start3A_112 = tpu.memref_slice %arg5[%dma_start3A_111] : memref<11520xi32, #tpu.memory_space<vmem>> -> memref<64xi32, #tpu.memory_space<vmem>>
    %dma_start3A_113 = arith.constant 0 : i32
    %dma_start3A_114 = arith.constant 0 : i32
    %dma_start3A_115 = tpu.memref_slice %arg2[%dma_start3A_113, %dma_start3A_114] : memref<250000x128xf32, #tpu.memory_space<hbm>> -> memref<250000x128xf32, #tpu.memory_space<hbm>>
    tpu.enqueue_indirect_dma source(%dma_start3A_115 : memref<250000x128xf32, #tpu.memory_space<hbm>>) target(%dma_start3A_110 : memref<64x128xf32, #tpu.memory_space<vmem>>) offsets(%dma_start3A_112 : memref<64xi32, #tpu.memory_space<vmem>>) semaphore(%arg10 : memref<!tpu.dma_semaphore, #tpu.memory_space<semaphore_mem>>)
    %dma_start3A_116 = arith.constant 0 : i32
    %dma_start3A_117 = arith.constant 0 : i32
    %dma_start3A_118 = tpu.memref_slice %arg7[%dma_start3A_116, %dma_start3A_117] : memref<192x128xf32, #tpu.memory_space<vmem>> -> memref<64x128xf32, #tpu.memory_space<vmem>>
    %dma_start3A_119 = arith.constant 64 : i32
    %dma_start3A_120 = tpu.memref_slice %arg5[%dma_start3A_119] : memref<11520xi32, #tpu.memory_space<vmem>> -> memref<64xi32, #tpu.memory_space<vmem>>
    %dma_start3A_121 = arith.constant 0 : i32
    %dma_start3A_122 = arith.constant 0 : i32
    %dma_start3A_123 = tpu.memref_slice %arg2[%dma_start3A_121, %dma_start3A_122] : memref<250000x128xf32, #tpu.memory_space<hbm>> -> memref<250000x128xf32, #tpu.memory_space<hbm>>
    tpu.enqueue_indirect_dma source(%dma_start3A_123 : memref<250000x128xf32, #tpu.memory_space<hbm>>) target(%dma_start3A_118 : memref<64x128xf32, #tpu.memory_space<vmem>>) offsets(%dma_start3A_120 : memref<64xi32, #tpu.memory_space<vmem>>) semaphore(%arg11 : memref<!tpu.dma_semaphore, #tpu.memory_space<semaphore_mem>>)
    %dma_start3A_124 = arith.constant 64 : i32
    %dma_start3A_125 = arith.constant 0 : i32
    %dma_start3A_126 = tpu.memref_slice %arg7[%dma_start3A_124, %dma_start3A_125] : memref<192x128xf32, #tpu.memory_space<vmem>> -> memref<64x128xf32, #tpu.memory_space<vmem>>
    %dma_start3A_127 = arith.constant 3904 : i32
    %dma_start3A_128 = tpu.memref_slice %arg5[%dma_start3A_127] : memref<11520xi32, #tpu.memory_space<vmem>> -> memref<64xi32, #tpu.memory_space<vmem>>
    %dma_start3A_129 = arith.constant 0 : i32
    %dma_start3A_130 = arith.constant 0 : i32
    %dma_start3A_131 = tpu.memref_slice %arg2[%dma_start3A_129, %dma_start3A_130] : memref<250000x128xf32, #tpu.memory_space<hbm>> -> memref<250000x128xf32, #tpu.memory_space<hbm>>
    tpu.enqueue_indirect_dma source(%dma_start3A_131 : memref<250000x128xf32, #tpu.memory_space<hbm>>) target(%dma_start3A_126 : memref<64x128xf32, #tpu.memory_space<vmem>>) offsets(%dma_start3A_128 : memref<64xi32, #tpu.memory_space<vmem>>) semaphore(%arg11 : memref<!tpu.dma_semaphore, #tpu.memory_space<semaphore_mem>>)
    %dma_start3A_132 = arith.constant 128 : i32
    %dma_start3A_133 = arith.constant 0 : i32
    %dma_start3A_134 = tpu.memref_slice %arg7[%dma_start3A_132, %dma_start3A_133] : memref<192x128xf32, #tpu.memory_space<vmem>> -> memref<64x128xf32, #tpu.memory_space<vmem>>
    %dma_start3A_135 = arith.constant 7744 : i32
    %dma_start3A_136 = tpu.memref_slice %arg5[%dma_start3A_135] : memref<11520xi32, #tpu.memory_space<vmem>> -> memref<64xi32, #tpu.memory_space<vmem>>
    %dma_start3A_137 = arith.constant 0 : i32
    %dma_start3A_138 = arith.constant 0 : i32
    %dma_start3A_139 = tpu.memref_slice %arg2[%dma_start3A_137, %dma_start3A_138] : memref<250000x128xf32, #tpu.memory_space<hbm>> -> memref<250000x128xf32, #tpu.memory_space<hbm>>
    tpu.enqueue_indirect_dma source(%dma_start3A_139 : memref<250000x128xf32, #tpu.memory_space<hbm>>) target(%dma_start3A_134 : memref<64x128xf32, #tpu.memory_space<vmem>>) offsets(%dma_start3A_136 : memref<64xi32, #tpu.memory_space<vmem>>) semaphore(%arg11 : memref<!tpu.dma_semaphore, #tpu.memory_space<semaphore_mem>>)
    %while3A = arith.constant 0 : i32
    %while3A_140 = arith.constant 0 : i32
    %while3A_141 = arith.subi %select_n3A_80, %while3A_140 : i32
    %while3A_142 = arith.addi %while3A_140, %while3A_141 : i32
    %while3A_143 = arith.constant 1 : i32
    %while3A_144 = arith.divsi %while3A_141, %while3A_143 : i32
    %while3A_145 = arith.muli %while3A_144, %while3A_143 : i32
    %while3A_146 = arith.addi %while3A_140, %while3A_145 : i32
    %while3A_147 = arith.constant 1 : i32
    scf.for %while3A_160 = %while3A_140 to %while3A_146 step %while3A_147  : i32 {
      %mul3A_161 = arith.constant 2 : i32
      %mul3A_162 = arith.muli %mul3A_161, %while3A_160 : i32
      %add3A_163 = arith.constant 1 : i32
      %add3A_164 = arith.addi %mul3A_162, %add3A_163 : i32
      %dma_wait3A_165 = arith.constant 0 : i32
      %dma_wait3A_166 = arith.constant 0 : i32
      %dma_wait3A_167 = tpu.memref_slice %arg2[%dma_wait3A_165, %dma_wait3A_166] : memref<250000x128xf32, #tpu.memory_space<hbm>> -> memref<64x128xf32, #tpu.memory_space<hbm>>
      %dma_wait3A_168 = arith.constant 0 : i32
      %dma_wait3A_169 = arith.constant 0 : i32
      %dma_wait3A_170 = tpu.memref_slice %arg2[%dma_wait3A_168, %dma_wait3A_169] : memref<250000x128xf32, #tpu.memory_space<hbm>> -> memref<64x128xf32, #tpu.memory_space<hbm>>
      tpu.wait_dma2 semaphore(%arg10 : memref<!tpu.dma_semaphore, #tpu.memory_space<semaphore_mem>>) src(%dma_wait3A_170 : memref<64x128xf32, #tpu.memory_space<hbm>>) dst(%arg8 : memref<64x128xf32, #tpu.memory_space<vmem>>)
      %dma_wait3A_171 = arith.constant 0 : i32
      %dma_wait3A_172 = arith.constant 0 : i32
      %dma_wait3A_173 = tpu.memref_slice %arg2[%dma_wait3A_171, %dma_wait3A_172] : memref<250000x128xf32, #tpu.memory_space<hbm>> -> memref<64x128xf32, #tpu.memory_space<hbm>>
      %dma_wait3A_174 = arith.constant 0 : i32
      %dma_wait3A_175 = arith.constant 0 : i32
      %dma_wait3A_176 = tpu.memref_slice %arg2[%dma_wait3A_174, %dma_wait3A_175] : memref<250000x128xf32, #tpu.memory_space<hbm>> -> memref<64x128xf32, #tpu.memory_space<hbm>>
      tpu.wait_dma2 semaphore(%arg10 : memref<!tpu.dma_semaphore, #tpu.memory_space<semaphore_mem>>) src(%dma_wait3A_176 : memref<64x128xf32, #tpu.memory_space<hbm>>) dst(%arg8 : memref<64x128xf32, #tpu.memory_space<vmem>>)
      %dma_wait3A_177 = arith.constant 0 : i32
      %dma_wait3A_178 = arith.constant 0 : i32
      %dma_wait3A_179 = tpu.memref_slice %arg2[%dma_wait3A_177, %dma_wait3A_178] : memref<250000x128xf32, #tpu.memory_space<hbm>> -> memref<64x128xf32, #tpu.memory_space<hbm>>
      %dma_wait3A_180 = arith.constant 0 : i32
      %dma_wait3A_181 = arith.constant 0 : i32
      %dma_wait3A_182 = tpu.memref_slice %arg2[%dma_wait3A_180, %dma_wait3A_181] : memref<250000x128xf32, #tpu.memory_space<hbm>> -> memref<64x128xf32, #tpu.memory_space<hbm>>
      tpu.wait_dma2 semaphore(%arg10 : memref<!tpu.dma_semaphore, #tpu.memory_space<semaphore_mem>>) src(%dma_wait3A_182 : memref<64x128xf32, #tpu.memory_space<hbm>>) dst(%arg8 : memref<64x128xf32, #tpu.memory_space<vmem>>)
      %gt3A = arith.constant 0 : i32
      %gt3A_183 = arith.cmpi sgt, %while3A_160, %gt3A : i32
      %convert_element_type3A = arith.extui %gt3A_183 : i1 to i32
      %cond3A = arith.constant 0 : i32
      %cond3A_184 = arith.cmpi ne, %convert_element_type3A, %cond3A : i32
      scf.if %cond3A_184 {
        %dma_wait3A_248 = arith.constant 0 : i32
        %dma_wait3A_249 = arith.constant 0 : i32
        %dma_wait3A_250 = tpu.memref_slice %arg2[%dma_wait3A_248, %dma_wait3A_249] : memref<250000x128xf32, #tpu.memory_space<hbm>> -> memref<64x128xf32, #tpu.memory_space<hbm>>
        %dma_wait3A_251 = arith.constant 0 : i32
        %dma_wait3A_252 = arith.constant 0 : i32
        %dma_wait3A_253 = tpu.memref_slice %arg2[%dma_wait3A_251, %dma_wait3A_252] : memref<250000x128xf32, #tpu.memory_space<hbm>> -> memref<64x128xf32, #tpu.memory_space<hbm>>
        tpu.wait_dma2 semaphore(%arg12 : memref<!tpu.dma_semaphore, #tpu.memory_space<semaphore_mem>>) src(%dma_wait3A_253 : memref<64x128xf32, #tpu.memory_space<hbm>>) dst(%arg8 : memref<64x128xf32, #tpu.memory_space<vmem>>)
      } else {
      }
      %scan3A = arith.constant 0 : i32
      %scan3A_185 = arith.constant 0 : i32
      %scan3A_186 = arith.constant 64 : i32
      %scan3A_187 = arith.addi %scan3A_185, %scan3A_186 : i32
      %scan3A_188 = arith.constant 1 : i32
      scf.for %scan3A_248 = %scan3A_185 to %scan3A_187 step %scan3A_188  : i32 {
        %add3A_249 = arith.constant 0 : i32
        %add3A_250 = arith.addi %add3A_249, %scan3A_248 : i32
        %get3A = arith.index_cast %add3A_250 : i32 to index
        %get3A_251 = arith.constant 0 : index
        %get3A_252 = tpu.vector_load %arg6[%get3A, %get3A_251] {strides = array<i32>} : memref<192x128xf32, #tpu.memory_space<vmem>>, vector<1x16xf32>,
        %get3A_253 = vector.shape_cast %get3A_252 : vector<1x16xf32> to vector<16xf32>
        %add3A_254 = arith.constant 0 : i32
        %add3A_255 = arith.addi %add3A_254, %scan3A_248 : i32
        %get3A_256 = arith.index_cast %add3A_255 : i32 to index
        %get3A_257 = arith.constant 64 : index
        %get3A_258 = tpu.vector_load %arg6[%get3A_256, %get3A_257] {strides = array<i32>} : memref<192x128xf32, #tpu.memory_space<vmem>>, vector<1x16xf32>,
        %get3A_259 = vector.shape_cast %get3A_258 : vector<1x16xf32> to vector<16xf32>
        %add3A_260 = arith.constant 64 : i32
        %add3A_261 = arith.addi %add3A_260, %scan3A_248 : i32
        %get3A_262 = arith.index_cast %add3A_261 : i32 to index
        %get3A_263 = arith.constant 0 : index
        %get3A_264 = tpu.vector_load %arg6[%get3A_262, %get3A_263] {strides = array<i32>} : memref<192x128xf32, #tpu.memory_space<vmem>>, vector<1x16xf32>,
        %get3A_265 = vector.shape_cast %get3A_264 : vector<1x16xf32> to vector<16xf32>
        %add3A_266 = arith.constant 64 : i32
        %add3A_267 = arith.addi %add3A_266, %scan3A_248 : i32
        %get3A_268 = arith.index_cast %add3A_267 : i32 to index
        %get3A_269 = arith.constant 64 : index
        %get3A_270 = tpu.vector_load %arg6[%get3A_268, %get3A_269] {strides = array<i32>} : memref<192x128xf32, #tpu.memory_space<vmem>>, vector<1x16xf32>,
        %get3A_271 = vector.shape_cast %get3A_270 : vector<1x16xf32> to vector<16xf32>
        %add3A_272 = arith.addf %get3A_253, %get3A_265 : vector<16xf32>
        %add3A_273 = arith.addf %get3A_259, %get3A_271 : vector<16xf32>
        %add3A_274 = arith.constant 128 : i32
        %add3A_275 = arith.addi %add3A_274, %scan3A_248 : i32
        %get3A_276 = arith.index_cast %add3A_275 : i32 to index
        %get3A_277 = arith.constant 64 : index
        %get3A_278 = tpu.vector_load %arg6[%get3A_276, %get3A_277] {strides = array<i32>} : memref<192x128xf32, #tpu.memory_space<vmem>>, vector<1x16xf32>,
        %get3A_279 = vector.shape_cast %get3A_278 : vector<1x16xf32> to vector<16xf32>
        %add3A_280 = arith.constant 128 : i32
        %add3A_281 = arith.addi %add3A_280, %scan3A_248 : i32
        %get3A_282 = arith.index_cast %add3A_281 : i32 to index
        %get3A_283 = arith.constant 0 : index
        %get3A_284 = tpu.vector_load %arg6[%get3A_282, %get3A_283] {strides = array<i32>} : memref<192x128xf32, #tpu.memory_space<vmem>>, vector<1x16xf32>,
        %get3A_285 = vector.shape_cast %get3A_284 : vector<1x16xf32> to vector<16xf32>
        %add3A_286 = arith.addf %add3A_272, %get3A_279 : vector<16xf32>
        %add3A_287 = arith.addf %add3A_273, %get3A_285 : vector<16xf32>
        %swap3A = arith.index_cast %scan3A_248 : i32 to index
        %swap3A_288 = arith.constant 0 : index
        %swap3A_289 = tpu.vector_load %arg8[%swap3A, %swap3A_288] {strides = array<i32>} : memref<64x128xf32, #tpu.memory_space<vmem>>, vector<1x16xf32>,
        %swap3A_290 = vector.shape_cast %swap3A_289 : vector<1x16xf32> to vector<16xf32>
        %swap3A_291 = vector.shape_cast %add3A_286 : vector<16xf32> to vector<1x16xf32>
        tpu.vector_store %arg8[%swap3A, %swap3A_288], %swap3A_291 {strides = array<i32>} : memref<64x128xf32, #tpu.memory_space<vmem>>, vector<1x16xf32>,
        %swap3A_292 = arith.index_cast %scan3A_248 : i32 to index
        %swap3A_293 = arith.constant 64 : index
        %swap3A_294 = tpu.vector_load %arg8[%swap3A_292, %swap3A_293] {strides = array<i32>} : memref<64x128xf32, #tpu.memory_space<vmem>>, vector<1x16xf32>,
        %swap3A_295 = vector.shape_cast %swap3A_294 : vector<1x16xf32> to vector<16xf32>
        %swap3A_296 = vector.shape_cast %add3A_287 : vector<16xf32> to vector<1x16xf32>
        tpu.vector_store %arg8[%swap3A_292, %swap3A_293], %swap3A_296 {strides = array<i32>} : memref<64x128xf32, #tpu.memory_space<vmem>>, vector<1x16xf32>,
        %add3A_297 = arith.constant 0 : i32
        %add3A_298 = arith.addi %add3A_297, %scan3A_248 : i32
        %get3A_299 = arith.index_cast %add3A_298 : i32 to index
        %get3A_300 = arith.constant 16 : index
        %get3A_301 = tpu.vector_load %arg6[%get3A_299, %get3A_300] {strides = array<i32>} : memref<192x128xf32, #tpu.memory_space<vmem>>, vector<1x16xf32>,
        %get3A_302 = vector.shape_cast %get3A_301 : vector<1x16xf32> to vector<16xf32>
        %add3A_303 = arith.constant 0 : i32
        %add3A_304 = arith.addi %add3A_303, %scan3A_248 : i32
        %get3A_305 = arith.index_cast %add3A_304 : i32 to index
        %get3A_306 = arith.constant 80 : index
        %get3A_307 = tpu.vector_load %arg6[%get3A_305, %get3A_306] {strides = array<i32>} : memref<192x128xf32, #tpu.memory_space<vmem>>, vector<1x16xf32>,
        %get3A_308 = vector.shape_cast %get3A_307 : vector<1x16xf32> to vector<16xf32>
        %add3A_309 = arith.constant 64 : i32
        %add3A_310 = arith.addi %add3A_309, %scan3A_248 : i32
        %get3A_311 = arith.index_cast %add3A_310 : i32 to index
        %get3A_312 = arith.constant 16 : index
        %get3A_313 = tpu.vector_load %arg6[%get3A_311, %get3A_312] {strides = array<i32>} : memref<192x128xf32, #tpu.memory_space<vmem>>, vector<1x16xf32>,
        %get3A_314 = vector.shape_cast %get3A_313 : vector<1x16xf32> to vector<16xf32>
        %add3A_315 = arith.constant 64 : i32
        %add3A_316 = arith.addi %add3A_315, %scan3A_248 : i32
        %get3A_317 = arith.index_cast %add3A_316 : i32 to index
        %get3A_318 = arith.constant 80 : index
        %get3A_319 = tpu.vector_load %arg6[%get3A_317, %get3A_318] {strides = array<i32>} : memref<192x128xf32, #tpu.memory_space<vmem>>, vector<1x16xf32>,
        %get3A_320 = vector.shape_cast %get3A_319 : vector<1x16xf32> to vector<16xf32>
        %add3A_321 = arith.addf %get3A_302, %get3A_314 : vector<16xf32>
        %add3A_322 = arith.addf %get3A_308, %get3A_320 : vector<16xf32>
        %add3A_323 = arith.constant 128 : i32
        %add3A_324 = arith.addi %add3A_323, %scan3A_248 : i32
        %get3A_325 = arith.index_cast %add3A_324 : i32 to index
        %get3A_326 = arith.constant 80 : index
        %get3A_327 = tpu.vector_load %arg6[%get3A_325, %get3A_326] {strides = array<i32>} : memref<192x128xf32, #tpu.memory_space<vmem>>, vector<1x16xf32>,
        %get3A_328 = vector.shape_cast %get3A_327 : vector<1x16xf32> to vector<16xf32>
        %add3A_329 = arith.constant 128 : i32
        %add3A_330 = arith.addi %add3A_329, %scan3A_248 : i32
        %get3A_331 = arith.index_cast %add3A_330 : i32 to index
        %get3A_332 = arith.constant 16 : index
        %get3A_333 = tpu.vector_load %arg6[%get3A_331, %get3A_332] {strides = array<i32>} : memref<192x128xf32, #tpu.memory_space<vmem>>, vector<1x16xf32>,
        %get3A_334 = vector.shape_cast %get3A_333 : vector<1x16xf32> to vector<16xf32>
        %add3A_335 = arith.addf %add3A_321, %get3A_328 : vector<16xf32>
        %add3A_336 = arith.addf %add3A_322, %get3A_334 : vector<16xf32>
        %swap3A_337 = arith.index_cast %scan3A_248 : i32 to index
        %swap3A_338 = arith.constant 16 : index
        %swap3A_339 = tpu.vector_load %arg8[%swap3A_337, %swap3A_338] {strides = array<i32>} : memref<64x128xf32, #tpu.memory_space<vmem>>, vector<1x16xf32>,
        %swap3A_340 = vector.shape_cast %swap3A_339 : vector<1x16xf32> to vector<16xf32>
        %swap3A_341 = vector.shape_cast %add3A_335 : vector<16xf32> to vector<1x16xf32>
        tpu.vector_store %arg8[%swap3A_337, %swap3A_338], %swap3A_341 {strides = array<i32>} : memref<64x128xf32, #tpu.memory_space<vmem>>, vector<1x16xf32>,
        %swap3A_342 = arith.index_cast %scan3A_248 : i32 to index
        %swap3A_343 = arith.constant 80 : index
        %swap3A_344 = tpu.vector_load %arg8[%swap3A_342, %swap3A_343] {strides = array<i32>} : memref<64x128xf32, #tpu.memory_space<vmem>>, vector<1x16xf32>,
        %swap3A_345 = vector.shape_cast %swap3A_344 : vector<1x16xf32> to vector<16xf32>
        %swap3A_346 = vector.shape_cast %add3A_336 : vector<16xf32> to vector<1x16xf32>
        tpu.vector_store %arg8[%swap3A_342, %swap3A_343], %swap3A_346 {strides = array<i32>} : memref<64x128xf32, #tpu.memory_space<vmem>>, vector<1x16xf32>,
        %add3A_347 = arith.constant 0 : i32
        %add3A_348 = arith.addi %add3A_347, %scan3A_248 : i32
        %get3A_349 = arith.index_cast %add3A_348 : i32 to index
        %get3A_350 = arith.constant 32 : index
        %get3A_351 = tpu.vector_load %arg6[%get3A_349, %get3A_350] {strides = array<i32>} : memref<192x128xf32, #tpu.memory_space<vmem>>, vector<1x16xf32>,
        %get3A_352 = vector.shape_cast %get3A_351 : vector<1x16xf32> to vector<16xf32>
        %add3A_353 = arith.constant 0 : i32
        %add3A_354 = arith.addi %add3A_353, %scan3A_248 : i32
        %get3A_355 = arith.index_cast %add3A_354 : i32 to index
        %get3A_356 = arith.constant 96 : index
        %get3A_357 = tpu.vector_load %arg6[%get3A_355, %get3A_356] {strides = array<i32>} : memref<192x128xf32, #tpu.memory_space<vmem>>, vector<1x16xf32>,
        %get3A_358 = vector.shape_cast %get3A_357 : vector<1x16xf32> to vector<16xf32>
        %add3A_359 = arith.constant 64 : i32
        %add3A_360 = arith.addi %add3A_359, %scan3A_248 : i32
        %get3A_361 = arith.index_cast %add3A_360 : i32 to index
        %get3A_362 = arith.constant 32 : index
        %get3A_363 = tpu.vector_load %arg6[%get3A_361, %get3A_362] {strides = array<i32>} : memref<192x128xf32, #tpu.memory_space<vmem>>, vector<1x16xf32>,
        %get3A_364 = vector.shape_cast %get3A_363 : vector<1x16xf32> to vector<16xf32>
        %add3A_365 = arith.constant 64 : i32
        %add3A_366 = arith.addi %add3A_365, %scan3A_248 : i32
        %get3A_367 = arith.index_cast %add3A_366 : i32 to index
        %get3A_368 = arith.constant 96 : index
        %get3A_369 = tpu.vector_load %arg6[%get3A_367, %get3A_368] {strides = array<i32>} : memref<192x128xf32, #tpu.memory_space<vmem>>, vector<1x16xf32>,
        %get3A_370 = vector.shape_cast %get3A_369 : vector<1x16xf32> to vector<16xf32>
        %add3A_371 = arith.addf %get3A_352, %get3A_364 : vector<16xf32>
        %add3A_372 = arith.addf %get3A_358, %get3A_370 : vector<16xf32>
        %add3A_373 = arith.constant 128 : i32
        %add3A_374 = arith.addi %add3A_373, %scan3A_248 : i32
        %get3A_375 = arith.index_cast %add3A_374 : i32 to index
        %get3A_376 = arith.constant 96 : index
        %get3A_377 = tpu.vector_load %arg6[%get3A_375, %get3A_376] {strides = array<i32>} : memref<192x128xf32, #tpu.memory_space<vmem>>, vector<1x16xf32>,
        %get3A_378 = vector.shape_cast %get3A_377 : vector<1x16xf32> to vector<16xf32>
        %add3A_379 = arith.constant 128 : i32
        %add3A_380 = arith.addi %add3A_379, %scan3A_248 : i32
        %get3A_381 = arith.index_cast %add3A_380 : i32 to index
        %get3A_382 = arith.constant 32 : index
        %get3A_383 = tpu.vector_load %arg6[%get3A_381, %get3A_382] {strides = array<i32>} : memref<192x128xf32, #tpu.memory_space<vmem>>, vector<1x16xf32>,
        %get3A_384 = vector.shape_cast %get3A_383 : vector<1x16xf32> to vector<16xf32>
        %add3A_385 = arith.addf %add3A_371, %get3A_378 : vector<16xf32>
        %add3A_386 = arith.addf %add3A_372, %get3A_384 : vector<16xf32>
        %swap3A_387 = arith.index_cast %scan3A_248 : i32 to index
        %swap3A_388 = arith.constant 32 : index
        %swap3A_389 = tpu.vector_load %arg8[%swap3A_387, %swap3A_388] {strides = array<i32>} : memref<64x128xf32, #tpu.memory_space<vmem>>, vector<1x16xf32>,
        %swap3A_390 = vector.shape_cast %swap3A_389 : vector<1x16xf32> to vector<16xf32>
        %swap3A_391 = vector.shape_cast %add3A_385 : vector<16xf32> to vector<1x16xf32>
        tpu.vector_store %arg8[%swap3A_387, %swap3A_388], %swap3A_391 {strides = array<i32>} : memref<64x128xf32, #tpu.memory_space<vmem>>, vector<1x16xf32>,
        %swap3A_392 = arith.index_cast %scan3A_248 : i32 to index
        %swap3A_393 = arith.constant 96 : index
        %swap3A_394 = tpu.vector_load %arg8[%swap3A_392, %swap3A_393] {strides = array<i32>} : memref<64x128xf32, #tpu.memory_space<vmem>>, vector<1x16xf32>,
        %swap3A_395 = vector.shape_cast %swap3A_394 : vector<1x16xf32> to vector<16xf32>
        %swap3A_396 = vector.shape_cast %add3A_386 : vector<16xf32> to vector<1x16xf32>
        tpu.vector_store %arg8[%swap3A_392, %swap3A_393], %swap3A_396 {strides = array<i32>} : memref<64x128xf32, #tpu.memory_space<vmem>>, vector<1x16xf32>,
        %add3A_397 = arith.constant 0 : i32
        %add3A_398 = arith.addi %add3A_397, %scan3A_248 : i32
        %get3A_399 = arith.index_cast %add3A_398 : i32 to index
        %get3A_400 = arith.constant 48 : index
        %get3A_401 = tpu.vector_load %arg6[%get3A_399, %get3A_400] {strides = array<i32>} : memref<192x128xf32, #tpu.memory_space<vmem>>, vector<1x16xf32>,
        %get3A_402 = vector.shape_cast %get3A_401 : vector<1x16xf32> to vector<16xf32>
        %add3A_403 = arith.constant 0 : i32
        %add3A_404 = arith.addi %add3A_403, %scan3A_248 : i32
        %get3A_405 = arith.index_cast %add3A_404 : i32 to index
        %get3A_406 = arith.constant 112 : index
        %get3A_407 = tpu.vector_load %arg6[%get3A_405, %get3A_406] {strides = array<i32>} : memref<192x128xf32, #tpu.memory_space<vmem>>, vector<1x16xf32>,
        %get3A_408 = vector.shape_cast %get3A_407 : vector<1x16xf32> to vector<16xf32>
        %add3A_409 = arith.constant 64 : i32
        %add3A_410 = arith.addi %add3A_409, %scan3A_248 : i32
        %get3A_411 = arith.index_cast %add3A_410 : i32 to index
        %get3A_412 = arith.constant 48 : index
        %get3A_413 = tpu.vector_load %arg6[%get3A_411, %get3A_412] {strides = array<i32>} : memref<192x128xf32, #tpu.memory_space<vmem>>, vector<1x16xf32>,
        %get3A_414 = vector.shape_cast %get3A_413 : vector<1x16xf32> to vector<16xf32>
        %add3A_415 = arith.constant 64 : i32
        %add3A_416 = arith.addi %add3A_415, %scan3A_248 : i32
        %get3A_417 = arith.index_cast %add3A_416 : i32 to index
        %get3A_418 = arith.constant 112 : index
        %get3A_419 = tpu.vector_load %arg6[%get3A_417, %get3A_418] {strides = array<i32>} : memref<192x128xf32, #tpu.memory_space<vmem>>, vector<1x16xf32>,
        %get3A_420 = vector.shape_cast %get3A_419 : vector<1x16xf32> to vector<16xf32>
        %add3A_421 = arith.addf %get3A_402, %get3A_414 : vector<16xf32>
        %add3A_422 = arith.addf %get3A_408, %get3A_420 : vector<16xf32>
        %add3A_423 = arith.constant 128 : i32
        %add3A_424 = arith.addi %add3A_423, %scan3A_248 : i32
        %get3A_425 = arith.index_cast %add3A_424 : i32 to index
        %get3A_426 = arith.constant 112 : index
        %get3A_427 = tpu.vector_load %arg6[%get3A_425, %get3A_426] {strides = array<i32>} : memref<192x128xf32, #tpu.memory_space<vmem>>, vector<1x16xf32>,
        %get3A_428 = vector.shape_cast %get3A_427 : vector<1x16xf32> to vector<16xf32>
        %add3A_429 = arith.constant 128 : i32
        %add3A_430 = arith.addi %add3A_429, %scan3A_248 : i32
        %get3A_431 = arith.index_cast %add3A_430 : i32 to index
        %get3A_432 = arith.constant 48 : index
        %get3A_433 = tpu.vector_load %arg6[%get3A_431, %get3A_432] {strides = array<i32>} : memref<192x128xf32, #tpu.memory_space<vmem>>, vector<1x16xf32>,
        %get3A_434 = vector.shape_cast %get3A_433 : vector<1x16xf32> to vector<16xf32>
        %add3A_435 = arith.addf %add3A_421, %get3A_428 : vector<16xf32>
        %add3A_436 = arith.addf %add3A_422, %get3A_434 : vector<16xf32>
        %swap3A_437 = arith.index_cast %scan3A_248 : i32 to index
        %swap3A_438 = arith.constant 48 : index
        %swap3A_439 = tpu.vector_load %arg8[%swap3A_437, %swap3A_438] {strides = array<i32>} : memref<64x128xf32, #tpu.memory_space<vmem>>, vector<1x16xf32>,
        %swap3A_440 = vector.shape_cast %swap3A_439 : vector<1x16xf32> to vector<16xf32>
        %swap3A_441 = vector.shape_cast %add3A_435 : vector<16xf32> to vector<1x16xf32>
        tpu.vector_store %arg8[%swap3A_437, %swap3A_438], %swap3A_441 {strides = array<i32>} : memref<64x128xf32, #tpu.memory_space<vmem>>, vector<1x16xf32>,
        %swap3A_442 = arith.index_cast %scan3A_248 : i32 to index
        %swap3A_443 = arith.constant 112 : index
        %swap3A_444 = tpu.vector_load %arg8[%swap3A_442, %swap3A_443] {strides = array<i32>} : memref<64x128xf32, #tpu.memory_space<vmem>>, vector<1x16xf32>,
        %swap3A_445 = vector.shape_cast %swap3A_444 : vector<1x16xf32> to vector<16xf32>
        %swap3A_446 = vector.shape_cast %add3A_436 : vector<16xf32> to vector<1x16xf32>
        tpu.vector_store %arg8[%swap3A_442, %swap3A_443], %swap3A_446 {strides = array<i32>} : memref<64x128xf32, #tpu.memory_space<vmem>>, vector<1x16xf32>,
      }
      %scan3A_189 = arith.constant 64 : i32
      %add3A_190 = arith.addi %select_n3A, %mul3A_162 : i32
      %dma_start3A_191 = arith.constant 0 : i32
      %dma_start3A_192 = arith.constant 0 : i32
      %dma_start3A_193 = tpu.memref_slice %arg4[%add3A_190, %dma_start3A_191, %dma_start3A_192] : memref<1920x64x128xf32, #tpu.memory_space<hbm>> -> memref<1x64x128xf32, #tpu.memory_space<hbm>>
      %dma_start3A_194 = tpu.memref_squeeze %dma_start3A_193 : memref<1x64x128xf32, #tpu.memory_space<hbm>> -> memref<64x128xf32, #tpu.memory_space<hbm>>
      %dma_start3A_195 = arith.constant 0 : i32
      %dma_start3A_196 = arith.constant 0 : i32
      %dma_start3A_197 = tpu.memref_slice %arg4[%add3A_190, %dma_start3A_195, %dma_start3A_196] : memref<1920x64x128xf32, #tpu.memory_space<hbm>> -> memref<1x64x128xf32, #tpu.memory_space<hbm>>
      %dma_start3A_198 = tpu.memref_squeeze %dma_start3A_197 : memref<1x64x128xf32, #tpu.memory_space<hbm>> -> memref<64x128xf32, #tpu.memory_space<hbm>>
      tpu.enqueue_dma source(%arg8 : memref<64x128xf32, #tpu.memory_space<vmem>>) target(%dma_start3A_198 : memref<64x128xf32, #tpu.memory_space<hbm>>) target_semaphore(%arg12 : memref<!tpu.dma_semaphore, #tpu.memory_space<semaphore_mem>>)
      %add3A_199 = arith.constant 1 : i32
      %add3A_200 = arith.addi %while3A_160, %add3A_199 : i32
      %lt3A = arith.cmpi slt, %add3A_200, %select_n3A_80 : i32
      %convert_element_type3A_201 = arith.extui %lt3A : i1 to i32
      %cond3A_202 = arith.constant 0 : i32
      %cond3A_203 = arith.cmpi ne, %convert_element_type3A_201, %cond3A_202 : i32
      scf.if %cond3A_203 {
        %add3A_248 = arith.constant 2 : i32
        %add3A_249 = arith.addi %mul3A_162, %add3A_248 : i32
        %mul3A_250 = arith.constant 64 : i32
        %mul3A_251 = arith.muli %add3A_249, %mul3A_250 : i32
        %add3A_252 = arith.constant 0 : i32
        %add3A_253 = arith.addi %add3A_252, %mul3A_251 : i32
        %dma_start3A_254 = arith.constant 0 : i32
        %dma_start3A_255 = arith.constant 0 : i32
        %dma_start3A_256 = tpu.memref_slice %arg6[%dma_start3A_254, %dma_start3A_255] : memref<192x128xf32, #tpu.memory_space<vmem>> -> memref<64x128xf32, #tpu.memory_space<vmem>>
        %dma_start3A_257 = tpu.memref_slice %arg5[%add3A_253] : memref<11520xi32, #tpu.memory_space<vmem>> -> memref<64xi32, #tpu.memory_space<vmem>>
        %dma_start3A_258 = arith.constant 0 : i32
        %dma_start3A_259 = arith.constant 0 : i32
        %dma_start3A_260 = tpu.memref_slice %arg2[%dma_start3A_258, %dma_start3A_259] : memref<250000x128xf32, #tpu.memory_space<hbm>> -> memref<250000x128xf32, #tpu.memory_space<hbm>>
        tpu.enqueue_indirect_dma source(%dma_start3A_260 : memref<250000x128xf32, #tpu.memory_space<hbm>>) target(%dma_start3A_256 : memref<64x128xf32, #tpu.memory_space<vmem>>) offsets(%dma_start3A_257 : memref<64xi32, #tpu.memory_space<vmem>>) semaphore(%arg10 : memref<!tpu.dma_semaphore, #tpu.memory_space<semaphore_mem>>)
        %mul3A_261 = arith.constant 64 : i32
        %mul3A_262 = arith.muli %add3A_249, %mul3A_261 : i32
        %add3A_263 = arith.constant 3840 : i32
        %add3A_264 = arith.addi %add3A_263, %mul3A_262 : i32
        %dma_start3A_265 = arith.constant 64 : i32
        %dma_start3A_266 = arith.constant 0 : i32
        %dma_start3A_267 = tpu.memref_slice %arg6[%dma_start3A_265, %dma_start3A_266] : memref<192x128xf32, #tpu.memory_space<vmem>> -> memref<64x128xf32, #tpu.memory_space<vmem>>
        %dma_start3A_268 = tpu.memref_slice %arg5[%add3A_264] : memref<11520xi32, #tpu.memory_space<vmem>> -> memref<64xi32, #tpu.memory_space<vmem>>
        %dma_start3A_269 = arith.constant 0 : i32
        %dma_start3A_270 = arith.constant 0 : i32
        %dma_start3A_271 = tpu.memref_slice %arg2[%dma_start3A_269, %dma_start3A_270] : memref<250000x128xf32, #tpu.memory_space<hbm>> -> memref<250000x128xf32, #tpu.memory_space<hbm>>
        tpu.enqueue_indirect_dma source(%dma_start3A_271 : memref<250000x128xf32, #tpu.memory_space<hbm>>) target(%dma_start3A_267 : memref<64x128xf32, #tpu.memory_space<vmem>>) offsets(%dma_start3A_268 : memref<64xi32, #tpu.memory_space<vmem>>) semaphore(%arg10 : memref<!tpu.dma_semaphore, #tpu.memory_space<semaphore_mem>>)
        %mul3A_272 = arith.constant 64 : i32
        %mul3A_273 = arith.muli %add3A_249, %mul3A_272 : i32
        %add3A_274 = arith.constant 7680 : i32
        %add3A_275 = arith.addi %add3A_274, %mul3A_273 : i32
        %dma_start3A_276 = arith.constant 128 : i32
        %dma_start3A_277 = arith.constant 0 : i32
        %dma_start3A_278 = tpu.memref_slice %arg6[%dma_start3A_276, %dma_start3A_277] : memref<192x128xf32, #tpu.memory_space<vmem>> -> memref<64x128xf32, #tpu.memory_space<vmem>>
        %dma_start3A_279 = tpu.memref_slice %arg5[%add3A_275] : memref<11520xi32, #tpu.memory_space<vmem>> -> memref<64xi32, #tpu.memory_space<vmem>>
        %dma_start3A_280 = arith.constant 0 : i32
        %dma_start3A_281 = arith.constant 0 : i32
        %dma_start3A_282 = tpu.memref_slice %arg2[%dma_start3A_280, %dma_start3A_281] : memref<250000x128xf32, #tpu.memory_space<hbm>> -> memref<250000x128xf32, #tpu.memory_space<hbm>>
        tpu.enqueue_indirect_dma source(%dma_start3A_282 : memref<250000x128xf32, #tpu.memory_space<hbm>>) target(%dma_start3A_278 : memref<64x128xf32, #tpu.memory_space<vmem>>) offsets(%dma_start3A_279 : memref<64xi32, #tpu.memory_space<vmem>>) semaphore(%arg10 : memref<!tpu.dma_semaphore, #tpu.memory_space<semaphore_mem>>)
      } else {
      }
      %dma_wait3A_204 = arith.constant 0 : i32
      %dma_wait3A_205 = arith.constant 0 : i32
      %dma_wait3A_206 = tpu.memref_slice %arg2[%dma_wait3A_204, %dma_wait3A_205] : memref<250000x128xf32, #tpu.memory_space<hbm>> -> memref<64x128xf32, #tpu.memory_space<hbm>>
      %dma_wait3A_207 = arith.constant 0 : i32
      %dma_wait3A_208 = arith.constant 0 : i32
      %dma_wait3A_209 = tpu.memref_slice %arg2[%dma_wait3A_207, %dma_wait3A_208] : memref<250000x128xf32, #tpu.memory_space<hbm>> -> memref<64x128xf32, #tpu.memory_space<hbm>>
      tpu.wait_dma2 semaphore(%arg11 : memref<!tpu.dma_semaphore, #tpu.memory_space<semaphore_mem>>) src(%dma_wait3A_209 : memref<64x128xf32, #tpu.memory_space<hbm>>) dst(%arg8 : memref<64x128xf32, #tpu.memory_space<vmem>>)
      %dma_wait3A_210 = arith.constant 0 : i32
      %dma_wait3A_211 = arith.constant 0 : i32
      %dma_wait3A_212 = tpu.memref_slice %arg2[%dma_wait3A_210, %dma_wait3A_211] : memref<250000x128xf32, #tpu.memory_space<hbm>> -> memref<64x128xf32, #tpu.memory_space<hbm>>
      %dma_wait3A_213 = arith.constant 0 : i32
      %dma_wait3A_214 = arith.constant 0 : i32
      %dma_wait3A_215 = tpu.memref_slice %arg2[%dma_wait3A_213, %dma_wait3A_214] : memref<250000x128xf32, #tpu.memory_space<hbm>> -> memref<64x128xf32, #tpu.memory_space<hbm>>
      tpu.wait_dma2 semaphore(%arg11 : memref<!tpu.dma_semaphore, #tpu.memory_space<semaphore_mem>>) src(%dma_wait3A_215 : memref<64x128xf32, #tpu.memory_space<hbm>>) dst(%arg8 : memref<64x128xf32, #tpu.memory_space<vmem>>)
      %dma_wait3A_216 = arith.constant 0 : i32
      %dma_wait3A_217 = arith.constant 0 : i32
      %dma_wait3A_218 = tpu.memref_slice %arg2[%dma_wait3A_216, %dma_wait3A_217] : memref<250000x128xf32, #tpu.memory_space<hbm>> -> memref<64x128xf32, #tpu.memory_space<hbm>>
      %dma_wait3A_219 = arith.constant 0 : i32
      %dma_wait3A_220 = arith.constant 0 : i32
      %dma_wait3A_221 = tpu.memref_slice %arg2[%dma_wait3A_219, %dma_wait3A_220] : memref<250000x128xf32, #tpu.memory_space<hbm>> -> memref<64x128xf32, #tpu.memory_space<hbm>>
      tpu.wait_dma2 semaphore(%arg11 : memref<!tpu.dma_semaphore, #tpu.memory_space<semaphore_mem>>) src(%dma_wait3A_221 : memref<64x128xf32, #tpu.memory_space<hbm>>) dst(%arg8 : memref<64x128xf32, #tpu.memory_space<vmem>>)
      %gt3A_222 = arith.constant 0 : i32
      %gt3A_223 = arith.cmpi sgt, %while3A_160, %gt3A_222 : i32
      %convert_element_type3A_224 = arith.extui %gt3A_223 : i1 to i32
      %cond3A_225 = arith.constant 0 : i32
      %cond3A_226 = arith.cmpi ne, %convert_element_type3A_224, %cond3A_225 : i32
      scf.if %cond3A_226 {
        %dma_wait3A_248 = arith.constant 0 : i32
        %dma_wait3A_249 = arith.constant 0 : i32
        %dma_wait3A_250 = tpu.memref_slice %arg2[%dma_wait3A_248, %dma_wait3A_249] : memref<250000x128xf32, #tpu.memory_space<hbm>> -> memref<64x128xf32, #tpu.memory_space<hbm>>
        %dma_wait3A_251 = arith.constant 0 : i32
        %dma_wait3A_252 = arith.constant 0 : i32
        %dma_wait3A_253 = tpu.memref_slice %arg2[%dma_wait3A_251, %dma_wait3A_252] : memref<250000x128xf32, #tpu.memory_space<hbm>> -> memref<64x128xf32, #tpu.memory_space<hbm>>
        tpu.wait_dma2 semaphore(%arg13 : memref<!tpu.dma_semaphore, #tpu.memory_space<semaphore_mem>>) src(%dma_wait3A_253 : memref<64x128xf32, #tpu.memory_space<hbm>>) dst(%arg8 : memref<64x128xf32, #tpu.memory_space<vmem>>)
      } else {
      }
      %scan3A_227 = arith.constant 0 : i32
      %scan3A_228 = arith.constant 0 : i32
      %scan3A_229 = arith.constant 64 : i32
      %scan3A_230 = arith.addi %scan3A_228, %scan3A_229 : i32
      %scan3A_231 = arith.constant 1 : i32
      scf.for %scan3A_248 = %scan3A_228 to %scan3A_230 step %scan3A_231  : i32 {
        %add3A_249 = arith.constant 0 : i32
        %add3A_250 = arith.addi %add3A_249, %scan3A_248 : i32
        %get3A = arith.index_cast %add3A_250 : i32 to index
        %get3A_251 = arith.constant 0 : index
        %get3A_252 = tpu.vector_load %arg7[%get3A, %get3A_251] {strides = array<i32>} : memref<192x128xf32, #tpu.memory_space<vmem>>, vector<1x16xf32>,
        %get3A_253 = vector.shape_cast %get3A_252 : vector<1x16xf32> to vector<16xf32>
        %add3A_254 = arith.constant 0 : i32
        %add3A_255 = arith.addi %add3A_254, %scan3A_248 : i32
        %get3A_256 = arith.index_cast %add3A_255 : i32 to index
        %get3A_257 = arith.constant 64 : index
        %get3A_258 = tpu.vector_load %arg7[%get3A_256, %get3A_257] {strides = array<i32>} : memref<192x128xf32, #tpu.memory_space<vmem>>, vector<1x16xf32>,
        %get3A_259 = vector.shape_cast %get3A_258 : vector<1x16xf32> to vector<16xf32>
        %add3A_260 = arith.constant 64 : i32
        %add3A_261 = arith.addi %add3A_260, %scan3A_248 : i32
        %get3A_262 = arith.index_cast %add3A_261 : i32 to index
        %get3A_263 = arith.constant 0 : index
        %get3A_264 = tpu.vector_load %arg7[%get3A_262, %get3A_263] {strides = array<i32>} : memref<192x128xf32, #tpu.memory_space<vmem>>, vector<1x16xf32>,
        %get3A_265 = vector.shape_cast %get3A_264 : vector<1x16xf32> to vector<16xf32>
        %add3A_266 = arith.constant 64 : i32
        %add3A_267 = arith.addi %add3A_266, %scan3A_248 : i32
        %get3A_268 = arith.index_cast %add3A_267 : i32 to index
        %get3A_269 = arith.constant 64 : index
        %get3A_270 = tpu.vector_load %arg7[%get3A_268, %get3A_269] {strides = array<i32>} : memref<192x128xf32, #tpu.memory_space<vmem>>, vector<1x16xf32>,
        %get3A_271 = vector.shape_cast %get3A_270 : vector<1x16xf32> to vector<16xf32>
        %add3A_272 = arith.addf %get3A_253, %get3A_265 : vector<16xf32>
        %add3A_273 = arith.addf %get3A_259, %get3A_271 : vector<16xf32>
        %add3A_274 = arith.constant 128 : i32
        %add3A_275 = arith.addi %add3A_274, %scan3A_248 : i32
        %get3A_276 = arith.index_cast %add3A_275 : i32 to index
        %get3A_277 = arith.constant 64 : index
        %get3A_278 = tpu.vector_load %arg7[%get3A_276, %get3A_277] {strides = array<i32>} : memref<192x128xf32, #tpu.memory_space<vmem>>, vector<1x16xf32>,
        %get3A_279 = vector.shape_cast %get3A_278 : vector<1x16xf32> to vector<16xf32>
        %add3A_280 = arith.constant 128 : i32
        %add3A_281 = arith.addi %add3A_280, %scan3A_248 : i32
        %get3A_282 = arith.index_cast %add3A_281 : i32 to index
        %get3A_283 = arith.constant 0 : index
        %get3A_284 = tpu.vector_load %arg7[%get3A_282, %get3A_283] {strides = array<i32>} : memref<192x128xf32, #tpu.memory_space<vmem>>, vector<1x16xf32>,
        %get3A_285 = vector.shape_cast %get3A_284 : vector<1x16xf32> to vector<16xf32>
        %add3A_286 = arith.addf %add3A_272, %get3A_279 : vector<16xf32>
        %add3A_287 = arith.addf %add3A_273, %get3A_285 : vector<16xf32>
        %swap3A = arith.index_cast %scan3A_248 : i32 to index
        %swap3A_288 = arith.constant 0 : index
        %swap3A_289 = tpu.vector_load %arg9[%swap3A, %swap3A_288] {strides = array<i32>} : memref<64x128xf32, #tpu.memory_space<vmem>>, vector<1x16xf32>,
        %swap3A_290 = vector.shape_cast %swap3A_289 : vector<1x16xf32> to vector<16xf32>
        %swap3A_291 = vector.shape_cast %add3A_286 : vector<16xf32> to vector<1x16xf32>
        tpu.vector_store %arg9[%swap3A, %swap3A_288], %swap3A_291 {strides = array<i32>} : memref<64x128xf32, #tpu.memory_space<vmem>>, vector<1x16xf32>,
        %swap3A_292 = arith.index_cast %scan3A_248 : i32 to index
        %swap3A_293 = arith.constant 64 : index
        %swap3A_294 = tpu.vector_load %arg9[%swap3A_292, %swap3A_293] {strides = array<i32>} : memref<64x128xf32, #tpu.memory_space<vmem>>, vector<1x16xf32>,
        %swap3A_295 = vector.shape_cast %swap3A_294 : vector<1x16xf32> to vector<16xf32>
        %swap3A_296 = vector.shape_cast %add3A_287 : vector<16xf32> to vector<1x16xf32>
        tpu.vector_store %arg9[%swap3A_292, %swap3A_293], %swap3A_296 {strides = array<i32>} : memref<64x128xf32, #tpu.memory_space<vmem>>, vector<1x16xf32>,
        %add3A_297 = arith.constant 0 : i32
        %add3A_298 = arith.addi %add3A_297, %scan3A_248 : i32
        %get3A_299 = arith.index_cast %add3A_298 : i32 to index
        %get3A_300 = arith.constant 16 : index
        %get3A_301 = tpu.vector_load %arg7[%get3A_299, %get3A_300] {strides = array<i32>} : memref<192x128xf32, #tpu.memory_space<vmem>>, vector<1x16xf32>,
        %get3A_302 = vector.shape_cast %get3A_301 : vector<1x16xf32> to vector<16xf32>
        %add3A_303 = arith.constant 0 : i32
        %add3A_304 = arith.addi %add3A_303, %scan3A_248 : i32
        %get3A_305 = arith.index_cast %add3A_304 : i32 to index
        %get3A_306 = arith.constant 80 : index
        %get3A_307 = tpu.vector_load %arg7[%get3A_305, %get3A_306] {strides = array<i32>} : memref<192x128xf32, #tpu.memory_space<vmem>>, vector<1x16xf32>,
        %get3A_308 = vector.shape_cast %get3A_307 : vector<1x16xf32> to vector<16xf32>
        %add3A_309 = arith.constant 64 : i32
        %add3A_310 = arith.addi %add3A_309, %scan3A_248 : i32
        %get3A_311 = arith.index_cast %add3A_310 : i32 to index
        %get3A_312 = arith.constant 16 : index
        %get3A_313 = tpu.vector_load %arg7[%get3A_311, %get3A_312] {strides = array<i32>} : memref<192x128xf32, #tpu.memory_space<vmem>>, vector<1x16xf32>,
        %get3A_314 = vector.shape_cast %get3A_313 : vector<1x16xf32> to vector<16xf32>
        %add3A_315 = arith.constant 64 : i32
        %add3A_316 = arith.addi %add3A_315, %scan3A_248 : i32
        %get3A_317 = arith.index_cast %add3A_316 : i32 to index
        %get3A_318 = arith.constant 80 : index
        %get3A_319 = tpu.vector_load %arg7[%get3A_317, %get3A_318] {strides = array<i32>} : memref<192x128xf32, #tpu.memory_space<vmem>>, vector<1x16xf32>,
        %get3A_320 = vector.shape_cast %get3A_319 : vector<1x16xf32> to vector<16xf32>
        %add3A_321 = arith.addf %get3A_302, %get3A_314 : vector<16xf32>
        %add3A_322 = arith.addf %get3A_308, %get3A_320 : vector<16xf32>
        %add3A_323 = arith.constant 128 : i32
        %add3A_324 = arith.addi %add3A_323, %scan3A_248 : i32
        %get3A_325 = arith.index_cast %add3A_324 : i32 to index
        %get3A_326 = arith.constant 80 : index
        %get3A_327 = tpu.vector_load %arg7[%get3A_325, %get3A_326] {strides = array<i32>} : memref<192x128xf32, #tpu.memory_space<vmem>>, vector<1x16xf32>,
        %get3A_328 = vector.shape_cast %get3A_327 : vector<1x16xf32> to vector<16xf32>
        %add3A_329 = arith.constant 128 : i32
        %add3A_330 = arith.addi %add3A_329, %scan3A_248 : i32
        %get3A_331 = arith.index_cast %add3A_330 : i32 to index
        %get3A_332 = arith.constant 16 : index
        %get3A_333 = tpu.vector_load %arg7[%get3A_331, %get3A_332] {strides = array<i32>} : memref<192x128xf32, #tpu.memory_space<vmem>>, vector<1x16xf32>,
        %get3A_334 = vector.shape_cast %get3A_333 : vector<1x16xf32> to vector<16xf32>
        %add3A_335 = arith.addf %add3A_321, %get3A_328 : vector<16xf32>
        %add3A_336 = arith.addf %add3A_322, %get3A_334 : vector<16xf32>
        %swap3A_337 = arith.index_cast %scan3A_248 : i32 to index
        %swap3A_338 = arith.constant 16 : index
        %swap3A_339 = tpu.vector_load %arg9[%swap3A_337, %swap3A_338] {strides = array<i32>} : memref<64x128xf32, #tpu.memory_space<vmem>>, vector<1x16xf32>,
        %swap3A_340 = vector.shape_cast %swap3A_339 : vector<1x16xf32> to vector<16xf32>
        %swap3A_341 = vector.shape_cast %add3A_335 : vector<16xf32> to vector<1x16xf32>
        tpu.vector_store %arg9[%swap3A_337, %swap3A_338], %swap3A_341 {strides = array<i32>} : memref<64x128xf32, #tpu.memory_space<vmem>>, vector<1x16xf32>,
        %swap3A_342 = arith.index_cast %scan3A_248 : i32 to index
        %swap3A_343 = arith.constant 80 : index
        %swap3A_344 = tpu.vector_load %arg9[%swap3A_342, %swap3A_343] {strides = array<i32>} : memref<64x128xf32, #tpu.memory_space<vmem>>, vector<1x16xf32>,
        %swap3A_345 = vector.shape_cast %swap3A_344 : vector<1x16xf32> to vector<16xf32>
        %swap3A_346 = vector.shape_cast %add3A_336 : vector<16xf32> to vector<1x16xf32>
        tpu.vector_store %arg9[%swap3A_342, %swap3A_343], %swap3A_346 {strides = array<i32>} : memref<64x128xf32, #tpu.memory_space<vmem>>, vector<1x16xf32>,
        %add3A_347 = arith.constant 0 : i32
        %add3A_348 = arith.addi %add3A_347, %scan3A_248 : i32
        %get3A_349 = arith.index_cast %add3A_348 : i32 to index
        %get3A_350 = arith.constant 32 : index
        %get3A_351 = tpu.vector_load %arg7[%get3A_349, %get3A_350] {strides = array<i32>} : memref<192x128xf32, #tpu.memory_space<vmem>>, vector<1x16xf32>,
        %get3A_352 = vector.shape_cast %get3A_351 : vector<1x16xf32> to vector<16xf32>
        %add3A_353 = arith.constant 0 : i32
        %add3A_354 = arith.addi %add3A_353, %scan3A_248 : i32
        %get3A_355 = arith.index_cast %add3A_354 : i32 to index
        %get3A_356 = arith.constant 96 : index
        %get3A_357 = tpu.vector_load %arg7[%get3A_355, %get3A_356] {strides = array<i32>} : memref<192x128xf32, #tpu.memory_space<vmem>>, vector<1x16xf32>,
        %get3A_358 = vector.shape_cast %get3A_357 : vector<1x16xf32> to vector<16xf32>
        %add3A_359 = arith.constant 64 : i32
        %add3A_360 = arith.addi %add3A_359, %scan3A_248 : i32
        %get3A_361 = arith.index_cast %add3A_360 : i32 to index
        %get3A_362 = arith.constant 32 : index
        %get3A_363 = tpu.vector_load %arg7[%get3A_361, %get3A_362] {strides = array<i32>} : memref<192x128xf32, #tpu.memory_space<vmem>>, vector<1x16xf32>,
        %get3A_364 = vector.shape_cast %get3A_363 : vector<1x16xf32> to vector<16xf32>
        %add3A_365 = arith.constant 64 : i32
        %add3A_366 = arith.addi %add3A_365, %scan3A_248 : i32
        %get3A_367 = arith.index_cast %add3A_366 : i32 to index
        %get3A_368 = arith.constant 96 : index
        %get3A_369 = tpu.vector_load %arg7[%get3A_367, %get3A_368] {strides = array<i32>} : memref<192x128xf32, #tpu.memory_space<vmem>>, vector<1x16xf32>,
        %get3A_370 = vector.shape_cast %get3A_369 : vector<1x16xf32> to vector<16xf32>
        %add3A_371 = arith.addf %get3A_352, %get3A_364 : vector<16xf32>
        %add3A_372 = arith.addf %get3A_358, %get3A_370 : vector<16xf32>
        %add3A_373 = arith.constant 128 : i32
        %add3A_374 = arith.addi %add3A_373, %scan3A_248 : i32
        %get3A_375 = arith.index_cast %add3A_374 : i32 to index
        %get3A_376 = arith.constant 96 : index
        %get3A_377 = tpu.vector_load %arg7[%get3A_375, %get3A_376] {strides = array<i32>} : memref<192x128xf32, #tpu.memory_space<vmem>>, vector<1x16xf32>,
        %get3A_378 = vector.shape_cast %get3A_377 : vector<1x16xf32> to vector<16xf32>
        %add3A_379 = arith.constant 128 : i32
        %add3A_380 = arith.addi %add3A_379, %scan3A_248 : i32
        %get3A_381 = arith.index_cast %add3A_380 : i32 to index
        %get3A_382 = arith.constant 32 : index
        %get3A_383 = tpu.vector_load %arg7[%get3A_381, %get3A_382] {strides = array<i32>} : memref<192x128xf32, #tpu.memory_space<vmem>>, vector<1x16xf32>,
        %get3A_384 = vector.shape_cast %get3A_383 : vector<1x16xf32> to vector<16xf32>
        %add3A_385 = arith.addf %add3A_371, %get3A_378 : vector<16xf32>
        %add3A_386 = arith.addf %add3A_372, %get3A_384 : vector<16xf32>
        %swap3A_387 = arith.index_cast %scan3A_248 : i32 to index
        %swap3A_388 = arith.constant 32 : index
        %swap3A_389 = tpu.vector_load %arg9[%swap3A_387, %swap3A_388] {strides = array<i32>} : memref<64x128xf32, #tpu.memory_space<vmem>>, vector<1x16xf32>,
        %swap3A_390 = vector.shape_cast %swap3A_389 : vector<1x16xf32> to vector<16xf32>
        %swap3A_391 = vector.shape_cast %add3A_385 : vector<16xf32> to vector<1x16xf32>
        tpu.vector_store %arg9[%swap3A_387, %swap3A_388], %swap3A_391 {strides = array<i32>} : memref<64x128xf32, #tpu.memory_space<vmem>>, vector<1x16xf32>,
        %swap3A_392 = arith.index_cast %scan3A_248 : i32 to index
        %swap3A_393 = arith.constant 96 : index
        %swap3A_394 = tpu.vector_load %arg9[%swap3A_392, %swap3A_393] {strides = array<i32>} : memref<64x128xf32, #tpu.memory_space<vmem>>, vector<1x16xf32>,
        %swap3A_395 = vector.shape_cast %swap3A_394 : vector<1x16xf32> to vector<16xf32>
        %swap3A_396 = vector.shape_cast %add3A_386 : vector<16xf32> to vector<1x16xf32>
        tpu.vector_store %arg9[%swap3A_392, %swap3A_393], %swap3A_396 {strides = array<i32>} : memref<64x128xf32, #tpu.memory_space<vmem>>, vector<1x16xf32>,
        %add3A_397 = arith.constant 0 : i32
        %add3A_398 = arith.addi %add3A_397, %scan3A_248 : i32
        %get3A_399 = arith.index_cast %add3A_398 : i32 to index
        %get3A_400 = arith.constant 48 : index
        %get3A_401 = tpu.vector_load %arg7[%get3A_399, %get3A_400] {strides = array<i32>} : memref<192x128xf32, #tpu.memory_space<vmem>>, vector<1x16xf32>,
        %get3A_402 = vector.shape_cast %get3A_401 : vector<1x16xf32> to vector<16xf32>
        %add3A_403 = arith.constant 0 : i32
        %add3A_404 = arith.addi %add3A_403, %scan3A_248 : i32
        %get3A_405 = arith.index_cast %add3A_404 : i32 to index
        %get3A_406 = arith.constant 112 : index
        %get3A_407 = tpu.vector_load %arg7[%get3A_405, %get3A_406] {strides = array<i32>} : memref<192x128xf32, #tpu.memory_space<vmem>>, vector<1x16xf32>,
        %get3A_408 = vector.shape_cast %get3A_407 : vector<1x16xf32> to vector<16xf32>
        %add3A_409 = arith.constant 64 : i32
        %add3A_410 = arith.addi %add3A_409, %scan3A_248 : i32
        %get3A_411 = arith.index_cast %add3A_410 : i32 to index
        %get3A_412 = arith.constant 48 : index
        %get3A_413 = tpu.vector_load %arg7[%get3A_411, %get3A_412] {strides = array<i32>} : memref<192x128xf32, #tpu.memory_space<vmem>>, vector<1x16xf32>,
        %get3A_414 = vector.shape_cast %get3A_413 : vector<1x16xf32> to vector<16xf32>
        %add3A_415 = arith.constant 64 : i32
        %add3A_416 = arith.addi %add3A_415, %scan3A_248 : i32
        %get3A_417 = arith.index_cast %add3A_416 : i32 to index
        %get3A_418 = arith.constant 112 : index
        %get3A_419 = tpu.vector_load %arg7[%get3A_417, %get3A_418] {strides = array<i32>} : memref<192x128xf32, #tpu.memory_space<vmem>>, vector<1x16xf32>,
        %get3A_420 = vector.shape_cast %get3A_419 : vector<1x16xf32> to vector<16xf32>
        %add3A_421 = arith.addf %get3A_402, %get3A_414 : vector<16xf32>
        %add3A_422 = arith.addf %get3A_408, %get3A_420 : vector<16xf32>
        %add3A_423 = arith.constant 128 : i32
        %add3A_424 = arith.addi %add3A_423, %scan3A_248 : i32
        %get3A_425 = arith.index_cast %add3A_424 : i32 to index
        %get3A_426 = arith.constant 112 : index
        %get3A_427 = tpu.vector_load %arg7[%get3A_425, %get3A_426] {strides = array<i32>} : memref<192x128xf32, #tpu.memory_space<vmem>>, vector<1x16xf32>,
        %get3A_428 = vector.shape_cast %get3A_427 : vector<1x16xf32> to vector<16xf32>
        %add3A_429 = arith.constant 128 : i32
        %add3A_430 = arith.addi %add3A_429, %scan3A_248 : i32
        %get3A_431 = arith.index_cast %add3A_430 : i32 to index
        %get3A_432 = arith.constant 48 : index
        %get3A_433 = tpu.vector_load %arg7[%get3A_431, %get3A_432] {strides = array<i32>} : memref<192x128xf32, #tpu.memory_space<vmem>>, vector<1x16xf32>,
        %get3A_434 = vector.shape_cast %get3A_433 : vector<1x16xf32> to vector<16xf32>
        %add3A_435 = arith.addf %add3A_421, %get3A_428 : vector<16xf32>
        %add3A_436 = arith.addf %add3A_422, %get3A_434 : vector<16xf32>
        %swap3A_437 = arith.index_cast %scan3A_248 : i32 to index
        %swap3A_438 = arith.constant 48 : index
        %swap3A_439 = tpu.vector_load %arg9[%swap3A_437, %swap3A_438] {strides = array<i32>} : memref<64x128xf32, #tpu.memory_space<vmem>>, vector<1x16xf32>,
        %swap3A_440 = vector.shape_cast %swap3A_439 : vector<1x16xf32> to vector<16xf32>
        %swap3A_441 = vector.shape_cast %add3A_435 : vector<16xf32> to vector<1x16xf32>
        tpu.vector_store %arg9[%swap3A_437, %swap3A_438], %swap3A_441 {strides = array<i32>} : memref<64x128xf32, #tpu.memory_space<vmem>>, vector<1x16xf32>,
        %swap3A_442 = arith.index_cast %scan3A_248 : i32 to index
        %swap3A_443 = arith.constant 112 : index
        %swap3A_444 = tpu.vector_load %arg9[%swap3A_442, %swap3A_443] {strides = array<i32>} : memref<64x128xf32, #tpu.memory_space<vmem>>, vector<1x16xf32>,
        %swap3A_445 = vector.shape_cast %swap3A_444 : vector<1x16xf32> to vector<16xf32>
        %swap3A_446 = vector.shape_cast %add3A_436 : vector<16xf32> to vector<1x16xf32>
        tpu.vector_store %arg9[%swap3A_442, %swap3A_443], %swap3A_446 {strides = array<i32>} : memref<64x128xf32, #tpu.memory_space<vmem>>, vector<1x16xf32>,
      }
      %scan3A_232 = arith.constant 64 : i32
      %add3A_233 = arith.addi %select_n3A, %add3A_164 : i32
      %dma_start3A_234 = arith.constant 0 : i32
      %dma_start3A_235 = arith.constant 0 : i32
      %dma_start3A_236 = tpu.memref_slice %arg4[%add3A_233, %dma_start3A_234, %dma_start3A_235] : memref<1920x64x128xf32, #tpu.memory_space<hbm>> -> memref<1x64x128xf32, #tpu.memory_space<hbm>>
      %dma_start3A_237 = tpu.memref_squeeze %dma_start3A_236 : memref<1x64x128xf32, #tpu.memory_space<hbm>> -> memref<64x128xf32, #tpu.memory_space<hbm>>
      %dma_start3A_238 = arith.constant 0 : i32
      %dma_start3A_239 = arith.constant 0 : i32
      %dma_start3A_240 = tpu.memref_slice %arg4[%add3A_233, %dma_start3A_238, %dma_start3A_239] : memref<1920x64x128xf32, #tpu.memory_space<hbm>> -> memref<1x64x128xf32, #tpu.memory_space<hbm>>
      %dma_start3A_241 = tpu.memref_squeeze %dma_start3A_240 : memref<1x64x128xf32, #tpu.memory_space<hbm>> -> memref<64x128xf32, #tpu.memory_space<hbm>>
      tpu.enqueue_dma source(%arg9 : memref<64x128xf32, #tpu.memory_space<vmem>>) target(%dma_start3A_241 : memref<64x128xf32, #tpu.memory_space<hbm>>) target_semaphore(%arg13 : memref<!tpu.dma_semaphore, #tpu.memory_space<semaphore_mem>>)
      %add3A_242 = arith.constant 1 : i32
      %add3A_243 = arith.addi %while3A_160, %add3A_242 : i32
      %lt3A_244 = arith.cmpi slt, %add3A_243, %select_n3A_80 : i32
      %convert_element_type3A_245 = arith.extui %lt3A_244 : i1 to i32
      %cond3A_246 = arith.constant 0 : i32
      %cond3A_247 = arith.cmpi ne, %convert_element_type3A_245, %cond3A_246 : i32
      scf.if %cond3A_247 {
        %add3A_248 = arith.constant 2 : i32
        %add3A_249 = arith.addi %add3A_164, %add3A_248 : i32
        %mul3A_250 = arith.constant 64 : i32
        %mul3A_251 = arith.muli %add3A_249, %mul3A_250 : i32
        %add3A_252 = arith.constant 0 : i32
        %add3A_253 = arith.addi %add3A_252, %mul3A_251 : i32
        %dma_start3A_254 = arith.constant 0 : i32
        %dma_start3A_255 = arith.constant 0 : i32
        %dma_start3A_256 = tpu.memref_slice %arg7[%dma_start3A_254, %dma_start3A_255] : memref<192x128xf32, #tpu.memory_space<vmem>> -> memref<64x128xf32, #tpu.memory_space<vmem>>
        %dma_start3A_257 = tpu.memref_slice %arg5[%add3A_253] : memref<11520xi32, #tpu.memory_space<vmem>> -> memref<64xi32, #tpu.memory_space<vmem>>
        %dma_start3A_258 = arith.constant 0 : i32
        %dma_start3A_259 = arith.constant 0 : i32
        %dma_start3A_260 = tpu.memref_slice %arg2[%dma_start3A_258, %dma_start3A_259] : memref<250000x128xf32, #tpu.memory_space<hbm>> -> memref<250000x128xf32, #tpu.memory_space<hbm>>
        tpu.enqueue_indirect_dma source(%dma_start3A_260 : memref<250000x128xf32, #tpu.memory_space<hbm>>) target(%dma_start3A_256 : memref<64x128xf32, #tpu.memory_space<vmem>>) offsets(%dma_start3A_257 : memref<64xi32, #tpu.memory_space<vmem>>) semaphore(%arg11 : memref<!tpu.dma_semaphore, #tpu.memory_space<semaphore_mem>>)
        %mul3A_261 = arith.constant 64 : i32
        %mul3A_262 = arith.muli %add3A_249, %mul3A_261 : i32
        %add3A_263 = arith.constant 3840 : i32
        %add3A_264 = arith.addi %add3A_263, %mul3A_262 : i32
        %dma_start3A_265 = arith.constant 64 : i32
        %dma_start3A_266 = arith.constant 0 : i32
        %dma_start3A_267 = tpu.memref_slice %arg7[%dma_start3A_265, %dma_start3A_266] : memref<192x128xf32, #tpu.memory_space<vmem>> -> memref<64x128xf32, #tpu.memory_space<vmem>>
        %dma_start3A_268 = tpu.memref_slice %arg5[%add3A_264] : memref<11520xi32, #tpu.memory_space<vmem>> -> memref<64xi32, #tpu.memory_space<vmem>>
        %dma_start3A_269 = arith.constant 0 : i32
        %dma_start3A_270 = arith.constant 0 : i32
        %dma_start3A_271 = tpu.memref_slice %arg2[%dma_start3A_269, %dma_start3A_270] : memref<250000x128xf32, #tpu.memory_space<hbm>> -> memref<250000x128xf32, #tpu.memory_space<hbm>>
        tpu.enqueue_indirect_dma source(%dma_start3A_271 : memref<250000x128xf32, #tpu.memory_space<hbm>>) target(%dma_start3A_267 : memref<64x128xf32, #tpu.memory_space<vmem>>) offsets(%dma_start3A_268 : memref<64xi32, #tpu.memory_space<vmem>>) semaphore(%arg11 : memref<!tpu.dma_semaphore, #tpu.memory_space<semaphore_mem>>)
        %mul3A_272 = arith.constant 64 : i32
        %mul3A_273 = arith.muli %add3A_249, %mul3A_272 : i32
        %add3A_274 = arith.constant 7680 : i32
        %add3A_275 = arith.addi %add3A_274, %mul3A_273 : i32
        %dma_start3A_276 = arith.constant 128 : i32
        %dma_start3A_277 = arith.constant 0 : i32
        %dma_start3A_278 = tpu.memref_slice %arg7[%dma_start3A_276, %dma_start3A_277] : memref<192x128xf32, #tpu.memory_space<vmem>> -> memref<64x128xf32, #tpu.memory_space<vmem>>
        %dma_start3A_279 = tpu.memref_slice %arg5[%add3A_275] : memref<11520xi32, #tpu.memory_space<vmem>> -> memref<64xi32, #tpu.memory_space<vmem>>
        %dma_start3A_280 = arith.constant 0 : i32
        %dma_start3A_281 = arith.constant 0 : i32
        %dma_start3A_282 = tpu.memref_slice %arg2[%dma_start3A_280, %dma_start3A_281] : memref<250000x128xf32, #tpu.memory_space<hbm>> -> memref<250000x128xf32, #tpu.memory_space<hbm>>
        tpu.enqueue_indirect_dma source(%dma_start3A_282 : memref<250000x128xf32, #tpu.memory_space<hbm>>) target(%dma_start3A_278 : memref<64x128xf32, #tpu.memory_space<vmem>>) offsets(%dma_start3A_279 : memref<64xi32, #tpu.memory_space<vmem>>) semaphore(%arg11 : memref<!tpu.dma_semaphore, #tpu.memory_space<semaphore_mem>>)
      } else {
      }
    }
    %while3A_148 = arith.constant 1 : i32
    scf.for %while3A_160 = %while3A_146 to %while3A_142 step %while3A_148  : i32 {
      %mul3A_161 = arith.constant 2 : i32
      %mul3A_162 = arith.muli %mul3A_161, %while3A_160 : i32
      %add3A_163 = arith.constant 1 : i32
      %add3A_164 = arith.addi %mul3A_162, %add3A_163 : i32
      %dma_wait3A_165 = arith.constant 0 : i32
      %dma_wait3A_166 = arith.constant 0 : i32
      %dma_wait3A_167 = tpu.memref_slice %arg2[%dma_wait3A_165, %dma_wait3A_166] : memref<250000x128xf32, #tpu.memory_space<hbm>> -> memref<64x128xf32, #tpu.memory_space<hbm>>
      %dma_wait3A_168 = arith.constant 0 : i32
      %dma_wait3A_169 = arith.constant 0 : i32
      %dma_wait3A_170 = tpu.memref_slice %arg2[%dma_wait3A_168, %dma_wait3A_169] : memref<250000x128xf32, #tpu.memory_space<hbm>> -> memref<64x128xf32, #tpu.memory_space<hbm>>
      tpu.wait_dma2 semaphore(%arg10 : memref<!tpu.dma_semaphore, #tpu.memory_space<semaphore_mem>>) src(%dma_wait3A_170 : memref<64x128xf32, #tpu.memory_space<hbm>>) dst(%arg8 : memref<64x128xf32, #tpu.memory_space<vmem>>)
      %dma_wait3A_171 = arith.constant 0 : i32
      %dma_wait3A_172 = arith.constant 0 : i32
      %dma_wait3A_173 = tpu.memref_slice %arg2[%dma_wait3A_171, %dma_wait3A_172] : memref<250000x128xf32, #tpu.memory_space<hbm>> -> memref<64x128xf32, #tpu.memory_space<hbm>>
      %dma_wait3A_174 = arith.constant 0 : i32
      %dma_wait3A_175 = arith.constant 0 : i32
      %dma_wait3A_176 = tpu.memref_slice %arg2[%dma_wait3A_174, %dma_wait3A_175] : memref<250000x128xf32, #tpu.memory_space<hbm>> -> memref<64x128xf32, #tpu.memory_space<hbm>>
      tpu.wait_dma2 semaphore(%arg10 : memref<!tpu.dma_semaphore, #tpu.memory_space<semaphore_mem>>) src(%dma_wait3A_176 : memref<64x128xf32, #tpu.memory_space<hbm>>) dst(%arg8 : memref<64x128xf32, #tpu.memory_space<vmem>>)
      %dma_wait3A_177 = arith.constant 0 : i32
      %dma_wait3A_178 = arith.constant 0 : i32
      %dma_wait3A_179 = tpu.memref_slice %arg2[%dma_wait3A_177, %dma_wait3A_178] : memref<250000x128xf32, #tpu.memory_space<hbm>> -> memref<64x128xf32, #tpu.memory_space<hbm>>
      %dma_wait3A_180 = arith.constant 0 : i32
      %dma_wait3A_181 = arith.constant 0 : i32
      %dma_wait3A_182 = tpu.memref_slice %arg2[%dma_wait3A_180, %dma_wait3A_181] : memref<250000x128xf32, #tpu.memory_space<hbm>> -> memref<64x128xf32, #tpu.memory_space<hbm>>
      tpu.wait_dma2 semaphore(%arg10 : memref<!tpu.dma_semaphore, #tpu.memory_space<semaphore_mem>>) src(%dma_wait3A_182 : memref<64x128xf32, #tpu.memory_space<hbm>>) dst(%arg8 : memref<64x128xf32, #tpu.memory_space<vmem>>)
      %gt3A = arith.constant 0 : i32
      %gt3A_183 = arith.cmpi sgt, %while3A_160, %gt3A : i32
      %convert_element_type3A = arith.extui %gt3A_183 : i1 to i32
      %cond3A = arith.constant 0 : i32
      %cond3A_184 = arith.cmpi ne, %convert_element_type3A, %cond3A : i32
      scf.if %cond3A_184 {
        %dma_wait3A_248 = arith.constant 0 : i32
        %dma_wait3A_249 = arith.constant 0 : i32
        %dma_wait3A_250 = tpu.memref_slice %arg2[%dma_wait3A_248, %dma_wait3A_249] : memref<250000x128xf32, #tpu.memory_space<hbm>> -> memref<64x128xf32, #tpu.memory_space<hbm>>
        %dma_wait3A_251 = arith.constant 0 : i32
        %dma_wait3A_252 = arith.constant 0 : i32
        %dma_wait3A_253 = tpu.memref_slice %arg2[%dma_wait3A_251, %dma_wait3A_252] : memref<250000x128xf32, #tpu.memory_space<hbm>> -> memref<64x128xf32, #tpu.memory_space<hbm>>
        tpu.wait_dma2 semaphore(%arg12 : memref<!tpu.dma_semaphore, #tpu.memory_space<semaphore_mem>>) src(%dma_wait3A_253 : memref<64x128xf32, #tpu.memory_space<hbm>>) dst(%arg8 : memref<64x128xf32, #tpu.memory_space<vmem>>)
      } else {
      }
      %scan3A = arith.constant 0 : i32
      %scan3A_185 = arith.constant 0 : i32
      %scan3A_186 = arith.constant 64 : i32
      %scan3A_187 = arith.addi %scan3A_185, %scan3A_186 : i32
      %scan3A_188 = arith.constant 1 : i32
      scf.for %scan3A_248 = %scan3A_185 to %scan3A_187 step %scan3A_188  : i32 {
        %add3A_249 = arith.constant 0 : i32
        %add3A_250 = arith.addi %add3A_249, %scan3A_248 : i32
        %get3A = arith.index_cast %add3A_250 : i32 to index
        %get3A_251 = arith.constant 0 : index
        %get3A_252 = tpu.vector_load %arg6[%get3A, %get3A_251] {strides = array<i32>} : memref<192x128xf32, #tpu.memory_space<vmem>>, vector<1x16xf32>,
        %get3A_253 = vector.shape_cast %get3A_252 : vector<1x16xf32> to vector<16xf32>
        %add3A_254 = arith.constant 0 : i32
        %add3A_255 = arith.addi %add3A_254, %scan3A_248 : i32
        %get3A_256 = arith.index_cast %add3A_255 : i32 to index
        %get3A_257 = arith.constant 64 : index
        %get3A_258 = tpu.vector_load %arg6[%get3A_256, %get3A_257] {strides = array<i32>} : memref<192x128xf32, #tpu.memory_space<vmem>>, vector<1x16xf32>,
        %get3A_259 = vector.shape_cast %get3A_258 : vector<1x16xf32> to vector<16xf32>
        %add3A_260 = arith.constant 64 : i32
        %add3A_261 = arith.addi %add3A_260, %scan3A_248 : i32
        %get3A_262 = arith.index_cast %add3A_261 : i32 to index
        %get3A_263 = arith.constant 0 : index
        %get3A_264 = tpu.vector_load %arg6[%get3A_262, %get3A_263] {strides = array<i32>} : memref<192x128xf32, #tpu.memory_space<vmem>>, vector<1x16xf32>,
        %get3A_265 = vector.shape_cast %get3A_264 : vector<1x16xf32> to vector<16xf32>
        %add3A_266 = arith.constant 64 : i32
        %add3A_267 = arith.addi %add3A_266, %scan3A_248 : i32
        %get3A_268 = arith.index_cast %add3A_267 : i32 to index
        %get3A_269 = arith.constant 64 : index
        %get3A_270 = tpu.vector_load %arg6[%get3A_268, %get3A_269] {strides = array<i32>} : memref<192x128xf32, #tpu.memory_space<vmem>>, vector<1x16xf32>,
        %get3A_271 = vector.shape_cast %get3A_270 : vector<1x16xf32> to vector<16xf32>
        %add3A_272 = arith.addf %get3A_253, %get3A_265 : vector<16xf32>
        %add3A_273 = arith.addf %get3A_259, %get3A_271 : vector<16xf32>
        %add3A_274 = arith.constant 128 : i32
        %add3A_275 = arith.addi %add3A_274, %scan3A_248 : i32
        %get3A_276 = arith.index_cast %add3A_275 : i32 to index
        %get3A_277 = arith.constant 64 : index
        %get3A_278 = tpu.vector_load %arg6[%get3A_276, %get3A_277] {strides = array<i32>} : memref<192x128xf32, #tpu.memory_space<vmem>>, vector<1x16xf32>,
        %get3A_279 = vector.shape_cast %get3A_278 : vector<1x16xf32> to vector<16xf32>
        %add3A_280 = arith.constant 128 : i32
        %add3A_281 = arith.addi %add3A_280, %scan3A_248 : i32
        %get3A_282 = arith.index_cast %add3A_281 : i32 to index
        %get3A_283 = arith.constant 0 : index
        %get3A_284 = tpu.vector_load %arg6[%get3A_282, %get3A_283] {strides = array<i32>} : memref<192x128xf32, #tpu.memory_space<vmem>>, vector<1x16xf32>,
        %get3A_285 = vector.shape_cast %get3A_284 : vector<1x16xf32> to vector<16xf32>
        %add3A_286 = arith.addf %add3A_272, %get3A_279 : vector<16xf32>
        %add3A_287 = arith.addf %add3A_273, %get3A_285 : vector<16xf32>
        %swap3A = arith.index_cast %scan3A_248 : i32 to index
        %swap3A_288 = arith.constant 0 : index
        %swap3A_289 = tpu.vector_load %arg8[%swap3A, %swap3A_288] {strides = array<i32>} : memref<64x128xf32, #tpu.memory_space<vmem>>, vector<1x16xf32>,
        %swap3A_290 = vector.shape_cast %swap3A_289 : vector<1x16xf32> to vector<16xf32>
        %swap3A_291 = vector.shape_cast %add3A_286 : vector<16xf32> to vector<1x16xf32>
        tpu.vector_store %arg8[%swap3A, %swap3A_288], %swap3A_291 {strides = array<i32>} : memref<64x128xf32, #tpu.memory_space<vmem>>, vector<1x16xf32>,
        %swap3A_292 = arith.index_cast %scan3A_248 : i32 to index
        %swap3A_293 = arith.constant 64 : index
        %swap3A_294 = tpu.vector_load %arg8[%swap3A_292, %swap3A_293] {strides = array<i32>} : memref<64x128xf32, #tpu.memory_space<vmem>>, vector<1x16xf32>,
        %swap3A_295 = vector.shape_cast %swap3A_294 : vector<1x16xf32> to vector<16xf32>
        %swap3A_296 = vector.shape_cast %add3A_287 : vector<16xf32> to vector<1x16xf32>
        tpu.vector_store %arg8[%swap3A_292, %swap3A_293], %swap3A_296 {strides = array<i32>} : memref<64x128xf32, #tpu.memory_space<vmem>>, vector<1x16xf32>,
        %add3A_297 = arith.constant 0 : i32
        %add3A_298 = arith.addi %add3A_297, %scan3A_248 : i32
        %get3A_299 = arith.index_cast %add3A_298 : i32 to index
        %get3A_300 = arith.constant 16 : index
        %get3A_301 = tpu.vector_load %arg6[%get3A_299, %get3A_300] {strides = array<i32>} : memref<192x128xf32, #tpu.memory_space<vmem>>, vector<1x16xf32>,
        %get3A_302 = vector.shape_cast %get3A_301 : vector<1x16xf32> to vector<16xf32>
        %add3A_303 = arith.constant 0 : i32
        %add3A_304 = arith.addi %add3A_303, %scan3A_248 : i32
        %get3A_305 = arith.index_cast %add3A_304 : i32 to index
        %get3A_306 = arith.constant 80 : index
        %get3A_307 = tpu.vector_load %arg6[%get3A_305, %get3A_306] {strides = array<i32>} : memref<192x128xf32, #tpu.memory_space<vmem>>, vector<1x16xf32>,
        %get3A_308 = vector.shape_cast %get3A_307 : vector<1x16xf32> to vector<16xf32>
        %add3A_309 = arith.constant 64 : i32
        %add3A_310 = arith.addi %add3A_309, %scan3A_248 : i32
        %get3A_311 = arith.index_cast %add3A_310 : i32 to index
        %get3A_312 = arith.constant 16 : index
        %get3A_313 = tpu.vector_load %arg6[%get3A_311, %get3A_312] {strides = array<i32>} : memref<192x128xf32, #tpu.memory_space<vmem>>, vector<1x16xf32>,
        %get3A_314 = vector.shape_cast %get3A_313 : vector<1x16xf32> to vector<16xf32>
        %add3A_315 = arith.constant 64 : i32
        %add3A_316 = arith.addi %add3A_315, %scan3A_248 : i32
        %get3A_317 = arith.index_cast %add3A_316 : i32 to index
        %get3A_318 = arith.constant 80 : index
        %get3A_319 = tpu.vector_load %arg6[%get3A_317, %get3A_318] {strides = array<i32>} : memref<192x128xf32, #tpu.memory_space<vmem>>, vector<1x16xf32>,
        %get3A_320 = vector.shape_cast %get3A_319 : vector<1x16xf32> to vector<16xf32>
        %add3A_321 = arith.addf %get3A_302, %get3A_314 : vector<16xf32>
        %add3A_322 = arith.addf %get3A_308, %get3A_320 : vector<16xf32>
        %add3A_323 = arith.constant 128 : i32
        %add3A_324 = arith.addi %add3A_323, %scan3A_248 : i32
        %get3A_325 = arith.index_cast %add3A_324 : i32 to index
        %get3A_326 = arith.constant 80 : index
        %get3A_327 = tpu.vector_load %arg6[%get3A_325, %get3A_326] {strides = array<i32>} : memref<192x128xf32, #tpu.memory_space<vmem>>, vector<1x16xf32>,
        %get3A_328 = vector.shape_cast %get3A_327 : vector<1x16xf32> to vector<16xf32>
        %add3A_329 = arith.constant 128 : i32
        %add3A_330 = arith.addi %add3A_329, %scan3A_248 : i32
        %get3A_331 = arith.index_cast %add3A_330 : i32 to index
        %get3A_332 = arith.constant 16 : index
        %get3A_333 = tpu.vector_load %arg6[%get3A_331, %get3A_332] {strides = array<i32>} : memref<192x128xf32, #tpu.memory_space<vmem>>, vector<1x16xf32>,
        %get3A_334 = vector.shape_cast %get3A_333 : vector<1x16xf32> to vector<16xf32>
        %add3A_335 = arith.addf %add3A_321, %get3A_328 : vector<16xf32>
        %add3A_336 = arith.addf %add3A_322, %get3A_334 : vector<16xf32>
        %swap3A_337 = arith.index_cast %scan3A_248 : i32 to index
        %swap3A_338 = arith.constant 16 : index
        %swap3A_339 = tpu.vector_load %arg8[%swap3A_337, %swap3A_338] {strides = array<i32>} : memref<64x128xf32, #tpu.memory_space<vmem>>, vector<1x16xf32>,
        %swap3A_340 = vector.shape_cast %swap3A_339 : vector<1x16xf32> to vector<16xf32>
        %swap3A_341 = vector.shape_cast %add3A_335 : vector<16xf32> to vector<1x16xf32>
        tpu.vector_store %arg8[%swap3A_337, %swap3A_338], %swap3A_341 {strides = array<i32>} : memref<64x128xf32, #tpu.memory_space<vmem>>, vector<1x16xf32>,
        %swap3A_342 = arith.index_cast %scan3A_248 : i32 to index
        %swap3A_343 = arith.constant 80 : index
        %swap3A_344 = tpu.vector_load %arg8[%swap3A_342, %swap3A_343] {strides = array<i32>} : memref<64x128xf32, #tpu.memory_space<vmem>>, vector<1x16xf32>,
        %swap3A_345 = vector.shape_cast %swap3A_344 : vector<1x16xf32> to vector<16xf32>
        %swap3A_346 = vector.shape_cast %add3A_336 : vector<16xf32> to vector<1x16xf32>
        tpu.vector_store %arg8[%swap3A_342, %swap3A_343], %swap3A_346 {strides = array<i32>} : memref<64x128xf32, #tpu.memory_space<vmem>>, vector<1x16xf32>,
        %add3A_347 = arith.constant 0 : i32
        %add3A_348 = arith.addi %add3A_347, %scan3A_248 : i32
        %get3A_349 = arith.index_cast %add3A_348 : i32 to index
        %get3A_350 = arith.constant 32 : index
        %get3A_351 = tpu.vector_load %arg6[%get3A_349, %get3A_350] {strides = array<i32>} : memref<192x128xf32, #tpu.memory_space<vmem>>, vector<1x16xf32>,
        %get3A_352 = vector.shape_cast %get3A_351 : vector<1x16xf32> to vector<16xf32>
        %add3A_353 = arith.constant 0 : i32
        %add3A_354 = arith.addi %add3A_353, %scan3A_248 : i32
        %get3A_355 = arith.index_cast %add3A_354 : i32 to index
        %get3A_356 = arith.constant 96 : index
        %get3A_357 = tpu.vector_load %arg6[%get3A_355, %get3A_356] {strides = array<i32>} : memref<192x128xf32, #tpu.memory_space<vmem>>, vector<1x16xf32>,
        %get3A_358 = vector.shape_cast %get3A_357 : vector<1x16xf32> to vector<16xf32>
        %add3A_359 = arith.constant 64 : i32
        %add3A_360 = arith.addi %add3A_359, %scan3A_248 : i32
        %get3A_361 = arith.index_cast %add3A_360 : i32 to index
        %get3A_362 = arith.constant 32 : index
        %get3A_363 = tpu.vector_load %arg6[%get3A_361, %get3A_362] {strides = array<i32>} : memref<192x128xf32, #tpu.memory_space<vmem>>, vector<1x16xf32>,
        %get3A_364 = vector.shape_cast %get3A_363 : vector<1x16xf32> to vector<16xf32>
        %add3A_365 = arith.constant 64 : i32
        %add3A_366 = arith.addi %add3A_365, %scan3A_248 : i32
        %get3A_367 = arith.index_cast %add3A_366 : i32 to index
        %get3A_368 = arith.constant 96 : index
        %get3A_369 = tpu.vector_load %arg6[%get3A_367, %get3A_368] {strides = array<i32>} : memref<192x128xf32, #tpu.memory_space<vmem>>, vector<1x16xf32>,
        %get3A_370 = vector.shape_cast %get3A_369 : vector<1x16xf32> to vector<16xf32>
        %add3A_371 = arith.addf %get3A_352, %get3A_364 : vector<16xf32>
        %add3A_372 = arith.addf %get3A_358, %get3A_370 : vector<16xf32>
        %add3A_373 = arith.constant 128 : i32
        %add3A_374 = arith.addi %add3A_373, %scan3A_248 : i32
        %get3A_375 = arith.index_cast %add3A_374 : i32 to index
        %get3A_376 = arith.constant 96 : index
        %get3A_377 = tpu.vector_load %arg6[%get3A_375, %get3A_376] {strides = array<i32>} : memref<192x128xf32, #tpu.memory_space<vmem>>, vector<1x16xf32>,
        %get3A_378 = vector.shape_cast %get3A_377 : vector<1x16xf32> to vector<16xf32>
        %add3A_379 = arith.constant 128 : i32
        %add3A_380 = arith.addi %add3A_379, %scan3A_248 : i32
        %get3A_381 = arith.index_cast %add3A_380 : i32 to index
        %get3A_382 = arith.constant 32 : index
        %get3A_383 = tpu.vector_load %arg6[%get3A_381, %get3A_382] {strides = array<i32>} : memref<192x128xf32, #tpu.memory_space<vmem>>, vector<1x16xf32>,
        %get3A_384 = vector.shape_cast %get3A_383 : vector<1x16xf32> to vector<16xf32>
        %add3A_385 = arith.addf %add3A_371, %get3A_378 : vector<16xf32>
        %add3A_386 = arith.addf %add3A_372, %get3A_384 : vector<16xf32>
        %swap3A_387 = arith.index_cast %scan3A_248 : i32 to index
        %swap3A_388 = arith.constant 32 : index
        %swap3A_389 = tpu.vector_load %arg8[%swap3A_387, %swap3A_388] {strides = array<i32>} : memref<64x128xf32, #tpu.memory_space<vmem>>, vector<1x16xf32>,
        %swap3A_390 = vector.shape_cast %swap3A_389 : vector<1x16xf32> to vector<16xf32>
        %swap3A_391 = vector.shape_cast %add3A_385 : vector<16xf32> to vector<1x16xf32>
        tpu.vector_store %arg8[%swap3A_387, %swap3A_388], %swap3A_391 {strides = array<i32>} : memref<64x128xf32, #tpu.memory_space<vmem>>, vector<1x16xf32>,
        %swap3A_392 = arith.index_cast %scan3A_248 : i32 to index
        %swap3A_393 = arith.constant 96 : index
        %swap3A_394 = tpu.vector_load %arg8[%swap3A_392, %swap3A_393] {strides = array<i32>} : memref<64x128xf32, #tpu.memory_space<vmem>>, vector<1x16xf32>,
        %swap3A_395 = vector.shape_cast %swap3A_394 : vector<1x16xf32> to vector<16xf32>
        %swap3A_396 = vector.shape_cast %add3A_386 : vector<16xf32> to vector<1x16xf32>
        tpu.vector_store %arg8[%swap3A_392, %swap3A_393], %swap3A_396 {strides = array<i32>} : memref<64x128xf32, #tpu.memory_space<vmem>>, vector<1x16xf32>,
        %add3A_397 = arith.constant 0 : i32
        %add3A_398 = arith.addi %add3A_397, %scan3A_248 : i32
        %get3A_399 = arith.index_cast %add3A_398 : i32 to index
        %get3A_400 = arith.constant 48 : index
        %get3A_401 = tpu.vector_load %arg6[%get3A_399, %get3A_400] {strides = array<i32>} : memref<192x128xf32, #tpu.memory_space<vmem>>, vector<1x16xf32>,
        %get3A_402 = vector.shape_cast %get3A_401 : vector<1x16xf32> to vector<16xf32>
        %add3A_403 = arith.constant 0 : i32
        %add3A_404 = arith.addi %add3A_403, %scan3A_248 : i32
        %get3A_405 = arith.index_cast %add3A_404 : i32 to index
        %get3A_406 = arith.constant 112 : index
        %get3A_407 = tpu.vector_load %arg6[%get3A_405, %get3A_406] {strides = array<i32>} : memref<192x128xf32, #tpu.memory_space<vmem>>, vector<1x16xf32>,
        %get3A_408 = vector.shape_cast %get3A_407 : vector<1x16xf32> to vector<16xf32>
        %add3A_409 = arith.constant 64 : i32
        %add3A_410 = arith.addi %add3A_409, %scan3A_248 : i32
        %get3A_411 = arith.index_cast %add3A_410 : i32 to index
        %get3A_412 = arith.constant 48 : index
        %get3A_413 = tpu.vector_load %arg6[%get3A_411, %get3A_412] {strides = array<i32>} : memref<192x128xf32, #tpu.memory_space<vmem>>, vector<1x16xf32>,
        %get3A_414 = vector.shape_cast %get3A_413 : vector<1x16xf32> to vector<16xf32>
        %add3A_415 = arith.constant 64 : i32
        %add3A_416 = arith.addi %add3A_415, %scan3A_248 : i32
        %get3A_417 = arith.index_cast %add3A_416 : i32 to index
        %get3A_418 = arith.constant 112 : index
        %get3A_419 = tpu.vector_load %arg6[%get3A_417, %get3A_418] {strides = array<i32>} : memref<192x128xf32, #tpu.memory_space<vmem>>, vector<1x16xf32>,
        %get3A_420 = vector.shape_cast %get3A_419 : vector<1x16xf32> to vector<16xf32>
        %add3A_421 = arith.addf %get3A_402, %get3A_414 : vector<16xf32>
        %add3A_422 = arith.addf %get3A_408, %get3A_420 : vector<16xf32>
        %add3A_423 = arith.constant 128 : i32
        %add3A_424 = arith.addi %add3A_423, %scan3A_248 : i32
        %get3A_425 = arith.index_cast %add3A_424 : i32 to index
        %get3A_426 = arith.constant 112 : index
        %get3A_427 = tpu.vector_load %arg6[%get3A_425, %get3A_426] {strides = array<i32>} : memref<192x128xf32, #tpu.memory_space<vmem>>, vector<1x16xf32>,
        %get3A_428 = vector.shape_cast %get3A_427 : vector<1x16xf32> to vector<16xf32>
        %add3A_429 = arith.constant 128 : i32
        %add3A_430 = arith.addi %add3A_429, %scan3A_248 : i32
        %get3A_431 = arith.index_cast %add3A_430 : i32 to index
        %get3A_432 = arith.constant 48 : index
        %get3A_433 = tpu.vector_load %arg6[%get3A_431, %get3A_432] {strides = array<i32>} : memref<192x128xf32, #tpu.memory_space<vmem>>, vector<1x16xf32>,
        %get3A_434 = vector.shape_cast %get3A_433 : vector<1x16xf32> to vector<16xf32>
        %add3A_435 = arith.addf %add3A_421, %get3A_428 : vector<16xf32>
        %add3A_436 = arith.addf %add3A_422, %get3A_434 : vector<16xf32>
        %swap3A_437 = arith.index_cast %scan3A_248 : i32 to index
        %swap3A_438 = arith.constant 48 : index
        %swap3A_439 = tpu.vector_load %arg8[%swap3A_437, %swap3A_438] {strides = array<i32>} : memref<64x128xf32, #tpu.memory_space<vmem>>, vector<1x16xf32>,
        %swap3A_440 = vector.shape_cast %swap3A_439 : vector<1x16xf32> to vector<16xf32>
        %swap3A_441 = vector.shape_cast %add3A_435 : vector<16xf32> to vector<1x16xf32>
        tpu.vector_store %arg8[%swap3A_437, %swap3A_438], %swap3A_441 {strides = array<i32>} : memref<64x128xf32, #tpu.memory_space<vmem>>, vector<1x16xf32>,
        %swap3A_442 = arith.index_cast %scan3A_248 : i32 to index
        %swap3A_443 = arith.constant 112 : index
        %swap3A_444 = tpu.vector_load %arg8[%swap3A_442, %swap3A_443] {strides = array<i32>} : memref<64x128xf32, #tpu.memory_space<vmem>>, vector<1x16xf32>,
        %swap3A_445 = vector.shape_cast %swap3A_444 : vector<1x16xf32> to vector<16xf32>
        %swap3A_446 = vector.shape_cast %add3A_436 : vector<16xf32> to vector<1x16xf32>
        tpu.vector_store %arg8[%swap3A_442, %swap3A_443], %swap3A_446 {strides = array<i32>} : memref<64x128xf32, #tpu.memory_space<vmem>>, vector<1x16xf32>,
      }
      %scan3A_189 = arith.constant 64 : i32
      %add3A_190 = arith.addi %select_n3A, %mul3A_162 : i32
      %dma_start3A_191 = arith.constant 0 : i32
      %dma_start3A_192 = arith.constant 0 : i32
      %dma_start3A_193 = tpu.memref_slice %arg4[%add3A_190, %dma_start3A_191, %dma_start3A_192] : memref<1920x64x128xf32, #tpu.memory_space<hbm>> -> memref<1x64x128xf32, #tpu.memory_space<hbm>>
      %dma_start3A_194 = tpu.memref_squeeze %dma_start3A_193 : memref<1x64x128xf32, #tpu.memory_space<hbm>> -> memref<64x128xf32, #tpu.memory_space<hbm>>
      %dma_start3A_195 = arith.constant 0 : i32
      %dma_start3A_196 = arith.constant 0 : i32
      %dma_start3A_197 = tpu.memref_slice %arg4[%add3A_190, %dma_start3A_195, %dma_start3A_196] : memref<1920x64x128xf32, #tpu.memory_space<hbm>> -> memref<1x64x128xf32, #tpu.memory_space<hbm>>
      %dma_start3A_198 = tpu.memref_squeeze %dma_start3A_197 : memref<1x64x128xf32, #tpu.memory_space<hbm>> -> memref<64x128xf32, #tpu.memory_space<hbm>>
      tpu.enqueue_dma source(%arg8 : memref<64x128xf32, #tpu.memory_space<vmem>>) target(%dma_start3A_198 : memref<64x128xf32, #tpu.memory_space<hbm>>) target_semaphore(%arg12 : memref<!tpu.dma_semaphore, #tpu.memory_space<semaphore_mem>>)
      %add3A_199 = arith.constant 1 : i32
      %add3A_200 = arith.addi %while3A_160, %add3A_199 : i32
      %lt3A = arith.cmpi slt, %add3A_200, %select_n3A_80 : i32
      %convert_element_type3A_201 = arith.extui %lt3A : i1 to i32
      %cond3A_202 = arith.constant 0 : i32
      %cond3A_203 = arith.cmpi ne, %convert_element_type3A_201, %cond3A_202 : i32
      scf.if %cond3A_203 {
        %add3A_248 = arith.constant 2 : i32
        %add3A_249 = arith.addi %mul3A_162, %add3A_248 : i32
        %mul3A_250 = arith.constant 64 : i32
        %mul3A_251 = arith.muli %add3A_249, %mul3A_250 : i32
        %add3A_252 = arith.constant 0 : i32
        %add3A_253 = arith.addi %add3A_252, %mul3A_251 : i32
        %dma_start3A_254 = arith.constant 0 : i32
        %dma_start3A_255 = arith.constant 0 : i32
        %dma_start3A_256 = tpu.memref_slice %arg6[%dma_start3A_254, %dma_start3A_255] : memref<192x128xf32, #tpu.memory_space<vmem>> -> memref<64x128xf32, #tpu.memory_space<vmem>>
        %dma_start3A_257 = tpu.memref_slice %arg5[%add3A_253] : memref<11520xi32, #tpu.memory_space<vmem>> -> memref<64xi32, #tpu.memory_space<vmem>>
        %dma_start3A_258 = arith.constant 0 : i32
        %dma_start3A_259 = arith.constant 0 : i32
        %dma_start3A_260 = tpu.memref_slice %arg2[%dma_start3A_258, %dma_start3A_259] : memref<250000x128xf32, #tpu.memory_space<hbm>> -> memref<250000x128xf32, #tpu.memory_space<hbm>>
        tpu.enqueue_indirect_dma source(%dma_start3A_260 : memref<250000x128xf32, #tpu.memory_space<hbm>>) target(%dma_start3A_256 : memref<64x128xf32, #tpu.memory_space<vmem>>) offsets(%dma_start3A_257 : memref<64xi32, #tpu.memory_space<vmem>>) semaphore(%arg10 : memref<!tpu.dma_semaphore, #tpu.memory_space<semaphore_mem>>)
        %mul3A_261 = arith.constant 64 : i32
        %mul3A_262 = arith.muli %add3A_249, %mul3A_261 : i32
        %add3A_263 = arith.constant 3840 : i32
        %add3A_264 = arith.addi %add3A_263, %mul3A_262 : i32
        %dma_start3A_265 = arith.constant 64 : i32
        %dma_start3A_266 = arith.constant 0 : i32
        %dma_start3A_267 = tpu.memref_slice %arg6[%dma_start3A_265, %dma_start3A_266] : memref<192x128xf32, #tpu.memory_space<vmem>> -> memref<64x128xf32, #tpu.memory_space<vmem>>
        %dma_start3A_268 = tpu.memref_slice %arg5[%add3A_264] : memref<11520xi32, #tpu.memory_space<vmem>> -> memref<64xi32, #tpu.memory_space<vmem>>
        %dma_start3A_269 = arith.constant 0 : i32
        %dma_start3A_270 = arith.constant 0 : i32
        %dma_start3A_271 = tpu.memref_slice %arg2[%dma_start3A_269, %dma_start3A_270] : memref<250000x128xf32, #tpu.memory_space<hbm>> -> memref<250000x128xf32, #tpu.memory_space<hbm>>
        tpu.enqueue_indirect_dma source(%dma_start3A_271 : memref<250000x128xf32, #tpu.memory_space<hbm>>) target(%dma_start3A_267 : memref<64x128xf32, #tpu.memory_space<vmem>>) offsets(%dma_start3A_268 : memref<64xi32, #tpu.memory_space<vmem>>) semaphore(%arg10 : memref<!tpu.dma_semaphore, #tpu.memory_space<semaphore_mem>>)
        %mul3A_272 = arith.constant 64 : i32
        %mul3A_273 = arith.muli %add3A_249, %mul3A_272 : i32
        %add3A_274 = arith.constant 7680 : i32
        %add3A_275 = arith.addi %add3A_274, %mul3A_273 : i32
        %dma_start3A_276 = arith.constant 128 : i32
        %dma_start3A_277 = arith.constant 0 : i32
        %dma_start3A_278 = tpu.memref_slice %arg6[%dma_start3A_276, %dma_start3A_277] : memref<192x128xf32, #tpu.memory_space<vmem>> -> memref<64x128xf32, #tpu.memory_space<vmem>>
        %dma_start3A_279 = tpu.memref_slice %arg5[%add3A_275] : memref<11520xi32, #tpu.memory_space<vmem>> -> memref<64xi32, #tpu.memory_space<vmem>>
        %dma_start3A_280 = arith.constant 0 : i32
        %dma_start3A_281 = arith.constant 0 : i32
        %dma_start3A_282 = tpu.memref_slice %arg2[%dma_start3A_280, %dma_start3A_281] : memref<250000x128xf32, #tpu.memory_space<hbm>> -> memref<250000x128xf32, #tpu.memory_space<hbm>>
        tpu.enqueue_indirect_dma source(%dma_start3A_282 : memref<250000x128xf32, #tpu.memory_space<hbm>>) target(%dma_start3A_278 : memref<64x128xf32, #tpu.memory_space<vmem>>) offsets(%dma_start3A_279 : memref<64xi32, #tpu.memory_space<vmem>>) semaphore(%arg10 : memref<!tpu.dma_semaphore, #tpu.memory_space<semaphore_mem>>)
      } else {
      }
      %dma_wait3A_204 = arith.constant 0 : i32
      %dma_wait3A_205 = arith.constant 0 : i32
      %dma_wait3A_206 = tpu.memref_slice %arg2[%dma_wait3A_204, %dma_wait3A_205] : memref<250000x128xf32, #tpu.memory_space<hbm>> -> memref<64x128xf32, #tpu.memory_space<hbm>>
      %dma_wait3A_207 = arith.constant 0 : i32
      %dma_wait3A_208 = arith.constant 0 : i32
      %dma_wait3A_209 = tpu.memref_slice %arg2[%dma_wait3A_207, %dma_wait3A_208] : memref<250000x128xf32, #tpu.memory_space<hbm>> -> memref<64x128xf32, #tpu.memory_space<hbm>>
      tpu.wait_dma2 semaphore(%arg11 : memref<!tpu.dma_semaphore, #tpu.memory_space<semaphore_mem>>) src(%dma_wait3A_209 : memref<64x128xf32, #tpu.memory_space<hbm>>) dst(%arg8 : memref<64x128xf32, #tpu.memory_space<vmem>>)
      %dma_wait3A_210 = arith.constant 0 : i32
      %dma_wait3A_211 = arith.constant 0 : i32
      %dma_wait3A_212 = tpu.memref_slice %arg2[%dma_wait3A_210, %dma_wait3A_211] : memref<250000x128xf32, #tpu.memory_space<hbm>> -> memref<64x128xf32, #tpu.memory_space<hbm>>
      %dma_wait3A_213 = arith.constant 0 : i32
      %dma_wait3A_214 = arith.constant 0 : i32
      %dma_wait3A_215 = tpu.memref_slice %arg2[%dma_wait3A_213, %dma_wait3A_214] : memref<250000x128xf32, #tpu.memory_space<hbm>> -> memref<64x128xf32, #tpu.memory_space<hbm>>
      tpu.wait_dma2 semaphore(%arg11 : memref<!tpu.dma_semaphore, #tpu.memory_space<semaphore_mem>>) src(%dma_wait3A_215 : memref<64x128xf32, #tpu.memory_space<hbm>>) dst(%arg8 : memref<64x128xf32, #tpu.memory_space<vmem>>)
      %dma_wait3A_216 = arith.constant 0 : i32
      %dma_wait3A_217 = arith.constant 0 : i32
      %dma_wait3A_218 = tpu.memref_slice %arg2[%dma_wait3A_216, %dma_wait3A_217] : memref<250000x128xf32, #tpu.memory_space<hbm>> -> memref<64x128xf32, #tpu.memory_space<hbm>>
      %dma_wait3A_219 = arith.constant 0 : i32
      %dma_wait3A_220 = arith.constant 0 : i32
      %dma_wait3A_221 = tpu.memref_slice %arg2[%dma_wait3A_219, %dma_wait3A_220] : memref<250000x128xf32, #tpu.memory_space<hbm>> -> memref<64x128xf32, #tpu.memory_space<hbm>>
      tpu.wait_dma2 semaphore(%arg11 : memref<!tpu.dma_semaphore, #tpu.memory_space<semaphore_mem>>) src(%dma_wait3A_221 : memref<64x128xf32, #tpu.memory_space<hbm>>) dst(%arg8 : memref<64x128xf32, #tpu.memory_space<vmem>>)
      %gt3A_222 = arith.constant 0 : i32
      %gt3A_223 = arith.cmpi sgt, %while3A_160, %gt3A_222 : i32
      %convert_element_type3A_224 = arith.extui %gt3A_223 : i1 to i32
      %cond3A_225 = arith.constant 0 : i32
      %cond3A_226 = arith.cmpi ne, %convert_element_type3A_224, %cond3A_225 : i32
      scf.if %cond3A_226 {
        %dma_wait3A_248 = arith.constant 0 : i32
        %dma_wait3A_249 = arith.constant 0 : i32
        %dma_wait3A_250 = tpu.memref_slice %arg2[%dma_wait3A_248, %dma_wait3A_249] : memref<250000x128xf32, #tpu.memory_space<hbm>> -> memref<64x128xf32, #tpu.memory_space<hbm>>
        %dma_wait3A_251 = arith.constant 0 : i32
        %dma_wait3A_252 = arith.constant 0 : i32
        %dma_wait3A_253 = tpu.memref_slice %arg2[%dma_wait3A_251, %dma_wait3A_252] : memref<250000x128xf32, #tpu.memory_space<hbm>> -> memref<64x128xf32, #tpu.memory_space<hbm>>
        tpu.wait_dma2 semaphore(%arg13 : memref<!tpu.dma_semaphore, #tpu.memory_space<semaphore_mem>>) src(%dma_wait3A_253 : memref<64x128xf32, #tpu.memory_space<hbm>>) dst(%arg8 : memref<64x128xf32, #tpu.memory_space<vmem>>)
      } else {
      }
      %scan3A_227 = arith.constant 0 : i32
      %scan3A_228 = arith.constant 0 : i32
      %scan3A_229 = arith.constant 64 : i32
      %scan3A_230 = arith.addi %scan3A_228, %scan3A_229 : i32
      %scan3A_231 = arith.constant 1 : i32
      scf.for %scan3A_248 = %scan3A_228 to %scan3A_230 step %scan3A_231  : i32 {
        %add3A_249 = arith.constant 0 : i32
        %add3A_250 = arith.addi %add3A_249, %scan3A_248 : i32
        %get3A = arith.index_cast %add3A_250 : i32 to index
        %get3A_251 = arith.constant 0 : index
        %get3A_252 = tpu.vector_load %arg7[%get3A, %get3A_251] {strides = array<i32>} : memref<192x128xf32, #tpu.memory_space<vmem>>, vector<1x16xf32>,
        %get3A_253 = vector.shape_cast %get3A_252 : vector<1x16xf32> to vector<16xf32>
        %add3A_254 = arith.constant 0 : i32
        %add3A_255 = arith.addi %add3A_254, %scan3A_248 : i32
        %get3A_256 = arith.index_cast %add3A_255 : i32 to index
        %get3A_257 = arith.constant 64 : index
        %get3A_258 = tpu.vector_load %arg7[%get3A_256, %get3A_257] {strides = array<i32>} : memref<192x128xf32, #tpu.memory_space<vmem>>, vector<1x16xf32>,
        %get3A_259 = vector.shape_cast %get3A_258 : vector<1x16xf32> to vector<16xf32>
        %add3A_260 = arith.constant 64 : i32
        %add3A_261 = arith.addi %add3A_260, %scan3A_248 : i32
        %get3A_262 = arith.index_cast %add3A_261 : i32 to index
        %get3A_263 = arith.constant 0 : index
        %get3A_264 = tpu.vector_load %arg7[%get3A_262, %get3A_263] {strides = array<i32>} : memref<192x128xf32, #tpu.memory_space<vmem>>, vector<1x16xf32>,
        %get3A_265 = vector.shape_cast %get3A_264 : vector<1x16xf32> to vector<16xf32>
        %add3A_266 = arith.constant 64 : i32
        %add3A_267 = arith.addi %add3A_266, %scan3A_248 : i32
        %get3A_268 = arith.index_cast %add3A_267 : i32 to index
        %get3A_269 = arith.constant 64 : index
        %get3A_270 = tpu.vector_load %arg7[%get3A_268, %get3A_269] {strides = array<i32>} : memref<192x128xf32, #tpu.memory_space<vmem>>, vector<1x16xf32>,
        %get3A_271 = vector.shape_cast %get3A_270 : vector<1x16xf32> to vector<16xf32>
        %add3A_272 = arith.addf %get3A_253, %get3A_265 : vector<16xf32>
        %add3A_273 = arith.addf %get3A_259, %get3A_271 : vector<16xf32>
        %add3A_274 = arith.constant 128 : i32
        %add3A_275 = arith.addi %add3A_274, %scan3A_248 : i32
        %get3A_276 = arith.index_cast %add3A_275 : i32 to index
        %get3A_277 = arith.constant 64 : index
        %get3A_278 = tpu.vector_load %arg7[%get3A_276, %get3A_277] {strides = array<i32>} : memref<192x128xf32, #tpu.memory_space<vmem>>, vector<1x16xf32>,
        %get3A_279 = vector.shape_cast %get3A_278 : vector<1x16xf32> to vector<16xf32>
        %add3A_280 = arith.constant 128 : i32
        %add3A_281 = arith.addi %add3A_280, %scan3A_248 : i32
        %get3A_282 = arith.index_cast %add3A_281 : i32 to index
        %get3A_283 = arith.constant 0 : index
        %get3A_284 = tpu.vector_load %arg7[%get3A_282, %get3A_283] {strides = array<i32>} : memref<192x128xf32, #tpu.memory_space<vmem>>, vector<1x16xf32>,
        %get3A_285 = vector.shape_cast %get3A_284 : vector<1x16xf32> to vector<16xf32>
        %add3A_286 = arith.addf %add3A_272, %get3A_279 : vector<16xf32>
        %add3A_287 = arith.addf %add3A_273, %get3A_285 : vector<16xf32>
        %swap3A = arith.index_cast %scan3A_248 : i32 to index
        %swap3A_288 = arith.constant 0 : index
        %swap3A_289 = tpu.vector_load %arg9[%swap3A, %swap3A_288] {strides = array<i32>} : memref<64x128xf32, #tpu.memory_space<vmem>>, vector<1x16xf32>,
        %swap3A_290 = vector.shape_cast %swap3A_289 : vector<1x16xf32> to vector<16xf32>
        %swap3A_291 = vector.shape_cast %add3A_286 : vector<16xf32> to vector<1x16xf32>
        tpu.vector_store %arg9[%swap3A, %swap3A_288], %swap3A_291 {strides = array<i32>} : memref<64x128xf32, #tpu.memory_space<vmem>>, vector<1x16xf32>,
        %swap3A_292 = arith.index_cast %scan3A_248 : i32 to index
        %swap3A_293 = arith.constant 64 : index
        %swap3A_294 = tpu.vector_load %arg9[%swap3A_292, %swap3A_293] {strides = array<i32>} : memref<64x128xf32, #tpu.memory_space<vmem>>, vector<1x16xf32>,
        %swap3A_295 = vector.shape_cast %swap3A_294 : vector<1x16xf32> to vector<16xf32>
        %swap3A_296 = vector.shape_cast %add3A_287 : vector<16xf32> to vector<1x16xf32>
        tpu.vector_store %arg9[%swap3A_292, %swap3A_293], %swap3A_296 {strides = array<i32>} : memref<64x128xf32, #tpu.memory_space<vmem>>, vector<1x16xf32>,
        %add3A_297 = arith.constant 0 : i32
        %add3A_298 = arith.addi %add3A_297, %scan3A_248 : i32
        %get3A_299 = arith.index_cast %add3A_298 : i32 to index
        %get3A_300 = arith.constant 16 : index
        %get3A_301 = tpu.vector_load %arg7[%get3A_299, %get3A_300] {strides = array<i32>} : memref<192x128xf32, #tpu.memory_space<vmem>>, vector<1x16xf32>,
        %get3A_302 = vector.shape_cast %get3A_301 : vector<1x16xf32> to vector<16xf32>
        %add3A_303 = arith.constant 0 : i32
        %add3A_304 = arith.addi %add3A_303, %scan3A_248 : i32
        %get3A_305 = arith.index_cast %add3A_304 : i32 to index
        %get3A_306 = arith.constant 80 : index
        %get3A_307 = tpu.vector_load %arg7[%get3A_305, %get3A_306] {strides = array<i32>} : memref<192x128xf32, #tpu.memory_space<vmem>>, vector<1x16xf32>,
        %get3A_308 = vector.shape_cast %get3A_307 : vector<1x16xf32> to vector<16xf32>
        %add3A_309 = arith.constant 64 : i32
        %add3A_310 = arith.addi %add3A_309, %scan3A_248 : i32
        %get3A_311 = arith.index_cast %add3A_310 : i32 to index
        %get3A_312 = arith.constant 16 : index
        %get3A_313 = tpu.vector_load %arg7[%get3A_311, %get3A_312] {strides = array<i32>} : memref<192x128xf32, #tpu.memory_space<vmem>>, vector<1x16xf32>,
        %get3A_314 = vector.shape_cast %get3A_313 : vector<1x16xf32> to vector<16xf32>
        %add3A_315 = arith.constant 64 : i32
        %add3A_316 = arith.addi %add3A_315, %scan3A_248 : i32
        %get3A_317 = arith.index_cast %add3A_316 : i32 to index
        %get3A_318 = arith.constant 80 : index
        %get3A_319 = tpu.vector_load %arg7[%get3A_317, %get3A_318] {strides = array<i32>} : memref<192x128xf32, #tpu.memory_space<vmem>>, vector<1x16xf32>,
        %get3A_320 = vector.shape_cast %get3A_319 : vector<1x16xf32> to vector<16xf32>
        %add3A_321 = arith.addf %get3A_302, %get3A_314 : vector<16xf32>
        %add3A_322 = arith.addf %get3A_308, %get3A_320 : vector<16xf32>
        %add3A_323 = arith.constant 128 : i32
        %add3A_324 = arith.addi %add3A_323, %scan3A_248 : i32
        %get3A_325 = arith.index_cast %add3A_324 : i32 to index
        %get3A_326 = arith.constant 80 : index
        %get3A_327 = tpu.vector_load %arg7[%get3A_325, %get3A_326] {strides = array<i32>} : memref<192x128xf32, #tpu.memory_space<vmem>>, vector<1x16xf32>,
        %get3A_328 = vector.shape_cast %get3A_327 : vector<1x16xf32> to vector<16xf32>
        %add3A_329 = arith.constant 128 : i32
        %add3A_330 = arith.addi %add3A_329, %scan3A_248 : i32
        %get3A_331 = arith.index_cast %add3A_330 : i32 to index
        %get3A_332 = arith.constant 16 : index
        %get3A_333 = tpu.vector_load %arg7[%get3A_331, %get3A_332] {strides = array<i32>} : memref<192x128xf32, #tpu.memory_space<vmem>>, vector<1x16xf32>,
        %get3A_334 = vector.shape_cast %get3A_333 : vector<1x16xf32> to vector<16xf32>
        %add3A_335 = arith.addf %add3A_321, %get3A_328 : vector<16xf32>
        %add3A_336 = arith.addf %add3A_322, %get3A_334 : vector<16xf32>
        %swap3A_337 = arith.index_cast %scan3A_248 : i32 to index
        %swap3A_338 = arith.constant 16 : index
        %swap3A_339 = tpu.vector_load %arg9[%swap3A_337, %swap3A_338] {strides = array<i32>} : memref<64x128xf32, #tpu.memory_space<vmem>>, vector<1x16xf32>,
        %swap3A_340 = vector.shape_cast %swap3A_339 : vector<1x16xf32> to vector<16xf32>
        %swap3A_341 = vector.shape_cast %add3A_335 : vector<16xf32> to vector<1x16xf32>
        tpu.vector_store %arg9[%swap3A_337, %swap3A_338], %swap3A_341 {strides = array<i32>} : memref<64x128xf32, #tpu.memory_space<vmem>>, vector<1x16xf32>,
        %swap3A_342 = arith.index_cast %scan3A_248 : i32 to index
        %swap3A_343 = arith.constant 80 : index
        %swap3A_344 = tpu.vector_load %arg9[%swap3A_342, %swap3A_343] {strides = array<i32>} : memref<64x128xf32, #tpu.memory_space<vmem>>, vector<1x16xf32>,
        %swap3A_345 = vector.shape_cast %swap3A_344 : vector<1x16xf32> to vector<16xf32>
        %swap3A_346 = vector.shape_cast %add3A_336 : vector<16xf32> to vector<1x16xf32>
        tpu.vector_store %arg9[%swap3A_342, %swap3A_343], %swap3A_346 {strides = array<i32>} : memref<64x128xf32, #tpu.memory_space<vmem>>, vector<1x16xf32>,
        %add3A_347 = arith.constant 0 : i32
        %add3A_348 = arith.addi %add3A_347, %scan3A_248 : i32
        %get3A_349 = arith.index_cast %add3A_348 : i32 to index
        %get3A_350 = arith.constant 32 : index
        %get3A_351 = tpu.vector_load %arg7[%get3A_349, %get3A_350] {strides = array<i32>} : memref<192x128xf32, #tpu.memory_space<vmem>>, vector<1x16xf32>,
        %get3A_352 = vector.shape_cast %get3A_351 : vector<1x16xf32> to vector<16xf32>
        %add3A_353 = arith.constant 0 : i32
        %add3A_354 = arith.addi %add3A_353, %scan3A_248 : i32
        %get3A_355 = arith.index_cast %add3A_354 : i32 to index
        %get3A_356 = arith.constant 96 : index
        %get3A_357 = tpu.vector_load %arg7[%get3A_355, %get3A_356] {strides = array<i32>} : memref<192x128xf32, #tpu.memory_space<vmem>>, vector<1x16xf32>,
        %get3A_358 = vector.shape_cast %get3A_357 : vector<1x16xf32> to vector<16xf32>
        %add3A_359 = arith.constant 64 : i32
        %add3A_360 = arith.addi %add3A_359, %scan3A_248 : i32
        %get3A_361 = arith.index_cast %add3A_360 : i32 to index
        %get3A_362 = arith.constant 32 : index
        %get3A_363 = tpu.vector_load %arg7[%get3A_361, %get3A_362] {strides = array<i32>} : memref<192x128xf32, #tpu.memory_space<vmem>>, vector<1x16xf32>,
        %get3A_364 = vector.shape_cast %get3A_363 : vector<1x16xf32> to vector<16xf32>
        %add3A_365 = arith.constant 64 : i32
        %add3A_366 = arith.addi %add3A_365, %scan3A_248 : i32
        %get3A_367 = arith.index_cast %add3A_366 : i32 to index
        %get3A_368 = arith.constant 96 : index
        %get3A_369 = tpu.vector_load %arg7[%get3A_367, %get3A_368] {strides = array<i32>} : memref<192x128xf32, #tpu.memory_space<vmem>>, vector<1x16xf32>,
        %get3A_370 = vector.shape_cast %get3A_369 : vector<1x16xf32> to vector<16xf32>
        %add3A_371 = arith.addf %get3A_352, %get3A_364 : vector<16xf32>
        %add3A_372 = arith.addf %get3A_358, %get3A_370 : vector<16xf32>
        %add3A_373 = arith.constant 128 : i32
        %add3A_374 = arith.addi %add3A_373, %scan3A_248 : i32
        %get3A_375 = arith.index_cast %add3A_374 : i32 to index
        %get3A_376 = arith.constant 96 : index
        %get3A_377 = tpu.vector_load %arg7[%get3A_375, %get3A_376] {strides = array<i32>} : memref<192x128xf32, #tpu.memory_space<vmem>>, vector<1x16xf32>,
        %get3A_378 = vector.shape_cast %get3A_377 : vector<1x16xf32> to vector<16xf32>
        %add3A_379 = arith.constant 128 : i32
        %add3A_380 = arith.addi %add3A_379, %scan3A_248 : i32
        %get3A_381 = arith.index_cast %add3A_380 : i32 to index
        %get3A_382 = arith.constant 32 : index
        %get3A_383 = tpu.vector_load %arg7[%get3A_381, %get3A_382] {strides = array<i32>} : memref<192x128xf32, #tpu.memory_space<vmem>>, vector<1x16xf32>,
        %get3A_384 = vector.shape_cast %get3A_383 : vector<1x16xf32> to vector<16xf32>
        %add3A_385 = arith.addf %add3A_371, %get3A_378 : vector<16xf32>
        %add3A_386 = arith.addf %add3A_372, %get3A_384 : vector<16xf32>
        %swap3A_387 = arith.index_cast %scan3A_248 : i32 to index
        %swap3A_388 = arith.constant 32 : index
        %swap3A_389 = tpu.vector_load %arg9[%swap3A_387, %swap3A_388] {strides = array<i32>} : memref<64x128xf32, #tpu.memory_space<vmem>>, vector<1x16xf32>,
        %swap3A_390 = vector.shape_cast %swap3A_389 : vector<1x16xf32> to vector<16xf32>
        %swap3A_391 = vector.shape_cast %add3A_385 : vector<16xf32> to vector<1x16xf32>
        tpu.vector_store %arg9[%swap3A_387, %swap3A_388], %swap3A_391 {strides = array<i32>} : memref<64x128xf32, #tpu.memory_space<vmem>>, vector<1x16xf32>,
        %swap3A_392 = arith.index_cast %scan3A_248 : i32 to index
        %swap3A_393 = arith.constant 96 : index
        %swap3A_394 = tpu.vector_load %arg9[%swap3A_392, %swap3A_393] {strides = array<i32>} : memref<64x128xf32, #tpu.memory_space<vmem>>, vector<1x16xf32>,
        %swap3A_395 = vector.shape_cast %swap3A_394 : vector<1x16xf32> to vector<16xf32>
        %swap3A_396 = vector.shape_cast %add3A_386 : vector<16xf32> to vector<1x16xf32>
        tpu.vector_store %arg9[%swap3A_392, %swap3A_393], %swap3A_396 {strides = array<i32>} : memref<64x128xf32, #tpu.memory_space<vmem>>, vector<1x16xf32>,
        %add3A_397 = arith.constant 0 : i32
        %add3A_398 = arith.addi %add3A_397, %scan3A_248 : i32
        %get3A_399 = arith.index_cast %add3A_398 : i32 to index
        %get3A_400 = arith.constant 48 : index
        %get3A_401 = tpu.vector_load %arg7[%get3A_399, %get3A_400] {strides = array<i32>} : memref<192x128xf32, #tpu.memory_space<vmem>>, vector<1x16xf32>,
        %get3A_402 = vector.shape_cast %get3A_401 : vector<1x16xf32> to vector<16xf32>
        %add3A_403 = arith.constant 0 : i32
        %add3A_404 = arith.addi %add3A_403, %scan3A_248 : i32
        %get3A_405 = arith.index_cast %add3A_404 : i32 to index
        %get3A_406 = arith.constant 112 : index
        %get3A_407 = tpu.vector_load %arg7[%get3A_405, %get3A_406] {strides = array<i32>} : memref<192x128xf32, #tpu.memory_space<vmem>>, vector<1x16xf32>,
        %get3A_408 = vector.shape_cast %get3A_407 : vector<1x16xf32> to vector<16xf32>
        %add3A_409 = arith.constant 64 : i32
        %add3A_410 = arith.addi %add3A_409, %scan3A_248 : i32
        %get3A_411 = arith.index_cast %add3A_410 : i32 to index
        %get3A_412 = arith.constant 48 : index
        %get3A_413 = tpu.vector_load %arg7[%get3A_411, %get3A_412] {strides = array<i32>} : memref<192x128xf32, #tpu.memory_space<vmem>>, vector<1x16xf32>,
        %get3A_414 = vector.shape_cast %get3A_413 : vector<1x16xf32> to vector<16xf32>
        %add3A_415 = arith.constant 64 : i32
        %add3A_416 = arith.addi %add3A_415, %scan3A_248 : i32
        %get3A_417 = arith.index_cast %add3A_416 : i32 to index
        %get3A_418 = arith.constant 112 : index
        %get3A_419 = tpu.vector_load %arg7[%get3A_417, %get3A_418] {strides = array<i32>} : memref<192x128xf32, #tpu.memory_space<vmem>>, vector<1x16xf32>,
        %get3A_420 = vector.shape_cast %get3A_419 : vector<1x16xf32> to vector<16xf32>
        %add3A_421 = arith.addf %get3A_402, %get3A_414 : vector<16xf32>
        %add3A_422 = arith.addf %get3A_408, %get3A_420 : vector<16xf32>
        %add3A_423 = arith.constant 128 : i32
        %add3A_424 = arith.addi %add3A_423, %scan3A_248 : i32
        %get3A_425 = arith.index_cast %add3A_424 : i32 to index
        %get3A_426 = arith.constant 112 : index
        %get3A_427 = tpu.vector_load %arg7[%get3A_425, %get3A_426] {strides = array<i32>} : memref<192x128xf32, #tpu.memory_space<vmem>>, vector<1x16xf32>,
        %get3A_428 = vector.shape_cast %get3A_427 : vector<1x16xf32> to vector<16xf32>
        %add3A_429 = arith.constant 128 : i32
        %add3A_430 = arith.addi %add3A_429, %scan3A_248 : i32
        %get3A_431 = arith.index_cast %add3A_430 : i32 to index
        %get3A_432 = arith.constant 48 : index
        %get3A_433 = tpu.vector_load %arg7[%get3A_431, %get3A_432] {strides = array<i32>} : memref<192x128xf32, #tpu.memory_space<vmem>>, vector<1x16xf32>,
        %get3A_434 = vector.shape_cast %get3A_433 : vector<1x16xf32> to vector<16xf32>
        %add3A_435 = arith.addf %add3A_421, %get3A_428 : vector<16xf32>
        %add3A_436 = arith.addf %add3A_422, %get3A_434 : vector<16xf32>
        %swap3A_437 = arith.index_cast %scan3A_248 : i32 to index
        %swap3A_438 = arith.constant 48 : index
        %swap3A_439 = tpu.vector_load %arg9[%swap3A_437, %swap3A_438] {strides = array<i32>} : memref<64x128xf32, #tpu.memory_space<vmem>>, vector<1x16xf32>,
        %swap3A_440 = vector.shape_cast %swap3A_439 : vector<1x16xf32> to vector<16xf32>
        %swap3A_441 = vector.shape_cast %add3A_435 : vector<16xf32> to vector<1x16xf32>
        tpu.vector_store %arg9[%swap3A_437, %swap3A_438], %swap3A_441 {strides = array<i32>} : memref<64x128xf32, #tpu.memory_space<vmem>>, vector<1x16xf32>,
        %swap3A_442 = arith.index_cast %scan3A_248 : i32 to index
        %swap3A_443 = arith.constant 112 : index
        %swap3A_444 = tpu.vector_load %arg9[%swap3A_442, %swap3A_443] {strides = array<i32>} : memref<64x128xf32, #tpu.memory_space<vmem>>, vector<1x16xf32>,
        %swap3A_445 = vector.shape_cast %swap3A_444 : vector<1x16xf32> to vector<16xf32>
        %swap3A_446 = vector.shape_cast %add3A_436 : vector<16xf32> to vector<1x16xf32>
        tpu.vector_store %arg9[%swap3A_442, %swap3A_443], %swap3A_446 {strides = array<i32>} : memref<64x128xf32, #tpu.memory_space<vmem>>, vector<1x16xf32>,
      }
      %scan3A_232 = arith.constant 64 : i32
      %add3A_233 = arith.addi %select_n3A, %add3A_164 : i32
      %dma_start3A_234 = arith.constant 0 : i32
      %dma_start3A_235 = arith.constant 0 : i32
      %dma_start3A_236 = tpu.memref_slice %arg4[%add3A_233, %dma_start3A_234, %dma_start3A_235] : memref<1920x64x128xf32, #tpu.memory_space<hbm>> -> memref<1x64x128xf32, #tpu.memory_space<hbm>>
      %dma_start3A_237 = tpu.memref_squeeze %dma_start3A_236 : memref<1x64x128xf32, #tpu.memory_space<hbm>> -> memref<64x128xf32, #tpu.memory_space<hbm>>
      %dma_start3A_238 = arith.constant 0 : i32
      %dma_start3A_239 = arith.constant 0 : i32
      %dma_start3A_240 = tpu.memref_slice %arg4[%add3A_233, %dma_start3A_238, %dma_start3A_239] : memref<1920x64x128xf32, #tpu.memory_space<hbm>> -> memref<1x64x128xf32, #tpu.memory_space<hbm>>
      %dma_start3A_241 = tpu.memref_squeeze %dma_start3A_240 : memref<1x64x128xf32, #tpu.memory_space<hbm>> -> memref<64x128xf32, #tpu.memory_space<hbm>>
      tpu.enqueue_dma source(%arg9 : memref<64x128xf32, #tpu.memory_space<vmem>>) target(%dma_start3A_241 : memref<64x128xf32, #tpu.memory_space<hbm>>) target_semaphore(%arg13 : memref<!tpu.dma_semaphore, #tpu.memory_space<semaphore_mem>>)
      %add3A_242 = arith.constant 1 : i32
      %add3A_243 = arith.addi %while3A_160, %add3A_242 : i32
      %lt3A_244 = arith.cmpi slt, %add3A_243, %select_n3A_80 : i32
      %convert_element_type3A_245 = arith.extui %lt3A_244 : i1 to i32
      %cond3A_246 = arith.constant 0 : i32
      %cond3A_247 = arith.cmpi ne, %convert_element_type3A_245, %cond3A_246 : i32
      scf.if %cond3A_247 {
        %add3A_248 = arith.constant 2 : i32
        %add3A_249 = arith.addi %add3A_164, %add3A_248 : i32
        %mul3A_250 = arith.constant 64 : i32
        %mul3A_251 = arith.muli %add3A_249, %mul3A_250 : i32
        %add3A_252 = arith.constant 0 : i32
        %add3A_253 = arith.addi %add3A_252, %mul3A_251 : i32
        %dma_start3A_254 = arith.constant 0 : i32
        %dma_start3A_255 = arith.constant 0 : i32
        %dma_start3A_256 = tpu.memref_slice %arg7[%dma_start3A_254, %dma_start3A_255] : memref<192x128xf32, #tpu.memory_space<vmem>> -> memref<64x128xf32, #tpu.memory_space<vmem>>
        %dma_start3A_257 = tpu.memref_slice %arg5[%add3A_253] : memref<11520xi32, #tpu.memory_space<vmem>> -> memref<64xi32, #tpu.memory_space<vmem>>
        %dma_start3A_258 = arith.constant 0 : i32
        %dma_start3A_259 = arith.constant 0 : i32
        %dma_start3A_260 = tpu.memref_slice %arg2[%dma_start3A_258, %dma_start3A_259] : memref<250000x128xf32, #tpu.memory_space<hbm>> -> memref<250000x128xf32, #tpu.memory_space<hbm>>
        tpu.enqueue_indirect_dma source(%dma_start3A_260 : memref<250000x128xf32, #tpu.memory_space<hbm>>) target(%dma_start3A_256 : memref<64x128xf32, #tpu.memory_space<vmem>>) offsets(%dma_start3A_257 : memref<64xi32, #tpu.memory_space<vmem>>) semaphore(%arg11 : memref<!tpu.dma_semaphore, #tpu.memory_space<semaphore_mem>>)
        %mul3A_261 = arith.constant 64 : i32
        %mul3A_262 = arith.muli %add3A_249, %mul3A_261 : i32
        %add3A_263 = arith.constant 3840 : i32
        %add3A_264 = arith.addi %add3A_263, %mul3A_262 : i32
        %dma_start3A_265 = arith.constant 64 : i32
        %dma_start3A_266 = arith.constant 0 : i32
        %dma_start3A_267 = tpu.memref_slice %arg7[%dma_start3A_265, %dma_start3A_266] : memref<192x128xf32, #tpu.memory_space<vmem>> -> memref<64x128xf32, #tpu.memory_space<vmem>>
        %dma_start3A_268 = tpu.memref_slice %arg5[%add3A_264] : memref<11520xi32, #tpu.memory_space<vmem>> -> memref<64xi32, #tpu.memory_space<vmem>>
        %dma_start3A_269 = arith.constant 0 : i32
        %dma_start3A_270 = arith.constant 0 : i32
        %dma_start3A_271 = tpu.memref_slice %arg2[%dma_start3A_269, %dma_start3A_270] : memref<250000x128xf32, #tpu.memory_space<hbm>> -> memref<250000x128xf32, #tpu.memory_space<hbm>>
        tpu.enqueue_indirect_dma source(%dma_start3A_271 : memref<250000x128xf32, #tpu.memory_space<hbm>>) target(%dma_start3A_267 : memref<64x128xf32, #tpu.memory_space<vmem>>) offsets(%dma_start3A_268 : memref<64xi32, #tpu.memory_space<vmem>>) semaphore(%arg11 : memref<!tpu.dma_semaphore, #tpu.memory_space<semaphore_mem>>)
        %mul3A_272 = arith.constant 64 : i32
        %mul3A_273 = arith.muli %add3A_249, %mul3A_272 : i32
        %add3A_274 = arith.constant 7680 : i32
        %add3A_275 = arith.addi %add3A_274, %mul3A_273 : i32
        %dma_start3A_276 = arith.constant 128 : i32
        %dma_start3A_277 = arith.constant 0 : i32
        %dma_start3A_278 = tpu.memref_slice %arg7[%dma_start3A_276, %dma_start3A_277] : memref<192x128xf32, #tpu.memory_space<vmem>> -> memref<64x128xf32, #tpu.memory_space<vmem>>
        %dma_start3A_279 = tpu.memref_slice %arg5[%add3A_275] : memref<11520xi32, #tpu.memory_space<vmem>> -> memref<64xi32, #tpu.memory_space<vmem>>
        %dma_start3A_280 = arith.constant 0 : i32
        %dma_start3A_281 = arith.constant 0 : i32
        %dma_start3A_282 = tpu.memref_slice %arg2[%dma_start3A_280, %dma_start3A_281] : memref<250000x128xf32, #tpu.memory_space<hbm>> -> memref<250000x128xf32, #tpu.memory_space<hbm>>
        tpu.enqueue_indirect_dma source(%dma_start3A_282 : memref<250000x128xf32, #tpu.memory_space<hbm>>) target(%dma_start3A_278 : memref<64x128xf32, #tpu.memory_space<vmem>>) offsets(%dma_start3A_279 : memref<64xi32, #tpu.memory_space<vmem>>) semaphore(%arg11 : memref<!tpu.dma_semaphore, #tpu.memory_space<semaphore_mem>>)
      } else {
      }
    }
    %dma_wait3A = arith.constant 0 : i32
    %dma_wait3A_149 = arith.constant 0 : i32
    %dma_wait3A_150 = tpu.memref_slice %arg2[%dma_wait3A, %dma_wait3A_149] : memref<250000x128xf32, #tpu.memory_space<hbm>> -> memref<64x128xf32, #tpu.memory_space<hbm>>
    %dma_wait3A_151 = arith.constant 0 : i32
    %dma_wait3A_152 = arith.constant 0 : i32
    %dma_wait3A_153 = tpu.memref_slice %arg2[%dma_wait3A_151, %dma_wait3A_152] : memref<250000x128xf32, #tpu.memory_space<hbm>> -> memref<64x128xf32, #tpu.memory_space<hbm>>
    tpu.wait_dma2 semaphore(%arg12 : memref<!tpu.dma_semaphore, #tpu.memory_space<semaphore_mem>>) src(%dma_wait3A_153 : memref<64x128xf32, #tpu.memory_space<hbm>>) dst(%arg8 : memref<64x128xf32, #tpu.memory_space<vmem>>)
    %dma_wait3A_154 = arith.constant 0 : i32
    %dma_wait3A_155 = arith.constant 0 : i32
    %dma_wait3A_156 = tpu.memref_slice %arg2[%dma_wait3A_154, %dma_wait3A_155] : memref<250000x128xf32, #tpu.memory_space<hbm>> -> memref<64x128xf32, #tpu.memory_space<hbm>>
    %dma_wait3A_157 = arith.constant 0 : i32
    %dma_wait3A_158 = arith.constant 0 : i32
    %dma_wait3A_159 = tpu.memref_slice %arg2[%dma_wait3A_157, %dma_wait3A_158] : memref<250000x128xf32, #tpu.memory_space<hbm>> -> memref<64x128xf32, #tpu.memory_space<hbm>>
    tpu.wait_dma2 semaphore(%arg13 : memref<!tpu.dma_semaphore, #tpu.memory_space<semaphore_mem>>) src(%dma_wait3A_159 : memref<64x128xf32, #tpu.memory_space<hbm>>) dst(%arg8 : memref<64x128xf32, #tpu.memory_space<vmem>>)
    return
  }
}

module attributes {stable_mosaic.version = 14 : i64} {
  func.func @_proj_body(%arg0: i32, %arg1: i32, %arg2: memref<5000x128xf32, #tpu.memory_space<vmem>>, %arg3: memref<1x128x128xf32, #tpu.memory_space<vmem>>, %arg4: memref<5000x128xf32, #tpu.memory_space<vmem>>) attributes {dimension_semantics = [#tpu.dimension_semantics<arbitrary>, #tpu.dimension_semantics<arbitrary>], iteration_bounds = array<i64: 10, 5>, scalar_prefetch = 0 : i64, scratch_operands = 0 : i64, tpu.core_type = #tpu.core_type<tc>, window_params = [{transform_indices = @transform_0, window_bounds = array<i64: 5000, 128>}, {transform_indices = @transform_1, window_bounds = array<i64: 1, 128, 128>}, {transform_indices = @transform_2, window_bounds = array<i64: 5000, 128>}]} {
    %get3A = arith.constant 0 : index
    %get3A_0 = arith.constant 0 : index
    %get3A_1 = vector.load %arg2[%get3A, %get3A_0] : memref<5000x128xf32, #tpu.memory_space<vmem>>, vector<5000x128xf32>
    %get3A_2 = arith.constant 0 : index
    %get3A_3 = arith.constant 0 : index
    %get3A_4 = arith.constant 0 : index
    %get3A_5 = vector.load %arg3[%get3A_2, %get3A_3, %get3A_4] : memref<1x128x128xf32, #tpu.memory_space<vmem>>, vector<1x128x128xf32>
    %get3A_6 = vector.shape_cast %get3A_5 : vector<1x128x128xf32> to vector<128x128xf32>
    %dot_general3A = arith.constant dense<0.000000e+00> : vector<5000x128xf32>
    %dot_general3A_7 = tpu.matmul %get3A_1, %get3A_6, %dot_general3A {dimension_numbers = #tpu.dot_dimension_numbers<[1], [0], [0], [1], [0, 0, 1, 1], [], []>, transpose_lhs_hint = false} : vector<5000x128xf32>, vector<128x128xf32>, vector<5000x128xf32> -> vector<5000x128xf32>
    %swap3A = arith.constant 0 : index
    %swap3A_8 = arith.constant 0 : index
    %swap3A_9 = vector.load %arg4[%swap3A, %swap3A_8] : memref<5000x128xf32, #tpu.memory_space<vmem>>, vector<5000x128xf32>
    tpu.vector_store %arg4[%swap3A, %swap3A_8], %dot_general3A_7 {strides = array<i32>} : memref<5000x128xf32, #tpu.memory_space<vmem>>, vector<5000x128xf32>,
    return
  }
  func.func @transform_0(%arg0: i32, %arg1: i32) -> (i32, i32) {
    %c0_i32 = arith.constant 0 : i32
    %c0_i32_0 = arith.constant 0 : i32
    return %arg0, %c0_i32 : i32, i32
  }
  func.func @transform_1(%arg0: i32, %arg1: i32) -> (i32, i32, i32) {
    %c0_i32 = arith.constant 0 : i32
    %c0_i32_0 = arith.constant 0 : i32
    %c0_i32_1 = arith.constant 0 : i32
    return %arg1, %c0_i32, %c0_i32_0 : i32, i32, i32
  }
  func.func @transform_2(%arg0: i32, %arg1: i32) -> (i32, i32) {
    %mul3A = arith.constant 10 : i32
    %mul3A_0 = arith.muli %arg1, %mul3A : i32
    %add3A = arith.addi %mul3A_0, %arg0 : i32
    %c0_i32 = arith.constant 0 : i32
    %c0_i32_1 = arith.constant 0 : i32
    return %add3A, %c0_i32 : i32, i32
  }
}

module attributes {stable_mosaic.version = 14 : i64} {
  func.func @_tail_body(%arg0: i32, %arg1: memref<32x64x128xf32, #tpu.memory_space<vmem>>, %arg2: memref<2048x1xf32, #tpu.memory_space<vmem>>, %arg3: memref<1x64xf32, #tpu.memory_space<vmem>>, %arg4: memref<1x64xf32, #tpu.memory_space<vmem>>, %arg5: memref<64x64xf32, #tpu.memory_space<vmem>>, %arg6: memref<1x64xf32, #tpu.memory_space<vmem>>, %arg7: memref<64x10xf32, #tpu.memory_space<vmem>>, %arg8: memref<1x10xf32, #tpu.memory_space<vmem>>, %arg9: memref<2048x10xf32, #tpu.memory_space<vmem>>) attributes {dimension_semantics = [#tpu.dimension_semantics<arbitrary>], iteration_bounds = array<i64: 49>, scalar_prefetch = 0 : i64, scratch_operands = 0 : i64, tpu.core_type = #tpu.core_type<tc>, window_params = [{transform_indices = @transform_0, window_bounds = array<i64: 32, 64, 128>}, {transform_indices = @transform_1, window_bounds = array<i64: 2048, 1>}, {pipeline_mode = #tpu.pipeline_mode<synchronous>, transform_indices = @transform_2, window_bounds = array<i64: 1, 64>}, {pipeline_mode = #tpu.pipeline_mode<synchronous>, transform_indices = @transform_3, window_bounds = array<i64: 1, 64>}, {pipeline_mode = #tpu.pipeline_mode<synchronous>, transform_indices = @transform_4, window_bounds = array<i64: 64, 64>}, {pipeline_mode = #tpu.pipeline_mode<synchronous>, transform_indices = @transform_5, window_bounds = array<i64: 1, 64>}, {pipeline_mode = #tpu.pipeline_mode<synchronous>, transform_indices = @transform_6, window_bounds = array<i64: 64, 10>}, {pipeline_mode = #tpu.pipeline_mode<synchronous>, transform_indices = @transform_7, window_bounds = array<i64: 1, 10>}, {transform_indices = @transform_8, window_bounds = array<i64: 2048, 10>}]} {
    %get3A = arith.constant 0 : index
    %get3A_0 = arith.constant 0 : index
    %get3A_1 = arith.constant 0 : index
    %get3A_2 = vector.load %arg1[%get3A, %get3A_0, %get3A_1] : memref<32x64x128xf32, #tpu.memory_space<vmem>>, vector<32x64x128xf32>
    %reshape3A = vector.shape_cast %get3A_2 : vector<32x64x128xf32> to vector<2048x128xf32>
    %slice3A = vector.extract_strided_slice %reshape3A {offsets = [0, 0], sizes = [2048, 64], strides = [1, 1]} : vector<2048x128xf32> to vector<2048x64xf32>
    %slice3A_3 = vector.extract_strided_slice %reshape3A {offsets = [0, 64], sizes = [2048, 64], strides = [1, 1]} : vector<2048x128xf32> to vector<2048x64xf32>
    %get3A_4 = arith.constant 0 : index
    %get3A_5 = arith.constant 0 : index
    %get3A_6 = vector.load %arg2[%get3A_4, %get3A_5] : memref<2048x1xf32, #tpu.memory_space<vmem>>, vector<2048x1xf32>
    %get3A_7 = arith.constant 0 : index
    %get3A_8 = arith.constant 0 : index
    %get3A_9 = vector.load %arg3[%get3A_7, %get3A_8] : memref<1x64xf32, #tpu.memory_space<vmem>>, vector<1x64xf32>
    %mul3A = vector.broadcast %get3A_6 : vector<2048x1xf32> to vector<2048x64xf32>
    %mul3A_10 = vector.broadcast %get3A_9 : vector<1x64xf32> to vector<2048x64xf32>
    %mul3A_11 = arith.mulf %mul3A, %mul3A_10 : vector<2048x64xf32>
    %get3A_12 = arith.constant 0 : index
    %get3A_13 = arith.constant 0 : index
    %get3A_14 = vector.load %arg4[%get3A_12, %get3A_13] : memref<1x64xf32, #tpu.memory_space<vmem>>, vector<1x64xf32>
    %add3A = vector.broadcast %get3A_14 : vector<1x64xf32> to vector<2048x64xf32>
    %add3A_15 = arith.addf %mul3A_11, %add3A : vector<2048x64xf32>
    %add3A_16 = arith.addf %slice3A, %add3A_15 : vector<2048x64xf32>
    %max3A = arith.constant 0.000000e+00 : f32
    %max3A_17 = vector.broadcast %max3A : f32 to vector<2048x64xf32>
    %max3A_18 = arith.maximumf %add3A_16, %max3A_17 : vector<2048x64xf32>
    %add3A_19 = arith.addf %slice3A_3, %add3A_15 : vector<2048x64xf32>
    %max3A_20 = arith.constant 0.000000e+00 : f32
    %max3A_21 = vector.broadcast %max3A_20 : f32 to vector<2048x64xf32>
    %max3A_22 = arith.maximumf %add3A_19, %max3A_21 : vector<2048x64xf32>
    %get3A_23 = arith.constant 0 : index
    %get3A_24 = arith.constant 0 : index
    %get3A_25 = vector.load %arg5[%get3A_23, %get3A_24] : memref<64x64xf32, #tpu.memory_space<vmem>>, vector<64x64xf32>
    %dot_general3A = arith.constant dense<0.000000e+00> : vector<2048x64xf32>
    %dot_general3A_26 = tpu.matmul %max3A_18, %get3A_25, %dot_general3A {dimension_numbers = #tpu.dot_dimension_numbers<[1], [0], [0], [1], [0, 0, 1, 1], [], []>, transpose_lhs_hint = false} : vector<2048x64xf32>, vector<64x64xf32>, vector<2048x64xf32> -> vector<2048x64xf32>
    %get3A_27 = arith.constant 0 : index
    %get3A_28 = arith.constant 0 : index
    %get3A_29 = vector.load %arg6[%get3A_27, %get3A_28] : memref<1x64xf32, #tpu.memory_space<vmem>>, vector<1x64xf32>
    %add3A_30 = vector.broadcast %get3A_29 : vector<1x64xf32> to vector<2048x64xf32>
    %add3A_31 = arith.addf %dot_general3A_26, %add3A_30 : vector<2048x64xf32>
    %max3A_32 = arith.constant 0.000000e+00 : f32
    %max3A_33 = vector.broadcast %max3A_32 : f32 to vector<2048x64xf32>
    %max3A_34 = arith.maximumf %add3A_31, %max3A_33 : vector<2048x64xf32>
    %dot_general3A_35 = arith.constant dense<0.000000e+00> : vector<2048x64xf32>
    %dot_general3A_36 = tpu.matmul %max3A_22, %get3A_25, %dot_general3A_35 {dimension_numbers = #tpu.dot_dimension_numbers<[1], [0], [0], [1], [0, 0, 1, 1], [], []>, transpose_lhs_hint = false} : vector<2048x64xf32>, vector<64x64xf32>, vector<2048x64xf32> -> vector<2048x64xf32>
    %get3A_37 = arith.constant 0 : index
    %get3A_38 = arith.constant 0 : index
    %get3A_39 = vector.load %arg6[%get3A_37, %get3A_38] : memref<1x64xf32, #tpu.memory_space<vmem>>, vector<1x64xf32>
    %add3A_40 = vector.broadcast %get3A_39 : vector<1x64xf32> to vector<2048x64xf32>
    %add3A_41 = arith.addf %dot_general3A_36, %add3A_40 : vector<2048x64xf32>
    %max3A_42 = arith.constant 0.000000e+00 : f32
    %max3A_43 = vector.broadcast %max3A_42 : f32 to vector<2048x64xf32>
    %max3A_44 = arith.maximumf %add3A_41, %max3A_43 : vector<2048x64xf32>
    %add3A_45 = arith.addf %max3A_34, %max3A_44 : vector<2048x64xf32>
    %get3A_46 = arith.constant 0 : index
    %get3A_47 = arith.constant 0 : index
    %get3A_48 = vector.load %arg7[%get3A_46, %get3A_47] : memref<64x10xf32, #tpu.memory_space<vmem>>, vector<64x10xf32>
    %dot_general3A_49 = arith.constant dense<0.000000e+00> : vector<2048x10xf32>
    %dot_general3A_50 = tpu.matmul %add3A_45, %get3A_48, %dot_general3A_49 {dimension_numbers = #tpu.dot_dimension_numbers<[1], [0], [0], [1], [0, 0, 1, 1], [], []>, transpose_lhs_hint = false} : vector<2048x64xf32>, vector<64x10xf32>, vector<2048x10xf32> -> vector<2048x10xf32>
    %get3A_51 = arith.constant 0 : index
    %get3A_52 = arith.constant 0 : index
    %get3A_53 = vector.load %arg8[%get3A_51, %get3A_52] : memref<1x10xf32, #tpu.memory_space<vmem>>, vector<1x10xf32>
    %add3A_54 = vector.broadcast %get3A_53 : vector<1x10xf32> to vector<2048x10xf32>
    %add3A_55 = arith.addf %dot_general3A_50, %add3A_54 : vector<2048x10xf32>
    %swap3A = arith.constant 0 : index
    %swap3A_56 = arith.constant 0 : index
    %swap3A_57 = vector.load %arg9[%swap3A, %swap3A_56] : memref<2048x10xf32, #tpu.memory_space<vmem>>, vector<2048x10xf32>
    tpu.vector_store %arg9[%swap3A, %swap3A_56], %add3A_55 {strides = array<i32>} : memref<2048x10xf32, #tpu.memory_space<vmem>>, vector<2048x10xf32>,
    return
  }
  func.func @transform_0(%arg0: i32) -> (i32, i32, i32) {
    %c0_i32 = arith.constant 0 : i32
    %c0_i32_0 = arith.constant 0 : i32
    %c0_i32_1 = arith.constant 0 : i32
    return %arg0, %c0_i32, %c0_i32_0 : i32, i32, i32
  }
  func.func @transform_1(%arg0: i32) -> (i32, i32) {
    %c0_i32 = arith.constant 0 : i32
    %c0_i32_0 = arith.constant 0 : i32
    return %arg0, %c0_i32 : i32, i32
  }
  func.func @transform_2(%arg0: i32) -> (i32, i32) {
    %c0_i32 = arith.constant 0 : i32
    %c0_i32_0 = arith.constant 0 : i32
    %c0_i32_1 = arith.constant 0 : i32
    return %c0_i32, %c0_i32_0 : i32, i32
  }
  func.func @transform_3(%arg0: i32) -> (i32, i32) {
    %c0_i32 = arith.constant 0 : i32
    %c0_i32_0 = arith.constant 0 : i32
    %c0_i32_1 = arith.constant 0 : i32
    return %c0_i32, %c0_i32_0 : i32, i32
  }
  func.func @transform_4(%arg0: i32) -> (i32, i32) {
    %c0_i32 = arith.constant 0 : i32
    %c0_i32_0 = arith.constant 0 : i32
    %c0_i32_1 = arith.constant 0 : i32
    return %c0_i32, %c0_i32_0 : i32, i32
  }
  func.func @transform_5(%arg0: i32) -> (i32, i32) {
    %c0_i32 = arith.constant 0 : i32
    %c0_i32_0 = arith.constant 0 : i32
    %c0_i32_1 = arith.constant 0 : i32
    return %c0_i32, %c0_i32_0 : i32, i32
  }
  func.func @transform_6(%arg0: i32) -> (i32, i32) {
    %c0_i32 = arith.constant 0 : i32
    %c0_i32_0 = arith.constant 0 : i32
    %c0_i32_1 = arith.constant 0 : i32
    return %c0_i32, %c0_i32_0 : i32, i32
  }
  func.func @transform_7(%arg0: i32) -> (i32, i32) {
    %c0_i32 = arith.constant 0 : i32
    %c0_i32_0 = arith.constant 0 : i32
    %c0_i32_1 = arith.constant 0 : i32
    return %c0_i32, %c0_i32_0 : i32, i32
  }
  func.func @transform_8(%arg0: i32) -> (i32, i32) {
    %c0_i32 = arith.constant 0 : i32
    %c0_i32_0 = arith.constant 0 : i32
    return %arg0, %c0_i32 : i32, i32
  }
}

module attributes {stable_mosaic.version = 14 : i64} {
  func.func @_tail_body(%arg0: i32, %arg1: memref<32x64x128xf32, #tpu.memory_space<vmem>>, %arg2: memref<2048x1xf32, #tpu.memory_space<vmem>>, %arg3: memref<1x64xf32, #tpu.memory_space<vmem>>, %arg4: memref<1x64xf32, #tpu.memory_space<vmem>>, %arg5: memref<64x64xf32, #tpu.memory_space<vmem>>, %arg6: memref<1x64xf32, #tpu.memory_space<vmem>>, %arg7: memref<64x10xf32, #tpu.memory_space<vmem>>, %arg8: memref<1x10xf32, #tpu.memory_space<vmem>>, %arg9: memref<2048x10xf32, #tpu.memory_space<vmem>>) attributes {dimension_semantics = [#tpu.dimension_semantics<arbitrary>], iteration_bounds = array<i64: 59>, scalar_prefetch = 0 : i64, scratch_operands = 0 : i64, tpu.core_type = #tpu.core_type<tc>, window_params = [{transform_indices = @transform_0, window_bounds = array<i64: 32, 64, 128>}, {transform_indices = @transform_1, window_bounds = array<i64: 2048, 1>}, {pipeline_mode = #tpu.pipeline_mode<synchronous>, transform_indices = @transform_2, window_bounds = array<i64: 1, 64>}, {pipeline_mode = #tpu.pipeline_mode<synchronous>, transform_indices = @transform_3, window_bounds = array<i64: 1, 64>}, {pipeline_mode = #tpu.pipeline_mode<synchronous>, transform_indices = @transform_4, window_bounds = array<i64: 64, 64>}, {pipeline_mode = #tpu.pipeline_mode<synchronous>, transform_indices = @transform_5, window_bounds = array<i64: 1, 64>}, {pipeline_mode = #tpu.pipeline_mode<synchronous>, transform_indices = @transform_6, window_bounds = array<i64: 64, 10>}, {pipeline_mode = #tpu.pipeline_mode<synchronous>, transform_indices = @transform_7, window_bounds = array<i64: 1, 10>}, {transform_indices = @transform_8, window_bounds = array<i64: 2048, 10>}]} {
    %get3A = arith.constant 0 : index
    %get3A_0 = arith.constant 0 : index
    %get3A_1 = arith.constant 0 : index
    %get3A_2 = vector.load %arg1[%get3A, %get3A_0, %get3A_1] : memref<32x64x128xf32, #tpu.memory_space<vmem>>, vector<32x64x128xf32>
    %reshape3A = vector.shape_cast %get3A_2 : vector<32x64x128xf32> to vector<2048x128xf32>
    %slice3A = vector.extract_strided_slice %reshape3A {offsets = [0, 0], sizes = [2048, 64], strides = [1, 1]} : vector<2048x128xf32> to vector<2048x64xf32>
    %slice3A_3 = vector.extract_strided_slice %reshape3A {offsets = [0, 64], sizes = [2048, 64], strides = [1, 1]} : vector<2048x128xf32> to vector<2048x64xf32>
    %get3A_4 = arith.constant 0 : index
    %get3A_5 = arith.constant 0 : index
    %get3A_6 = vector.load %arg2[%get3A_4, %get3A_5] : memref<2048x1xf32, #tpu.memory_space<vmem>>, vector<2048x1xf32>
    %get3A_7 = arith.constant 0 : index
    %get3A_8 = arith.constant 0 : index
    %get3A_9 = vector.load %arg3[%get3A_7, %get3A_8] : memref<1x64xf32, #tpu.memory_space<vmem>>, vector<1x64xf32>
    %mul3A = vector.broadcast %get3A_6 : vector<2048x1xf32> to vector<2048x64xf32>
    %mul3A_10 = vector.broadcast %get3A_9 : vector<1x64xf32> to vector<2048x64xf32>
    %mul3A_11 = arith.mulf %mul3A, %mul3A_10 : vector<2048x64xf32>
    %get3A_12 = arith.constant 0 : index
    %get3A_13 = arith.constant 0 : index
    %get3A_14 = vector.load %arg4[%get3A_12, %get3A_13] : memref<1x64xf32, #tpu.memory_space<vmem>>, vector<1x64xf32>
    %add3A = vector.broadcast %get3A_14 : vector<1x64xf32> to vector<2048x64xf32>
    %add3A_15 = arith.addf %mul3A_11, %add3A : vector<2048x64xf32>
    %add3A_16 = arith.addf %slice3A, %add3A_15 : vector<2048x64xf32>
    %max3A = arith.constant 0.000000e+00 : f32
    %max3A_17 = vector.broadcast %max3A : f32 to vector<2048x64xf32>
    %max3A_18 = arith.maximumf %add3A_16, %max3A_17 : vector<2048x64xf32>
    %add3A_19 = arith.addf %slice3A_3, %add3A_15 : vector<2048x64xf32>
    %max3A_20 = arith.constant 0.000000e+00 : f32
    %max3A_21 = vector.broadcast %max3A_20 : f32 to vector<2048x64xf32>
    %max3A_22 = arith.maximumf %add3A_19, %max3A_21 : vector<2048x64xf32>
    %get3A_23 = arith.constant 0 : index
    %get3A_24 = arith.constant 0 : index
    %get3A_25 = vector.load %arg5[%get3A_23, %get3A_24] : memref<64x64xf32, #tpu.memory_space<vmem>>, vector<64x64xf32>
    %dot_general3A = arith.constant dense<0.000000e+00> : vector<2048x64xf32>
    %dot_general3A_26 = tpu.matmul %max3A_18, %get3A_25, %dot_general3A {dimension_numbers = #tpu.dot_dimension_numbers<[1], [0], [0], [1], [0, 0, 1, 1], [], []>, transpose_lhs_hint = false} : vector<2048x64xf32>, vector<64x64xf32>, vector<2048x64xf32> -> vector<2048x64xf32>
    %get3A_27 = arith.constant 0 : index
    %get3A_28 = arith.constant 0 : index
    %get3A_29 = vector.load %arg6[%get3A_27, %get3A_28] : memref<1x64xf32, #tpu.memory_space<vmem>>, vector<1x64xf32>
    %add3A_30 = vector.broadcast %get3A_29 : vector<1x64xf32> to vector<2048x64xf32>
    %add3A_31 = arith.addf %dot_general3A_26, %add3A_30 : vector<2048x64xf32>
    %max3A_32 = arith.constant 0.000000e+00 : f32
    %max3A_33 = vector.broadcast %max3A_32 : f32 to vector<2048x64xf32>
    %max3A_34 = arith.maximumf %add3A_31, %max3A_33 : vector<2048x64xf32>
    %dot_general3A_35 = arith.constant dense<0.000000e+00> : vector<2048x64xf32>
    %dot_general3A_36 = tpu.matmul %max3A_22, %get3A_25, %dot_general3A_35 {dimension_numbers = #tpu.dot_dimension_numbers<[1], [0], [0], [1], [0, 0, 1, 1], [], []>, transpose_lhs_hint = false} : vector<2048x64xf32>, vector<64x64xf32>, vector<2048x64xf32> -> vector<2048x64xf32>
    %get3A_37 = arith.constant 0 : index
    %get3A_38 = arith.constant 0 : index
    %get3A_39 = vector.load %arg6[%get3A_37, %get3A_38] : memref<1x64xf32, #tpu.memory_space<vmem>>, vector<1x64xf32>
    %add3A_40 = vector.broadcast %get3A_39 : vector<1x64xf32> to vector<2048x64xf32>
    %add3A_41 = arith.addf %dot_general3A_36, %add3A_40 : vector<2048x64xf32>
    %max3A_42 = arith.constant 0.000000e+00 : f32
    %max3A_43 = vector.broadcast %max3A_42 : f32 to vector<2048x64xf32>
    %max3A_44 = arith.maximumf %add3A_41, %max3A_43 : vector<2048x64xf32>
    %add3A_45 = arith.addf %max3A_34, %max3A_44 : vector<2048x64xf32>
    %get3A_46 = arith.constant 0 : index
    %get3A_47 = arith.constant 0 : index
    %get3A_48 = vector.load %arg7[%get3A_46, %get3A_47] : memref<64x10xf32, #tpu.memory_space<vmem>>, vector<64x10xf32>
    %dot_general3A_49 = arith.constant dense<0.000000e+00> : vector<2048x10xf32>
    %dot_general3A_50 = tpu.matmul %add3A_45, %get3A_48, %dot_general3A_49 {dimension_numbers = #tpu.dot_dimension_numbers<[1], [0], [0], [1], [0, 0, 1, 1], [], []>, transpose_lhs_hint = false} : vector<2048x64xf32>, vector<64x10xf32>, vector<2048x10xf32> -> vector<2048x10xf32>
    %get3A_51 = arith.constant 0 : index
    %get3A_52 = arith.constant 0 : index
    %get3A_53 = vector.load %arg8[%get3A_51, %get3A_52] : memref<1x10xf32, #tpu.memory_space<vmem>>, vector<1x10xf32>
    %add3A_54 = vector.broadcast %get3A_53 : vector<1x10xf32> to vector<2048x10xf32>
    %add3A_55 = arith.addf %dot_general3A_50, %add3A_54 : vector<2048x10xf32>
    %swap3A = arith.constant 0 : index
    %swap3A_56 = arith.constant 0 : index
    %swap3A_57 = vector.load %arg9[%swap3A, %swap3A_56] : memref<2048x10xf32, #tpu.memory_space<vmem>>, vector<2048x10xf32>
    tpu.vector_store %arg9[%swap3A, %swap3A_56], %add3A_55 {strides = array<i32>} : memref<2048x10xf32, #tpu.memory_space<vmem>>, vector<2048x10xf32>,
    return
  }
  func.func @transform_0(%arg0: i32) -> (i32, i32, i32) {
    %c0_i32 = arith.constant 0 : i32
    %c0_i32_0 = arith.constant 0 : i32
    %c0_i32_1 = arith.constant 0 : i32
    return %arg0, %c0_i32, %c0_i32_0 : i32, i32, i32
  }
  func.func @transform_1(%arg0: i32) -> (i32, i32) {
    %c0_i32 = arith.constant 0 : i32
    %c0_i32_0 = arith.constant 0 : i32
    return %arg0, %c0_i32 : i32, i32
  }
  func.func @transform_2(%arg0: i32) -> (i32, i32) {
    %c0_i32 = arith.constant 0 : i32
    %c0_i32_0 = arith.constant 0 : i32
    %c0_i32_1 = arith.constant 0 : i32
    return %c0_i32, %c0_i32_0 : i32, i32
  }
  func.func @transform_3(%arg0: i32) -> (i32, i32) {
    %c0_i32 = arith.constant 0 : i32
    %c0_i32_0 = arith.constant 0 : i32
    %c0_i32_1 = arith.constant 0 : i32
    return %c0_i32, %c0_i32_0 : i32, i32
  }
  func.func @transform_4(%arg0: i32) -> (i32, i32) {
    %c0_i32 = arith.constant 0 : i32
    %c0_i32_0 = arith.constant 0 : i32
    %c0_i32_1 = arith.constant 0 : i32
    return %c0_i32, %c0_i32_0 : i32, i32
  }
  func.func @transform_5(%arg0: i32) -> (i32, i32) {
    %c0_i32 = arith.constant 0 : i32
    %c0_i32_0 = arith.constant 0 : i32
    %c0_i32_1 = arith.constant 0 : i32
    return %c0_i32, %c0_i32_0 : i32, i32
  }
  func.func @transform_6(%arg0: i32) -> (i32, i32) {
    %c0_i32 = arith.constant 0 : i32
    %c0_i32_0 = arith.constant 0 : i32
    %c0_i32_1 = arith.constant 0 : i32
    return %c0_i32, %c0_i32_0 : i32, i32
  }
  func.func @transform_7(%arg0: i32) -> (i32, i32) {
    %c0_i32 = arith.constant 0 : i32
    %c0_i32_0 = arith.constant 0 : i32
    %c0_i32_1 = arith.constant 0 : i32
    return %c0_i32, %c0_i32_0 : i32, i32
  }
  func.func @transform_8(%arg0: i32) -> (i32, i32) {
    %c0_i32 = arith.constant 0 : i32
    %c0_i32_0 = arith.constant 0 : i32
    return %arg0, %c0_i32 : i32, i32
  }
}

module attributes {stable_mosaic.version = 14 : i64} {
  func.func @_tail_body(%arg0: i32, %arg1: memref<32x64x128xf32, #tpu.memory_space<vmem>>, %arg2: memref<2048x1xf32, #tpu.memory_space<vmem>>, %arg3: memref<1x64xf32, #tpu.memory_space<vmem>>, %arg4: memref<1x64xf32, #tpu.memory_space<vmem>>, %arg5: memref<64x64xf32, #tpu.memory_space<vmem>>, %arg6: memref<1x64xf32, #tpu.memory_space<vmem>>, %arg7: memref<64x10xf32, #tpu.memory_space<vmem>>, %arg8: memref<1x10xf32, #tpu.memory_space<vmem>>, %arg9: memref<2048x10xf32, #tpu.memory_space<vmem>>) attributes {dimension_semantics = [#tpu.dimension_semantics<arbitrary>], iteration_bounds = array<i64: 74>, scalar_prefetch = 0 : i64, scratch_operands = 0 : i64, tpu.core_type = #tpu.core_type<tc>, window_params = [{transform_indices = @transform_0, window_bounds = array<i64: 32, 64, 128>}, {transform_indices = @transform_1, window_bounds = array<i64: 2048, 1>}, {pipeline_mode = #tpu.pipeline_mode<synchronous>, transform_indices = @transform_2, window_bounds = array<i64: 1, 64>}, {pipeline_mode = #tpu.pipeline_mode<synchronous>, transform_indices = @transform_3, window_bounds = array<i64: 1, 64>}, {pipeline_mode = #tpu.pipeline_mode<synchronous>, transform_indices = @transform_4, window_bounds = array<i64: 64, 64>}, {pipeline_mode = #tpu.pipeline_mode<synchronous>, transform_indices = @transform_5, window_bounds = array<i64: 1, 64>}, {pipeline_mode = #tpu.pipeline_mode<synchronous>, transform_indices = @transform_6, window_bounds = array<i64: 64, 10>}, {pipeline_mode = #tpu.pipeline_mode<synchronous>, transform_indices = @transform_7, window_bounds = array<i64: 1, 10>}, {transform_indices = @transform_8, window_bounds = array<i64: 2048, 10>}]} {
    %get3A = arith.constant 0 : index
    %get3A_0 = arith.constant 0 : index
    %get3A_1 = arith.constant 0 : index
    %get3A_2 = vector.load %arg1[%get3A, %get3A_0, %get3A_1] : memref<32x64x128xf32, #tpu.memory_space<vmem>>, vector<32x64x128xf32>
    %reshape3A = vector.shape_cast %get3A_2 : vector<32x64x128xf32> to vector<2048x128xf32>
    %slice3A = vector.extract_strided_slice %reshape3A {offsets = [0, 0], sizes = [2048, 64], strides = [1, 1]} : vector<2048x128xf32> to vector<2048x64xf32>
    %slice3A_3 = vector.extract_strided_slice %reshape3A {offsets = [0, 64], sizes = [2048, 64], strides = [1, 1]} : vector<2048x128xf32> to vector<2048x64xf32>
    %get3A_4 = arith.constant 0 : index
    %get3A_5 = arith.constant 0 : index
    %get3A_6 = vector.load %arg2[%get3A_4, %get3A_5] : memref<2048x1xf32, #tpu.memory_space<vmem>>, vector<2048x1xf32>
    %get3A_7 = arith.constant 0 : index
    %get3A_8 = arith.constant 0 : index
    %get3A_9 = vector.load %arg3[%get3A_7, %get3A_8] : memref<1x64xf32, #tpu.memory_space<vmem>>, vector<1x64xf32>
    %mul3A = vector.broadcast %get3A_6 : vector<2048x1xf32> to vector<2048x64xf32>
    %mul3A_10 = vector.broadcast %get3A_9 : vector<1x64xf32> to vector<2048x64xf32>
    %mul3A_11 = arith.mulf %mul3A, %mul3A_10 : vector<2048x64xf32>
    %get3A_12 = arith.constant 0 : index
    %get3A_13 = arith.constant 0 : index
    %get3A_14 = vector.load %arg4[%get3A_12, %get3A_13] : memref<1x64xf32, #tpu.memory_space<vmem>>, vector<1x64xf32>
    %add3A = vector.broadcast %get3A_14 : vector<1x64xf32> to vector<2048x64xf32>
    %add3A_15 = arith.addf %mul3A_11, %add3A : vector<2048x64xf32>
    %add3A_16 = arith.addf %slice3A, %add3A_15 : vector<2048x64xf32>
    %max3A = arith.constant 0.000000e+00 : f32
    %max3A_17 = vector.broadcast %max3A : f32 to vector<2048x64xf32>
    %max3A_18 = arith.maximumf %add3A_16, %max3A_17 : vector<2048x64xf32>
    %add3A_19 = arith.addf %slice3A_3, %add3A_15 : vector<2048x64xf32>
    %max3A_20 = arith.constant 0.000000e+00 : f32
    %max3A_21 = vector.broadcast %max3A_20 : f32 to vector<2048x64xf32>
    %max3A_22 = arith.maximumf %add3A_19, %max3A_21 : vector<2048x64xf32>
    %get3A_23 = arith.constant 0 : index
    %get3A_24 = arith.constant 0 : index
    %get3A_25 = vector.load %arg5[%get3A_23, %get3A_24] : memref<64x64xf32, #tpu.memory_space<vmem>>, vector<64x64xf32>
    %dot_general3A = arith.constant dense<0.000000e+00> : vector<2048x64xf32>
    %dot_general3A_26 = tpu.matmul %max3A_18, %get3A_25, %dot_general3A {dimension_numbers = #tpu.dot_dimension_numbers<[1], [0], [0], [1], [0, 0, 1, 1], [], []>, transpose_lhs_hint = false} : vector<2048x64xf32>, vector<64x64xf32>, vector<2048x64xf32> -> vector<2048x64xf32>
    %get3A_27 = arith.constant 0 : index
    %get3A_28 = arith.constant 0 : index
    %get3A_29 = vector.load %arg6[%get3A_27, %get3A_28] : memref<1x64xf32, #tpu.memory_space<vmem>>, vector<1x64xf32>
    %add3A_30 = vector.broadcast %get3A_29 : vector<1x64xf32> to vector<2048x64xf32>
    %add3A_31 = arith.addf %dot_general3A_26, %add3A_30 : vector<2048x64xf32>
    %max3A_32 = arith.constant 0.000000e+00 : f32
    %max3A_33 = vector.broadcast %max3A_32 : f32 to vector<2048x64xf32>
    %max3A_34 = arith.maximumf %add3A_31, %max3A_33 : vector<2048x64xf32>
    %dot_general3A_35 = arith.constant dense<0.000000e+00> : vector<2048x64xf32>
    %dot_general3A_36 = tpu.matmul %max3A_22, %get3A_25, %dot_general3A_35 {dimension_numbers = #tpu.dot_dimension_numbers<[1], [0], [0], [1], [0, 0, 1, 1], [], []>, transpose_lhs_hint = false} : vector<2048x64xf32>, vector<64x64xf32>, vector<2048x64xf32> -> vector<2048x64xf32>
    %get3A_37 = arith.constant 0 : index
    %get3A_38 = arith.constant 0 : index
    %get3A_39 = vector.load %arg6[%get3A_37, %get3A_38] : memref<1x64xf32, #tpu.memory_space<vmem>>, vector<1x64xf32>
    %add3A_40 = vector.broadcast %get3A_39 : vector<1x64xf32> to vector<2048x64xf32>
    %add3A_41 = arith.addf %dot_general3A_36, %add3A_40 : vector<2048x64xf32>
    %max3A_42 = arith.constant 0.000000e+00 : f32
    %max3A_43 = vector.broadcast %max3A_42 : f32 to vector<2048x64xf32>
    %max3A_44 = arith.maximumf %add3A_41, %max3A_43 : vector<2048x64xf32>
    %add3A_45 = arith.addf %max3A_34, %max3A_44 : vector<2048x64xf32>
    %get3A_46 = arith.constant 0 : index
    %get3A_47 = arith.constant 0 : index
    %get3A_48 = vector.load %arg7[%get3A_46, %get3A_47] : memref<64x10xf32, #tpu.memory_space<vmem>>, vector<64x10xf32>
    %dot_general3A_49 = arith.constant dense<0.000000e+00> : vector<2048x10xf32>
    %dot_general3A_50 = tpu.matmul %add3A_45, %get3A_48, %dot_general3A_49 {dimension_numbers = #tpu.dot_dimension_numbers<[1], [0], [0], [1], [0, 0, 1, 1], [], []>, transpose_lhs_hint = false} : vector<2048x64xf32>, vector<64x10xf32>, vector<2048x10xf32> -> vector<2048x10xf32>
    %get3A_51 = arith.constant 0 : index
    %get3A_52 = arith.constant 0 : index
    %get3A_53 = vector.load %arg8[%get3A_51, %get3A_52] : memref<1x10xf32, #tpu.memory_space<vmem>>, vector<1x10xf32>
    %add3A_54 = vector.broadcast %get3A_53 : vector<1x10xf32> to vector<2048x10xf32>
    %add3A_55 = arith.addf %dot_general3A_50, %add3A_54 : vector<2048x10xf32>
    %swap3A = arith.constant 0 : index
    %swap3A_56 = arith.constant 0 : index
    %swap3A_57 = vector.load %arg9[%swap3A, %swap3A_56] : memref<2048x10xf32, #tpu.memory_space<vmem>>, vector<2048x10xf32>
    tpu.vector_store %arg9[%swap3A, %swap3A_56], %add3A_55 {strides = array<i32>} : memref<2048x10xf32, #tpu.memory_space<vmem>>, vector<2048x10xf32>,
    return
  }
  func.func @transform_0(%arg0: i32) -> (i32, i32, i32) {
    %c0_i32 = arith.constant 0 : i32
    %c0_i32_0 = arith.constant 0 : i32
    %c0_i32_1 = arith.constant 0 : i32
    return %arg0, %c0_i32, %c0_i32_0 : i32, i32, i32
  }
  func.func @transform_1(%arg0: i32) -> (i32, i32) {
    %c0_i32 = arith.constant 0 : i32
    %c0_i32_0 = arith.constant 0 : i32
    return %arg0, %c0_i32 : i32, i32
  }
  func.func @transform_2(%arg0: i32) -> (i32, i32) {
    %c0_i32 = arith.constant 0 : i32
    %c0_i32_0 = arith.constant 0 : i32
    %c0_i32_1 = arith.constant 0 : i32
    return %c0_i32, %c0_i32_0 : i32, i32
  }
  func.func @transform_3(%arg0: i32) -> (i32, i32) {
    %c0_i32 = arith.constant 0 : i32
    %c0_i32_0 = arith.constant 0 : i32
    %c0_i32_1 = arith.constant 0 : i32
    return %c0_i32, %c0_i32_0 : i32, i32
  }
  func.func @transform_4(%arg0: i32) -> (i32, i32) {
    %c0_i32 = arith.constant 0 : i32
    %c0_i32_0 = arith.constant 0 : i32
    %c0_i32_1 = arith.constant 0 : i32
    return %c0_i32, %c0_i32_0 : i32, i32
  }
  func.func @transform_5(%arg0: i32) -> (i32, i32) {
    %c0_i32 = arith.constant 0 : i32
    %c0_i32_0 = arith.constant 0 : i32
    %c0_i32_1 = arith.constant 0 : i32
    return %c0_i32, %c0_i32_0 : i32, i32
  }
  func.func @transform_6(%arg0: i32) -> (i32, i32) {
    %c0_i32 = arith.constant 0 : i32
    %c0_i32_0 = arith.constant 0 : i32
    %c0_i32_1 = arith.constant 0 : i32
    return %c0_i32, %c0_i32_0 : i32, i32
  }
  func.func @transform_7(%arg0: i32) -> (i32, i32) {
    %c0_i32 = arith.constant 0 : i32
    %c0_i32_0 = arith.constant 0 : i32
    %c0_i32_1 = arith.constant 0 : i32
    return %c0_i32, %c0_i32_0 : i32, i32
  }
  func.func @transform_8(%arg0: i32) -> (i32, i32) {
    %c0_i32 = arith.constant 0 : i32
    %c0_i32_0 = arith.constant 0 : i32
    return %arg0, %c0_i32 : i32, i32
  }
}

</mosaic_0001>

<sc_bundles>
// kernel: kernel.12.cloned.1.call-start
scs
__scs_entry_jumppad:
0x0: {  	(pc) =	sbr.rel $0x88, $3  }
0x1: {  	(tag) =	ssettag $0x0;
	lr =	simm.s32 $0x1  }
0x2: {  	[smem:$0x3F88] =	sst lr;
	_ =	strace $0xD0000000  }
0x3: {  	_ = 	snop  }
0x4: {  	_ = 	snop  }
0x5: {  	_ = 	snop  }
0x6: {  	_ = 	snop  }
0x7: {  	_ = 	snop  }
__scs_overlays_trampoline_lowered:
0x8: {  	[smem:$0x3F97] =	sst s0  }
0x9: {  	[smem:$0x3F98] =	sst s1  }
0xa: {  	[smem:$0x3F99] =	sst s2  }
0xb: {  	[smem:$0x3F9A] =	sst s3  }
0xc: {  	[smem:$0x3F9B] =	sst s4  }
0xd: {  	[smem:$0x3F9C] =	sst s5  }
0xe: {  	[smem:$0x3F9D] =	sst s6  }
0xf: {  	[smem:$0x3F9E] =	sst s7  }
0x10: {  	[smem:$0x3F9F] =	sst s8  }
0x11: {  	[smem:$0x3FA0] =	sst s9;
	s0 =	simm.s32 @!p0 $0x0  }
0x12: {  	s1 =	sld [smem:$0x3F86];
	s0 =	simm.s32 @p0 $0x1  }
0x13: {  	[smem:$0x3FA1] =	sst s0;
	s0 =	simm.s32 @!p1 $0x0  }
0x14: {  	s2 =	sld [smem:$0x3F85];
	s0 =	simm.s32 @p1 $0x1  }
0x15: {  	[smem:$0x3FA2] =	sst s0;
	s0 =	simm.s32 @!p2 $0x0  }
0x16: {  	s3 =	sld [smem:$0x3FDB];
	s0 =	simm.s32 @p2 $0x1  }
0x17: {  	s4 =	simm.s32 $0x1BF5;
	[smem:$0x3FA4] =	sst s0  }
0x18: {  	s0 =	sld [smem:$0x3F87];
	_ =	swait.ge [sflag:s4], $0x0  }
0x19: {  	s7 =	sld [smem:$0x3F88]  }
0x1a: {  	s8 =	sadd.s32 $0xFFFFE003, lr  }
0x1b: {  	s9 =	sadd.s32 $0xFFFFFEF7, lr;
	s5 =	simm.s32 $0xFFFFFFFF;
	p2 =	slt.u32 s8, $0xFFFFF086  }
0x1c: {  	p1 =	slt.u32 s9, $0xF7A;
	s5 =	simm.s32 @!p2 $0x0  }
0x1d: {  	s5 =	simm.s32 @p1 $0x1;
	p0 =	seq.s32 s7, s2  }
0x1e: {  	s7 =	smul.u32 @!p0 $0xF7A, s2;
	p2 =	seq.s32 @!p0 s5, $0x0  }
0x1f: {  	s9 =	smul.u32 $0xF7A, s1;
	s8 =	simm.s32 @!p0 $0x1BF5;
	p2 =	por !p2, p0  }
0x20: {  	[sflag:s8] =	ssyncset.s32 @!p0 $0xFFFFF086;
	s6 =	sadd.s32 @!p0 s3, s7;
	s7 =	simm.s32 @!p0 $0x108  }
0x21: {  	s3 =	sadd.s32 s3, s9;
	s6 =	sadd.s32 @!p0 $0x88, s6;
	s7 =	simm.s32 @p2 $0x1082  }
0x22: {  	[simem:s7], [sflag:s8] =	dma.local @!p0 [hbm:s6], $0xF7A  }
0x23: {  	s9 =	sor.u32 $0xD0000000, s2;
	s6 =	simm.s32 $0x108;
	_ =	swait.ge @!p0 [sflag:s8], $0x0  }
0x24: {  	s3 =	sadd.s32 $0x88, s3;
	s6 =	simm.s32 @!p1 $0x1082;
	[sflag:s4] =	ssyncset.s32 $0xFFFFF086  }
0x25: {  	[simem:s6], [sflag:s4] =	dma.local [hbm:s3], $0xF7A  }
0x26: {  	[smem:$0x3F88] =	sst s1;
	(tag) =	ssettag s2;
	_ =	strace s9  }
0x27: {  	s1 =	sld [smem:$0x3F98]  }
0x28: {  	s2 =	sld [smem:$0x3F99]  }
0x29: {  	s4 =	sld [smem:$0x3F9B]  }
0x2a: {  	p0 =	seq.s32 s5, $0x0;
	s5 =	sld [smem:$0x3F9C]  }
0x2b: {  	s6 =	sld [smem:$0x3F9D]  }
0x2c: {  	s7 =	sld [smem:$0x3F9E]  }
0x2d: {  	s3 =	simm.s32 $0x108;
	s8 =	sld [smem:$0x3F9F]  }
0x2e: {  	s3 =	simm.s32 @!p0 $0x1082;
	s9 =	sld [smem:$0x3FA0]  }
0x2f: {  	lr =	sadd.s32 s0, s3;
	s0 =	sld [smem:$0x3F97]  }
0x30: {  	s3 =	sld [smem:$0x3F9A]  }
0x31: {  	[smem:$0x3FA3] =	sst s10  }
0x32: {  	s10 =	sld [smem:$0x3FA1];
	_ =	sdelay $0x3  }
0x33: {  	p0 =	seq.s32 s10, $0x1;
	s10 =	sld [smem:$0x3FA3];
	_ =	sdelay $0x3  }
0x34: {  	[smem:$0x3FA3] =	sst s10  }
0x35: {  	s10 =	sld [smem:$0x3FA2];
	_ =	sdelay $0x3  }
0x36: {  	p1 =	seq.s32 s10, $0x1;
	s10 =	sld [smem:$0x3FA3];
	_ =	sdelay $0x3  }
0x37: {  	[smem:$0x3FA3] =	sst s10  }
0x38: {  	s10 =	sld [smem:$0x3FA4]  }
0x39: {  	_ = 	snop;
	(pc) =	sbr.ind lr, $3  }
0x3a: {  	_ = 	snop  }
0x3b: {  	_ = 	snop  }
0x3c: {  	p2 =	seq.s32 s10, $0x1;
	s10 =	sld [smem:$0x3FA3]  }
0x3d: {  	_ =	shalt  }
0x3e: {  	_ =	shalt  }
0x3f: {  	_ =	shalt  }
0x40: {  	_ =	shalt  }
0x41: {  	_ =	shalt  }
0x42: {  	_ =	shalt  }
0x43: {  	_ =	shalt  }
0x44: {  	_ =	shalt  }
0x45: {  	_ =	shalt  }
0x46: {  	_ =	shalt  }
0x47: {  	_ =	shalt  }
0x48: {  	_ =	shalt  }
0x49: {  	_ =	shalt  }
0x4a: {  	_ =	shalt  }
0x4b: {  	_ =	shalt  }
0x4c: {  	_ =	shalt  }
0x4d: {  	_ =	shalt  }
0x4e: {  	_ =	shalt  }
0x4f: {  	_ =	shalt  }
0x50: {  	_ =	shalt  }
0x51: {  	_ =	shalt  }
0x52: {  	_ =	shalt  }
0x53: {  	_ =	shalt  }
0x54: {  	_ =	shalt  }
0x55: {  	_ =	shalt  }
0x56: {  	_ =	shalt  }
0x57: {  	_ =	shalt  }
0x58: {  	_ =	shalt  }
0x59: {  	_ =	shalt  }
0x5a: {  	_ =	shalt  }
0x5b: {  	_ =	shalt  }
0x5c: {  	_ =	shalt  }
0x5d: {  	_ =	shalt  }
0x5e: {  	_ =	shalt  }
0x5f: {  	_ =	shalt  }
0x60: {  	_ =	shalt  }
0x61: {  	_ =	shalt  }
0x62: {  	_ =	shalt  }
0x63: {  	_ =	shalt  }
0x64: {  	_ =	shalt  }
0x65: {  	_ =	shalt  }
0x66: {  	_ =	shalt  }
0x67: {  	_ =	shalt  }
0x68: {  	_ =	shalt  }
0x69: {  	_ =	shalt  }
0x6a: {  	_ =	shalt  }
0x6b: {  	_ =	shalt  }
0x6c: {  	_ =	shalt  }
0x6d: {  	_ =	shalt  }
0x6e: {  	_ =	shalt  }
0x6f: {  	_ =	shalt  }
0x70: {  	_ =	shalt  }
0x71: {  	_ =	shalt  }
0x72: {  	_ =	shalt  }
0x73: {  	_ =	shalt  }
0x74: {  	_ =	shalt  }
0x75: {  	_ =	shalt  }
0x76: {  	_ =	shalt  }
0x77: {  	_ =	shalt  }
0x78: {  	_ =	shalt  }
0x79: {  	_ =	shalt  }
0x7a: {  	_ =	shalt  }
0x7b: {  	_ =	shalt  }
0x7c: {  	_ =	shalt  }
0x7d: {  	_ =	shalt  }
0x7e: {  	_ =	shalt  }
0x7f: {  	_ =	shalt  }
0x80: {  	_ =	shalt  }
0x81: {  	_ =	shalt  }
0x82: {  	_ =	shalt  }
0x83: {  	_ =	shalt  }
0x84: {  	_ =	shalt  }
0x85: {  	_ =	shalt  }
0x86: {  	_ =	shalt  }
0x87: {  	_ =	shalt  }
.Lfunc_end0:
.L_simem_size_0:
called_computation.1_lowered:
.L_overlay_start_0:
0x88: {  	s2 =	sld [smem:$0x3FD9]  }
0x89: {  	s3 =	sld [smem:$0x3FFE];
	_ =	sdelay $0x1  }
0x8a: {  	s1 =	srdreg.scid  }
0x8b: {  	s0 =	sand.u32 $0x1, s1  }
0x8c: {  	s17 =	sshll.u32 s0, $0xA;
	s2 =	sadd.s32 s3, s2  }
0x8d: {  	s2 =	sadd.s32 s2, s17  }
0x8e: {  	[smem:$0x3FAF] =	sst s2  }
0x8f: {  	_ = 	snop  }
0x90: {  	(tm) =	ssettm $0x1  }
0x91: {  	s18 =	sld [smem:$0x3FFB];
	_ =	sdelay $0x3  }
0x92: {  	_ =	strace s18  }
0x93: {  	s2 =	sld [smem:$0x3FFC];
	_ =	sdelay $0x3  }
0x94: {  	_ =	strace s2  }
0x95: {  	s2 =	sld [smem:$0x3FFD];
	_ =	sdelay $0x3  }
0x96: {  	_ =	strace s2  }
0x97: {  	_ =	strace $0x8FFFFFFF  }
0x98: {  	s19 =	sld [smem:$0x3FDB];
	_ =	sdelay $0x1  }
0x99: {  	s20 =	simm.s32 $_scs_section_size  }
0x9a: {  	s4 =	simm.s32 $_size__tile_overlayer_lowered;
	s5 =	simm.s32 $_tile_overlayer_lowered  }
0x9b: {  	s6 =	simm.s32 $0x1BFF;
	s21 =	sshll.u32 s5, $0x1;
	s3 =	sadd.s32 s20, s19  }
0x9c: {  	s22 =	simm.s32 $0x0;
	s4 =	sshll.u32 s4, $0x1;
	s5 =	sadd.s32 s21, s3  }
0x9d: {  	[timem:s22], [sflag:s6] =	dma.local [hbm:s5], s4  }
0x9e: {  	_ =	swait.ge [sflag:s6], s4  }
0x9f: {  	s4 =	ssub.s32 $0x0, s4;
	[sflag:s6] =	ssyncset.done $0x0  }
0xa0: {  	[sflag:s6] =	ssyncadd.s32 s4;
	_ =	sdelay $0x1  }
0xa1: {  	s23 =	simm.s32 $0x1B8B  }
0xa2: {  	_ =	swait.ge [sflag:s23], $0x1  }
0xa3: {  	[sflag:s23] =	ssyncset.done $0x0  }
0xa4: {  	[sflag:s23] =	ssyncadd.s32 $0xFFFFFFFF  }
0xa5: {  	s4 =	sld [smem:$0x0]  }
0xa6: {  	s5 =	sand.u32 $0xFFFFFFFE, s1  }
0xa7: {  	p0 =	sne.s32 s1, s5  }
0xa8: {  	s5 =	sshll.u32 @p0 s5, $0xE  }
0xa9: {  	s5 =	sadd.s32 @p0 $0x11B8D, s5;
	s6 =	sshll.u32 @p0 s4, $0x11  }
0xaa: {  	s5 =	sor.u32 @p0 s6, s5  }
0xab: {  	[sflag:s5] =	ssyncadd.remote.s32 @p0 $0x1;
	_ =	sdelay $0x1  }
0xac: {  	s5 =	simm.s32 @p0 $0x1B8D  }
0xad: {  	_ =	swait.eq @p0 [sflag:s5], $0x1  }
0xae: {  	[sflag:s5] =	ssyncadd.s32 @p0 $0xFFFFFFFF  }
0xaf: {  	s6 =	sshll.u32 @!p0 s1, $0xE  }
0xb0: {  	s6 =	sor.u32 @!p0 $0x4000, s6;
	s5 =	simm.s32 @!p0 $0x1B8D  }
0xb1: {  	s4 =	sshll.u32 @!p0 s4, $0x11;
	s6 =	sadd.s32 @!p0 $0x11B8D, s6;
	_ =	swait.eq @!p0 [sflag:s5], $0x1  }
0xb2: {  	s4 =	sor.u32 @!p0 s4, s6;
	[sflag:s5] =	ssyncadd.s32 @!p0 $0xFFFFFFFF  }
0xb3: {  	s25 =	simm.s32 $0x1B8E;
	s24 =	sld [smem:$0x3FFE];
	[sflag:s4] =	ssyncadd.remote.s32 @!p0 $0x1  }
0xb4: {  	s26 =	simm.s32 $execute0_lowered;
	[smem:$0x3FD2] =	sst s25  }
0xb5: {  	s5 =	sshll.u32 s26, $0x1;
	_ =	strace $0x80000049;
	[dreg:$0x1] =	wrdreg $0xFFFFFFFF  }
0xb6: {  	s28 =	simm.s32 $_size_execute0_lowered;
	s3 =	sadd.s32 s3, s5;
	[dreg:$0x0] =	wrdreg $0x0  }
0xb7: {  	s5 =	sshll.u32 s28, $0x1;
	[dreg:$0x2] =	wrdreg s3  }
0xb8: {  	[dreg:$0x3] =	wrdreg s5  }
0xb9: {  	[dreg:$0x4] =	wrdreg $0xC0  }
0xba: {  	_ =	task [dreg:s22], $0x5FFFF  }
0xbb: {  	[dreg:$0x1] =	wrdreg $0xFFFFFFFF  }
0xbc: {  	[dreg:$0x0] =	wrdreg $0x60  }
0xbd: {  	[dreg:$0x2] =	wrdreg s24  }
0xbe: {  	[dreg:$0x3] =	wrdreg $0xA  }
0xbf: {  	_ =	task.clear_ibuf [dreg:s22], $0x4FFFF;
	_ =	strace $0x90000049  }
0xc0: {  	s29 =	simm.s32 $0xA;
	_ =	strace $0x8000004B  }
0xc1: {  	_ =	swait.ge [sflag:s29], $0x1  }
0xc2: {  	[sflag:s29] =	ssyncadd.s32 $0xFFFFFFFF  }
0xc3: {  	_ =	strace $0x9000004B  }
0xc4: {  	_ =	sfence  }
0xc5: {  	s30 =	sld [smem:$0x0];
	_ =	sdelay $0x2  }
0xc6: {  	s31 =	sshll.u32 s1, $0xD;
	s1 =	sshrl.u32 s1, $0x2  }
0xc7: {  	s4 =	sand.u32 $0x4000, s31;
	s1 =	sadd.s32 s1, s30  }
0xc8: {  	s0 =	sor.u32 s4, s0;
	s1 =	sshll.u32 s1, $0x11  }
0xc9: {  	s0 =	sor.u32 s1, s0  }
0xca: {  	s0 =	sadd.s32 $0x8F2B, s0  }
0xcb: {  	[sflag:s0] =	ssyncadd.remote.s32 $0x1  }
0xcc: {  	_ =	sfence.sel $0xFFFF  }
0xcd: {  	[dreg:$0x0] =	wrdreg $0xFFFFFFFF;
	(pc) =	sbr.abs _section_cstart, $3  }
0xce: {  	[dreg:$0x1] =	wrdreg $0xFFFFFFFF  }
0xcf: {  	_ =	task.clear_ibuf [dreg:s22], $0x2FFFF;
	_ =	strace $0x9FFFFFFF  }
0xd0: {  	(tm) =	ssettm $0x7FFFFFFF  }
0xd1: {  	_ =	shalt  }
tec
execute0_lowered:
.L_overlay_start_1:
0x0: {  	(tag) =	ssettag $0x1  }
0x1: {  	s0 =	srdreg.scid  }
0x2: {  	s2 =	stileid.u32;
	s4 =	rddreg [dreg:$0x0]  }
0x3: {  	s11 =	simm.s32 $0x5;
	s12 =	simm.s32 $0xF00;
	s13 =	simm.s32 $0x1E00  }
0x4: {  	s14 =	simm.s32 $0x40;
	s18 =	simm.s32 $0x8D00;
	s0 =	sand.u32 $0x1, s0  }
0x5: {  	s19 =	simm.s32 $0xF40;
	s20 =	simm.s32 $0xAD00;
	s1 =	sxor.u32 $0x1, s0  }
0x6: {  	s21 =	simm.s32 $0x1E40;
	s1 =	smul.u32 s2, s1;
	s2 =	sor.u32 $0x10, s2  }
0x7: {  	s22 =	simm.s32 $0xCD00;
	s23 =	simm.s32 $0x1;
	s2 =	smul.u32 s0, s2  }
0x8: {  	s24 =	simm.s32 $0xED00;
	s25 =	simm.s32 $0x2;
	s26 =	simm.s32 $0x10D00  }
0x9: {  	s28 =	simm.s32 $0x3;
	s29 =	simm.s32 $0x4;
	s1 =	sadd.s32 s2, s1  }
0xa: {  	s30 =	simm.s32 $0x0;
	s0 =	ssub.s32 $0x2, s0;
	s5 =	smul.u32 $0xF00, s1  }
0xb: {  	s3 =	sadd.s32 $0xBA00, s4;
	s7 =	sshrl.u32 s0, $0x1;
	s2 =	simm.s32 $0x0  }
0xc: {  	s0 =	ssub.s32 s0, s7;
	[smem:$0x7FF] =	sst s2;
	s5 =	sshrl.u32 s5, $0x3  }
0xd: {  	_ =	strace $0x8000004A;
	s8 =	sadd.s32 s5, s4;
	s5 =	smul.u32 $0x3C, s1  }
0xe: {  	s10 =	smax.u32 s0, $0x1;
	s4 =	sadd.s32 $0x577E00, s4;
	s6 =	sadd.s32 $0x56C400, s8  }
0xf: {  	s7 =	sadd.s32 $0x5701E0, s8;
	s8 =	sadd.s32 $0x573FC0, s8;
	s9 =	sor.u32 $0x1, s5  }
.LBB2_1:
0x10: {  	[tilespmem:s2], [sflag:$0x5] =	stream.linear.gather [hbm4b:s6+s2], $0xF00, $0x38;
	[tilespmem:$0x12D00] =	vst v63  }
0x11: {  	_ =	swait.ge [sflag:s11], $0xF00  }
0x12: {  	[sflag:s11] =	ssyncset.done $0x0  }
0x13: {  	[sflag:s11] =	ssyncadd.s32 $0xFFFFF100  }
0x14: {  	[tilespmem:s12], [sflag:$0x5] =	stream.linear.gather [hbm4b:s7+s2], $0xF00, $0x38;
	[tilespmem:$0x12D00] =	vst v63  }
0x15: {  	_ =	swait.ge [sflag:s11], $0xF00  }
0x16: {  	[sflag:s11] =	ssyncset.done $0x0  }
0x17: {  	[sflag:s11] =	ssyncadd.s32 $0xFFFFF100  }
0x18: {  	[tilespmem:s13], [sflag:$0x5] =	stream.linear.gather [hbm4b:s8+s2], $0xF00, $0x38;
	[tilespmem:$0x12D00] =	vst v63  }
0x19: {  	_ =	swait.ge [sflag:s11], $0xF00  }
0x1a: {  	[sflag:s11] =	ssyncset.done $0x0  }
0x1b: {  	s0 =	simm.s32 $0x2D00;
	[sflag:s11] =	ssyncadd.s32 $0xFFFFF100  }
0x1c: {  	[tilespmem:s0], [sflag:$0x1] =	stream.indirect.gather [hbm4b:s3+s14], $0x80, s2, s14, $0xb8;
	[tilespmem:$0x12D00] =	vst v63  }
0x1d: {  	s17 =	simm.s32 $0x4D00  }
0x1e: {  	[tilespmem:s17], [sflag:$0x1] =	stream.indirect.gather [hbm4b:s3+s14], $0x80, s12, s14, $0xb8;
	[tilespmem:$0x12D00] =	vst v63  }
0x1f: {  	s31 =	simm.s32 $0x6D00  }
0x20: {  	[tilespmem:s31], [sflag:$0x1] =	stream.indirect.gather [hbm4b:s3+s14], $0x80, s13, s14, $0xb8;
	[tilespmem:$0x12D00] =	vst v63  }
0x21: {  	_ = 	snop  }
0x22: {  	[tilespmem:s18], [sflag:$0x2] =	stream.indirect.gather [hbm4b:s3+s14], $0x80, s14, s14, $0xb8;
	[tilespmem:$0x12D00] =	vst v63  }
0x23: {  	_ = 	snop  }
0x24: {  	[tilespmem:s20], [sflag:$0x2] =	stream.indirect.gather [hbm4b:s3+s14], $0x80, s19, s14, $0xb8;
	[tilespmem:$0x12D00] =	vst v63  }
0x25: {  	s1 =	simm.s32 $0x0  }
0x26: {  	[tilespmem:s22], [sflag:$0x2] =	stream.indirect.gather [hbm4b:s3+s14], $0x80, s21, s14, $0xb8;
	[tilespmem:$0x12D00] =	vst v63  }
.LBB2_2:
0x27: {  	_ =	swait.ge [sflag:s23], $0x2000  }
0x28: {  	[sflag:s23] =	ssyncset.done $0x0  }
0x29: {  	[sflag:s23] =	ssyncadd.s32 $0xFFFFE000  }
0x2a: {  	_ =	swait.ge [sflag:s23], $0x2000  }
0x2b: {  	[sflag:s23] =	ssyncset.done $0x0  }
0x2c: {  	[sflag:s23] =	ssyncadd.s32 $0xFFFFE000  }
0x2d: {  	_ =	swait.ge [sflag:s23], $0x2000  }
0x2e: {  	p1 =	seq.s32 s1, $0x0;
	[sflag:s23] =	ssyncset.done $0x0  }
0x2f: {  	s0 =	simm.s32 @!p1 $0x3;
	[sflag:s23] =	ssyncadd.s32 $0xFFFFE000  }
0x30: {  	_ =	swait.ge @!p1 [sflag:s0], $0x2000  }
0x31: {  	[sflag:s0] =	ssyncset.done @!p1 $0x0  }
0x32: {  	[sflag:s0] =	ssyncadd.s32 @!p1 $0xFFFFE000;
	s0 =	simm.s32 $0x0  }
0x33: {  	v0 =	vld [tilespmem:s0+$0x2D70]  }
0x34: {  	v1 =	vld [tilespmem:s0+$0x4D70]  }
0x35: {  	v2 =	vld [tilespmem:s0+$0x2D00]  }
0x36: {  	v3 =	vld [tilespmem:s0+$0x6D30]  }
0x37: {  	v4 =	vld [tilespmem:s0+$0x2D40]  }
0x38: {  	v5 =	vld [tilespmem:s0+$0x4D00]  }
0x39: {  	v6 =	vld [tilespmem:s0+$0x4D40]  }
0x3a: {  	v7 =	vld [tilespmem:s0+$0x2D50]  }
0x3b: {  	v9 =	vld [tilespmem:s0+$0x4D50]  }
0x3c: {  	v10 =	vld [tilespmem:s0+$0x2D20]  }
0x3d: {  	v11 =	vld [tilespmem:s0+$0x2D60]  }
0x3e: {  	v12 =	vld [tilespmem:s0+$0x4D20]  }
0x3f: {  	v13 =	vld [tilespmem:s0+$0x4D60]  }
0x40: {  	v14 =	vld [tilespmem:s0+$0x2D30]  }
0x41: {  	v15 =	vld [tilespmem:s0+$0x4D30];
	v0 =	vadd.f32 v1, v0  }
0x42: {  	v1 =	vld [tilespmem:s0+$0x2D10]  }
0x43: {  	v0 =	vadd.f32 v3, v0;
	v3 =	vld [tilespmem:s0+$0x4D10]  }
0x44: {  	v16 =	vld [tilespmem:s0+$0x6D40]  }
0x45: {  	v17 =	vld [tilespmem:s0+$0x6D00]  }
0x46: {  	v18 =	vld [tilespmem:s0+$0x6D50]  }
0x47: {  	v8 =	vld [tilespmem:s0+$0x6D10];
	v2 =	vadd.f32 v5, v2;
	v19 =	vadd.f32 v6, v4  }
0x48: {  	v5 =	vld [tilespmem:s0+$0x6D60];
	v4 =	vadd.f32 v13, v11;
	v20 =	vadd.f32 v3, v1  }
0x49: {  	v6 =	vld [tilespmem:s0+$0x6D20];
	v3 =	vadd.f32 v12, v10;
	v10 =	vadd.f32 v16, v2  }
0x4a: {  	s15 =	simm.s32 $0x80;
	[tilespmem:s0+$0xED70] =	vst v0;
	v0 =	vadd.f32 v9, v7;
	v7 =	vld [tilespmem:s0+$0x6D70];
	v9 =	vadd.f32 v17, v19  }
0x4b: {  	s31 =	sshll.u32 s1, $0x1;
	s16 =	simm.s32 $0x400;
	v1 =	vadd.f32 v15, v14;
	v2 =	vld [tilespmem:s15+$0x2D70];
	[tilespmem:s0+$0xED00] =	vst v10;
	v10 =	vadd.f32 v18, v20  }
.LBB2_3:
0x4c: {  	p0 =	sne.s32 s16, $0x7E00;
	v11 =	vld [tilespmem:s15+$0x4D70];
	[tilespmem:s0+$0xED40] =	vst v9;
	v0 =	vadd.f32 v8, v0  }
0x4d: {  	v8 =	vld [tilespmem:s15+$0x2D00];
	[tilespmem:s0+$0xED10] =	vst v10;
	v3 =	vadd.f32 v5, v3  }
0x4e: {  	v5 =	vld [tilespmem:s15+$0x6D30];
	[tilespmem:s0+$0xED50] =	vst v0;
	v0 =	vadd.f32 v6, v4  }
0x4f: {  	v4 =	vld [tilespmem:s15+$0x2D40];
	[tilespmem:s0+$0xED20] =	vst v3;
	v1 =	vadd.f32 v7, v1  }
0x50: {  	v3 =	vld [tilespmem:s15+$0x4D00];
	[tilespmem:s0+$0xED60] =	vst v0  }
0x51: {  	v0 =	vld [tilespmem:s15+$0x4D40];
	v2 =	vadd.f32 v11, v2;
	[tilespmem:s0+$0xED30] =	vst v1;
	s0 =	smov.u32 s15  }
0x52: {  	v1 =	vld [tilespmem:s0+$0x2D10]  }
0x53: {  	v6 =	vld [tilespmem:s0+$0x2D50];
	v2 =	vadd.f32 v5, v2  }
0x54: {  	v5 =	vld [tilespmem:s0+$0x4D10]  }
0x55: {  	v7 =	vadd.f32 v3, v8;
	v3 =	vld [tilespmem:s0+$0x4D50];
	[tilespmem:s0+$0xED70] =	vst v2  }
0x56: {  	v2 =	vadd.f32 v0, v4;
	v4 =	vld [tilespmem:s0+$0x2D20]  }
0x57: {  	v8 =	vld [tilespmem:s0+$0x2D60]  }
0x58: {  	v9 =	vld [tilespmem:s0+$0x4D20]  }
0x59: {  	v10 =	vadd.f32 v5, v1;
	v1 =	vld [tilespmem:s0+$0x4D60]  }
0x5a: {  	v0 =	vadd.f32 v3, v6;
	v6 =	vld [tilespmem:s0+$0x2D30]  }
0x5b: {  	v11 =	vld [tilespmem:s0+$0x4D30]  }
0x5c: {  	v12 =	vld [tilespmem:s0+$0x6D40]  }
0x5d: {  	v13 =	vld [tilespmem:s0+$0x6D00];
	v3 =	vadd.f32 v9, v4  }
0x5e: {  	v14 =	vld [tilespmem:s0+$0x6D50];
	v4 =	vadd.f32 v1, v8  }
.Ltmp0:
0x5f: {  	v8 =	vld [tilespmem:s0+$0x6D10];
	(pc) =	sbr.rel @p0 .LBB2_3-.Ltmp0, $4  }
0x60: {  	v5 =	vld [tilespmem:s0+$0x6D60];
	v1 =	vadd.f32 v11, v6  }
0x61: {  	v11 =	vadd.f32 v12, v7;
	v6 =	vld [tilespmem:s0+$0x6D20]  }
0x62: {  	s15 =	sshra.s32 s16, $0x2;
	v9 =	vadd.f32 v13, v2;
	v7 =	vld [tilespmem:s0+$0x6D70]  }
0x63: {  	s16 =	sadd.s32 $0x200, s16;
	v2 =	vld [tilespmem:s15+$0x2D70];
	[tilespmem:s0+$0xED00] =	vst v11;
	v10 =	vadd.f32 v14, v10  }
0x64: {  	v11 =	vld [tilespmem:s15+$0x4D70];
	[tilespmem:s0+$0xED40] =	vst v9;
	v0 =	vadd.f32 v8, v0  }
0x65: {  	v9 =	vld [tilespmem:s15+$0x2D00];
	[tilespmem:s0+$0xED10] =	vst v10;
	v3 =	vadd.f32 v5, v3  }
0x66: {  	v8 =	vld [tilespmem:s15+$0x6D30];
	[tilespmem:s0+$0xED50] =	vst v0;
	v4 =	vadd.f32 v6, v4  }
0x67: {  	v0 =	vld [tilespmem:s15+$0x2D40];
	[tilespmem:s0+$0xED20] =	vst v3;
	v1 =	vadd.f32 v7, v1  }
0x68: {  	v3 =	vld [tilespmem:s15+$0x4D00];
	[tilespmem:s0+$0xED60] =	vst v4  }
0x69: {  	v4 =	vld [tilespmem:s15+$0x4D40];
	[tilespmem:s0+$0xED30] =	vst v1  }
0x6a: {  	v1 =	vadd.f32 v11, v2;
	v2 =	vld [tilespmem:s15+$0x2D10]  }
0x6b: {  	v5 =	vld [tilespmem:s15+$0x2D50]  }
0x6c: {  	v6 =	vld [tilespmem:s15+$0x4D10]  }
0x6d: {  	v7 =	vld [tilespmem:s15+$0x4D50]  }
0x6e: {  	v10 =	vld [tilespmem:s15+$0x4D20]  }
0x6f: {  	v11 =	vld [tilespmem:s15+$0x4D60]  }
0x70: {  	v12 =	vld [tilespmem:s15+$0x2D30]  }
0x71: {  	v13 =	vld [tilespmem:s15+$0x4D30]  }
0x72: {  	v14 =	vld [tilespmem:s15+$0x6D40]  }
0x73: {  	v15 =	vld [tilespmem:s15+$0x6D00]  }
0x74: {  	v16 =	vld [tilespmem:s15+$0x6D50];
	v1 =	vadd.f32 v8, v1  }
0x75: {  	v8 =	vld [tilespmem:s15+$0x2D60]  }
0x76: {  	[tilespmem:s15+$0xED70] =	vst v1;
	v1 =	vld [tilespmem:s15+$0x2D20]  }
0x77: {  	v3 =	vadd.f32 v3, v9;
	v9 =	vld [tilespmem:s15+$0x6D10]  }
0x78: {  	v0 =	vadd.f32 v4, v0;
	v4 =	vld [tilespmem:s15+$0x6D60]  }
0x79: {  	v2 =	vadd.f32 v6, v2;
	v3 =	vadd.f32 v14, v3;
	v6 =	vld [tilespmem:s15+$0x6D20]  }
0x7a: {  	v5 =	vadd.f32 v7, v5;
	v7 =	vld [tilespmem:s15+$0x6D70];
	v0 =	vadd.f32 v15, v0  }
0x7b: {  	[tilespmem:s15+$0xED00] =	vst v3;
	v2 =	vadd.f32 v16, v2;
	v1 =	vadd.f32 v10, v1  }
0x7c: {  	v3 =	vadd.f32 v11, v8;
	[tilespmem:s15+$0xED40] =	vst v0;
	v0 =	vadd.f32 v9, v5  }
0x7d: {  	v5 =	vadd.f32 v13, v12;
	[tilespmem:s15+$0xED10] =	vst v2;
	v1 =	vadd.f32 v4, v1  }
0x7e: {  	[tilespmem:s15+$0xED50] =	vst v0;
	v0 =	vadd.f32 v6, v3  }
0x7f: {  	s17 =	sadd.s32 s5, s31;
	[tilespmem:s15+$0xED20] =	vst v1;
	v1 =	vadd.f32 v7, v5  }
0x80: {  	s0 =	sshll.u32 s17, $0xA;
	[tilespmem:s15+$0xED60] =	vst v0  }
0x81: {  	p0 =	seq.s32 s1, $0x1D;
	s0 =	sadd.s32 s4, s0;
	[tilespmem:s15+$0xED30] =	vst v1  }
0x82: {  	[hbm4b:s0+s2] =	stream.linear.scatter [tilespmem:s24], [sflag:$0x3], $0x2000, $0x38;
	[tilespmem:$0x12D00] =	vst v63  }
0x83: {  	s0 =	sshll.u32 @!p0 s1, $0x7  }
0x84: {  	s0 =	sand.u32 @!p0 $0x3FFFFF80, s0  }
0x85: {  	s16 =	simm.s32 @!p0 $0x40;
	s17 =	simm.s32 @!p0 $0x2D00;
	s15 =	sadd.s32 @!p0 $0x80, s0  }
0x86: {  	[tilespmem:s17], [sflag:$0x1] =	stream.indirect.gather @!p0 [hbm4b:s3+s16], $0x80, s15, s16, $0xb8;
	[tilespmem:$0x12D00] =	vst v63  }
0x87: {  	s15 =	sadd.s32 @!p0 $0xF80, s0;
	s17 =	simm.s32 @!p0 $0x4D00  }
0x88: {  	[tilespmem:s17], [sflag:$0x1] =	stream.indirect.gather @!p0 [hbm4b:s3+s16], $0x80, s15, s16, $0xb8;
	[tilespmem:$0x12D00] =	vst v63  }
0x89: {  	s15 =	sadd.s32 @!p0 $0x1E80, s0;
	s17 =	simm.s32 @!p0 $0x6D00  }
0x8a: {  	[tilespmem:s17], [sflag:$0x1] =	stream.indirect.gather @!p0 [hbm4b:s3+s16], $0x80, s15, s16, $0xb8;
	[tilespmem:$0x12D00] =	vst v63  }
0x8b: {  	_ =	swait.ge [sflag:s25], $0x2000  }
0x8c: {  	[sflag:s25] =	ssyncset.done $0x0  }
0x8d: {  	[sflag:s25] =	ssyncadd.s32 $0xFFFFE000  }
0x8e: {  	_ =	swait.ge [sflag:s25], $0x2000  }
0x8f: {  	[sflag:s25] =	ssyncset.done $0x0  }
0x90: {  	[sflag:s25] =	ssyncadd.s32 $0xFFFFE000  }
0x91: {  	_ =	swait.ge [sflag:s25], $0x2000  }
0x92: {  	[sflag:s25] =	ssyncset.done $0x0  }
0x93: {  	s15 =	simm.s32 @!p1 $0x4;
	[sflag:s25] =	ssyncadd.s32 $0xFFFFE000  }
0x94: {  	_ =	swait.ge @!p1 [sflag:s15], $0x2000  }
0x95: {  	[sflag:s15] =	ssyncset.done @!p1 $0x0  }
0x96: {  	[sflag:s15] =	ssyncadd.s32 @!p1 $0xFFFFE000;
	s15 =	simm.s32 $0x0  }
0x97: {  	v0 =	vld [tilespmem:s15+$0x8D70]  }
0x98: {  	v1 =	vld [tilespmem:s15+$0xAD70]  }
0x99: {  	v2 =	vld [tilespmem:s15+$0x8D00]  }
0x9a: {  	v3 =	vld [tilespmem:s15+$0xCD30]  }
0x9b: {  	v4 =	vld [tilespmem:s15+$0x8D40]  }
0x9c: {  	v5 =	vld [tilespmem:s15+$0xAD00]  }
0x9d: {  	v6 =	vld [tilespmem:s15+$0xAD40]  }
0x9e: {  	v7 =	vld [tilespmem:s15+$0x8D50]  }
0x9f: {  	v9 =	vld [tilespmem:s15+$0xAD50]  }
0xa0: {  	v10 =	vld [tilespmem:s15+$0x8D20]  }
0xa1: {  	v11 =	vld [tilespmem:s15+$0x8D60]  }
0xa2: {  	v59 =	vld [tilespmem:s15+$0xAD20]  }
0xa3: {  	v60 =	vld [tilespmem:s15+$0xAD60]  }
0xa4: {  	v61 =	vld [tilespmem:s15+$0x8D30]  }
0xa5: {  	v62 =	vld [tilespmem:s15+$0xAD30];
	v0 =	vadd.f32 v1, v0  }
0xa6: {  	v1 =	vld [tilespmem:s15+$0x8D10]  }
0xa7: {  	v0 =	vadd.f32 v3, v0;
	v3 =	vld [tilespmem:s15+$0xAD10]  }
0xa8: {  	v63 =	vld [tilespmem:s15+$0xCD40]  }
0xa9: {  	v17 =	vld [tilespmem:s15+$0xCD00]  }
0xaa: {  	v18 =	vld [tilespmem:s15+$0xCD50]  }
0xab: {  	v8 =	vld [tilespmem:s15+$0xCD10];
	v2 =	vadd.f32 v5, v2;
	v19 =	vadd.f32 v6, v4  }
0xac: {  	v5 =	vld [tilespmem:s15+$0xCD60];
	v4 =	vadd.f32 v60, v11;
	v20 =	vadd.f32 v3, v1  }
0xad: {  	v6 =	vld [tilespmem:s15+$0xCD20];
	v3 =	vadd.f32 v59, v10;
	v10 =	vadd.f32 v63, v2  }
0xae: {  	s16 =	simm.s32 $0x80;
	[tilespmem:s15+$0x10D70] =	vst v0;
	v0 =	vadd.f32 v9, v7;
	v7 =	vld [tilespmem:s15+$0xCD70];
	v9 =	vadd.f32 v17, v19  }
0xaf: {  	s1 =	sadd.s32 $0x1, s1;
	s17 =	simm.s32 $0x400;
	v1 =	vadd.f32 v62, v61;
	v2 =	vld [tilespmem:s16+$0x8D70];
	[tilespmem:s15+$0x10D00] =	vst v10;
	v10 =	vadd.f32 v18, v20  }
.LBB2_5:
0xb0: {  	p1 =	sne.s32 s17, $0x7E00;
	v11 =	vld [tilespmem:s16+$0xAD70];
	[tilespmem:s15+$0x10D40] =	vst v9;
	v0 =	vadd.f32 v8, v0  }
0xb1: {  	v8 =	vld [tilespmem:s16+$0x8D00];
	[tilespmem:s15+$0x10D10] =	vst v10;
	v3 =	vadd.f32 v5, v3  }
0xb2: {  	v5 =	vld [tilespmem:s16+$0xCD30];
	[tilespmem:s15+$0x10D50] =	vst v0;
	v0 =	vadd.f32 v6, v4  }
0xb3: {  	v4 =	vld [tilespmem:s16+$0x8D40];
	[tilespmem:s15+$0x10D20] =	vst v3;
	v1 =	vadd.f32 v7, v1  }
0xb4: {  	v3 =	vld [tilespmem:s16+$0xAD00];
	[tilespmem:s15+$0x10D60] =	vst v0  }
0xb5: {  	v0 =	vld [tilespmem:s16+$0xAD40];
	v2 =	vadd.f32 v11, v2;
	[tilespmem:s15+$0x10D30] =	vst v1;
	s15 =	smov.u32 s16  }
0xb6: {  	v1 =	vld [tilespmem:s15+$0x8D10]  }
0xb7: {  	v6 =	vld [tilespmem:s15+$0x8D50];
	v2 =	vadd.f32 v5, v2  }
0xb8: {  	v5 =	vld [tilespmem:s15+$0xAD10]  }
0xb9: {  	v7 =	vadd.f32 v3, v8;
	v3 =	vld [tilespmem:s15+$0xAD50];
	[tilespmem:s15+$0x10D70] =	vst v2  }
0xba: {  	v2 =	vadd.f32 v0, v4;
	v4 =	vld [tilespmem:s15+$0x8D20]  }
0xbb: {  	v8 =	vld [tilespmem:s15+$0x8D60]  }
0xbc: {  	v9 =	vld [tilespmem:s15+$0xAD20]  }
0xbd: {  	v10 =	vadd.f32 v5, v1;
	v1 =	vld [tilespmem:s15+$0xAD60]  }
0xbe: {  	v0 =	vadd.f32 v3, v6;
	v6 =	vld [tilespmem:s15+$0x8D30]  }
0xbf: {  	v11 =	vld [tilespmem:s15+$0xAD30]  }
0xc0: {  	v12 =	vld [tilespmem:s15+$0xCD40]  }
0xc1: {  	v13 =	vld [tilespmem:s15+$0xCD00];
	v3 =	vadd.f32 v9, v4  }
0xc2: {  	v14 =	vld [tilespmem:s15+$0xCD50];
	v4 =	vadd.f32 v1, v8  }
.Ltmp1:
0xc3: {  	v8 =	vld [tilespmem:s15+$0xCD10];
	(pc) =	sbr.rel @p1 .LBB2_5-.Ltmp1, $4  }
0xc4: {  	v5 =	vld [tilespmem:s15+$0xCD60];
	v1 =	vadd.f32 v11, v6  }
0xc5: {  	v11 =	vadd.f32 v12, v7;
	v6 =	vld [tilespmem:s15+$0xCD20]  }
0xc6: {  	s16 =	sshra.s32 s17, $0x2;
	v9 =	vadd.f32 v13, v2;
	v7 =	vld [tilespmem:s15+$0xCD70]  }
0xc7: {  	s17 =	sadd.s32 $0x200, s17;
	v2 =	vld [tilespmem:s16+$0x8D70];
	[tilespmem:s15+$0x10D00] =	vst v11;
	v10 =	vadd.f32 v14, v10  }
0xc8: {  	v11 =	vld [tilespmem:s16+$0xAD70];
	[tilespmem:s15+$0x10D40] =	vst v9;
	v0 =	vadd.f32 v8, v0  }
0xc9: {  	v9 =	vld [tilespmem:s16+$0x8D00];
	[tilespmem:s15+$0x10D10] =	vst v10;
	v3 =	vadd.f32 v5, v3  }
0xca: {  	v46 =	vld [tilespmem:s16+$0xCD30];
	[tilespmem:s15+$0x10D50] =	vst v0;
	v4 =	vadd.f32 v6, v4  }
0xcb: {  	v0 =	vld [tilespmem:s16+$0x8D40];
	[tilespmem:s15+$0x10D20] =	vst v3;
	v1 =	vadd.f32 v7, v1  }
0xcc: {  	v3 =	vld [tilespmem:s16+$0xAD00];
	[tilespmem:s15+$0x10D60] =	vst v4  }
0xcd: {  	v4 =	vld [tilespmem:s16+$0xAD40];
	[tilespmem:s15+$0x10D30] =	vst v1  }
0xce: {  	v48 =	vld [tilespmem:s16+$0x8D10]  }
0xcf: {  	v49 =	vld [tilespmem:s16+$0x8D50]  }
0xd0: {  	v50 =	vld [tilespmem:s16+$0xAD10]  }
0xd1: {  	v51 =	vld [tilespmem:s16+$0xAD50]  }
0xd2: {  	v52 =	vld [tilespmem:s16+$0x8D20]  }
0xd3: {  	v53 =	vld [tilespmem:s16+$0x8D60]  }
0xd4: {  	v10 =	vld [tilespmem:s16+$0xAD20]  }
0xd5: {  	v54 =	vld [tilespmem:s16+$0xAD60]  }
0xd6: {  	v12 =	vld [tilespmem:s16+$0x8D30]  }
0xd7: {  	v13 =	vld [tilespmem:s16+$0xAD30]  }
0xd8: {  	v14 =	vld [tilespmem:s16+$0xCD40]  }
0xd9: {  	v15 =	vld [tilespmem:s16+$0xCD00]  }
0xda: {  	v47 =	vadd.f32 v11, v2;
	v16 =	vld [tilespmem:s16+$0xCD50]  }
0xdb: {  	v55 =	vld [tilespmem:s16+$0xCD10];
	v3 =	vadd.f32 v3, v9  }
0xdc: {  	v56 =	vld [tilespmem:s16+$0xCD60];
	v1 =	vadd.f32 v46, v47;
	v0 =	vadd.f32 v4, v0  }
0xdd: {  	v57 =	vld [tilespmem:s16+$0xCD20];
	v2 =	vadd.f32 v50, v48;
	v3 =	vadd.f32 v14, v3  }
0xde: {  	v58 =	vld [tilespmem:s16+$0xCD70];
	[tilespmem:s16+$0x10D70] =	vst v1;
	v5 =	vadd.f32 v51, v49;
	v0 =	vadd.f32 v15, v0  }
0xdf: {  	v1 =	vadd.f32 v10, v52;
	[tilespmem:s16+$0x10D00] =	vst v3;
	v2 =	vadd.f32 v16, v2  }
0xe0: {  	v59 =	vadd.f32 v54, v53;
	v60 =	vadd.f32 v55, v5;
	[tilespmem:s16+$0x10D40] =	vst v0  }
0xe1: {  	v61 =	vadd.f32 v13, v12;
	v1 =	vadd.f32 v56, v1;
	[tilespmem:s16+$0x10D10] =	vst v2  }
0xe2: {  	s31 =	sadd.s32 s31, s9;
	v62 =	vadd.f32 v57, v59;
	[tilespmem:s16+$0x10D50] =	vst v60  }
0xe3: {  	s15 =	sshll.u32 s31, $0xA;
	v63 =	vadd.f32 v58, v61;
	[tilespmem:s16+$0x10D20] =	vst v1  }
0xe4: {  	s15 =	sand.u32 $0x1FFFFC00, s15;
	[tilespmem:s16+$0x10D60] =	vst v62  }
0xe5: {  	s15 =	sadd.s32 s4, s15;
	[tilespmem:s16+$0x10D30] =	vst v63  }
0xe6: {  	[hbm4b:s15+s2] =	stream.linear.scatter [tilespmem:s26], [sflag:$0x4], $0x2000, $0x38;
	[tilespmem:$0x12D00] =	vst v63  }
0xe7: {  	s17 =	simm.s32 @!p0 $0x8D00;
	s16 =	simm.s32 @!p0 $0x40;
	s15 =	sadd.s32 @!p0 $0xC0, s0  }
0xe8: {  	[tilespmem:s17], [sflag:$0x2] =	stream.indirect.gather @!p0 [hbm4b:s3+s16], $0x80, s15, s16, $0xb8;
	[tilespmem:$0x12D00] =	vst v63  }
0xe9: {  	s15 =	sadd.s32 @!p0 $0xFC0, s0;
	s17 =	simm.s32 @!p0 $0xAD00  }
0xea: {  	[tilespmem:s17], [sflag:$0x2] =	stream.indirect.gather @!p0 [hbm4b:s3+s16], $0x80, s15, s16, $0xb8;
	[tilespmem:$0x12D00] =	vst v63  }
0xeb: {  	p1 =	sne.s32 @!p0 s1, $0x1E;
	s0 =	sadd.s32 @!p0 $0x1EC0, s0;
	s15 =	simm.s32 @!p0 $0xCD00  }
0xec: {  	[tilespmem:s15], [sflag:$0x2] =	stream.indirect.gather @!p0 [hbm4b:s3+s16], $0x80, s0, s16, $0xb8;
	[tilespmem:$0x12D00] =	vst v63  }
0xed: {  	p0 =	por p0, !p1  }
.Ltmp2:
0xee: {  	_ = 	snop;
	(pc) =	sbr.rel @!p0 .LBB2_2-.Ltmp2, $1  }
0xef: {  	_ =	sdelay $0x3  }
0xf0: {  	s30 =	sadd.s32 $0x1, s30  }
0xf1: {  	_ =	swait.ge [sflag:s28], $0x2000;
	p0 =	sne.s32 s30, s10  }
.Ltmp3:
0xf2: {  	[sflag:s28] =	ssyncset.done $0x0;
	(pc) =	sbr.rel @p0 .LBB2_1-.Ltmp3, $4  }
0xf3: {  	[sflag:s28] =	ssyncadd.s32 $0xFFFFE000  }
0xf4: {  	_ =	swait.ge [sflag:s29], $0x2000  }
0xf5: {  	[sflag:s29] =	ssyncset.done $0x0  }
0xf6: {  	[sflag:s29] =	ssyncadd.s32 $0xFFFFE000  }
0xf7: {  	_ =	sfence.sel $0x180000  }
0xf8: {  	[bflag:$0x0] =	sbarrier.arrive $0xFFFF  }
0xf9: {  	_ =	strace $0x9000004A  }
0xfa: {  	s0 =	stileid.u32;
	[bflag:$0x2] =	sbarrier.arrive $0xFFFF  }
0xfb: {  	p0 =	sne.s32 s0, $0x0;
	s0 =	rddreg [dreg:$0x1]  }
0xfc: {  	s0 =	sadd.s32 @!p0 $0x100000, s0  }
0xfd: {  	[sflag:s0] =	ssyncadd.tile.s32 @!p0 $0x1;
	_ =	shalt  }
.Lfunc_end2:
_tile_overlayer_lowered:
.L_overlay_start_2:
0xfe: {  	(tag) =	ssettag $0x2  }
0xff: {  	s0 =	rddreg [dreg:$0x0];
	s2 =	stileid.u32  }
0x100: {  	s1 =	rddreg [dreg:$0x1];
	p0 =	sne.s32 s2, $0x0  }
0x101: {  	s3 =	rddreg [dreg:$0x2];
	[bflag:$0x3] =	sbarrier.arrive $0xFFFF;
	s2 =	simm.s32 @!p0 $0x1C05  }
0x102: {  	[timem:s3], [sflag:s2] =	dma.local @!p0 [hbm:s0], s1  }
0x103: {  	s0 =	simm.s32 @!p0 $0x5  }
0x104: {  	_ =	swait.ge @!p0 [sflag:s0], s1  }
0x105: {  	s1 =	ssub.s32 @!p0 $0x0, s1;
	[sflag:s0] =	ssyncset.done @!p0 $0x0  }
0x106: {  	[sflag:s0] =	ssyncadd.s32 @!p0 s1  }
0x107: {  	[bflag:$0x3] =	sbarrier.arrive $0xFFFF  }
0x108: {  	_ =	shalt  }

// kernel: kernel.15.cloned.1.call-start
scs
__scs_entry_jumppad:
0x0: {  	(pc) =	sbr.rel $0x88, $3  }
0x1: {  	(tag) =	ssettag $0x0;
	lr =	simm.s32 $0x1  }
0x2: {  	[smem:$0x3F88] =	sst lr;
	_ =	strace $0xD0000000  }
0x3: {  	_ = 	snop  }
0x4: {  	_ = 	snop  }
0x5: {  	_ = 	snop  }
0x6: {  	_ = 	snop  }
0x7: {  	_ = 	snop  }
__scs_overlays_trampoline_lowered:
0x8: {  	[smem:$0x3F97] =	sst s0  }
0x9: {  	[smem:$0x3F98] =	sst s1  }
0xa: {  	[smem:$0x3F99] =	sst s2  }
0xb: {  	[smem:$0x3F9A] =	sst s3  }
0xc: {  	[smem:$0x3F9B] =	sst s4  }
0xd: {  	[smem:$0x3F9C] =	sst s5  }
0xe: {  	[smem:$0x3F9D] =	sst s6  }
0xf: {  	[smem:$0x3F9E] =	sst s7  }
0x10: {  	[smem:$0x3F9F] =	sst s8  }
0x11: {  	[smem:$0x3FA0] =	sst s9;
	s0 =	simm.s32 @!p0 $0x0  }
0x12: {  	s1 =	sld [smem:$0x3F86];
	s0 =	simm.s32 @p0 $0x1  }
0x13: {  	[smem:$0x3FA1] =	sst s0;
	s0 =	simm.s32 @!p1 $0x0  }
0x14: {  	s2 =	sld [smem:$0x3F85];
	s0 =	simm.s32 @p1 $0x1  }
0x15: {  	[smem:$0x3FA2] =	sst s0;
	s0 =	simm.s32 @!p2 $0x0  }
0x16: {  	s3 =	sld [smem:$0x3FDB];
	s0 =	simm.s32 @p2 $0x1  }
0x17: {  	s4 =	simm.s32 $0x1BF5;
	[smem:$0x3FA4] =	sst s0  }
0x18: {  	s0 =	sld [smem:$0x3F87];
	_ =	swait.ge [sflag:s4], $0x0  }
0x19: {  	s7 =	sld [smem:$0x3F88]  }
0x1a: {  	s8 =	sadd.s32 $0xFFFFE003, lr  }
0x1b: {  	s9 =	sadd.s32 $0xFFFFFEF7, lr;
	s5 =	simm.s32 $0xFFFFFFFF;
	p2 =	slt.u32 s8, $0xFFFFF086  }
0x1c: {  	p1 =	slt.u32 s9, $0xF7A;
	s5 =	simm.s32 @!p2 $0x0  }
0x1d: {  	s5 =	simm.s32 @p1 $0x1;
	p0 =	seq.s32 s7, s2  }
0x1e: {  	s7 =	smul.u32 @!p0 $0xF7A, s2;
	p2 =	seq.s32 @!p0 s5, $0x0  }
0x1f: {  	s9 =	smul.u32 $0xF7A, s1;
	s8 =	simm.s32 @!p0 $0x1BF5;
	p2 =	por !p2, p0  }
0x20: {  	[sflag:s8] =	ssyncset.s32 @!p0 $0xFFFFF086;
	s6 =	sadd.s32 @!p0 s3, s7;
	s7 =	simm.s32 @!p0 $0x108  }
0x21: {  	s3 =	sadd.s32 s3, s9;
	s6 =	sadd.s32 @!p0 $0x88, s6;
	s7 =	simm.s32 @p2 $0x1082  }
0x22: {  	[simem:s7], [sflag:s8] =	dma.local @!p0 [hbm:s6], $0xF7A  }
0x23: {  	s9 =	sor.u32 $0xD0000000, s2;
	s6 =	simm.s32 $0x108;
	_ =	swait.ge @!p0 [sflag:s8], $0x0  }
0x24: {  	s3 =	sadd.s32 $0x88, s3;
	s6 =	simm.s32 @!p1 $0x1082;
	[sflag:s4] =	ssyncset.s32 $0xFFFFF086  }
0x25: {  	[simem:s6], [sflag:s4] =	dma.local [hbm:s3], $0xF7A  }
0x26: {  	[smem:$0x3F88] =	sst s1;
	(tag) =	ssettag s2;
	_ =	strace s9  }
0x27: {  	s1 =	sld [smem:$0x3F98]  }
0x28: {  	s2 =	sld [smem:$0x3F99]  }
0x29: {  	s4 =	sld [smem:$0x3F9B]  }
0x2a: {  	p0 =	seq.s32 s5, $0x0;
	s5 =	sld [smem:$0x3F9C]  }
0x2b: {  	s6 =	sld [smem:$0x3F9D]  }
0x2c: {  	s7 =	sld [smem:$0x3F9E]  }
0x2d: {  	s3 =	simm.s32 $0x108;
	s8 =	sld [smem:$0x3F9F]  }
0x2e: {  	s3 =	simm.s32 @!p0 $0x1082;
	s9 =	sld [smem:$0x3FA0]  }
0x2f: {  	lr =	sadd.s32 s0, s3;
	s0 =	sld [smem:$0x3F97]  }
0x30: {  	s3 =	sld [smem:$0x3F9A]  }
0x31: {  	[smem:$0x3FA3] =	sst s10  }
0x32: {  	s10 =	sld [smem:$0x3FA1];
	_ =	sdelay $0x3  }
0x33: {  	p0 =	seq.s32 s10, $0x1;
	s10 =	sld [smem:$0x3FA3];
	_ =	sdelay $0x3  }
0x34: {  	[smem:$0x3FA3] =	sst s10  }
0x35: {  	s10 =	sld [smem:$0x3FA2];
	_ =	sdelay $0x3  }
0x36: {  	p1 =	seq.s32 s10, $0x1;
	s10 =	sld [smem:$0x3FA3];
	_ =	sdelay $0x3  }
0x37: {  	[smem:$0x3FA3] =	sst s10  }
0x38: {  	s10 =	sld [smem:$0x3FA4]  }
0x39: {  	_ = 	snop;
	(pc) =	sbr.ind lr, $3  }
0x3a: {  	_ = 	snop  }
0x3b: {  	_ = 	snop  }
0x3c: {  	p2 =	seq.s32 s10, $0x1;
	s10 =	sld [smem:$0x3FA3]  }
0x3d: {  	_ =	shalt  }
0x3e: {  	_ =	shalt  }
0x3f: {  	_ =	shalt  }
0x40: {  	_ =	shalt  }
0x41: {  	_ =	shalt  }
0x42: {  	_ =	shalt  }
0x43: {  	_ =	shalt  }
0x44: {  	_ =	shalt  }
0x45: {  	_ =	shalt  }
0x46: {  	_ =	shalt  }
0x47: {  	_ =	shalt  }
0x48: {  	_ =	shalt  }
0x49: {  	_ =	shalt  }
0x4a: {  	_ =	shalt  }
0x4b: {  	_ =	shalt  }
0x4c: {  	_ =	shalt  }
0x4d: {  	_ =	shalt  }
0x4e: {  	_ =	shalt  }
0x4f: {  	_ =	shalt  }
0x50: {  	_ =	shalt  }
0x51: {  	_ =	shalt  }
0x52: {  	_ =	shalt  }
0x53: {  	_ =	shalt  }
0x54: {  	_ =	shalt  }
0x55: {  	_ =	shalt  }
0x56: {  	_ =	shalt  }
0x57: {  	_ =	shalt  }
0x58: {  	_ =	shalt  }
0x59: {  	_ =	shalt  }
0x5a: {  	_ =	shalt  }
0x5b: {  	_ =	shalt  }
0x5c: {  	_ =	shalt  }
0x5d: {  	_ =	shalt  }
0x5e: {  	_ =	shalt  }
0x5f: {  	_ =	shalt  }
0x60: {  	_ =	shalt  }
0x61: {  	_ =	shalt  }
0x62: {  	_ =	shalt  }
0x63: {  	_ =	shalt  }
0x64: {  	_ =	shalt  }
0x65: {  	_ =	shalt  }
0x66: {  	_ =	shalt  }
0x67: {  	_ =	shalt  }
0x68: {  	_ =	shalt  }
0x69: {  	_ =	shalt  }
0x6a: {  	_ =	shalt  }
0x6b: {  	_ =	shalt  }
0x6c: {  	_ =	shalt  }
0x6d: {  	_ =	shalt  }
0x6e: {  	_ =	shalt  }
0x6f: {  	_ =	shalt  }
0x70: {  	_ =	shalt  }
0x71: {  	_ =	shalt  }
0x72: {  	_ =	shalt  }
0x73: {  	_ =	shalt  }
0x74: {  	_ =	shalt  }
0x75: {  	_ =	shalt  }
0x76: {  	_ =	shalt  }
0x77: {  	_ =	shalt  }
0x78: {  	_ =	shalt  }
0x79: {  	_ =	shalt  }
0x7a: {  	_ =	shalt  }
0x7b: {  	_ =	shalt  }
0x7c: {  	_ =	shalt  }
0x7d: {  	_ =	shalt  }
0x7e: {  	_ =	shalt  }
0x7f: {  	_ =	shalt  }
0x80: {  	_ =	shalt  }
0x81: {  	_ =	shalt  }
0x82: {  	_ =	shalt  }
0x83: {  	_ =	shalt  }
0x84: {  	_ =	shalt  }
0x85: {  	_ =	shalt  }
0x86: {  	_ =	shalt  }
0x87: {  	_ =	shalt  }
.Lfunc_end0:
.L_simem_size_0:
called_computation.2_lowered:
.L_overlay_start_0:
0x88: {  	s2 =	sld [smem:$0x3FD9]  }
0x89: {  	s3 =	sld [smem:$0x3FFE];
	_ =	sdelay $0x1  }
0x8a: {  	s1 =	srdreg.scid  }
0x8b: {  	s0 =	sand.u32 $0x1, s1  }
0x8c: {  	s17 =	sshll.u32 s0, $0xA;
	s2 =	sadd.s32 s3, s2  }
0x8d: {  	s2 =	sadd.s32 s2, s17  }
0x8e: {  	[smem:$0x3FAF] =	sst s2  }
0x8f: {  	_ = 	snop  }
0x90: {  	(tm) =	ssettm $0x1  }
0x91: {  	s18 =	sld [smem:$0x3FFB];
	_ =	sdelay $0x3  }
0x92: {  	_ =	strace s18  }
0x93: {  	s2 =	sld [smem:$0x3FFC];
	_ =	sdelay $0x3  }
0x94: {  	_ =	strace s2  }
0x95: {  	s2 =	sld [smem:$0x3FFD];
	_ =	sdelay $0x3  }
0x96: {  	_ =	strace s2  }
0x97: {  	_ =	strace $0x8FFFFFFF  }
0x98: {  	s19 =	sld [smem:$0x3FDB];
	_ =	sdelay $0x1  }
0x99: {  	s20 =	simm.s32 $_scs_section_size  }
0x9a: {  	s4 =	simm.s32 $_size__tile_overlayer_lowered;
	s5 =	simm.s32 $_tile_overlayer_lowered  }
0x9b: {  	s6 =	simm.s32 $0x1BFF;
	s21 =	sshll.u32 s5, $0x1;
	s3 =	sadd.s32 s20, s19  }
0x9c: {  	s22 =	simm.s32 $0x0;
	s4 =	sshll.u32 s4, $0x1;
	s5 =	sadd.s32 s21, s3  }
0x9d: {  	[timem:s22], [sflag:s6] =	dma.local [hbm:s5], s4  }
0x9e: {  	_ =	swait.ge [sflag:s6], s4  }
0x9f: {  	s4 =	ssub.s32 $0x0, s4;
	[sflag:s6] =	ssyncset.done $0x0  }
0xa0: {  	[sflag:s6] =	ssyncadd.s32 s4;
	_ =	sdelay $0x1  }
0xa1: {  	s23 =	simm.s32 $0x1B8B  }
0xa2: {  	_ =	swait.ge [sflag:s23], $0x1  }
0xa3: {  	[sflag:s23] =	ssyncset.done $0x0  }
0xa4: {  	[sflag:s23] =	ssyncadd.s32 $0xFFFFFFFF  }
0xa5: {  	s4 =	sld [smem:$0x0]  }
0xa6: {  	s5 =	sand.u32 $0xFFFFFFFE, s1  }
0xa7: {  	p0 =	sne.s32 s1, s5  }
0xa8: {  	s5 =	sshll.u32 @p0 s5, $0xE  }
0xa9: {  	s5 =	sadd.s32 @p0 $0x11B8D, s5;
	s6 =	sshll.u32 @p0 s4, $0x11  }
0xaa: {  	s5 =	sor.u32 @p0 s6, s5  }
0xab: {  	[sflag:s5] =	ssyncadd.remote.s32 @p0 $0x1;
	_ =	sdelay $0x1  }
0xac: {  	s5 =	simm.s32 @p0 $0x1B8D  }
0xad: {  	_ =	swait.eq @p0 [sflag:s5], $0x1  }
0xae: {  	[sflag:s5] =	ssyncadd.s32 @p0 $0xFFFFFFFF  }
0xaf: {  	s6 =	sshll.u32 @!p0 s1, $0xE  }
0xb0: {  	s6 =	sor.u32 @!p0 $0x4000, s6;
	s5 =	simm.s32 @!p0 $0x1B8D  }
0xb1: {  	s4 =	sshll.u32 @!p0 s4, $0x11;
	s6 =	sadd.s32 @!p0 $0x11B8D, s6;
	_ =	swait.eq @!p0 [sflag:s5], $0x1  }
0xb2: {  	s4 =	sor.u32 @!p0 s4, s6;
	[sflag:s5] =	ssyncadd.s32 @!p0 $0xFFFFFFFF  }
0xb3: {  	s25 =	simm.s32 $0x1B8E;
	s24 =	sld [smem:$0x3FFE];
	[sflag:s4] =	ssyncadd.remote.s32 @!p0 $0x1  }
0xb4: {  	s26 =	simm.s32 $execute0_lowered;
	[smem:$0x3FD2] =	sst s25  }
0xb5: {  	s5 =	sshll.u32 s26, $0x1;
	_ =	strace $0x8000004C;
	[dreg:$0x1] =	wrdreg $0xFFFFFFFF  }
0xb6: {  	s28 =	simm.s32 $_size_execute0_lowered;
	s3 =	sadd.s32 s3, s5;
	[dreg:$0x0] =	wrdreg $0x0  }
0xb7: {  	s5 =	sshll.u32 s28, $0x1;
	[dreg:$0x2] =	wrdreg s3  }
0xb8: {  	[dreg:$0x3] =	wrdreg s5  }
0xb9: {  	[dreg:$0x4] =	wrdreg $0xC0  }
0xba: {  	_ =	task [dreg:s22], $0x5FFFF  }
0xbb: {  	[dreg:$0x1] =	wrdreg $0xFFFFFFFF  }
0xbc: {  	[dreg:$0x0] =	wrdreg $0x60  }
0xbd: {  	[dreg:$0x2] =	wrdreg s24  }
0xbe: {  	[dreg:$0x3] =	wrdreg $0xB  }
0xbf: {  	_ =	task.clear_ibuf [dreg:s22], $0x4FFFF;
	_ =	strace $0x9000004C  }
0xc0: {  	s29 =	simm.s32 $0xB;
	_ =	strace $0x8000004E  }
0xc1: {  	_ =	swait.ge [sflag:s29], $0x1  }
0xc2: {  	[sflag:s29] =	ssyncadd.s32 $0xFFFFFFFF  }
0xc3: {  	_ =	strace $0x9000004E  }
0xc4: {  	_ =	sfence  }
0xc5: {  	s30 =	sld [smem:$0x0];
	_ =	sdelay $0x2  }
0xc6: {  	s31 =	sshll.u32 s1, $0xD;
	s1 =	sshrl.u32 s1, $0x2  }
0xc7: {  	s4 =	sand.u32 $0x4000, s31;
	s1 =	sadd.s32 s1, s30  }
0xc8: {  	s0 =	sor.u32 s4, s0;
	s1 =	sshll.u32 s1, $0x11  }
0xc9: {  	s0 =	sor.u32 s1, s0  }
0xca: {  	s0 =	sadd.s32 $0x8F2B, s0  }
0xcb: {  	[sflag:s0] =	ssyncadd.remote.s32 $0x1  }
0xcc: {  	_ =	sfence.sel $0xFFFF  }
0xcd: {  	[dreg:$0x0] =	wrdreg $0xFFFFFFFF;
	(pc) =	sbr.abs _section_cstart, $3  }
0xce: {  	[dreg:$0x1] =	wrdreg $0xFFFFFFFF  }
0xcf: {  	_ =	task.clear_ibuf [dreg:s22], $0x2FFFF;
	_ =	strace $0x9FFFFFFF  }
0xd0: {  	(tm) =	ssettm $0x7FFFFFFF  }
0xd1: {  	_ =	shalt  }
tec
execute0_lowered:
.L_overlay_start_1:
0x0: {  	(tag) =	ssettag $0x1  }
0x1: {  	s0 =	srdreg.scid  }
0x2: {  	s2 =	stileid.u32;
	s4 =	rddreg [dreg:$0x0]  }
0x3: {  	s12 =	simm.s32 $0x5;
	s13 =	simm.s32 $0x1280;
	s0 =	sand.u32 $0x1, s0  }
0x4: {  	s14 =	simm.s32 $0x2500;
	s15 =	simm.s32 $0x3780;
	s1 =	sxor.u32 $0x1, s0  }
0x5: {  	s16 =	simm.s32 $0x40;
	s1 =	smul.u32 s2, s1;
	s2 =	sor.u32 $0x10, s2  }
0x6: {  	s25 =	simm.s32 $0x10A00;
	s26 =	simm.s32 $0x37C0;
	s2 =	smul.u32 s0, s2  }
0x7: {  	s28 =	simm.s32 $0x12A00;
	s29 =	simm.s32 $0x1;
	s30 =	simm.s32 $0x14A00  }
0x8: {  	s31 =	simm.s32 $0x2;
	s0 =	ssub.s32 $0x2, s0;
	s1 =	sadd.s32 s2, s1  }
0x9: {  	s17 =	simm.s32 $0x4;
	s6 =	sshrl.u32 s0, $0x1;
	s3 =	smul.u32 $0x1280, s1  }
0xa: {  	s18 =	simm.s32 $0x0;
	s2 =	simm.s32 $0x0;
	s0 =	ssub.s32 s0, s6  }
0xb: {  	[smem:$0x7FF] =	sst s2;
	s11 =	smax.u32 s0, $0x1;
	s5 =	sshrl.u32 s3, $0x3  }
0xc: {  	_ =	strace $0x8000004D;
	s3 =	sadd.s32 $0xBA00, s4;
	s9 =	sadd.s32 s5, s4  }
0xd: {  	s4 =	sadd.s32 $0x76B000, s4;
	s5 =	smul.u32 $0x4A, s1;
	s1 =	simm.s32 $0x16A00  }
0xe: {  	s0 =	simm.s32 $0x3;
	s6 =	sadd.s32 $0x757E00, s9;
	s7 =	sadd.s32 $0x75CA50, s9  }
0xf: {  	s8 =	sadd.s32 $0x7616A0, s9;
	s9 =	sadd.s32 $0x7662F0, s9;
	s10 =	sor.u32 $0x1, s5  }
.LBB2_1:
0x10: {  	[tilespmem:s2], [sflag:$0x5] =	stream.linear.gather [hbm4b:s6+s2], $0x1280, $0x38;
	[tilespmem:$0x18A00] =	vst v63  }
0x11: {  	_ =	swait.ge [sflag:s12], $0x1280  }
0x12: {  	[sflag:s12] =	ssyncset.done $0x0  }
0x13: {  	[sflag:s12] =	ssyncadd.s32 $0xFFFFED80  }
0x14: {  	[tilespmem:s13], [sflag:$0x5] =	stream.linear.gather [hbm4b:s7+s2], $0x1280, $0x38;
	[tilespmem:$0x18A00] =	vst v63  }
0x15: {  	_ =	swait.ge [sflag:s12], $0x1280  }
0x16: {  	[sflag:s12] =	ssyncset.done $0x0  }
0x17: {  	[sflag:s12] =	ssyncadd.s32 $0xFFFFED80  }
0x18: {  	[tilespmem:s14], [sflag:$0x5] =	stream.linear.gather [hbm4b:s8+s2], $0x1280, $0x38;
	[tilespmem:$0x18A00] =	vst v63  }
0x19: {  	_ =	swait.ge [sflag:s12], $0x1280  }
0x1a: {  	[sflag:s12] =	ssyncset.done $0x0  }
0x1b: {  	[sflag:s12] =	ssyncadd.s32 $0xFFFFED80  }
0x1c: {  	[tilespmem:s15], [sflag:$0x5] =	stream.linear.gather [hbm4b:s9+s2], $0x1280, $0x38;
	[tilespmem:$0x18A00] =	vst v63  }
0x1d: {  	_ =	swait.ge [sflag:s12], $0x1280  }
0x1e: {  	[sflag:s12] =	ssyncset.done $0x0  }
0x1f: {  	s19 =	simm.s32 $0x4A00;
	[sflag:s12] =	ssyncadd.s32 $0xFFFFED80  }
0x20: {  	[tilespmem:s19], [sflag:$0x1] =	stream.indirect.gather [hbm4b:s3+s16], $0x80, s2, s16, $0xb8;
	[tilespmem:$0x18A00] =	vst v63  }
0x21: {  	s24 =	simm.s32 $0x6A00  }
0x22: {  	[tilespmem:s24], [sflag:$0x1] =	stream.indirect.gather [hbm4b:s3+s16], $0x80, s13, s16, $0xb8;
	[tilespmem:$0x18A00] =	vst v63  }
0x23: {  	s20 =	simm.s32 $0x8A00  }
0x24: {  	[tilespmem:s20], [sflag:$0x1] =	stream.indirect.gather [hbm4b:s3+s16], $0x80, s14, s16, $0xb8;
	[tilespmem:$0x18A00] =	vst v63  }
0x25: {  	s21 =	simm.s32 $0xAA00  }
0x26: {  	[tilespmem:s21], [sflag:$0x1] =	stream.indirect.gather [hbm4b:s3+s16], $0x80, s15, s16, $0xb8;
	[tilespmem:$0x18A00] =	vst v63  }
0x27: {  	s22 =	simm.s32 $0xCA00  }
0x28: {  	[tilespmem:s22], [sflag:$0x2] =	stream.indirect.gather [hbm4b:s3+s16], $0x80, s16, s16, $0xb8;
	[tilespmem:$0x18A00] =	vst v63  }
0x29: {  	s23 =	simm.s32 $0x12C0;
	s20 =	simm.s32 $0xEA00  }
0x2a: {  	[tilespmem:s20], [sflag:$0x2] =	stream.indirect.gather [hbm4b:s3+s16], $0x80, s23, s16, $0xb8;
	[tilespmem:$0x18A00] =	vst v63  }
0x2b: {  	s24 =	simm.s32 $0x2540  }
0x2c: {  	[tilespmem:s25], [sflag:$0x2] =	stream.indirect.gather [hbm4b:s3+s16], $0x80, s24, s16, $0xb8;
	[tilespmem:$0x18A00] =	vst v63  }
0x2d: {  	s20 =	simm.s32 $0x0  }
0x2e: {  	[tilespmem:s28], [sflag:$0x2] =	stream.indirect.gather [hbm4b:s3+s16], $0x80, s26, s16, $0xb8;
	[tilespmem:$0x18A00] =	vst v63  }
.LBB2_2:
0x2f: {  	_ =	swait.ge [sflag:s29], $0x2000  }
0x30: {  	[sflag:s29] =	ssyncset.done $0x0  }
0x31: {  	[sflag:s29] =	ssyncadd.s32 $0xFFFFE000  }
0x32: {  	_ =	swait.ge [sflag:s29], $0x2000  }
0x33: {  	[sflag:s29] =	ssyncset.done $0x0  }
0x34: {  	[sflag:s29] =	ssyncadd.s32 $0xFFFFE000  }
0x35: {  	_ =	swait.ge [sflag:s29], $0x2000  }
0x36: {  	[sflag:s29] =	ssyncset.done $0x0  }
0x37: {  	[sflag:s29] =	ssyncadd.s32 $0xFFFFE000  }
0x38: {  	_ =	swait.ge [sflag:s29], $0x2000  }
0x39: {  	p1 =	seq.s32 s20, $0x0;
	[sflag:s29] =	ssyncset.done $0x0  }
0x3a: {  	s19 =	simm.s32 @!p1 $0x3;
	[sflag:s29] =	ssyncadd.s32 $0xFFFFE000  }
0x3b: {  	_ =	swait.ge @!p1 [sflag:s19], $0x2000  }
0x3c: {  	[sflag:s19] =	ssyncset.done @!p1 $0x0  }
0x3d: {  	s21 =	simm.s32 $0x0;
	[sflag:s19] =	ssyncadd.s32 @!p1 $0xFFFFE000  }
0x3e: {  	v0 =	vld [tilespmem:s21+$0x4A70]  }
0x3f: {  	v1 =	vld [tilespmem:s21+$0x6A70]  }
0x40: {  	v2 =	vld [tilespmem:s21+$0x4A00]  }
0x41: {  	v3 =	vld [tilespmem:s21+$0x8A30]  }
0x42: {  	v4 =	vld [tilespmem:s21+$0x4A40]  }
0x43: {  	v5 =	vld [tilespmem:s21+$0xAA30]  }
0x44: {  	v6 =	vld [tilespmem:s21+$0x6A00]  }
0x45: {  	v7 =	vld [tilespmem:s21+$0x4A10]  }
0x46: {  	v8 =	vld [tilespmem:s21+$0x6A10]  }
0x47: {  	v9 =	vld [tilespmem:s21+$0x4A20]  }
0x48: {  	v10 =	vld [tilespmem:s21+$0x6A20]  }
0x49: {  	v11 =	vld [tilespmem:s21+$0x6A60]  }
0x4a: {  	v12 =	vld [tilespmem:s21+$0x4A30]  }
0x4b: {  	v13 =	vld [tilespmem:s21+$0x6A30]  }
0x4c: {  	v14 =	vld [tilespmem:s21+$0x8A40]  }
0x4d: {  	v15 =	vld [tilespmem:s21+$0x8A00]  }
0x4e: {  	v16 =	vld [tilespmem:s21+$0x8A50]  }
0x4f: {  	v17 =	vld [tilespmem:s21+$0x8A10];
	v0 =	vadd.f32 v1, v0  }
0x50: {  	v18 =	vld [tilespmem:s21+$0x8A60]  }
0x51: {  	v19 =	vld [tilespmem:s21+$0x8A20];
	v0 =	vadd.f32 v3, v0  }
0x52: {  	v1 =	vld [tilespmem:s21+$0x6A40]  }
0x53: {  	v3 =	vld [tilespmem:s21+$0x4A50];
	v0 =	vadd.f32 v5, v0  }
0x54: {  	v5 =	vld [tilespmem:s21+$0x6A50]  }
0x55: {  	[tilespmem:s21+$0x14A70] =	vst v0;
	v0 =	vld [tilespmem:s21+$0x4A60]  }
0x56: {  	v20 =	vld [tilespmem:s21+$0x8A70];
	v2 =	vadd.f32 v6, v2;
	v6 =	vadd.f32 v8, v7  }
0x57: {  	v21 =	vld [tilespmem:s21+$0xAA40];
	v8 =	vadd.f32 v10, v9;
	v1 =	vadd.f32 v1, v4  }
0x58: {  	v22 =	vld [tilespmem:s21+$0xAA00];
	v9 =	vadd.f32 v13, v12;
	v63 =	vadd.f32 v16, v6  }
0x59: {  	v10 =	vld [tilespmem:s21+$0xAA50];
	v62 =	vadd.f32 v15, v1;
	v3 =	vadd.f32 v5, v3  }
0x5a: {  	v7 =	vld [tilespmem:s21+$0xAA10];
	v0 =	vadd.f32 v11, v0;
	v11 =	vadd.f32 v14, v2  }
0x5b: {  	v4 =	vld [tilespmem:s21+$0xAA60];
	v6 =	vadd.f32 v17, v3;
	v2 =	vadd.f32 v18, v8  }
0x5c: {  	v5 =	vld [tilespmem:s21+$0xAA20];
	v11 =	vadd.f32 v21, v11;
	v3 =	vadd.f32 v19, v0  }
0x5d: {  	s22 =	simm.s32 $0x80;
	v8 =	vld [tilespmem:s21+$0xAA70];
	v0 =	vadd.f32 v20, v9;
	v9 =	vadd.f32 v22, v62  }
0x5e: {  	s23 =	simm.s32 $0x400;
	s19 =	sshll.u32 s20, $0x1;
	v10 =	vadd.f32 v10, v63;
	v1 =	vld [tilespmem:s22+$0x4A70];
	[tilespmem:s21+$0x14A00] =	vst v11  }
.LBB2_3:
0x5f: {  	p0 =	sne.s32 s23, $0x7E00;
	v11 =	vld [tilespmem:s22+$0x6A70];
	[tilespmem:s21+$0x14A40] =	vst v9;
	v6 =	vadd.f32 v7, v6  }
0x60: {  	v7 =	vld [tilespmem:s22+$0x4A00];
	[tilespmem:s21+$0x14A10] =	vst v10;
	v2 =	vadd.f32 v4, v2  }
0x61: {  	v4 =	vld [tilespmem:s22+$0x8A30];
	[tilespmem:s21+$0x14A50] =	vst v6;
	v3 =	vadd.f32 v5, v3  }
0x62: {  	v5 =	vld [tilespmem:s22+$0x4A40];
	[tilespmem:s21+$0x14A20] =	vst v2;
	v0 =	vadd.f32 v8, v0  }
0x63: {  	v2 =	vld [tilespmem:s22+$0xAA30];
	[tilespmem:s21+$0x14A60] =	vst v3  }
0x64: {  	v3 =	vld [tilespmem:s22+$0x6A00];
	v1 =	vadd.f32 v11, v1;
	[tilespmem:s21+$0x14A30] =	vst v0;
	s21 =	smov.u32 s22  }
0x65: {  	v0 =	vld [tilespmem:s21+$0x6A40]  }
0x66: {  	v6 =	vld [tilespmem:s21+$0x4A10];
	v1 =	vadd.f32 v4, v1  }
0x67: {  	v4 =	vld [tilespmem:s21+$0x4A50]  }
0x68: {  	v8 =	vld [tilespmem:s21+$0x6A10];
	v1 =	vadd.f32 v2, v1  }
0x69: {  	v2 =	vadd.f32 v3, v7;
	v3 =	vld [tilespmem:s21+$0x6A50]  }
0x6a: {  	v0 =	vadd.f32 v0, v5;
	v5 =	vld [tilespmem:s21+$0x4A20];
	[tilespmem:s21+$0x14A70] =	vst v1  }
0x6b: {  	v1 =	vld [tilespmem:s21+$0x4A60]  }
0x6c: {  	v7 =	vld [tilespmem:s21+$0x6A20]  }
0x6d: {  	v6 =	vadd.f32 v8, v6;
	v8 =	vld [tilespmem:s21+$0x6A60]  }
0x6e: {  	v3 =	vadd.f32 v3, v4;
	v4 =	vld [tilespmem:s21+$0x4A30]  }
0x6f: {  	v9 =	vld [tilespmem:s21+$0x6A30]  }
0x70: {  	v10 =	vld [tilespmem:s21+$0x8A40]  }
0x71: {  	v11 =	vld [tilespmem:s21+$0x8A00];
	v5 =	vadd.f32 v7, v5  }
0x72: {  	v7 =	vld [tilespmem:s21+$0x8A50];
	v1 =	vadd.f32 v8, v1  }
0x73: {  	v8 =	vld [tilespmem:s21+$0x8A10]  }
0x74: {  	v12 =	vld [tilespmem:s21+$0x8A60];
	v9 =	vadd.f32 v9, v4  }
0x75: {  	v10 =	vadd.f32 v10, v2;
	v4 =	vld [tilespmem:s21+$0x8A20]  }
0x76: {  	v11 =	vadd.f32 v11, v0;
	v0 =	vld [tilespmem:s21+$0x8A70]  }
0x77: {  	v13 =	vld [tilespmem:s21+$0xAA40];
	v14 =	vadd.f32 v7, v6  }
0x78: {  	v15 =	vld [tilespmem:s21+$0xAA00];
	v6 =	vadd.f32 v8, v3  }
0x79: {  	v16 =	vld [tilespmem:s21+$0xAA50];
	v2 =	vadd.f32 v12, v5  }
.Ltmp0:
0x7a: {  	v7 =	vld [tilespmem:s21+$0xAA10];
	v3 =	vadd.f32 v4, v1;
	(pc) =	sbr.rel @p0 .LBB2_3-.Ltmp0, $4  }
0x7b: {  	v4 =	vld [tilespmem:s21+$0xAA60];
	v0 =	vadd.f32 v0, v9  }
0x7c: {  	v10 =	vadd.f32 v13, v10;
	v5 =	vld [tilespmem:s21+$0xAA20]  }
0x7d: {  	s22 =	sshra.s32 s23, $0x2;
	v9 =	vadd.f32 v15, v11;
	v8 =	vld [tilespmem:s21+$0xAA70]  }
0x7e: {  	s23 =	sadd.s32 $0x200, s23;
	v1 =	vld [tilespmem:s22+$0x4A70];
	[tilespmem:s21+$0x14A00] =	vst v10;
	v10 =	vadd.f32 v16, v14  }
0x7f: {  	v11 =	vld [tilespmem:s22+$0x6A70];
	[tilespmem:s21+$0x14A40] =	vst v9;
	v6 =	vadd.f32 v7, v6  }
0x80: {  	v9 =	vld [tilespmem:s22+$0x4A00];
	[tilespmem:s21+$0x14A10] =	vst v10;
	v2 =	vadd.f32 v4, v2  }
0x81: {  	v7 =	vld [tilespmem:s22+$0x8A30];
	[tilespmem:s21+$0x14A50] =	vst v6;
	v3 =	vadd.f32 v5, v3  }
0x82: {  	v4 =	vld [tilespmem:s22+$0x4A40];
	[tilespmem:s21+$0x14A20] =	vst v2;
	v0 =	vadd.f32 v8, v0  }
0x83: {  	v2 =	vld [tilespmem:s22+$0xAA30];
	[tilespmem:s21+$0x14A60] =	vst v3  }
0x84: {  	v3 =	vld [tilespmem:s22+$0x6A00];
	[tilespmem:s21+$0x14A30] =	vst v0  }
0x85: {  	v0 =	vadd.f32 v11, v1;
	v1 =	vld [tilespmem:s22+$0x6A40]  }
0x86: {  	v5 =	vld [tilespmem:s22+$0x4A10]  }
0x87: {  	v6 =	vld [tilespmem:s22+$0x4A50]  }
0x88: {  	v8 =	vld [tilespmem:s22+$0x4A20]  }
0x89: {  	v10 =	vld [tilespmem:s22+$0x6A20]  }
0x8a: {  	v11 =	vld [tilespmem:s22+$0x6A60]  }
0x8b: {  	v12 =	vld [tilespmem:s22+$0x4A30]  }
0x8c: {  	v13 =	vld [tilespmem:s22+$0x6A30]  }
0x8d: {  	v14 =	vld [tilespmem:s22+$0x8A40]  }
0x8e: {  	v15 =	vld [tilespmem:s22+$0x8A00]  }
0x8f: {  	v16 =	vld [tilespmem:s22+$0x8A50]  }
0x90: {  	v17 =	vld [tilespmem:s22+$0x8A10]  }
0x91: {  	v18 =	vld [tilespmem:s22+$0x8A60]  }
0x92: {  	v19 =	vld [tilespmem:s22+$0x8A20]  }
0x93: {  	v0 =	vadd.f32 v7, v0;
	v7 =	vld [tilespmem:s22+$0x6A10]  }
0x94: {  	v20 =	vld [tilespmem:s22+$0x8A70]  }
0x95: {  	v0 =	vadd.f32 v2, v0;
	v2 =	vld [tilespmem:s22+$0x6A50]  }
0x96: {  	v3 =	vadd.f32 v3, v9;
	v9 =	vld [tilespmem:s22+$0xAA40]  }
0x97: {  	[tilespmem:s22+$0x14A70] =	vst v0;
	v0 =	vld [tilespmem:s22+$0x4A60];
	v1 =	vadd.f32 v1, v4  }
0x98: {  	v4 =	vadd.f32 v7, v5;
	v5 =	vld [tilespmem:s22+$0xAA00]  }
0x99: {  	v7 =	vld [tilespmem:s22+$0xAA50];
	v3 =	vadd.f32 v14, v3;
	v1 =	vadd.f32 v15, v1  }
0x9a: {  	v2 =	vadd.f32 v2, v6;
	v6 =	vadd.f32 v10, v8;
	v8 =	vld [tilespmem:s22+$0xAA10]  }
0x9b: {  	v10 =	vadd.f32 v13, v12;
	v3 =	vadd.f32 v9, v3;
	v9 =	vld [tilespmem:s22+$0xAA20]  }
0x9c: {  	v4 =	vadd.f32 v16, v4;
	v0 =	vadd.f32 v11, v0;
	v11 =	vld [tilespmem:s22+$0xAA60]  }
0x9d: {  	v2 =	vadd.f32 v17, v2;
	v1 =	vadd.f32 v5, v1;
	v5 =	vld [tilespmem:s22+$0xAA70]  }
0x9e: {  	[tilespmem:s22+$0x14A00] =	vst v3;
	v3 =	vadd.f32 v7, v4;
	v0 =	vadd.f32 v19, v0  }
0x9f: {  	v6 =	vadd.f32 v18, v6;
	[tilespmem:s22+$0x14A40] =	vst v1;
	v1 =	vadd.f32 v8, v2  }
0xa0: {  	v2 =	vadd.f32 v20, v10;
	[tilespmem:s22+$0x14A10] =	vst v3;
	v0 =	vadd.f32 v9, v0  }
0xa1: {  	v3 =	vadd.f32 v11, v6;
	[tilespmem:s22+$0x14A50] =	vst v1  }
0xa2: {  	s24 =	sadd.s32 s5, s19;
	v1 =	vadd.f32 v5, v2;
	[tilespmem:s22+$0x14A60] =	vst v0  }
0xa3: {  	s21 =	sshll.u32 s24, $0xA;
	[tilespmem:s22+$0x14A20] =	vst v3  }
0xa4: {  	p0 =	seq.s32 s20, $0x24;
	s21 =	sadd.s32 s4, s21;
	[tilespmem:s22+$0x14A30] =	vst v1  }
0xa5: {  	[hbm4b:s21+s2] =	stream.linear.scatter [tilespmem:s30], [sflag:$0x3], $0x2000, $0x38;
	[tilespmem:$0x18A00] =	vst v63  }
0xa6: {  	s21 =	sshll.u32 @!p0 s20, $0x7  }
0xa7: {  	s21 =	sand.u32 @!p0 $0x3FFFFF80, s21  }
0xa8: {  	s23 =	simm.s32 @!p0 $0x40;
	s24 =	simm.s32 @!p0 $0x4A00;
	s22 =	sadd.s32 @!p0 $0x80, s21  }
0xa9: {  	[tilespmem:s24], [sflag:$0x1] =	stream.indirect.gather @!p0 [hbm4b:s3+s23], $0x80, s22, s23, $0xb8;
	[tilespmem:$0x18A00] =	vst v63  }
0xaa: {  	s22 =	sadd.s32 @!p0 $0x1300, s21;
	s24 =	simm.s32 @!p0 $0x6A00  }
0xab: {  	[tilespmem:s24], [sflag:$0x1] =	stream.indirect.gather @!p0 [hbm4b:s3+s23], $0x80, s22, s23, $0xb8;
	[tilespmem:$0x18A00] =	vst v63  }
0xac: {  	s22 =	sadd.s32 @!p0 $0x2580, s21;
	s24 =	simm.s32 @!p0 $0x8A00  }
0xad: {  	[tilespmem:s24], [sflag:$0x1] =	stream.indirect.gather @!p0 [hbm4b:s3+s23], $0x80, s22, s23, $0xb8;
	[tilespmem:$0x18A00] =	vst v63  }
0xae: {  	s22 =	sadd.s32 @!p0 $0x3800, s21;
	s24 =	simm.s32 @!p0 $0xAA00  }
0xaf: {  	[tilespmem:s24], [sflag:$0x1] =	stream.indirect.gather @!p0 [hbm4b:s3+s23], $0x80, s22, s23, $0xb8;
	[tilespmem:$0x18A00] =	vst v63  }
0xb0: {  	_ =	swait.ge [sflag:s31], $0x2000  }
0xb1: {  	[sflag:s31] =	ssyncset.done $0x0  }
0xb2: {  	[sflag:s31] =	ssyncadd.s32 $0xFFFFE000  }
0xb3: {  	_ =	swait.ge [sflag:s31], $0x2000  }
0xb4: {  	[sflag:s31] =	ssyncset.done $0x0  }
0xb5: {  	[sflag:s31] =	ssyncadd.s32 $0xFFFFE000  }
0xb6: {  	_ =	swait.ge [sflag:s31], $0x2000  }
0xb7: {  	[sflag:s31] =	ssyncset.done $0x0  }
0xb8: {  	[sflag:s31] =	ssyncadd.s32 $0xFFFFE000  }
0xb9: {  	_ =	swait.ge [sflag:s31], $0x2000  }
0xba: {  	[sflag:s31] =	ssyncset.done $0x0  }
0xbb: {  	s22 =	simm.s32 @!p1 $0x4;
	[sflag:s31] =	ssyncadd.s32 $0xFFFFE000  }
0xbc: {  	_ =	swait.ge @!p1 [sflag:s22], $0x2000  }
0xbd: {  	[sflag:s22] =	ssyncset.done @!p1 $0x0  }
0xbe: {  	[sflag:s22] =	ssyncadd.s32 @!p1 $0xFFFFE000;
	s22 =	simm.s32 $0x0  }
0xbf: {  	v0 =	vld [tilespmem:s22+$0xCA70]  }
0xc0: {  	v1 =	vld [tilespmem:s22+$0xEA70]  }
0xc1: {  	v2 =	vld [tilespmem:s22+$0xCA00]  }
0xc2: {  	v3 =	vld [tilespmem:s22+$0x10A30]  }
0xc3: {  	v4 =	vld [tilespmem:s22+$0xCA40]  }
0xc4: {  	v5 =	vld [tilespmem:s22+$0x12A30]  }
0xc5: {  	v6 =	vld [tilespmem:s22+$0xEA00]  }
0xc6: {  	v7 =	vld [tilespmem:s22+$0xCA10]  }
0xc7: {  	v8 =	vld [tilespmem:s22+$0xEA10]  }
0xc8: {  	v9 =	vld [tilespmem:s22+$0xCA20]  }
0xc9: {  	v10 =	vld [tilespmem:s22+$0xEA20]  }
0xca: {  	v11 =	vld [tilespmem:s22+$0xEA60]  }
0xcb: {  	v53 =	vld [tilespmem:s22+$0xCA30]  }
0xcc: {  	v54 =	vld [tilespmem:s22+$0xEA30]  }
0xcd: {  	v55 =	vld [tilespmem:s22+$0x10A40]  }
0xce: {  	v56 =	vld [tilespmem:s22+$0x10A00]  }
0xcf: {  	v57 =	vld [tilespmem:s22+$0x10A50]  }
0xd0: {  	v58 =	vld [tilespmem:s22+$0x10A10];
	v0 =	vadd.f32 v1, v0  }
0xd1: {  	v59 =	vld [tilespmem:s22+$0x10A60]  }
0xd2: {  	v60 =	vld [tilespmem:s22+$0x10A20];
	v0 =	vadd.f32 v3, v0  }
0xd3: {  	v1 =	vld [tilespmem:s22+$0xEA40]  }
0xd4: {  	v3 =	vld [tilespmem:s22+$0xCA50];
	v0 =	vadd.f32 v5, v0  }
0xd5: {  	v5 =	vld [tilespmem:s22+$0xEA50]  }
0xd6: {  	[tilespmem:s22+$0x16A70] =	vst v0;
	v0 =	vld [tilespmem:s22+$0xCA60]  }
0xd7: {  	v61 =	vld [tilespmem:s22+$0x10A70];
	v2 =	vadd.f32 v6, v2;
	v6 =	vadd.f32 v8, v7  }
0xd8: {  	v21 =	vld [tilespmem:s22+$0x12A40];
	v8 =	vadd.f32 v10, v9;
	v1 =	vadd.f32 v1, v4  }
0xd9: {  	v22 =	vld [tilespmem:s22+$0x12A00];
	v9 =	vadd.f32 v54, v53;
	v63 =	vadd.f32 v57, v6  }
0xda: {  	v10 =	vld [tilespmem:s22+$0x12A50];
	v62 =	vadd.f32 v56, v1;
	v3 =	vadd.f32 v5, v3  }
0xdb: {  	v7 =	vld [tilespmem:s22+$0x12A10];
	v0 =	vadd.f32 v11, v0;
	v11 =	vadd.f32 v55, v2  }
0xdc: {  	v4 =	vld [tilespmem:s22+$0x12A60];
	v6 =	vadd.f32 v58, v3;
	v2 =	vadd.f32 v59, v8  }
0xdd: {  	v5 =	vld [tilespmem:s22+$0x12A20];
	v11 =	vadd.f32 v21, v11;
	v3 =	vadd.f32 v60, v0  }
0xde: {  	s23 =	simm.s32 $0x80;
	v8 =	vld [tilespmem:s22+$0x12A70];
	v0 =	vadd.f32 v61, v9;
	v9 =	vadd.f32 v22, v62  }
0xdf: {  	s20 =	sadd.s32 $0x1, s20;
	s24 =	simm.s32 $0x400;
	v10 =	vadd.f32 v10, v63;
	v1 =	vld [tilespmem:s23+$0xCA70];
	[tilespmem:s22+$0x16A00] =	vst v11  }
.LBB2_5:
0xe0: {  	p1 =	sne.s32 s24, $0x7E00;
	v11 =	vld [tilespmem:s23+$0xEA70];
	[tilespmem:s22+$0x16A40] =	vst v9;
	v6 =	vadd.f32 v7, v6  }
0xe1: {  	v7 =	vld [tilespmem:s23+$0xCA00];
	[tilespmem:s22+$0x16A10] =	vst v10;
	v2 =	vadd.f32 v4, v2  }
0xe2: {  	v4 =	vld [tilespmem:s23+$0x10A30];
	[tilespmem:s22+$0x16A50] =	vst v6;
	v3 =	vadd.f32 v5, v3  }
0xe3: {  	v5 =	vld [tilespmem:s23+$0xCA40];
	[tilespmem:s22+$0x16A20] =	vst v2;
	v0 =	vadd.f32 v8, v0  }
0xe4: {  	v2 =	vld [tilespmem:s23+$0x12A30];
	[tilespmem:s22+$0x16A60] =	vst v3  }
0xe5: {  	v3 =	vld [tilespmem:s23+$0xEA00];
	v1 =	vadd.f32 v11, v1;
	[tilespmem:s22+$0x16A30] =	vst v0;
	s22 =	smov.u32 s23  }
0xe6: {  	v0 =	vld [tilespmem:s22+$0xEA40]  }
0xe7: {  	v6 =	vld [tilespmem:s22+$0xCA10];
	v1 =	vadd.f32 v4, v1  }
0xe8: {  	v4 =	vld [tilespmem:s22+$0xCA50]  }
0xe9: {  	v8 =	vld [tilespmem:s22+$0xEA10];
	v1 =	vadd.f32 v2, v1  }
0xea: {  	v2 =	vadd.f32 v3, v7;
	v3 =	vld [tilespmem:s22+$0xEA50]  }
0xeb: {  	v0 =	vadd.f32 v0, v5;
	v5 =	vld [tilespmem:s22+$0xCA20];
	[tilespmem:s22+$0x16A70] =	vst v1  }
0xec: {  	v1 =	vld [tilespmem:s22+$0xCA60]  }
0xed: {  	v7 =	vld [tilespmem:s22+$0xEA20]  }
0xee: {  	v6 =	vadd.f32 v8, v6;
	v8 =	vld [tilespmem:s22+$0xEA60]  }
0xef: {  	v3 =	vadd.f32 v3, v4;
	v4 =	vld [tilespmem:s22+$0xCA30]  }
0xf0: {  	v9 =	vld [tilespmem:s22+$0xEA30]  }
0xf1: {  	v10 =	vld [tilespmem:s22+$0x10A40]  }
0xf2: {  	v11 =	vld [tilespmem:s22+$0x10A00];
	v5 =	vadd.f32 v7, v5  }
0xf3: {  	v7 =	vld [tilespmem:s22+$0x10A50];
	v1 =	vadd.f32 v8, v1  }
0xf4: {  	v8 =	vld [tilespmem:s22+$0x10A10]  }
0xf5: {  	v12 =	vld [tilespmem:s22+$0x10A60];
	v9 =	vadd.f32 v9, v4  }
0xf6: {  	v10 =	vadd.f32 v10, v2;
	v4 =	vld [tilespmem:s22+$0x10A20]  }
0xf7: {  	v11 =	vadd.f32 v11, v0;
	v0 =	vld [tilespmem:s22+$0x10A70]  }
0xf8: {  	v13 =	vld [tilespmem:s22+$0x12A40];
	v14 =	vadd.f32 v7, v6  }
0xf9: {  	v15 =	vld [tilespmem:s22+$0x12A00];
	v6 =	vadd.f32 v8, v3  }
0xfa: {  	v16 =	vld [tilespmem:s22+$0x12A50];
	v2 =	vadd.f32 v12, v5  }
.Ltmp1:
0xfb: {  	v7 =	vld [tilespmem:s22+$0x12A10];
	v3 =	vadd.f32 v4, v1;
	(pc) =	sbr.rel @p1 .LBB2_5-.Ltmp1, $4  }
0xfc: {  	v4 =	vld [tilespmem:s22+$0x12A60];
	v0 =	vadd.f32 v0, v9  }
0xfd: {  	v10 =	vadd.f32 v13, v10;
	v5 =	vld [tilespmem:s22+$0x12A20]  }
0xfe: {  	s23 =	sshra.s32 s24, $0x2;
	v9 =	vadd.f32 v15, v11;
	v8 =	vld [tilespmem:s22+$0x12A70]  }
0xff: {  	s24 =	sadd.s32 $0x200, s24;
	v1 =	vld [tilespmem:s23+$0xCA70];
	[tilespmem:s22+$0x16A00] =	vst v10;
	v10 =	vadd.f32 v16, v14  }
0x100: {  	v11 =	vld [tilespmem:s23+$0xEA70];
	[tilespmem:s22+$0x16A40] =	vst v9;
	v6 =	vadd.f32 v7, v6  }
0x101: {  	v9 =	vld [tilespmem:s23+$0xCA00];
	[tilespmem:s22+$0x16A10] =	vst v10;
	v2 =	vadd.f32 v4, v2  }
0x102: {  	v39 =	vld [tilespmem:s23+$0x10A30];
	[tilespmem:s22+$0x16A50] =	vst v6;
	v3 =	vadd.f32 v5, v3  }
0x103: {  	v40 =	vld [tilespmem:s23+$0xCA40];
	[tilespmem:s22+$0x16A20] =	vst v2;
	v0 =	vadd.f32 v8, v0  }
0x104: {  	v2 =	vld [tilespmem:s23+$0x12A30];
	[tilespmem:s22+$0x16A60] =	vst v3  }
0x105: {  	v3 =	vld [tilespmem:s23+$0xEA00];
	[tilespmem:s22+$0x16A30] =	vst v0  }
0x106: {  	v42 =	vld [tilespmem:s23+$0xEA40]  }
0x107: {  	v43 =	vld [tilespmem:s23+$0xCA10]  }
0x108: {  	v6 =	vld [tilespmem:s23+$0xCA50]  }
0x109: {  	v44 =	vld [tilespmem:s23+$0xEA10]  }
0x10a: {  	v45 =	vld [tilespmem:s23+$0xEA50]  }
0x10b: {  	v46 =	vld [tilespmem:s23+$0xCA20]  }
0x10c: {  	v47 =	vld [tilespmem:s23+$0xCA60]  }
0x10d: {  	v10 =	vld [tilespmem:s23+$0xEA20]  }
0x10e: {  	v48 =	vld [tilespmem:s23+$0xEA60]  }
0x10f: {  	v12 =	vld [tilespmem:s23+$0xCA30]  }
0x110: {  	v13 =	vld [tilespmem:s23+$0xEA30]  }
0x111: {  	v14 =	vld [tilespmem:s23+$0x10A40]  }
0x112: {  	v15 =	vld [tilespmem:s23+$0x10A00]  }
0x113: {  	v16 =	vld [tilespmem:s23+$0x10A50]  }
0x114: {  	v41 =	vadd.f32 v11, v1;
	v17 =	vld [tilespmem:s23+$0x10A10]  }
0x115: {  	v18 =	vld [tilespmem:s23+$0x10A60]  }
0x116: {  	v19 =	vld [tilespmem:s23+$0x10A20];
	v0 =	vadd.f32 v39, v41  }
0x117: {  	v20 =	vld [tilespmem:s23+$0x10A70]  }
0x118: {  	v49 =	vld [tilespmem:s23+$0x12A40];
	v0 =	vadd.f32 v2, v0;
	v3 =	vadd.f32 v3, v9  }
0x119: {  	v51 =	vld [tilespmem:s23+$0x12A00];
	v1 =	vadd.f32 v42, v40;
	v50 =	vadd.f32 v44, v43  }
0x11a: {  	v53 =	vld [tilespmem:s23+$0x12A50];
	v2 =	vadd.f32 v45, v6;
	v52 =	vadd.f32 v10, v46  }
0x11b: {  	v54 =	vld [tilespmem:s23+$0x12A10];
	[tilespmem:s23+$0x16A70] =	vst v0;
	v0 =	vadd.f32 v48, v47;
	v3 =	vadd.f32 v14, v3  }
0x11c: {  	v56 =	vld [tilespmem:s23+$0x12A60];
	v55 =	vadd.f32 v13, v12;
	v1 =	vadd.f32 v15, v1  }
0x11d: {  	v57 =	vld [tilespmem:s23+$0x12A20];
	v4 =	vadd.f32 v16, v50;
	v3 =	vadd.f32 v49, v3  }
0x11e: {  	v58 =	vld [tilespmem:s23+$0x12A70];
	v2 =	vadd.f32 v17, v2;
	v1 =	vadd.f32 v51, v1  }
0x11f: {  	v6 =	vadd.f32 v18, v52;
	v59 =	vadd.f32 v53, v4;
	[tilespmem:s23+$0x16A00] =	vst v3  }
0x120: {  	v0 =	vadd.f32 v19, v0;
	v60 =	vadd.f32 v54, v2;
	[tilespmem:s23+$0x16A40] =	vst v1  }
0x121: {  	v61 =	vadd.f32 v20, v55;
	v62 =	vadd.f32 v56, v6;
	[tilespmem:s23+$0x16A10] =	vst v59  }
0x122: {  	s19 =	sadd.s32 s19, s10;
	v0 =	vadd.f32 v57, v0;
	[tilespmem:s23+$0x16A50] =	vst v60  }
0x123: {  	s19 =	sshll.u32 s19, $0xA;
	v63 =	vadd.f32 v58, v61;
	[tilespmem:s23+$0x16A20] =	vst v62  }
0x124: {  	s19 =	sand.u32 $0x1FFFFC00, s19;
	[tilespmem:s23+$0x16A60] =	vst v0  }
0x125: {  	s19 =	sadd.s32 s4, s19;
	[tilespmem:s23+$0x16A30] =	vst v63  }
0x126: {  	[hbm4b:s19+s2] =	stream.linear.scatter [tilespmem:s1], [sflag:$0x4], $0x2000, $0x38;
	[tilespmem:$0x18A00] =	vst v63  }
0x127: {  	s22 =	simm.s32 @!p0 $0x40;
	s23 =	simm.s32 @!p0 $0xCA00;
	s19 =	sadd.s32 @!p0 $0xC0, s21  }
0x128: {  	[tilespmem:s23], [sflag:$0x2] =	stream.indirect.gather @!p0 [hbm4b:s3+s22], $0x80, s19, s22, $0xb8;
	[tilespmem:$0x18A00] =	vst v63  }
0x129: {  	s19 =	sadd.s32 @!p0 $0x1340, s21;
	s23 =	simm.s32 @!p0 $0xEA00  }
0x12a: {  	[tilespmem:s23], [sflag:$0x2] =	stream.indirect.gather @!p0 [hbm4b:s3+s22], $0x80, s19, s22, $0xb8;
	[tilespmem:$0x18A00] =	vst v63  }
0x12b: {  	s19 =	sadd.s32 @!p0 $0x25C0, s21;
	s23 =	simm.s32 @!p0 $0x10A00  }
0x12c: {  	[tilespmem:s23], [sflag:$0x2] =	stream.indirect.gather @!p0 [hbm4b:s3+s22], $0x80, s19, s22, $0xb8;
	[tilespmem:$0x18A00] =	vst v63  }
0x12d: {  	p1 =	sne.s32 @!p0 s20, $0x25;
	s19 =	sadd.s32 @!p0 $0x3840, s21;
	s21 =	simm.s32 @!p0 $0x12A00  }
0x12e: {  	[tilespmem:s21], [sflag:$0x2] =	stream.indirect.gather @!p0 [hbm4b:s3+s22], $0x80, s19, s22, $0xb8;
	[tilespmem:$0x18A00] =	vst v63  }
0x12f: {  	p0 =	por p0, !p1  }
.Ltmp2:
0x130: {  	_ = 	snop;
	(pc) =	sbr.rel @!p0 .LBB2_2-.Ltmp2, $1  }
0x131: {  	_ =	sdelay $0x3  }
0x132: {  	s18 =	sadd.s32 $0x1, s18  }
0x133: {  	_ =	swait.ge [sflag:s0], $0x2000;
	p0 =	sne.s32 s18, s11  }
.Ltmp3:
0x134: {  	[sflag:s0] =	ssyncset.done $0x0;
	(pc) =	sbr.rel @p0 .LBB2_1-.Ltmp3, $4  }
0x135: {  	[sflag:s0] =	ssyncadd.s32 $0xFFFFE000  }
0x136: {  	_ =	swait.ge [sflag:s17], $0x2000  }
0x137: {  	[sflag:s17] =	ssyncset.done $0x0  }
0x138: {  	[sflag:s17] =	ssyncadd.s32 $0xFFFFE000  }
0x139: {  	_ =	sfence.sel $0x180000  }
0x13a: {  	[bflag:$0x0] =	sbarrier.arrive $0xFFFF  }
0x13b: {  	_ =	strace $0x9000004D  }
0x13c: {  	s0 =	stileid.u32;
	[bflag:$0x2] =	sbarrier.arrive $0xFFFF  }
0x13d: {  	p0 =	sne.s32 s0, $0x0;
	s0 =	rddreg [dreg:$0x1]  }
0x13e: {  	s0 =	sadd.s32 @!p0 $0x100000, s0  }
0x13f: {  	[sflag:s0] =	ssyncadd.tile.s32 @!p0 $0x1;
	_ =	shalt  }
.Lfunc_end2:
_tile_overlayer_lowered:
.L_overlay_start_2:
0x140: {  	(tag) =	ssettag $0x2  }
0x141: {  	s0 =	rddreg [dreg:$0x0];
	s2 =	stileid.u32  }
0x142: {  	s1 =	rddreg [dreg:$0x1];
	p0 =	sne.s32 s2, $0x0  }
0x143: {  	s3 =	rddreg [dreg:$0x2];
	[bflag:$0x3] =	sbarrier.arrive $0xFFFF;
	s2 =	simm.s32 @!p0 $0x1C05  }
0x144: {  	[timem:s3], [sflag:s2] =	dma.local @!p0 [hbm:s0], s1  }
0x145: {  	s0 =	simm.s32 @!p0 $0x5  }
0x146: {  	_ =	swait.ge @!p0 [sflag:s0], s1  }
0x147: {  	s1 =	ssub.s32 @!p0 $0x0, s1;
	[sflag:s0] =	ssyncset.done @!p0 $0x0  }
0x148: {  	[sflag:s0] =	ssyncadd.s32 @!p0 s1  }
0x149: {  	[bflag:$0x3] =	sbarrier.arrive $0xFFFF  }
0x14a: {  	_ =	shalt  }

// kernel: kernel.9.cloned.1.call-start
scs
__scs_entry_jumppad:
0x0: {  	(pc) =	sbr.rel $0x88, $3  }
0x1: {  	(tag) =	ssettag $0x0;
	lr =	simm.s32 $0x1  }
0x2: {  	[smem:$0x3F88] =	sst lr;
	_ =	strace $0xD0000000  }
0x3: {  	_ = 	snop  }
0x4: {  	_ = 	snop  }
0x5: {  	_ = 	snop  }
0x6: {  	_ = 	snop  }
0x7: {  	_ = 	snop  }
__scs_overlays_trampoline_lowered:
0x8: {  	[smem:$0x3F97] =	sst s0  }
0x9: {  	[smem:$0x3F98] =	sst s1  }
0xa: {  	[smem:$0x3F99] =	sst s2  }
0xb: {  	[smem:$0x3F9A] =	sst s3  }
0xc: {  	[smem:$0x3F9B] =	sst s4  }
0xd: {  	[smem:$0x3F9C] =	sst s5  }
0xe: {  	[smem:$0x3F9D] =	sst s6  }
0xf: {  	[smem:$0x3F9E] =	sst s7  }
0x10: {  	[smem:$0x3F9F] =	sst s8  }
0x11: {  	[smem:$0x3FA0] =	sst s9;
	s0 =	simm.s32 @!p0 $0x0  }
0x12: {  	s1 =	sld [smem:$0x3F86];
	s0 =	simm.s32 @p0 $0x1  }
0x13: {  	[smem:$0x3FA1] =	sst s0;
	s0 =	simm.s32 @!p1 $0x0  }
0x14: {  	s2 =	sld [smem:$0x3F85];
	s0 =	simm.s32 @p1 $0x1  }
0x15: {  	[smem:$0x3FA2] =	sst s0;
	s0 =	simm.s32 @!p2 $0x0  }
0x16: {  	s3 =	sld [smem:$0x3FDB];
	s0 =	simm.s32 @p2 $0x1  }
0x17: {  	s4 =	simm.s32 $0x1BF5;
	[smem:$0x3FA4] =	sst s0  }
0x18: {  	s0 =	sld [smem:$0x3F87];
	_ =	swait.ge [sflag:s4], $0x0  }
0x19: {  	s7 =	sld [smem:$0x3F88]  }
0x1a: {  	s8 =	sadd.s32 $0xFFFFE003, lr  }
0x1b: {  	s9 =	sadd.s32 $0xFFFFFEF7, lr;
	s5 =	simm.s32 $0xFFFFFFFF;
	p2 =	slt.u32 s8, $0xFFFFF086  }
0x1c: {  	p1 =	slt.u32 s9, $0xF7A;
	s5 =	simm.s32 @!p2 $0x0  }
0x1d: {  	s5 =	simm.s32 @p1 $0x1;
	p0 =	seq.s32 s7, s2  }
0x1e: {  	s7 =	smul.u32 @!p0 $0xF7A, s2;
	p2 =	seq.s32 @!p0 s5, $0x0  }
0x1f: {  	s9 =	smul.u32 $0xF7A, s1;
	s8 =	simm.s32 @!p0 $0x1BF5;
	p2 =	por !p2, p0  }
0x20: {  	[sflag:s8] =	ssyncset.s32 @!p0 $0xFFFFF086;
	s6 =	sadd.s32 @!p0 s3, s7;
	s7 =	simm.s32 @!p0 $0x108  }
0x21: {  	s3 =	sadd.s32 s3, s9;
	s6 =	sadd.s32 @!p0 $0x88, s6;
	s7 =	simm.s32 @p2 $0x1082  }
0x22: {  	[simem:s7], [sflag:s8] =	dma.local @!p0 [hbm:s6], $0xF7A  }
0x23: {  	s9 =	sor.u32 $0xD0000000, s2;
	s6 =	simm.s32 $0x108;
	_ =	swait.ge @!p0 [sflag:s8], $0x0  }
0x24: {  	s3 =	sadd.s32 $0x88, s3;
	s6 =	simm.s32 @!p1 $0x1082;
	[sflag:s4] =	ssyncset.s32 $0xFFFFF086  }
0x25: {  	[simem:s6], [sflag:s4] =	dma.local [hbm:s3], $0xF7A  }
0x26: {  	[smem:$0x3F88] =	sst s1;
	(tag) =	ssettag s2;
	_ =	strace s9  }
0x27: {  	s1 =	sld [smem:$0x3F98]  }
0x28: {  	s2 =	sld [smem:$0x3F99]  }
0x29: {  	s4 =	sld [smem:$0x3F9B]  }
0x2a: {  	p0 =	seq.s32 s5, $0x0;
	s5 =	sld [smem:$0x3F9C]  }
0x2b: {  	s6 =	sld [smem:$0x3F9D]  }
0x2c: {  	s7 =	sld [smem:$0x3F9E]  }
0x2d: {  	s3 =	simm.s32 $0x108;
	s8 =	sld [smem:$0x3F9F]  }
0x2e: {  	s3 =	simm.s32 @!p0 $0x1082;
	s9 =	sld [smem:$0x3FA0]  }
0x2f: {  	lr =	sadd.s32 s0, s3;
	s0 =	sld [smem:$0x3F97]  }
0x30: {  	s3 =	sld [smem:$0x3F9A]  }
0x31: {  	[smem:$0x3FA3] =	sst s10  }
0x32: {  	s10 =	sld [smem:$0x3FA1];
	_ =	sdelay $0x3  }
0x33: {  	p0 =	seq.s32 s10, $0x1;
	s10 =	sld [smem:$0x3FA3];
	_ =	sdelay $0x3  }
0x34: {  	[smem:$0x3FA3] =	sst s10  }
0x35: {  	s10 =	sld [smem:$0x3FA2];
	_ =	sdelay $0x3  }
0x36: {  	p1 =	seq.s32 s10, $0x1;
	s10 =	sld [smem:$0x3FA3];
	_ =	sdelay $0x3  }
0x37: {  	[smem:$0x3FA3] =	sst s10  }
0x38: {  	s10 =	sld [smem:$0x3FA4]  }
0x39: {  	_ = 	snop;
	(pc) =	sbr.ind lr, $3  }
0x3a: {  	_ = 	snop  }
0x3b: {  	_ = 	snop  }
0x3c: {  	p2 =	seq.s32 s10, $0x1;
	s10 =	sld [smem:$0x3FA3]  }
0x3d: {  	_ =	shalt  }
0x3e: {  	_ =	shalt  }
0x3f: {  	_ =	shalt  }
0x40: {  	_ =	shalt  }
0x41: {  	_ =	shalt  }
0x42: {  	_ =	shalt  }
0x43: {  	_ =	shalt  }
0x44: {  	_ =	shalt  }
0x45: {  	_ =	shalt  }
0x46: {  	_ =	shalt  }
0x47: {  	_ =	shalt  }
0x48: {  	_ =	shalt  }
0x49: {  	_ =	shalt  }
0x4a: {  	_ =	shalt  }
0x4b: {  	_ =	shalt  }
0x4c: {  	_ =	shalt  }
0x4d: {  	_ =	shalt  }
0x4e: {  	_ =	shalt  }
0x4f: {  	_ =	shalt  }
0x50: {  	_ =	shalt  }
0x51: {  	_ =	shalt  }
0x52: {  	_ =	shalt  }
0x53: {  	_ =	shalt  }
0x54: {  	_ =	shalt  }
0x55: {  	_ =	shalt  }
0x56: {  	_ =	shalt  }
0x57: {  	_ =	shalt  }
0x58: {  	_ =	shalt  }
0x59: {  	_ =	shalt  }
0x5a: {  	_ =	shalt  }
0x5b: {  	_ =	shalt  }
0x5c: {  	_ =	shalt  }
0x5d: {  	_ =	shalt  }
0x5e: {  	_ =	shalt  }
0x5f: {  	_ =	shalt  }
0x60: {  	_ =	shalt  }
0x61: {  	_ =	shalt  }
0x62: {  	_ =	shalt  }
0x63: {  	_ =	shalt  }
0x64: {  	_ =	shalt  }
0x65: {  	_ =	shalt  }
0x66: {  	_ =	shalt  }
0x67: {  	_ =	shalt  }
0x68: {  	_ =	shalt  }
0x69: {  	_ =	shalt  }
0x6a: {  	_ =	shalt  }
0x6b: {  	_ =	shalt  }
0x6c: {  	_ =	shalt  }
0x6d: {  	_ =	shalt  }
0x6e: {  	_ =	shalt  }
0x6f: {  	_ =	shalt  }
0x70: {  	_ =	shalt  }
0x71: {  	_ =	shalt  }
0x72: {  	_ =	shalt  }
0x73: {  	_ =	shalt  }
0x74: {  	_ =	shalt  }
0x75: {  	_ =	shalt  }
0x76: {  	_ =	shalt  }
0x77: {  	_ =	shalt  }
0x78: {  	_ =	shalt  }
0x79: {  	_ =	shalt  }
0x7a: {  	_ =	shalt  }
0x7b: {  	_ =	shalt  }
0x7c: {  	_ =	shalt  }
0x7d: {  	_ =	shalt  }
0x7e: {  	_ =	shalt  }
0x7f: {  	_ =	shalt  }
0x80: {  	_ =	shalt  }
0x81: {  	_ =	shalt  }
0x82: {  	_ =	shalt  }
0x83: {  	_ =	shalt  }
0x84: {  	_ =	shalt  }
0x85: {  	_ =	shalt  }
0x86: {  	_ =	shalt  }
0x87: {  	_ =	shalt  }
.Lfunc_end0:
.L_simem_size_0:
called_computation_lowered:
.L_overlay_start_0:
0x88: {  	s2 =	sld [smem:$0x3FD9]  }
0x89: {  	s3 =	sld [smem:$0x3FFE];
	_ =	sdelay $0x1  }
0x8a: {  	s1 =	srdreg.scid  }
0x8b: {  	s0 =	sand.u32 $0x1, s1  }
0x8c: {  	s16 =	sshll.u32 s0, $0xA;
	s2 =	sadd.s32 s3, s2  }
0x8d: {  	s2 =	sadd.s32 s2, s16  }
0x8e: {  	[smem:$0x3FAF] =	sst s2  }
0x8f: {  	_ = 	snop  }
0x90: {  	(tm) =	ssettm $0x1  }
0x91: {  	s17 =	sld [smem:$0x3FFB];
	_ =	sdelay $0x3  }
0x92: {  	_ =	strace s17  }
0x93: {  	s2 =	sld [smem:$0x3FFC];
	_ =	sdelay $0x3  }
0x94: {  	_ =	strace s2  }
0x95: {  	s2 =	sld [smem:$0x3FFD];
	_ =	sdelay $0x3  }
0x96: {  	_ =	strace s2  }
0x97: {  	_ =	strace $0x8FFFFFFF  }
0x98: {  	s18 =	sld [smem:$0x3FDB];
	_ =	sdelay $0x1  }
0x99: {  	s19 =	simm.s32 $_scs_section_size  }
0x9a: {  	s4 =	simm.s32 $_size__tile_overlayer_lowered;
	s5 =	simm.s32 $_tile_overlayer_lowered  }
0x9b: {  	s22 =	simm.s32 $0x1BFF;
	s21 =	sshll.u32 s5, $0x1;
	s2 =	sadd.s32 s19, s18  }
0x9c: {  	s6 =	simm.s32 $0x0;
	s20 =	sshll.u32 s4, $0x1;
	s4 =	sadd.s32 s21, s2  }
0x9d: {  	[timem:s6], [sflag:s22] =	dma.local [hbm:s4], s20  }
0x9e: {  	_ =	swait.ge [sflag:s22], s20  }
0x9f: {  	s3 =	ssub.s32 $0x0, s20;
	[sflag:s22] =	ssyncset.done $0x0  }
0xa0: {  	[sflag:s22] =	ssyncadd.s32 s3;
	_ =	sdelay $0x1  }
0xa1: {  	s23 =	simm.s32 $0x1B8B  }
0xa2: {  	_ =	swait.ge [sflag:s23], $0x1  }
0xa3: {  	[sflag:s23] =	ssyncset.done $0x0  }
0xa4: {  	s25 =	simm.s32 $0x1B8E;
	s24 =	sld [smem:$0x3FFE];
	[sflag:s23] =	ssyncadd.s32 $0xFFFFFFFF  }
0xa5: {  	s26 =	simm.s32 $execute0_lowered;
	[smem:$0x3FD2] =	sst s25  }
0xa6: {  	s4 =	sshll.u32 s26, $0x1;
	_ =	strace $0x80000046;
	[dreg:$0x1] =	wrdreg $0xFFFFFFFF  }
0xa7: {  	s28 =	simm.s32 $_size_execute0_lowered;
	s2 =	sadd.s32 s2, s4;
	[dreg:$0x0] =	wrdreg $0x0  }
0xa8: {  	s4 =	sshll.u32 s28, $0x1;
	[dreg:$0x2] =	wrdreg s2  }
0xa9: {  	[dreg:$0x3] =	wrdreg s4  }
0xaa: {  	[dreg:$0x4] =	wrdreg $0xC0  }
0xab: {  	_ =	task [dreg:s6], $0x5FFFF  }
0xac: {  	[dreg:$0x1] =	wrdreg $0xFFFFFFFF  }
0xad: {  	[dreg:$0x0] =	wrdreg $0x60  }
0xae: {  	[dreg:$0x2] =	wrdreg s24  }
0xaf: {  	[dreg:$0x3] =	wrdreg $0x9  }
0xb0: {  	_ =	task.clear_ibuf [dreg:s6], $0x4FFFF;
	_ =	strace $0x90000046  }
0xb1: {  	s29 =	simm.s32 $0x9;
	_ =	strace $0x80000048  }
0xb2: {  	_ =	swait.ge [sflag:s29], $0x1  }
0xb3: {  	[sflag:s29] =	ssyncadd.s32 $0xFFFFFFFF  }
0xb4: {  	_ =	strace $0x90000048  }
0xb5: {  	_ =	sfence  }
0xb6: {  	s30 =	sld [smem:$0x0];
	_ =	sdelay $0x2  }
0xb7: {  	s31 =	sshll.u32 s1, $0xD;
	s1 =	sshrl.u32 s1, $0x2  }
0xb8: {  	s3 =	sand.u32 $0x4000, s31;
	s1 =	sadd.s32 s1, s30  }
0xb9: {  	s0 =	sor.u32 s3, s0;
	s1 =	sshll.u32 s1, $0x11  }
0xba: {  	s0 =	sor.u32 s1, s0  }
0xbb: {  	s0 =	sadd.s32 $0x8F2B, s0  }
0xbc: {  	[sflag:s0] =	ssyncadd.remote.s32 $0x1  }
0xbd: {  	_ =	sfence.sel $0xFFFF  }
0xbe: {  	[dreg:$0x0] =	wrdreg $0xFFFFFFFF;
	(pc) =	sbr.abs _section_cstart, $3  }
0xbf: {  	[dreg:$0x1] =	wrdreg $0xFFFFFFFF  }
0xc0: {  	_ =	task.clear_ibuf [dreg:s6], $0x2FFFF;
	_ =	strace $0x9FFFFFFF  }
0xc1: {  	(tm) =	ssettm $0x7FFFFFFF  }
tec
execute0_lowered:
.L_overlay_start_1:
0x0: {  	(tag) =	ssettag $0x1  }
0x1: {  	s0 =	srdreg.scid;
	s6 =	rddreg [dreg:$0x0]  }
0x2: {  	s2 =	simm.s32 $0x0;
	s10 =	simm.s32 $0x5;
	s11 =	simm.s32 $0xC80  }
0x3: {  	s12 =	simm.s32 $0x40;
	s13 =	simm.s32 $0x1900;
	s14 =	simm.s32 $0x3900  }
0x4: {  	s15 =	simm.s32 $0x5900;
	s16 =	simm.s32 $0xCC0;
	s4 =	sand.u32 $0x1, s0  }
0x5: {  	s17 =	simm.s32 $0x7900;
	s0 =	stileid.u32;
	s1 =	sxor.u32 $0x1, s4  }
0x6: {  	s18 =	simm.s32 $0x1;
	s31 =	sor.u32 $0x10, s0;
	s3 =	smul.u32 s0, s1  }
0x7: {  	s19 =	simm.s32 $0x9900;
	s20 =	simm.s32 $0x2;
	s5 =	smul.u32 s4, s31  }
0x8: {  	s21 =	simm.s32 $0xB900;
	s22 =	simm.s32 $0x3;
	s23 =	simm.s32 $0x4  }
0x9: {  	s24 =	simm.s32 $0x0;
	s8 =	ssub.s32 $0x2, s4;
	s5 =	sadd.s32 s5, s3  }
0xa: {  	[smem:$0x7FF] =	sst s2;
	s9 =	sshrl.u32 s8, $0x1;
	s7 =	smul.u32 $0xC80, s5  }
0xb: {  	s1 =	rddreg [dreg:$0x1];
	_ =	strace $0x80000047;
	s9 =	ssub.s32 s8, s9  }
0xc: {  	s3 =	sadd.s32 $0xBA00, s6;
	s4 =	smul.u32 $0x32, s5;
	s7 =	sshrl.u32 s7, $0x3  }
0xd: {  	s9 =	smax.u32 s9, $0x1;
	s5 =	sadd.s32 $0x3DC400, s6;
	s7 =	sadd.s32 s7, s6  }
0xe: {  	s8 =	sor.u32 $0x1, s4;
	s6 =	sadd.s32 $0x5200, s7;
	s7 =	sadd.s32 $0x8590, s7  }
.LBB2_1:
0xf: {  	[tilespmem:s2], [sflag:$0x5] =	stream.linear.gather [hbm4b:s6+s2], $0xC80, $0x38;
	[tilespmem:$0xD900] =	vst v63  }
0x10: {  	_ =	swait.ge [sflag:s10], $0xC80  }
0x11: {  	[sflag:s10] =	ssyncset.done $0x0  }
0x12: {  	[sflag:s10] =	ssyncadd.s32 $0xFFFFF380  }
0x13: {  	[tilespmem:s11], [sflag:$0x5] =	stream.linear.gather [hbm4b:s7+s2], $0xC80, $0x38;
	[tilespmem:$0xD900] =	vst v63  }
0x14: {  	_ =	swait.ge [sflag:s10], $0xC80  }
0x15: {  	[sflag:s10] =	ssyncset.done $0x0  }
0x16: {  	[sflag:s10] =	ssyncadd.s32 $0xFFFFF380  }
0x17: {  	[tilespmem:s13], [sflag:$0x1] =	stream.indirect.gather [hbm4b:s3+s12], $0x80, s2, s12, $0xb8;
	[tilespmem:$0xD900] =	vst v63  }
0x18: {  	_ = 	snop  }
0x19: {  	[tilespmem:s14], [sflag:$0x1] =	stream.indirect.gather [hbm4b:s3+s12], $0x80, s11, s12, $0xb8;
	[tilespmem:$0xD900] =	vst v63  }
0x1a: {  	_ = 	snop  }
0x1b: {  	[tilespmem:s15], [sflag:$0x2] =	stream.indirect.gather [hbm4b:s3+s12], $0x80, s12, s12, $0xb8;
	[tilespmem:$0xD900] =	vst v63  }
0x1c: {  	s26 =	simm.s32 $0x0  }
0x1d: {  	[tilespmem:s17], [sflag:$0x2] =	stream.indirect.gather [hbm4b:s3+s12], $0x80, s16, s12, $0xb8;
	[tilespmem:$0xD900] =	vst v63  }
.LBB2_2:
0x1e: {  	_ =	swait.ge [sflag:s18], $0x2000  }
0x1f: {  	[sflag:s18] =	ssyncset.done $0x0  }
0x20: {  	[sflag:s18] =	ssyncadd.s32 $0xFFFFE000  }
0x21: {  	_ =	swait.ge [sflag:s18], $0x2000  }
0x22: {  	p1 =	seq.s32 s26, $0x0;
	[sflag:s18] =	ssyncset.done $0x0  }
0x23: {  	s25 =	simm.s32 @!p1 $0x3;
	[sflag:s18] =	ssyncadd.s32 $0xFFFFE000  }
0x24: {  	_ =	swait.ge @!p1 [sflag:s25], $0x2000  }
0x25: {  	[sflag:s25] =	ssyncset.done @!p1 $0x0  }
0x26: {  	s28 =	simm.s32 $0x0;
	[sflag:s25] =	ssyncadd.s32 @!p1 $0xFFFFE000  }
0x27: {  	v0 =	vld [tilespmem:s28+$0x1970]  }
0x28: {  	v1 =	vld [tilespmem:s28+$0x3930]  }
0x29: {  	v2 =	vld [tilespmem:s28+$0x1900]  }
0x2a: {  	v3 =	vld [tilespmem:s28+$0x1940]  }
0x2b: {  	v4 =	vld [tilespmem:s28+$0x3940]  }
0x2c: {  	v5 =	vld [tilespmem:s28+$0x3900]  }
0x2d: {  	v6 =	vld [tilespmem:s28+$0x1910]  }
0x2e: {  	v7 =	vld [tilespmem:s28+$0x1950]  }
0x2f: {  	v8 =	vld [tilespmem:s28+$0x3950]  }
0x30: {  	v9 =	vld [tilespmem:s28+$0x3910];
	v0 =	vadd.f32 v1, v0  }
0x31: {  	v1 =	vadd.f32 v4, v2;
	v2 =	vadd.f32 v5, v3;
	v5 =	vld [tilespmem:s28+$0x3960]  }
0x32: {  	v4 =	vld [tilespmem:s28+$0x3920]  }
0x33: {  	[tilespmem:s28+$0x9970] =	vst v0;
	v0 =	vld [tilespmem:s28+$0x1920]  }
0x34: {  	v3 =	vadd.f32 v8, v6;
	[tilespmem:s28+$0x9900] =	vst v1;
	v1 =	vld [tilespmem:s28+$0x1960]  }
0x35: {  	v7 =	vadd.f32 v9, v7;
	v6 =	vld [tilespmem:s28+$0x3970];
	[tilespmem:s28+$0x9940] =	vst v2  }
0x36: {  	s29 =	simm.s32 $0x80;
	v2 =	vld [tilespmem:s28+$0x1930];
	[tilespmem:s28+$0x9910] =	vst v3  }
0x37: {  	s30 =	simm.s32 $0x400;
	s25 =	sshll.u32 s26, $0x1;
	v3 =	vld [tilespmem:s29+$0x1970];
	[tilespmem:s28+$0x9950] =	vst v7  }
.LBB2_3:
0x38: {  	p0 =	sne.s32 s30, $0x7E00;
	v7 =	vld [tilespmem:s29+$0x3930];
	v0 =	vadd.f32 v5, v0  }
0x39: {  	v5 =	vld [tilespmem:s29+$0x1900];
	v1 =	vadd.f32 v4, v1  }
0x3a: {  	v4 =	vld [tilespmem:s29+$0x1940];
	[tilespmem:s28+$0x9920] =	vst v0  }
0x3b: {  	v0 =	vld [tilespmem:s29+$0x3940];
	[tilespmem:s28+$0x9960] =	vst v1;
	v1 =	vadd.f32 v6, v2  }
0x3c: {  	v2 =	vld [tilespmem:s29+$0x3900]  }
0x3d: {  	v6 =	vld [tilespmem:s29+$0x1910];
	v3 =	vadd.f32 v7, v3;
	[tilespmem:s28+$0x9930] =	vst v1;
	s28 =	smov.u32 s29  }
0x3e: {  	v7 =	vld [tilespmem:s28+$0x1950]  }
0x3f: {  	v8 =	vld [tilespmem:s28+$0x3950];
	[tilespmem:s28+$0x9970] =	vst v3  }
0x40: {  	v1 =	vadd.f32 v0, v5;
	v3 =	vld [tilespmem:s28+$0x3910]  }
0x41: {  	v2 =	vadd.f32 v2, v4;
	v0 =	vld [tilespmem:s28+$0x1920]  }
0x42: {  	[tilespmem:s28+$0x9900] =	vst v1;
	v1 =	vld [tilespmem:s28+$0x1960]  }
.Ltmp0:
0x43: {  	[tilespmem:s28+$0x9940] =	vst v2;
	v5 =	vld [tilespmem:s28+$0x3960];
	(pc) =	sbr.rel @p0 .LBB2_3-.Ltmp0, $4  }
0x44: {  	v6 =	vadd.f32 v8, v6;
	v4 =	vld [tilespmem:s28+$0x3920]  }
0x45: {  	v7 =	vadd.f32 v3, v7;
	v2 =	vld [tilespmem:s28+$0x1930]  }
0x46: {  	s29 =	sshra.s32 s30, $0x2;
	[tilespmem:s28+$0x9910] =	vst v6;
	v6 =	vld [tilespmem:s28+$0x3970]  }
0x47: {  	s30 =	sadd.s32 $0x200, s30;
	v3 =	vld [tilespmem:s29+$0x1970];
	[tilespmem:s28+$0x9950] =	vst v7  }
0x48: {  	v7 =	vld [tilespmem:s29+$0x3930];
	v0 =	vadd.f32 v5, v0  }
0x49: {  	v5 =	vld [tilespmem:s29+$0x1900];
	v1 =	vadd.f32 v4, v1  }
0x4a: {  	v8 =	vld [tilespmem:s29+$0x1940];
	[tilespmem:s28+$0x9920] =	vst v0  }
0x4b: {  	v0 =	vld [tilespmem:s29+$0x3940];
	[tilespmem:s28+$0x9960] =	vst v1;
	v1 =	vadd.f32 v6, v2  }
0x4c: {  	v2 =	vld [tilespmem:s29+$0x3900]  }
0x4d: {  	v4 =	vld [tilespmem:s29+$0x1910];
	[tilespmem:s28+$0x9930] =	vst v1  }
0x4e: {  	v1 =	vadd.f32 v7, v3;
	v3 =	vld [tilespmem:s29+$0x1950]  }
0x4f: {  	v6 =	vld [tilespmem:s29+$0x3950]  }
0x50: {  	v7 =	vld [tilespmem:s29+$0x1930]  }
0x51: {  	[tilespmem:s29+$0x9970] =	vst v1;
	v1 =	vld [tilespmem:s29+$0x3910];
	v0 =	vadd.f32 v0, v5  }
0x52: {  	v5 =	vld [tilespmem:s29+$0x1920];
	v2 =	vadd.f32 v2, v8  }
0x53: {  	[tilespmem:s29+$0x9900] =	vst v0;
	v0 =	vld [tilespmem:s29+$0x1960]  }
0x54: {  	[tilespmem:s29+$0x9940] =	vst v2;
	v2 =	vld [tilespmem:s29+$0x3960];
	v4 =	vadd.f32 v6, v4  }
0x55: {  	v6 =	vld [tilespmem:s29+$0x3920]  }
0x56: {  	[tilespmem:s29+$0x9910] =	vst v4;
	v4 =	vld [tilespmem:s29+$0x3970];
	_ =	sdelay $0x1  }
0x57: {  	v1 =	vadd.f32 v1, v3  }
0x58: {  	v2 =	vadd.f32 v2, v5  }
0x59: {  	[tilespmem:s29+$0x9950] =	vst v1;
	v0 =	vadd.f32 v6, v0  }
0x5a: {  	s28 =	sadd.s32 s4, s25;
	[tilespmem:s29+$0x9920] =	vst v2;
	v1 =	vadd.f32 v4, v7  }
0x5b: {  	s28 =	sshll.u32 s28, $0xA;
	[tilespmem:s29+$0x9960] =	vst v0  }
0x5c: {  	p0 =	seq.s32 s26, $0x18;
	s28 =	sadd.s32 s5, s28;
	[tilespmem:s29+$0x9930] =	vst v1  }
0x5d: {  	[hbm4b:s28+s2] =	stream.linear.scatter [tilespmem:s19], [sflag:$0x3], $0x2000, $0x38;
	[tilespmem:$0xD900] =	vst v63  }
0x5e: {  	s28 =	sshll.u32 @!p0 s26, $0x7  }
0x5f: {  	s28 =	sand.u32 @!p0 $0x3FFFFF80, s28  }
0x60: {  	s30 =	simm.s32 @!p0 $0x40;
	s31 =	simm.s32 @!p0 $0x1900;
	s29 =	sadd.s32 @!p0 $0x80, s28  }
0x61: {  	[tilespmem:s31], [sflag:$0x1] =	stream.indirect.gather @!p0 [hbm4b:s3+s30], $0x80, s29, s30, $0xb8;
	[tilespmem:$0xD900] =	vst v63  }
0x62: {  	s29 =	sadd.s32 @!p0 $0xD00, s28;
	s31 =	simm.s32 @!p0 $0x3900  }
0x63: {  	[tilespmem:s31], [sflag:$0x1] =	stream.indirect.gather @!p0 [hbm4b:s3+s30], $0x80, s29, s30, $0xb8;
	[tilespmem:$0xD900] =	vst v63  }
0x64: {  	_ =	swait.ge [sflag:s20], $0x2000  }
0x65: {  	[sflag:s20] =	ssyncset.done $0x0  }
0x66: {  	[sflag:s20] =	ssyncadd.s32 $0xFFFFE000  }
0x67: {  	_ =	swait.ge [sflag:s20], $0x2000  }
0x68: {  	[sflag:s20] =	ssyncset.done $0x0  }
0x69: {  	s29 =	simm.s32 @!p1 $0x4;
	[sflag:s20] =	ssyncadd.s32 $0xFFFFE000  }
0x6a: {  	_ =	swait.ge @!p1 [sflag:s29], $0x2000  }
0x6b: {  	[sflag:s29] =	ssyncset.done @!p1 $0x0  }
0x6c: {  	[sflag:s29] =	ssyncadd.s32 @!p1 $0xFFFFE000;
	s29 =	simm.s32 $0x0  }
0x6d: {  	v0 =	vld [tilespmem:s29+$0x5970]  }
0x6e: {  	v1 =	vld [tilespmem:s29+$0x7930]  }
0x6f: {  	v2 =	vld [tilespmem:s29+$0x5900]  }
0x70: {  	v3 =	vld [tilespmem:s29+$0x5940]  }
0x71: {  	v4 =	vld [tilespmem:s29+$0x7940]  }
0x72: {  	v5 =	vld [tilespmem:s29+$0x7900]  }
0x73: {  	v6 =	vld [tilespmem:s29+$0x5910]  }
0x74: {  	v7 =	vld [tilespmem:s29+$0x5950]  }
0x75: {  	v8 =	vld [tilespmem:s29+$0x7950]  }
0x76: {  	v9 =	vld [tilespmem:s29+$0x7910];
	v0 =	vadd.f32 v1, v0  }
0x77: {  	v1 =	vadd.f32 v4, v2;
	v2 =	vadd.f32 v5, v3;
	v5 =	vld [tilespmem:s29+$0x7960]  }
0x78: {  	v4 =	vld [tilespmem:s29+$0x7920]  }
0x79: {  	[tilespmem:s29+$0xB970] =	vst v0;
	v0 =	vld [tilespmem:s29+$0x5920]  }
0x7a: {  	v3 =	vadd.f32 v8, v6;
	[tilespmem:s29+$0xB900] =	vst v1;
	v1 =	vld [tilespmem:s29+$0x5960]  }
0x7b: {  	v7 =	vadd.f32 v9, v7;
	v6 =	vld [tilespmem:s29+$0x7970];
	[tilespmem:s29+$0xB940] =	vst v2  }
0x7c: {  	s30 =	simm.s32 $0x80;
	v2 =	vld [tilespmem:s29+$0x5930];
	[tilespmem:s29+$0xB910] =	vst v3  }
0x7d: {  	s26 =	sadd.s32 $0x1, s26;
	s31 =	simm.s32 $0x400;
	v3 =	vld [tilespmem:s30+$0x5970];
	[tilespmem:s29+$0xB950] =	vst v7  }
.LBB2_5:
0x7e: {  	p1 =	sne.s32 s31, $0x7E00;
	v7 =	vld [tilespmem:s30+$0x7930];
	v0 =	vadd.f32 v5, v0  }
0x7f: {  	v5 =	vld [tilespmem:s30+$0x5900];
	v1 =	vadd.f32 v4, v1  }
0x80: {  	v4 =	vld [tilespmem:s30+$0x5940];
	[tilespmem:s29+$0xB920] =	vst v0  }
0x81: {  	v0 =	vld [tilespmem:s30+$0x7940];
	[tilespmem:s29+$0xB960] =	vst v1;
	v1 =	vadd.f32 v6, v2  }
0x82: {  	v2 =	vld [tilespmem:s30+$0x7900]  }
0x83: {  	v6 =	vld [tilespmem:s30+$0x5910];
	v3 =	vadd.f32 v7, v3;
	[tilespmem:s29+$0xB930] =	vst v1;
	s29 =	smov.u32 s30  }
0x84: {  	v7 =	vld [tilespmem:s29+$0x5950]  }
0x85: {  	v8 =	vld [tilespmem:s29+$0x7950];
	[tilespmem:s29+$0xB970] =	vst v3  }
0x86: {  	v1 =	vadd.f32 v0, v5;
	v3 =	vld [tilespmem:s29+$0x7910]  }
0x87: {  	v2 =	vadd.f32 v2, v4;
	v0 =	vld [tilespmem:s29+$0x5920]  }
0x88: {  	[tilespmem:s29+$0xB900] =	vst v1;
	v1 =	vld [tilespmem:s29+$0x5960]  }
.Ltmp1:
0x89: {  	[tilespmem:s29+$0xB940] =	vst v2;
	v5 =	vld [tilespmem:s29+$0x7960];
	(pc) =	sbr.rel @p1 .LBB2_5-.Ltmp1, $4  }
0x8a: {  	v6 =	vadd.f32 v8, v6;
	v4 =	vld [tilespmem:s29+$0x7920]  }
0x8b: {  	v7 =	vadd.f32 v3, v7;
	v2 =	vld [tilespmem:s29+$0x5930]  }
0x8c: {  	s30 =	sshra.s32 s31, $0x2;
	[tilespmem:s29+$0xB910] =	vst v6;
	v6 =	vld [tilespmem:s29+$0x7970]  }
0x8d: {  	s31 =	sadd.s32 $0x200, s31;
	v3 =	vld [tilespmem:s30+$0x5970];
	[tilespmem:s29+$0xB950] =	vst v7  }
0x8e: {  	v7 =	vld [tilespmem:s30+$0x7930];
	v0 =	vadd.f32 v5, v0  }
0x8f: {  	v49 =	vld [tilespmem:s30+$0x5900];
	v1 =	vadd.f32 v4, v1  }
0x90: {  	v8 =	vld [tilespmem:s30+$0x5940];
	[tilespmem:s29+$0xB920] =	vst v0  }
0x91: {  	v0 =	vld [tilespmem:s30+$0x7940];
	[tilespmem:s29+$0xB960] =	vst v1;
	v50 =	vadd.f32 v6, v2  }
0x92: {  	v51 =	vld [tilespmem:s30+$0x7900]  }
0x93: {  	v52 =	vld [tilespmem:s30+$0x5910];
	[tilespmem:s29+$0xB930] =	vst v50  }
0x94: {  	v54 =	vld [tilespmem:s30+$0x5950]  }
0x95: {  	v55 =	vld [tilespmem:s30+$0x7950]  }
0x96: {  	v56 =	vld [tilespmem:s30+$0x7910]  }
0x97: {  	v57 =	vld [tilespmem:s30+$0x5920]  }
0x98: {  	v58 =	vld [tilespmem:s30+$0x5960]  }
0x99: {  	v59 =	vld [tilespmem:s30+$0x7960]  }
0x9a: {  	v53 =	vadd.f32 v7, v3;
	v60 =	vld [tilespmem:s30+$0x7920]  }
0x9b: {  	v61 =	vld [tilespmem:s30+$0x5930];
	v0 =	vadd.f32 v0, v49  }
0x9c: {  	v62 =	vld [tilespmem:s30+$0x7970];
	[tilespmem:s30+$0xB970] =	vst v53;
	v2 =	vadd.f32 v51, v8  }
0x9d: {  	[tilespmem:s30+$0xB900] =	vst v0;
	v4 =	vadd.f32 v55, v52  }
0x9e: {  	[tilespmem:s30+$0xB940] =	vst v2;
	v1 =	vadd.f32 v56, v54  }
0x9f: {  	v2 =	vadd.f32 v59, v57;
	[tilespmem:s30+$0xB910] =	vst v4  }
0xa0: {  	s25 =	sadd.s32 s25, s8;
	v0 =	vadd.f32 v60, v58;
	[tilespmem:s30+$0xB950] =	vst v1  }
0xa1: {  	s25 =	sshll.u32 s25, $0xA;
	v63 =	vadd.f32 v62, v61;
	[tilespmem:s30+$0xB920] =	vst v2  }
0xa2: {  	s25 =	sand.u32 $0x1FFFFC00, s25;
	[tilespmem:s30+$0xB960] =	vst v0  }
0xa3: {  	s25 =	sadd.s32 s5, s25;
	[tilespmem:s30+$0xB930] =	vst v63  }
0xa4: {  	[hbm4b:s25+s2] =	stream.linear.scatter [tilespmem:s21], [sflag:$0x4], $0x2000, $0x38;
	[tilespmem:$0xD900] =	vst v63  }
0xa5: {  	s29 =	simm.s32 @!p0 $0x40;
	s30 =	simm.s32 @!p0 $0x5900;
	s25 =	sadd.s32 @!p0 $0xC0, s28  }
0xa6: {  	[tilespmem:s30], [sflag:$0x2] =	stream.indirect.gather @!p0 [hbm4b:s3+s29], $0x80, s25, s29, $0xb8;
	[tilespmem:$0xD900] =	vst v63  }
0xa7: {  	p1 =	sne.s32 @!p0 s26, $0x19;
	s25 =	sadd.s32 @!p0 $0xD40, s28;
	s28 =	simm.s32 @!p0 $0x7900  }
0xa8: {  	[tilespmem:s28], [sflag:$0x2] =	stream.indirect.gather @!p0 [hbm4b:s3+s29], $0x80, s25, s29, $0xb8;
	[tilespmem:$0xD900] =	vst v63  }
0xa9: {  	p0 =	por p0, !p1  }
.Ltmp2:
0xaa: {  	_ = 	snop;
	(pc) =	sbr.rel @!p0 .LBB2_2-.Ltmp2, $1  }
0xab: {  	_ =	sdelay $0x3  }
0xac: {  	s24 =	sadd.s32 $0x1, s24  }
0xad: {  	_ =	swait.ge [sflag:s22], $0x2000;
	p0 =	sne.s32 s24, s9  }
.Ltmp3:
0xae: {  	[sflag:s22] =	ssyncset.done $0x0;
	(pc) =	sbr.rel @p0 .LBB2_1-.Ltmp3, $4  }
0xaf: {  	[sflag:s22] =	ssyncadd.s32 $0xFFFFE000  }
0xb0: {  	_ =	swait.ge [sflag:s23], $0x2000  }
0xb1: {  	[sflag:s23] =	ssyncset.done $0x0  }
0xb2: {  	[sflag:s23] =	ssyncadd.s32 $0xFFFFE000  }
0xb3: {  	_ =	sfence.sel $0x180000  }
0xb4: {  	[bflag:$0x0] =	sbarrier.arrive $0xFFFF  }
0xb5: {  	p0 =	sne.s32 s0, $0x0;
	_ =	strace $0x90000047  }
0xb6: {  	s0 =	sadd.s32 @!p0 $0x100000, s1;
	[bflag:$0x2] =	sbarrier.arrive $0xFFFF  }
0xb7: {  	[sflag:s0] =	ssyncadd.tile.s32 @!p0 $0x1;
	_ =	shalt  }
.Lfunc_end2:
_tile_overlayer_lowered:
.L_overlay_start_2:
0xb8: {  	(tag) =	ssettag $0x2  }
0xb9: {  	s0 =	rddreg [dreg:$0x0];
	s2 =	stileid.u32  }
0xba: {  	s1 =	rddreg [dreg:$0x1];
	p0 =	sne.s32 s2, $0x0  }
0xbb: {  	s3 =	rddreg [dreg:$0x2];
	[bflag:$0x3] =	sbarrier.arrive $0xFFFF;
	s2 =	simm.s32 @!p0 $0x1C05  }
0xbc: {  	[timem:s3], [sflag:s2] =	dma.local @!p0 [hbm:s0], s1  }
0xbd: {  	s0 =	simm.s32 @!p0 $0x5  }
0xbe: {  	_ =	swait.ge @!p0 [sflag:s0], s1  }
0xbf: {  	s1 =	ssub.s32 @!p0 $0x0, s1;
	[sflag:s0] =	ssyncset.done @!p0 $0x0  }
0xc0: {  	[sflag:s0] =	ssyncadd.s32 @!p0 s1  }
0xc1: {  	[bflag:$0x3] =	sbarrier.arrive $0xFFFF  }
0xc2: {  	_ =	shalt  }

</sc_bundles>
